<compile_context>
chip_gen: v7x
topology: tpu7x:2x2x1
jax: 0.10.2.dev20260603
libtpu: 0.0.44.dev20260713+nightly
codegen_flags: <defaults>
</compile_context>

<pallas_src>
import jax
import jax.numpy as jnp
from jax import lax
from jax.experimental import pallas as pl
from jax.experimental.pallas import tpu as pltpu
from jax.experimental.pallas import tpu_sc as plsc

N = 10000
E = 320000
IN_FEATS = 128
OUT_FEATS = 16
EDGE_FEATS = 4
HEADS = 8
NC, NS = 2, 16
NW = NC * NS
C = 80
EPT = E // NW
NCHUNK = EPT // C
NROWCHUNK = N // C

_GDN = lax.GatherDimensionNumbers(offset_dims=(), collapsed_slice_dims=(0,),
                                  start_index_map=(0,))
_INB = lax.GatherScatterMode.PROMISE_IN_BOUNDS


def _bcast_lane(vec, lane):
    idx = jnp.full((16, 1), lane, jnp.int32)
    return lax.gather(vec, idx, _GDN, (1,), mode=_INB)


def _node_tables_body(h_ref, wm_ref, ws_ref, wd_ref, om_ref, os_ref, od_ref):
    x = h_ref[...]
    om_ref[...] = jnp.dot(x, wm_ref[...], preferred_element_type=jnp.float32)
    os_ref[...] = jnp.dot(x, ws_ref[...], preferred_element_type=jnp.float32)
    od_ref[...] = jnp.dot(x, wd_ref[...], preferred_element_type=jnp.float32)


def _node_tables(h, wm, ws, wd):
    bn = 1000
    return pl.pallas_call(
        _node_tables_body,
        grid=(N // bn,),
        in_specs=[
            pl.BlockSpec((bn, IN_FEATS), lambda i: (i, 0)),
            pl.BlockSpec((IN_FEATS, 128), lambda i: (0, 0)),
            pl.BlockSpec((IN_FEATS, 16), lambda i: (0, 0)),
            pl.BlockSpec((IN_FEATS, 16), lambda i: (0, 0)),
        ],
        out_specs=[
            pl.BlockSpec((bn, 128), lambda i: (i, 0)),
            pl.BlockSpec((bn, 16), lambda i: (i, 0)),
            pl.BlockSpec((bn, 16), lambda i: (i, 0)),
        ],
        out_shape=[
            jax.ShapeDtypeStruct((N, 128), jnp.float32),
            jax.ShapeDtypeStruct((N, 16), jnp.float32),
            jax.ShapeDtypeStruct((N, 16), jnp.float32),
        ],
    )(h, wm, ws, wd)


def _edge_table_body(eft_ref, wm_ref, om_ref):
    dn = (((0,), (0,)), ((), ()))
    om_ref[...] = lax.dot_general(eft_ref[...], wm_ref[...], dn,
                                  preferred_element_type=jnp.float32)


def _edge_table(edge_feat_t, wm):
    be = 6400
    return pl.pallas_call(
        _edge_table_body,
        grid=(E // be,),
        in_specs=[
            pl.BlockSpec((EDGE_FEATS, be), lambda i: (0, i)),
            pl.BlockSpec((EDGE_FEATS, 128), lambda i: (0, 0)),
        ],
        out_specs=pl.BlockSpec((be, 128), lambda i: (i, 0)),
        out_shape=jax.ShapeDtypeStruct((E, 128), jnp.float32),
    )(edge_feat_t, wm)


def _den_pass_body(ts_hbm, td_hbm, eft_hbm, wt_hbm, src3_hbm, dst3_hbm,
                   p_hbm, den_hbm,
                   idx4, gs2, gd2, ef2, pv2, wtv, den_sh,
                   isem, gsem, lsem, ssem, wsem):
    cid = lax.axis_index("c")
    sid = lax.axis_index("s")
    wid = sid * NC + cid
    base0 = wid * EPT

    pltpu.sync_copy(wt_hbm, wtv)

    @pl.loop(0, C)
    def _zrow(r):
        pv2[0, r, :] = jnp.zeros((16,), jnp.float32)

    @pl.loop(sid, NROWCHUNK, step=NS)
    def _zacc(j):
        pltpu.sync_copy(pv2.at[0], den_sh.at[pl.ds(j * C, C)])

    plsc.subcore_barrier()

    def _issue_idx(i, sync=False):
        r = lax.rem(i, 4)
        if sync:
            pltpu.sync_copy(src3_hbm.at[wid, i], idx4.at[r, 0])
            pltpu.sync_copy(dst3_hbm.at[wid, i], idx4.at[r, 1])
        else:
            pltpu.async_copy(src3_hbm.at[wid, i], idx4.at[r, 0], isem)
            pltpu.async_copy(dst3_hbm.at[wid, i], idx4.at[r, 1], isem)

    def _drain_idx(i):
        r = lax.rem(i, 4)
        pltpu.make_async_copy(src3_hbm.at[wid, i], idx4.at[r, 0],
                              isem).wait()
        pltpu.make_async_copy(dst3_hbm.at[wid, i], idx4.at[r, 1],
                              isem).wait()

    def _issue_data(i, b):
        base = base0 + i * C
        r = lax.rem(i, 4)
        pltpu.async_copy(eft_hbm.at[:, pl.ds(base, C)], ef2.at[b],
                         lsem.at[b])
        pltpu.async_copy(ts_hbm.at[idx4.at[r, 0]], gs2.at[b], gsem.at[b])
        pltpu.async_copy(td_hbm.at[idx4.at[r, 1]], gd2.at[b], gsem.at[b])

    def _drain_data(i, b):
        base = base0 + i * C
        r = lax.rem(i, 4)
        pltpu.make_async_copy(eft_hbm.at[:, pl.ds(base, C)], ef2.at[b],
                              lsem.at[b]).wait()
        pltpu.make_async_copy(ts_hbm.at[idx4.at[r, 0]], gs2.at[b],
                              gsem.at[b]).wait()
        pltpu.make_async_copy(td_hbm.at[idx4.at[r, 1]], gd2.at[b],
                              gsem.at[b]).wait()

    def _drain_out(j, b):
        base = base0 + j * C
        pltpu.make_async_copy(pv2.at[b], den_sh.at[idx4.at[lax.rem(j, 4), 1]],
                              ssem.at[b]).wait()
        pltpu.make_async_copy(pv2.at[b], p_hbm.at[pl.ds(base, C)],
                              wsem.at[b]).wait()

    _issue_idx(0, sync=True)
    _issue_data(0, 0)
    _issue_idx(1)

    @pl.loop(0, NCHUNK)
    def _chunk(i):
        b = lax.rem(i, 2)

        @pl.when(i + 1 < NCHUNK)
        def _():
            _drain_idx(i + 1)
            _issue_data(i + 1, 1 - b)

        @pl.when(i >= 2)
        def _():
            _drain_out(i - 2, b)

        @pl.when(i + 2 < NCHUNK)
        def _():
            _issue_idx(i + 2)

        _drain_data(i, b)

        w0 = wtv[0, :]
        w1 = wtv[1, :]
        w2 = wtv[2, :]
        w3 = wtv[3, :]

        @pl.loop(0, C, step=16)
        def _grp(c0):
            v0 = ef2[b, 0, pl.ds(c0, 16)]
            v1 = ef2[b, 1, pl.ds(c0, 16)]
            v2 = ef2[b, 2, pl.ds(c0, 16)]
            v3 = ef2[b, 3, pl.ds(c0, 16)]
            for l in range(16):
                c = c0 + l
                et = (_bcast_lane(v0, l) * w0 + _bcast_lane(v1, l) * w1
                      + _bcast_lane(v2, l) * w2 + _bcast_lane(v3, l) * w3)
                a = gs2[b, c, :] + gd2[b, c, :] + et
                a = jnp.where(a >= 0.0, a, a * 0.2)
                pv2[b, c, :] = jnp.exp(a)

        base = base0 + i * C
        pltpu.async_copy(pv2.at[b], den_sh.at[idx4.at[lax.rem(i, 4), 1]],
                         ssem.at[b], add=True)
        pltpu.async_copy(pv2.at[b], p_hbm.at[pl.ds(base, C)], wsem.at[b])

    _drain_out(NCHUNK - 2, lax.rem(NCHUNK - 2, 2))
    _drain_out(NCHUNK - 1, lax.rem(NCHUNK - 1, 2))

    plsc.subcore_barrier()

    @pl.loop(sid, NROWCHUNK, step=NS)
    def _wb(j):
        pltpu.sync_copy(den_sh.at[pl.ds(j * C, C)],
                        den_hbm.at[cid, pl.ds(j * C, C)])


def _den_pass(ts16, td16, eft, wt, src3, dst3):
    mesh = plsc.VectorSubcoreMesh(core_axis_name="c", subcore_axis_name="s")
    f = pl.kernel(
        _den_pass_body,
        out_type=(
            jax.ShapeDtypeStruct((E, 16), jnp.float32),
            jax.ShapeDtypeStruct((NC, N, 16), jnp.float32),
        ),
        mesh=mesh,
        compiler_params=pltpu.CompilerParams(use_tc_tiling_on_sc=False),
        scratch_types=[
            pltpu.VMEM((4, 2, C), jnp.int32),
            pltpu.VMEM((2, C, 16), jnp.float32),
            pltpu.VMEM((2, C, 16), jnp.float32),
            pltpu.VMEM((2, EDGE_FEATS, C), jnp.float32),
            pltpu.VMEM((2, C, 16), jnp.float32),
            pltpu.VMEM((EDGE_FEATS, 16), jnp.float32),
            pltpu.VMEM_SHARED((N, 16), jnp.float32),
            pltpu.SemaphoreType.DMA,
            pltpu.SemaphoreType.DMA((2,)),
            pltpu.SemaphoreType.DMA((2,)),
            pltpu.SemaphoreType.DMA((2,)),
            pltpu.SemaphoreType.DMA((2,)),
        ],
    )
    return f(ts16, td16, eft, wt, src3, dst3)


def _combine_body(den_ref, o_ref):
    r = den_ref[0] + den_ref[1]
    o_ref[...] = 1.0 / (HEADS * jnp.maximum(r, 1e-12))


def _combine(den):
    bn = 1000
    return pl.pallas_call(
        _combine_body,
        grid=(N // bn,),
        in_specs=[pl.BlockSpec((NC, bn, 16), lambda i: (0, i, 0))],
        out_specs=pl.BlockSpec((bn, 16), lambda i: (i, 0)),
        out_shape=jax.ShapeDtypeStruct((N, 16), jnp.float32),
    )(den)


def _agg_pass_body(mn_hbm, di_hbm, etm_hbm, p_hbm, src3_hbm, dst3_hbm,
                   out_hbm,
                   idx4, srow2, gdi2, etm2, pp2, v2, acc_sh,
                   isem, gsem, lsem, ssem):
    cid = lax.axis_index("c")
    sid = lax.axis_index("s")
    wid = sid * NC + cid
    base0 = wid * EPT

    @pl.loop(0, C)
    def _zrow(r):
        v2[0, r, :] = jnp.zeros((16,), jnp.float32)

    @pl.loop(sid, NROWCHUNK, step=NS)
    def _zacc(j):
        pltpu.sync_copy(v2.at[0], acc_sh.at[pl.ds(j * C, C)])

    plsc.subcore_barrier()

    def _issue_idx(i, sync=False):
        r = lax.rem(i, 4)
        if sync:
            pltpu.sync_copy(src3_hbm.at[wid, i], idx4.at[r, 0])
            pltpu.sync_copy(dst3_hbm.at[wid, i], idx4.at[r, 1])
        else:
            pltpu.async_copy(src3_hbm.at[wid, i], idx4.at[r, 0], isem)
            pltpu.async_copy(dst3_hbm.at[wid, i], idx4.at[r, 1], isem)

    def _drain_idx(i):
        r = lax.rem(i, 4)
        pltpu.make_async_copy(src3_hbm.at[wid, i], idx4.at[r, 0],
                              isem).wait()
        pltpu.make_async_copy(dst3_hbm.at[wid, i], idx4.at[r, 1],
                              isem).wait()

    def _issue_data(i, b):
        base = base0 + i * C
        r = lax.rem(i, 4)
        pltpu.async_copy(etm_hbm.at[pl.ds(base, C)], etm2.at[b], lsem.at[b])
        pltpu.async_copy(p_hbm.at[pl.ds(base, C)], pp2.at[b], lsem.at[b])
        pltpu.async_copy(mn_hbm.at[idx4.at[r, 0]], srow2.at[b], gsem.at[b])
        pltpu.async_copy(di_hbm.at[idx4.at[r, 1]], gdi2.at[b], gsem.at[b])

    def _drain_data(i, b):
        base = base0 + i * C
        r = lax.rem(i, 4)
        pltpu.make_async_copy(etm_hbm.at[pl.ds(base, C)], etm2.at[b],
                              lsem.at[b]).wait()
        pltpu.make_async_copy(p_hbm.at[pl.ds(base, C)], pp2.at[b],
                              lsem.at[b]).wait()
        pltpu.make_async_copy(mn_hbm.at[idx4.at[r, 0]], srow2.at[b],
                              gsem.at[b]).wait()
        pltpu.make_async_copy(di_hbm.at[idx4.at[r, 1]], gdi2.at[b],
                              gsem.at[b]).wait()

    def _drain_scatter(j, b):
        pltpu.make_async_copy(v2.at[b], acc_sh.at[idx4.at[lax.rem(j, 4), 1]],
                              ssem.at[b]).wait()

    _issue_idx(0, sync=True)
    _issue_data(0, 0)
    _issue_idx(1)

    @pl.loop(0, NCHUNK)
    def _chunk(i):
        b = lax.rem(i, 2)

        @pl.when(i + 1 < NCHUNK)
        def _():
            _drain_idx(i + 1)
            _issue_data(i + 1, 1 - b)

        @pl.when(i >= 2)
        def _():
            _drain_scatter(i - 2, b)

        @pl.when(i + 2 < NCHUNK)
        def _():
            _issue_idx(i + 2)

        _drain_data(i, b)

        @pl.loop(0, C, unroll=2)
        def _edge(c):
            al = pp2[b, c, :] * gdi2[b, c, :]
            acc = (srow2[b, c, pl.ds(0, 16)]
                   + etm2[b, c, pl.ds(0, 16)]) * al[0]
            for k in range(1, HEADS):
                acc = acc + (srow2[b, c, pl.ds(16 * k, 16)]
                             + etm2[b, c, pl.ds(16 * k, 16)]) * al[k]
            v2[b, c, :] = acc

        pltpu.async_copy(v2.at[b], acc_sh.at[idx4.at[lax.rem(i, 4), 1]],
                         ssem.at[b], add=True)

    _drain_scatter(NCHUNK - 2, lax.rem(NCHUNK - 2, 2))
    _drain_scatter(NCHUNK - 1, lax.rem(NCHUNK - 1, 2))

    plsc.subcore_barrier()

    @pl.loop(sid, NROWCHUNK, step=NS)
    def _wb(j):
        pltpu.sync_copy(acc_sh.at[pl.ds(j * C, C)],
                        out_hbm.at[cid, pl.ds(j * C, C)])


def _agg_pass(mnode, dinv, etm, pbuf, src3, dst3):
    mesh = plsc.VectorSubcoreMesh(core_axis_name="c", subcore_axis_name="s")
    f = pl.kernel(
        _agg_pass_body,
        out_type=jax.ShapeDtypeStruct((NC, N, 16), jnp.float32),
        mesh=mesh,
        compiler_params=pltpu.CompilerParams(use_tc_tiling_on_sc=False),
        scratch_types=[
            pltpu.VMEM((4, 2, C), jnp.int32),
            pltpu.VMEM((2, C, 128), jnp.float32),
            pltpu.VMEM((2, C, 16), jnp.float32),
            pltpu.VMEM((2, C, 128), jnp.float32),
            pltpu.VMEM((2, C, 16), jnp.float32),
            pltpu.VMEM((2, C, 16), jnp.float32),
            pltpu.VMEM_SHARED((N, 16), jnp.float32),
            pltpu.SemaphoreType.DMA,
            pltpu.SemaphoreType.DMA((2,)),
            pltpu.SemaphoreType.DMA((2,)),
            pltpu.SemaphoreType.DMA((2,)),
        ],
    )
    return f(mnode, dinv, etm, pbuf, src3, dst3)


def _final_body(a_ref, o_ref):
    o_ref[...] = a_ref[0] + a_ref[1]


def _finalize(outp):
    bn = 1000
    return pl.pallas_call(
        _final_body,
        grid=(N // bn,),
        in_specs=[pl.BlockSpec((NC, bn, 16), lambda i: (0, i, 0))],
        out_specs=pl.BlockSpec((bn, 16), lambda i: (i, 0)),
        out_shape=jax.ShapeDtypeStruct((N, 16), jnp.float32),
    )(outp)


def kernel(h, edge_index, edge_feat, W_node, W_edge, attention_src,
           attention_dst, W_msg):
    f32 = jnp.float32
    wn3 = W_node.reshape(IN_FEATS, HEADS, OUT_FEATS)
    a_src = jnp.einsum("jhk,hk->jh", wn3, attention_src)
    a_dst = jnp.einsum("jhk,hk->jh", wn3, attention_dst)
    pad_n = jnp.zeros((IN_FEATS, 8), f32)
    pad_e = jnp.zeros((EDGE_FEATS, 8), f32)
    ws = jnp.concatenate([a_src, pad_n], axis=1)
    wd = jnp.concatenate([a_dst, pad_n], axis=1)
    wt = jnp.concatenate([W_edge, pad_e], axis=1)

    mnode, ts16, td16 = _node_tables(h, W_msg[:IN_FEATS], ws, wd)
    eft = edge_feat.T
    src3 = edge_index[0].reshape(NW, NCHUNK, C)
    dst3 = edge_index[1].reshape(NW, NCHUNK, C)
    pbuf, den = _den_pass(ts16, td16, eft, wt, src3, dst3)
    etm = _edge_table(eft, W_msg[IN_FEATS:])
    dinv = _combine(den)
    outp = _agg_pass(mnode, dinv, etm, pbuf, src3, dst3)
    return _finalize(outp)

# --- scband reference (transcript-rebuilt; emitter-appended) ---
"""Pipeline reference for scband-hpgrel-msg-gatlayer-63402307223554 (READ-ONLY COPY).

The authoritative reference and input builder live on the scoring server;
editing this copy changes nothing except your own understanding.
"""

import jax, jax.numpy as jnp
import numpy as np

N = 10000
E = 320000
IN_FEATS = 128
OUT_FEATS = 16
EDGE_FEATS = 4
HEADS = 8

def setup_inputs(seed: int = 0) -> dict:
    key = jax.random.key(seed)
    ks = jax.random.split(key, 8)
    h = jax.random.normal(ks[0], (N, IN_FEATS), dtype=jnp.float32)
    edge_index = jax.random.randint(ks[1], (2, E), 0, N, dtype=jnp.int32)
    edge_feat = jax.random.uniform(ks[2], (E, EDGE_FEATS), dtype=jnp.float32)
    # learned parameters (xavier-like scale); stored transposed for x @ W
    W_node = jax.random.normal(ks[3], (IN_FEATS, OUT_FEATS * HEADS), dtype=jnp.float32) * (1.0 / np.sqrt(IN_FEATS))
    W_edge = jax.random.normal(ks[4], (EDGE_FEATS, HEADS), dtype=jnp.float32) * (1.0 / np.sqrt(EDGE_FEATS))
    attention_src = jax.random.normal(ks[5], (HEADS, OUT_FEATS), dtype=jnp.float32) * 0.1
    attention_dst = jax.random.normal(ks[6], (HEADS, OUT_FEATS), dtype=jnp.float32) * 0.1
    W_msg = jax.random.normal(ks[7], (IN_FEATS + EDGE_FEATS, OUT_FEATS * HEADS), dtype=jnp.float32) * (1.0 / np.sqrt(IN_FEATS + EDGE_FEATS))
    return {"h": h, "edge_index": edge_index, "edge_feat": edge_feat,
            "W_node": W_node, "W_edge": W_edge,
            "attention_src": attention_src, "attention_dst": attention_dst,
            "W_msg": W_msg}

def reference(h, edge_index, edge_feat, W_node, W_edge, attention_src, attention_dst, W_msg):
    src = edge_index[0]
    dst = edge_index[1]
    n = h.shape[0]
    e = src.shape[0]
    h_trans = (h @ W_node).reshape(n, HEADS, OUT_FEATS)
    e_trans = edge_feat @ W_edge  # [E, H]
    src_feat = jnp.take(h_trans, src, axis=0)
    dst_feat = jnp.take(h_trans, dst, axis=0)
    attn = (src_feat * attention_src).sum(axis=-1) + (dst_feat * attention_dst).sum(axis=-1) + e_trans
    attn = jax.nn.leaky_relu(attn, negative_slope=0.2)
    # numerically stable edge softmax grouped by dst
    max_val = jax.ops.segment_max(attn, dst, num_segments=n)
    attn_shifted = attn - jnp.take(max_val, dst, axis=0)
    exp_attn = jnp.exp(attn_shifted)
    sum_exp = jax.ops.segment_sum(exp_attn, dst, num_segments=n)
    alpha = exp_attn / jnp.clip(jnp.take(sum_exp, dst, axis=0), 1e-12, None)
    # message content uses raw src features concatenated with edge features
    msg_input = jnp.concatenate([jnp.take(h, src, axis=0), edge_feat], axis=-1)
    msg = (msg_input @ W_msg).reshape(e, HEADS, OUT_FEATS)
    msg = msg * alpha[..., None]
    out = jax.ops.segment_sum(msg, dst, num_segments=n)
    out = out.mean(axis=1)
    return out

if __name__ == "__main__":
    import jax
    _d = setup_inputs()
    print(jax.jit(kernel)(*tuple(_d.values())))

</pallas_src>

<mosaic_0001>
#map = affine_map<(d0, d1) -> (0, 0)>
#map1 = affine_map<(d0, d1) -> (0, 0, 0)>
module attributes {stable_mosaic.version = 14 : i64} {
  func.func @_den_pass_body(%arg0: i32, %arg1: i32, %arg2: memref<10000x16xf32, #tpu.memory_space<hbm>>, %arg3: memref<10000x16xf32, #tpu.memory_space<hbm>>, %arg4: memref<4x320000xf32, #tpu.memory_space<hbm>>, %arg5: memref<4x16xf32, #tpu.memory_space<hbm>>, %arg6: memref<32x125x80xi32, #tpu.memory_space<hbm>>, %arg7: memref<32x125x80xi32, #tpu.memory_space<hbm>>, %arg8: memref<320000x16xf32, #tpu.memory_space<hbm>>, %arg9: memref<2x10000x16xf32, #tpu.memory_space<hbm>>, %arg10: memref<4x2x80xi32, #tpu.memory_space<vmem>>, %arg11: memref<2x80x16xf32, #tpu.memory_space<vmem>>, %arg12: memref<2x80x16xf32, #tpu.memory_space<vmem>>, %arg13: memref<2x4x80xf32, #tpu.memory_space<vmem>>, %arg14: memref<2x80x16xf32, #tpu.memory_space<vmem>>, %arg15: memref<4x16xf32, #tpu.memory_space<vmem>>, %arg16: memref<10000x16xf32, #tpu.memory_space<vmem_shared>>, %arg17: memref<!tpu.dma_semaphore, #tpu.memory_space<semaphore_mem>>, %arg18: memref<2x!tpu.dma_semaphore, #tpu.memory_space<semaphore_mem>>, %arg19: memref<2x!tpu.dma_semaphore, #tpu.memory_space<semaphore_mem>>, %arg20: memref<2x!tpu.dma_semaphore, #tpu.memory_space<semaphore_mem>>, %arg21: memref<2x!tpu.dma_semaphore, #tpu.memory_space<semaphore_mem>>) attributes {dimension_semantics = [#tpu.dimension_semantics<core_parallel>, #tpu.dimension_semantics<subcore_parallel>], iteration_bounds = array<i64: 2, 16>, scalar_prefetch = 0 : i64, scratch_operands = 12 : i64, tpu.core_type = #tpu.core_type<sc_vector_subcore>, window_params = [{transform_indices = #map}, {transform_indices = #map}, {transform_indices = #map}, {transform_indices = #map}, {transform_indices = #map1}, {transform_indices = #map1}, {transform_indices = #map}, {transform_indices = #map1}]} {
    %mul3A = arith.constant 2 : i32
    %mul3A_0 = arith.muli %arg1, %mul3A : i32
    %add3A = arith.addi %mul3A_0, %arg0 : i32
    %mul3A_1 = arith.constant 10000 : i32
    %mul3A_2 = arith.muli %add3A, %mul3A_1 : i32
    "tpu.region"() ({
      %run_scoped3A_201 = tpu.sem_alloc : memref<!tpu.dma_semaphore, #tpu.memory_space<semaphore_mem>>
      tpu.enqueue_dma source(%arg5 : memref<4x16xf32, #tpu.memory_space<hbm>>) target(%arg15 : memref<4x16xf32, #tpu.memory_space<vmem>>) target_semaphore(%run_scoped3A_201 : memref<!tpu.dma_semaphore, #tpu.memory_space<semaphore_mem>>)
      tpu.wait_dma2 semaphore(%run_scoped3A_201 : memref<!tpu.dma_semaphore, #tpu.memory_space<semaphore_mem>>) src(%arg5 : memref<4x16xf32, #tpu.memory_space<hbm>>) dst(%arg15 : memref<4x16xf32, #tpu.memory_space<vmem>>)
      tpu.yield
    }) : () -> ()
    %scan3A = arith.constant 0 : i32
    %scan3A_3 = arith.constant 80 : i32
    %scan3A_4 = arith.addi %scan3A, %scan3A_3 : i32
    %scan3A_5 = arith.constant 1 : i32
    scf.for %scan3A_201 = %scan3A to %scan3A_4 step %scan3A_5  : i32 {
      %mul3A_202 = arith.constant 1 : i32
      %mul3A_203 = arith.muli %scan3A_201, %mul3A_202 : i32
      %add3A_204 = arith.constant 0 : i32
      %add3A_205 = arith.addi %add3A_204, %mul3A_203 : i32
      %broadcast_in_dim3A = arith.constant 0.000000e+00 : f32
      %broadcast_in_dim3A_206 = vector.broadcast %broadcast_in_dim3A : f32 to vector<16xf32>
      %swap3A = arith.constant 0 : i32
      %swap3A_207 = arith.index_cast %swap3A : i32 to index
      %swap3A_208 = arith.index_cast %add3A_205 : i32 to index
      %swap3A_209 = arith.constant 0 : index
      %swap3A_210 = tpu.vector_load %arg14[%swap3A_207, %swap3A_208, %swap3A_209] {strides = array<i32>} : memref<2x80x16xf32, #tpu.memory_space<vmem>>, vector<1x1x16xf32>,
      %swap3A_211 = vector.shape_cast %swap3A_210 : vector<1x1x16xf32> to vector<16xf32>
      %swap3A_212 = vector.shape_cast %broadcast_in_dim3A_206 : vector<16xf32> to vector<1x1x16xf32>
      tpu.vector_store %arg14[%swap3A_207, %swap3A_208, %swap3A_209], %swap3A_212 {strides = array<i32>} : memref<2x80x16xf32, #tpu.memory_space<vmem>>, vector<1x1x16xf32>,
    }
    %scan3A_6 = arith.constant 80 : i32
    %sub3A = arith.constant 125 : i32
    %sub3A_7 = arith.subi %sub3A, %arg1 : i32
    %sub3A_8 = arith.constant 16 : i32
    %sub3A_9 = arith.constant 1 : i32
    %sub3A_10 = arith.subi %sub3A_8, %sub3A_9 : i32
    %add3A_11 = arith.addi %sub3A_7, %sub3A_10 : i32
    %div3A = arith.constant 16 : i32
    %div3A_12 = arith.divsi %add3A_11, %div3A : i32
    %while3A = arith.constant 16 : i32
    %while3A_13 = arith.constant 0 : i32
    %while3A_14 = arith.subi %div3A_12, %while3A_13 : i32
    %while3A_15 = arith.addi %while3A_13, %while3A_14 : i32
    %while3A_16 = arith.constant 1 : i32
    %while3A_17 = arith.divsi %while3A_14, %while3A_16 : i32
    %while3A_18 = arith.muli %while3A_17, %while3A_16 : i32
    %while3A_19 = arith.addi %while3A_13, %while3A_18 : i32
    %while3A_20 = arith.constant 1 : i32
    scf.for %while3A_201 = %while3A_13 to %while3A_19 step %while3A_20  : i32 {
      %mul3A_202 = arith.muli %while3A_201, %while3A : i32
      %add3A_203 = arith.addi %arg1, %mul3A_202 : i32
      %mul3A_204 = arith.constant 80 : i32
      %mul3A_205 = arith.muli %add3A_203, %mul3A_204 : i32
      %run_scoped3A_206 = arith.constant 0 : i32
      "tpu.region"() ({
        %run_scoped3A_207 = tpu.sem_alloc : memref<!tpu.dma_semaphore, #tpu.memory_space<semaphore_mem>>
        %dma_start3A_208 = arith.constant 0 : i32
        %dma_start3A_209 = arith.constant 0 : i32
        %dma_start3A_210 = tpu.memref_slice %arg14[%run_scoped3A_206, %dma_start3A_208, %dma_start3A_209] : memref<2x80x16xf32, #tpu.memory_space<vmem>> -> memref<1x80x16xf32, #tpu.memory_space<vmem>>
        %dma_start3A_211 = tpu.memref_squeeze %dma_start3A_210 : memref<1x80x16xf32, #tpu.memory_space<vmem>> -> memref<80x16xf32, #tpu.memory_space<vmem>>
        %dma_start3A_212 = arith.constant 0 : i32
        %dma_start3A_213 = tpu.memref_slice %arg16[%mul3A_205, %dma_start3A_212] : memref<10000x16xf32, #tpu.memory_space<vmem_shared>> -> memref<80x16xf32, #tpu.memory_space<vmem_shared>>
        %dma_start3A_214 = arith.constant 0 : i32
        %dma_start3A_215 = tpu.memref_slice %arg16[%mul3A_205, %dma_start3A_214] : memref<10000x16xf32, #tpu.memory_space<vmem_shared>> -> memref<80x16xf32, #tpu.memory_space<vmem_shared>>
        %dma_start3A_216 = arith.constant 0 : i32
        %dma_start3A_217 = arith.constant 0 : i32
        %dma_start3A_218 = tpu.memref_slice %arg14[%run_scoped3A_206, %dma_start3A_216, %dma_start3A_217] : memref<2x80x16xf32, #tpu.memory_space<vmem>> -> memref<1x80x16xf32, #tpu.memory_space<vmem>>
        %dma_start3A_219 = tpu.memref_squeeze %dma_start3A_218 : memref<1x80x16xf32, #tpu.memory_space<vmem>> -> memref<80x16xf32, #tpu.memory_space<vmem>>
        tpu.enqueue_dma source(%dma_start3A_219 : memref<80x16xf32, #tpu.memory_space<vmem>>) target(%dma_start3A_215 : memref<80x16xf32, #tpu.memory_space<vmem_shared>>) target_semaphore(%run_scoped3A_207 : memref<!tpu.dma_semaphore, #tpu.memory_space<semaphore_mem>>)
        %dma_wait3A_220 = arith.constant 0 : i32
        %dma_wait3A_221 = arith.constant 0 : i32
        %dma_wait3A_222 = tpu.memref_slice %arg14[%run_scoped3A_206, %dma_wait3A_220, %dma_wait3A_221] : memref<2x80x16xf32, #tpu.memory_space<vmem>> -> memref<1x80x16xf32, #tpu.memory_space<vmem>>
        %dma_wait3A_223 = tpu.memref_squeeze %dma_wait3A_222 : memref<1x80x16xf32, #tpu.memory_space<vmem>> -> memref<80x16xf32, #tpu.memory_space<vmem>>
        %dma_wait3A_224 = arith.constant 0 : i32
        %dma_wait3A_225 = tpu.memref_slice %arg16[%mul3A_205, %dma_wait3A_224] : memref<10000x16xf32, #tpu.memory_space<vmem_shared>> -> memref<80x16xf32, #tpu.memory_space<vmem_shared>>
        %dma_wait3A_226 = arith.constant 0 : i32
        %dma_wait3A_227 = tpu.memref_slice %arg16[%mul3A_205, %dma_wait3A_226] : memref<10000x16xf32, #tpu.memory_space<vmem_shared>> -> memref<80x16xf32, #tpu.memory_space<vmem_shared>>
        %dma_wait3A_228 = arith.constant 0 : i32
        %dma_wait3A_229 = arith.constant 0 : i32
        %dma_wait3A_230 = tpu.memref_slice %arg14[%run_scoped3A_206, %dma_wait3A_228, %dma_wait3A_229] : memref<2x80x16xf32, #tpu.memory_space<vmem>> -> memref<1x80x16xf32, #tpu.memory_space<vmem>>
        %dma_wait3A_231 = tpu.memref_squeeze %dma_wait3A_230 : memref<1x80x16xf32, #tpu.memory_space<vmem>> -> memref<80x16xf32, #tpu.memory_space<vmem>>
        tpu.wait_dma2 semaphore(%run_scoped3A_207 : memref<!tpu.dma_semaphore, #tpu.memory_space<semaphore_mem>>) src(%dma_wait3A_231 : memref<80x16xf32, #tpu.memory_space<vmem>>) dst(%dma_wait3A_227 : memref<80x16xf32, #tpu.memory_space<vmem_shared>>)
        tpu.yield
      }) : () -> ()
    }
    %while3A_21 = arith.constant 1 : i32
    scf.for %while3A_201 = %while3A_19 to %while3A_15 step %while3A_21  : i32 {
      %mul3A_202 = arith.muli %while3A_201, %while3A : i32
      %add3A_203 = arith.addi %arg1, %mul3A_202 : i32
      %mul3A_204 = arith.constant 80 : i32
      %mul3A_205 = arith.muli %add3A_203, %mul3A_204 : i32
      %run_scoped3A_206 = arith.constant 0 : i32
      "tpu.region"() ({
        %run_scoped3A_207 = tpu.sem_alloc : memref<!tpu.dma_semaphore, #tpu.memory_space<semaphore_mem>>
        %dma_start3A_208 = arith.constant 0 : i32
        %dma_start3A_209 = arith.constant 0 : i32
        %dma_start3A_210 = tpu.memref_slice %arg14[%run_scoped3A_206, %dma_start3A_208, %dma_start3A_209] : memref<2x80x16xf32, #tpu.memory_space<vmem>> -> memref<1x80x16xf32, #tpu.memory_space<vmem>>
        %dma_start3A_211 = tpu.memref_squeeze %dma_start3A_210 : memref<1x80x16xf32, #tpu.memory_space<vmem>> -> memref<80x16xf32, #tpu.memory_space<vmem>>
        %dma_start3A_212 = arith.constant 0 : i32
        %dma_start3A_213 = tpu.memref_slice %arg16[%mul3A_205, %dma_start3A_212] : memref<10000x16xf32, #tpu.memory_space<vmem_shared>> -> memref<80x16xf32, #tpu.memory_space<vmem_shared>>
        %dma_start3A_214 = arith.constant 0 : i32
        %dma_start3A_215 = tpu.memref_slice %arg16[%mul3A_205, %dma_start3A_214] : memref<10000x16xf32, #tpu.memory_space<vmem_shared>> -> memref<80x16xf32, #tpu.memory_space<vmem_shared>>
        %dma_start3A_216 = arith.constant 0 : i32
        %dma_start3A_217 = arith.constant 0 : i32
        %dma_start3A_218 = tpu.memref_slice %arg14[%run_scoped3A_206, %dma_start3A_216, %dma_start3A_217] : memref<2x80x16xf32, #tpu.memory_space<vmem>> -> memref<1x80x16xf32, #tpu.memory_space<vmem>>
        %dma_start3A_219 = tpu.memref_squeeze %dma_start3A_218 : memref<1x80x16xf32, #tpu.memory_space<vmem>> -> memref<80x16xf32, #tpu.memory_space<vmem>>
        tpu.enqueue_dma source(%dma_start3A_219 : memref<80x16xf32, #tpu.memory_space<vmem>>) target(%dma_start3A_215 : memref<80x16xf32, #tpu.memory_space<vmem_shared>>) target_semaphore(%run_scoped3A_207 : memref<!tpu.dma_semaphore, #tpu.memory_space<semaphore_mem>>)
        %dma_wait3A_220 = arith.constant 0 : i32
        %dma_wait3A_221 = arith.constant 0 : i32
        %dma_wait3A_222 = tpu.memref_slice %arg14[%run_scoped3A_206, %dma_wait3A_220, %dma_wait3A_221] : memref<2x80x16xf32, #tpu.memory_space<vmem>> -> memref<1x80x16xf32, #tpu.memory_space<vmem>>
        %dma_wait3A_223 = tpu.memref_squeeze %dma_wait3A_222 : memref<1x80x16xf32, #tpu.memory_space<vmem>> -> memref<80x16xf32, #tpu.memory_space<vmem>>
        %dma_wait3A_224 = arith.constant 0 : i32
        %dma_wait3A_225 = tpu.memref_slice %arg16[%mul3A_205, %dma_wait3A_224] : memref<10000x16xf32, #tpu.memory_space<vmem_shared>> -> memref<80x16xf32, #tpu.memory_space<vmem_shared>>
        %dma_wait3A_226 = arith.constant 0 : i32
        %dma_wait3A_227 = tpu.memref_slice %arg16[%mul3A_205, %dma_wait3A_226] : memref<10000x16xf32, #tpu.memory_space<vmem_shared>> -> memref<80x16xf32, #tpu.memory_space<vmem_shared>>
        %dma_wait3A_228 = arith.constant 0 : i32
        %dma_wait3A_229 = arith.constant 0 : i32
        %dma_wait3A_230 = tpu.memref_slice %arg14[%run_scoped3A_206, %dma_wait3A_228, %dma_wait3A_229] : memref<2x80x16xf32, #tpu.memory_space<vmem>> -> memref<1x80x16xf32, #tpu.memory_space<vmem>>
        %dma_wait3A_231 = tpu.memref_squeeze %dma_wait3A_230 : memref<1x80x16xf32, #tpu.memory_space<vmem>> -> memref<80x16xf32, #tpu.memory_space<vmem>>
        tpu.wait_dma2 semaphore(%run_scoped3A_207 : memref<!tpu.dma_semaphore, #tpu.memory_space<semaphore_mem>>) src(%dma_wait3A_231 : memref<80x16xf32, #tpu.memory_space<vmem>>) dst(%dma_wait3A_227 : memref<80x16xf32, #tpu.memory_space<vmem_shared>>)
        tpu.yield
      }) : () -> ()
    }
    %barrier3A = arith.constant 0 : index
    tpu.barrier barrier_id(%barrier3A)
    %rem3A = arith.constant 0 : i32
    %rem3A_22 = arith.constant 4 : i32
    %rem3A_23 = arith.remsi %rem3A, %rem3A_22 : i32
    %run_scoped3A = arith.constant 0 : i32
    %run_scoped3A_24 = arith.constant 0 : i32
    "tpu.region"() ({
      %run_scoped3A_201 = tpu.sem_alloc : memref<!tpu.dma_semaphore, #tpu.memory_space<semaphore_mem>>
      %dma_start3A_202 = arith.constant 0 : i32
      %dma_start3A_203 = tpu.memref_slice %arg10[%rem3A_23, %run_scoped3A_24, %dma_start3A_202] : memref<4x2x80xi32, #tpu.memory_space<vmem>> -> memref<1x1x80xi32, #tpu.memory_space<vmem>>
      %dma_start3A_204 = tpu.memref_squeeze %dma_start3A_203 : memref<1x1x80xi32, #tpu.memory_space<vmem>> -> memref<80xi32, #tpu.memory_space<vmem>>
      %dma_start3A_205 = arith.constant 0 : i32
      %dma_start3A_206 = tpu.memref_slice %arg6[%add3A, %run_scoped3A, %dma_start3A_205] : memref<32x125x80xi32, #tpu.memory_space<hbm>> -> memref<1x1x80xi32, #tpu.memory_space<hbm>>
      %dma_start3A_207 = tpu.memref_squeeze %dma_start3A_206 : memref<1x1x80xi32, #tpu.memory_space<hbm>> -> memref<80xi32, #tpu.memory_space<hbm>>
      %dma_start3A_208 = arith.constant 0 : i32
      %dma_start3A_209 = tpu.memref_slice %arg10[%rem3A_23, %run_scoped3A_24, %dma_start3A_208] : memref<4x2x80xi32, #tpu.memory_space<vmem>> -> memref<1x1x80xi32, #tpu.memory_space<vmem>>
      %dma_start3A_210 = tpu.memref_squeeze %dma_start3A_209 : memref<1x1x80xi32, #tpu.memory_space<vmem>> -> memref<80xi32, #tpu.memory_space<vmem>>
      %dma_start3A_211 = arith.constant 0 : i32
      %dma_start3A_212 = tpu.memref_slice %arg6[%add3A, %run_scoped3A, %dma_start3A_211] : memref<32x125x80xi32, #tpu.memory_space<hbm>> -> memref<1x1x80xi32, #tpu.memory_space<hbm>>
      %dma_start3A_213 = tpu.memref_squeeze %dma_start3A_212 : memref<1x1x80xi32, #tpu.memory_space<hbm>> -> memref<80xi32, #tpu.memory_space<hbm>>
      tpu.enqueue_dma source(%dma_start3A_213 : memref<80xi32, #tpu.memory_space<hbm>>) target(%dma_start3A_210 : memref<80xi32, #tpu.memory_space<vmem>>) target_semaphore(%run_scoped3A_201 : memref<!tpu.dma_semaphore, #tpu.memory_space<semaphore_mem>>)
      %dma_wait3A_214 = arith.constant 0 : i32
      %dma_wait3A_215 = tpu.memref_slice %arg10[%rem3A_23, %run_scoped3A_24, %dma_wait3A_214] : memref<4x2x80xi32, #tpu.memory_space<vmem>> -> memref<1x1x80xi32, #tpu.memory_space<vmem>>
      %dma_wait3A_216 = tpu.memref_squeeze %dma_wait3A_215 : memref<1x1x80xi32, #tpu.memory_space<vmem>> -> memref<80xi32, #tpu.memory_space<vmem>>
      %dma_wait3A_217 = arith.constant 0 : i32
      %dma_wait3A_218 = tpu.memref_slice %arg6[%add3A, %run_scoped3A, %dma_wait3A_217] : memref<32x125x80xi32, #tpu.memory_space<hbm>> -> memref<1x1x80xi32, #tpu.memory_space<hbm>>
      %dma_wait3A_219 = tpu.memref_squeeze %dma_wait3A_218 : memref<1x1x80xi32, #tpu.memory_space<hbm>> -> memref<80xi32, #tpu.memory_space<hbm>>
      %dma_wait3A_220 = arith.constant 0 : i32
      %dma_wait3A_221 = tpu.memref_slice %arg10[%rem3A_23, %run_scoped3A_24, %dma_wait3A_220] : memref<4x2x80xi32, #tpu.memory_space<vmem>> -> memref<1x1x80xi32, #tpu.memory_space<vmem>>
      %dma_wait3A_222 = tpu.memref_squeeze %dma_wait3A_221 : memref<1x1x80xi32, #tpu.memory_space<vmem>> -> memref<80xi32, #tpu.memory_space<vmem>>
      %dma_wait3A_223 = arith.constant 0 : i32
      %dma_wait3A_224 = tpu.memref_slice %arg6[%add3A, %run_scoped3A, %dma_wait3A_223] : memref<32x125x80xi32, #tpu.memory_space<hbm>> -> memref<1x1x80xi32, #tpu.memory_space<hbm>>
      %dma_wait3A_225 = tpu.memref_squeeze %dma_wait3A_224 : memref<1x1x80xi32, #tpu.memory_space<hbm>> -> memref<80xi32, #tpu.memory_space<hbm>>
      tpu.wait_dma2 semaphore(%run_scoped3A_201 : memref<!tpu.dma_semaphore, #tpu.memory_space<semaphore_mem>>) src(%dma_wait3A_225 : memref<80xi32, #tpu.memory_space<hbm>>) dst(%dma_wait3A_222 : memref<80xi32, #tpu.memory_space<vmem>>)
      tpu.yield
    }) : () -> ()
    %run_scoped3A_25 = arith.constant 0 : i32
    %run_scoped3A_26 = arith.constant 1 : i32
    "tpu.region"() ({
      %run_scoped3A_201 = tpu.sem_alloc : memref<!tpu.dma_semaphore, #tpu.memory_space<semaphore_mem>>
      %dma_start3A_202 = arith.constant 0 : i32
      %dma_start3A_203 = tpu.memref_slice %arg10[%rem3A_23, %run_scoped3A_26, %dma_start3A_202] : memref<4x2x80xi32, #tpu.memory_space<vmem>> -> memref<1x1x80xi32, #tpu.memory_space<vmem>>
      %dma_start3A_204 = tpu.memref_squeeze %dma_start3A_203 : memref<1x1x80xi32, #tpu.memory_space<vmem>> -> memref<80xi32, #tpu.memory_space<vmem>>
      %dma_start3A_205 = arith.constant 0 : i32
      %dma_start3A_206 = tpu.memref_slice %arg7[%add3A, %run_scoped3A_25, %dma_start3A_205] : memref<32x125x80xi32, #tpu.memory_space<hbm>> -> memref<1x1x80xi32, #tpu.memory_space<hbm>>
      %dma_start3A_207 = tpu.memref_squeeze %dma_start3A_206 : memref<1x1x80xi32, #tpu.memory_space<hbm>> -> memref<80xi32, #tpu.memory_space<hbm>>
      %dma_start3A_208 = arith.constant 0 : i32
      %dma_start3A_209 = tpu.memref_slice %arg10[%rem3A_23, %run_scoped3A_26, %dma_start3A_208] : memref<4x2x80xi32, #tpu.memory_space<vmem>> -> memref<1x1x80xi32, #tpu.memory_space<vmem>>
      %dma_start3A_210 = tpu.memref_squeeze %dma_start3A_209 : memref<1x1x80xi32, #tpu.memory_space<vmem>> -> memref<80xi32, #tpu.memory_space<vmem>>
      %dma_start3A_211 = arith.constant 0 : i32
      %dma_start3A_212 = tpu.memref_slice %arg7[%add3A, %run_scoped3A_25, %dma_start3A_211] : memref<32x125x80xi32, #tpu.memory_space<hbm>> -> memref<1x1x80xi32, #tpu.memory_space<hbm>>
      %dma_start3A_213 = tpu.memref_squeeze %dma_start3A_212 : memref<1x1x80xi32, #tpu.memory_space<hbm>> -> memref<80xi32, #tpu.memory_space<hbm>>
      tpu.enqueue_dma source(%dma_start3A_213 : memref<80xi32, #tpu.memory_space<hbm>>) target(%dma_start3A_210 : memref<80xi32, #tpu.memory_space<vmem>>) target_semaphore(%run_scoped3A_201 : memref<!tpu.dma_semaphore, #tpu.memory_space<semaphore_mem>>)
      %dma_wait3A_214 = arith.constant 0 : i32
      %dma_wait3A_215 = tpu.memref_slice %arg10[%rem3A_23, %run_scoped3A_26, %dma_wait3A_214] : memref<4x2x80xi32, #tpu.memory_space<vmem>> -> memref<1x1x80xi32, #tpu.memory_space<vmem>>
      %dma_wait3A_216 = tpu.memref_squeeze %dma_wait3A_215 : memref<1x1x80xi32, #tpu.memory_space<vmem>> -> memref<80xi32, #tpu.memory_space<vmem>>
      %dma_wait3A_217 = arith.constant 0 : i32
      %dma_wait3A_218 = tpu.memref_slice %arg7[%add3A, %run_scoped3A_25, %dma_wait3A_217] : memref<32x125x80xi32, #tpu.memory_space<hbm>> -> memref<1x1x80xi32, #tpu.memory_space<hbm>>
      %dma_wait3A_219 = tpu.memref_squeeze %dma_wait3A_218 : memref<1x1x80xi32, #tpu.memory_space<hbm>> -> memref<80xi32, #tpu.memory_space<hbm>>
      %dma_wait3A_220 = arith.constant 0 : i32
      %dma_wait3A_221 = tpu.memref_slice %arg10[%rem3A_23, %run_scoped3A_26, %dma_wait3A_220] : memref<4x2x80xi32, #tpu.memory_space<vmem>> -> memref<1x1x80xi32, #tpu.memory_space<vmem>>
      %dma_wait3A_222 = tpu.memref_squeeze %dma_wait3A_221 : memref<1x1x80xi32, #tpu.memory_space<vmem>> -> memref<80xi32, #tpu.memory_space<vmem>>
      %dma_wait3A_223 = arith.constant 0 : i32
      %dma_wait3A_224 = tpu.memref_slice %arg7[%add3A, %run_scoped3A_25, %dma_wait3A_223] : memref<32x125x80xi32, #tpu.memory_space<hbm>> -> memref<1x1x80xi32, #tpu.memory_space<hbm>>
      %dma_wait3A_225 = tpu.memref_squeeze %dma_wait3A_224 : memref<1x1x80xi32, #tpu.memory_space<hbm>> -> memref<80xi32, #tpu.memory_space<hbm>>
      tpu.wait_dma2 semaphore(%run_scoped3A_201 : memref<!tpu.dma_semaphore, #tpu.memory_space<semaphore_mem>>) src(%dma_wait3A_225 : memref<80xi32, #tpu.memory_space<hbm>>) dst(%dma_wait3A_222 : memref<80xi32, #tpu.memory_space<vmem>>)
      tpu.yield
    }) : () -> ()
    %add3A_27 = arith.constant 0 : i32
    %add3A_28 = arith.addi %mul3A_2, %add3A_27 : i32
    %rem3A_29 = arith.constant 0 : i32
    %rem3A_30 = arith.constant 4 : i32
    %rem3A_31 = arith.remsi %rem3A_29, %rem3A_30 : i32
    %dma_start3A = arith.constant 0 : i32
    %dma_start3A_32 = arith.constant 0 : i32
    %dma_start3A_33 = arith.constant 0 : i32
    %dma_start3A_34 = arith.constant 0 : i32
    %dma_start3A_35 = tpu.memref_slice %arg13[%dma_start3A, %dma_start3A_33, %dma_start3A_34] : memref<2x4x80xf32, #tpu.memory_space<vmem>> -> memref<1x4x80xf32, #tpu.memory_space<vmem>>
    %dma_start3A_36 = tpu.memref_squeeze %dma_start3A_35 : memref<1x4x80xf32, #tpu.memory_space<vmem>> -> memref<4x80xf32, #tpu.memory_space<vmem>>
    %dma_start3A_37 = arith.constant 0 : i32
    %dma_start3A_38 = tpu.memref_slice %arg4[%dma_start3A_37, %add3A_28] : memref<4x320000xf32, #tpu.memory_space<hbm>> -> memref<4x80xf32, #tpu.memory_space<hbm>>
    %dma_start3A_39 = tpu.memref_slice %arg19[%dma_start3A_32] : memref<2x!tpu.dma_semaphore, #tpu.memory_space<semaphore_mem>> -> memref<1x!tpu.dma_semaphore, #tpu.memory_space<semaphore_mem>>
    %dma_start3A_40 = tpu.memref_squeeze %dma_start3A_39 : memref<1x!tpu.dma_semaphore, #tpu.memory_space<semaphore_mem>> -> memref<!tpu.dma_semaphore, #tpu.memory_space<semaphore_mem>>
    %dma_start3A_41 = arith.constant 0 : i32
    %dma_start3A_42 = arith.constant 0 : i32
    %dma_start3A_43 = tpu.memref_slice %arg13[%dma_start3A, %dma_start3A_41, %dma_start3A_42] : memref<2x4x80xf32, #tpu.memory_space<vmem>> -> memref<1x4x80xf32, #tpu.memory_space<vmem>>
    %dma_start3A_44 = tpu.memref_squeeze %dma_start3A_43 : memref<1x4x80xf32, #tpu.memory_space<vmem>> -> memref<4x80xf32, #tpu.memory_space<vmem>>
    %dma_start3A_45 = arith.constant 0 : i32
    %dma_start3A_46 = tpu.memref_slice %arg4[%dma_start3A_45, %add3A_28] : memref<4x320000xf32, #tpu.memory_space<hbm>> -> memref<4x80xf32, #tpu.memory_space<hbm>>
    tpu.enqueue_dma source(%dma_start3A_46 : memref<4x80xf32, #tpu.memory_space<hbm>>) target(%dma_start3A_44 : memref<4x80xf32, #tpu.memory_space<vmem>>) target_semaphore(%dma_start3A_40 : memref<!tpu.dma_semaphore, #tpu.memory_space<semaphore_mem>>)
    %dma_start3A_47 = arith.constant 0 : i32
    %dma_start3A_48 = arith.constant 0 : i32
    %dma_start3A_49 = arith.constant 0 : i32
    %dma_start3A_50 = arith.constant 0 : i32
    %dma_start3A_51 = arith.constant 0 : i32
    %dma_start3A_52 = tpu.memref_slice %arg11[%dma_start3A_48, %dma_start3A_50, %dma_start3A_51] : memref<2x80x16xf32, #tpu.memory_space<vmem>> -> memref<1x80x16xf32, #tpu.memory_space<vmem>>
    %dma_start3A_53 = tpu.memref_squeeze %dma_start3A_52 : memref<1x80x16xf32, #tpu.memory_space<vmem>> -> memref<80x16xf32, #tpu.memory_space<vmem>>
    %dma_start3A_54 = arith.constant 0 : i32
    %dma_start3A_55 = tpu.memref_slice %arg10[%rem3A_31, %dma_start3A_47, %dma_start3A_54] : memref<4x2x80xi32, #tpu.memory_space<vmem>> -> memref<1x1x80xi32, #tpu.memory_space<vmem>>
    %dma_start3A_56 = tpu.memref_squeeze %dma_start3A_55 : memref<1x1x80xi32, #tpu.memory_space<vmem>> -> memref<80xi32, #tpu.memory_space<vmem>>
    %dma_start3A_57 = arith.constant 0 : i32
    %dma_start3A_58 = arith.constant 0 : i32
    %dma_start3A_59 = tpu.memref_slice %arg2[%dma_start3A_57, %dma_start3A_58] : memref<10000x16xf32, #tpu.memory_space<hbm>> -> memref<10000x16xf32, #tpu.memory_space<hbm>>
    %dma_start3A_60 = tpu.memref_slice %arg18[%dma_start3A_49] : memref<2x!tpu.dma_semaphore, #tpu.memory_space<semaphore_mem>> -> memref<1x!tpu.dma_semaphore, #tpu.memory_space<semaphore_mem>>
    %dma_start3A_61 = tpu.memref_squeeze %dma_start3A_60 : memref<1x!tpu.dma_semaphore, #tpu.memory_space<semaphore_mem>> -> memref<!tpu.dma_semaphore, #tpu.memory_space<semaphore_mem>>
    tpu.enqueue_indirect_dma source(%dma_start3A_59 : memref<10000x16xf32, #tpu.memory_space<hbm>>) target(%dma_start3A_53 : memref<80x16xf32, #tpu.memory_space<vmem>>) offsets(%dma_start3A_56 : memref<80xi32, #tpu.memory_space<vmem>>) semaphore(%dma_start3A_61 : memref<!tpu.dma_semaphore, #tpu.memory_space<semaphore_mem>>)
    %dma_start3A_62 = arith.constant 1 : i32
    %dma_start3A_63 = arith.constant 0 : i32
    %dma_start3A_64 = arith.constant 0 : i32
    %dma_start3A_65 = arith.constant 0 : i32
    %dma_start3A_66 = arith.constant 0 : i32
    %dma_start3A_67 = tpu.memref_slice %arg12[%dma_start3A_63, %dma_start3A_65, %dma_start3A_66] : memref<2x80x16xf32, #tpu.memory_space<vmem>> -> memref<1x80x16xf32, #tpu.memory_space<vmem>>
    %dma_start3A_68 = tpu.memref_squeeze %dma_start3A_67 : memref<1x80x16xf32, #tpu.memory_space<vmem>> -> memref<80x16xf32, #tpu.memory_space<vmem>>
    %dma_start3A_69 = arith.constant 0 : i32
    %dma_start3A_70 = tpu.memref_slice %arg10[%rem3A_31, %dma_start3A_62, %dma_start3A_69] : memref<4x2x80xi32, #tpu.memory_space<vmem>> -> memref<1x1x80xi32, #tpu.memory_space<vmem>>
    %dma_start3A_71 = tpu.memref_squeeze %dma_start3A_70 : memref<1x1x80xi32, #tpu.memory_space<vmem>> -> memref<80xi32, #tpu.memory_space<vmem>>
    %dma_start3A_72 = arith.constant 0 : i32
    %dma_start3A_73 = arith.constant 0 : i32
    %dma_start3A_74 = tpu.memref_slice %arg3[%dma_start3A_72, %dma_start3A_73] : memref<10000x16xf32, #tpu.memory_space<hbm>> -> memref<10000x16xf32, #tpu.memory_space<hbm>>
    %dma_start3A_75 = tpu.memref_slice %arg18[%dma_start3A_64] : memref<2x!tpu.dma_semaphore, #tpu.memory_space<semaphore_mem>> -> memref<1x!tpu.dma_semaphore, #tpu.memory_space<semaphore_mem>>
    %dma_start3A_76 = tpu.memref_squeeze %dma_start3A_75 : memref<1x!tpu.dma_semaphore, #tpu.memory_space<semaphore_mem>> -> memref<!tpu.dma_semaphore, #tpu.memory_space<semaphore_mem>>
    tpu.enqueue_indirect_dma source(%dma_start3A_74 : memref<10000x16xf32, #tpu.memory_space<hbm>>) target(%dma_start3A_68 : memref<80x16xf32, #tpu.memory_space<vmem>>) offsets(%dma_start3A_71 : memref<80xi32, #tpu.memory_space<vmem>>) semaphore(%dma_start3A_76 : memref<!tpu.dma_semaphore, #tpu.memory_space<semaphore_mem>>)
    %rem3A_77 = arith.constant 1 : i32
    %rem3A_78 = arith.constant 4 : i32
    %rem3A_79 = arith.remsi %rem3A_77, %rem3A_78 : i32
    %dma_start3A_80 = arith.constant 1 : i32
    %dma_start3A_81 = arith.constant 0 : i32
    %dma_start3A_82 = arith.constant 0 : i32
    %dma_start3A_83 = tpu.memref_slice %arg10[%rem3A_79, %dma_start3A_81, %dma_start3A_82] : memref<4x2x80xi32, #tpu.memory_space<vmem>> -> memref<1x1x80xi32, #tpu.memory_space<vmem>>
    %dma_start3A_84 = tpu.memref_squeeze %dma_start3A_83 : memref<1x1x80xi32, #tpu.memory_space<vmem>> -> memref<80xi32, #tpu.memory_space<vmem>>
    %dma_start3A_85 = arith.constant 0 : i32
    %dma_start3A_86 = tpu.memref_slice %arg6[%add3A, %dma_start3A_80, %dma_start3A_85] : memref<32x125x80xi32, #tpu.memory_space<hbm>> -> memref<1x1x80xi32, #tpu.memory_space<hbm>>
    %dma_start3A_87 = tpu.memref_squeeze %dma_start3A_86 : memref<1x1x80xi32, #tpu.memory_space<hbm>> -> memref<80xi32, #tpu.memory_space<hbm>>
    %dma_start3A_88 = arith.constant 0 : i32
    %dma_start3A_89 = tpu.memref_slice %arg10[%rem3A_79, %dma_start3A_81, %dma_start3A_88] : memref<4x2x80xi32, #tpu.memory_space<vmem>> -> memref<1x1x80xi32, #tpu.memory_space<vmem>>
    %dma_start3A_90 = tpu.memref_squeeze %dma_start3A_89 : memref<1x1x80xi32, #tpu.memory_space<vmem>> -> memref<80xi32, #tpu.memory_space<vmem>>
    %dma_start3A_91 = arith.constant 0 : i32
    %dma_start3A_92 = tpu.memref_slice %arg6[%add3A, %dma_start3A_80, %dma_start3A_91] : memref<32x125x80xi32, #tpu.memory_space<hbm>> -> memref<1x1x80xi32, #tpu.memory_space<hbm>>
    %dma_start3A_93 = tpu.memref_squeeze %dma_start3A_92 : memref<1x1x80xi32, #tpu.memory_space<hbm>> -> memref<80xi32, #tpu.memory_space<hbm>>
    tpu.enqueue_dma source(%dma_start3A_93 : memref<80xi32, #tpu.memory_space<hbm>>) target(%dma_start3A_90 : memref<80xi32, #tpu.memory_space<vmem>>) target_semaphore(%arg17 : memref<!tpu.dma_semaphore, #tpu.memory_space<semaphore_mem>>)
    %dma_start3A_94 = arith.constant 1 : i32
    %dma_start3A_95 = arith.constant 1 : i32
    %dma_start3A_96 = arith.constant 0 : i32
    %dma_start3A_97 = tpu.memref_slice %arg10[%rem3A_79, %dma_start3A_95, %dma_start3A_96] : memref<4x2x80xi32, #tpu.memory_space<vmem>> -> memref<1x1x80xi32, #tpu.memory_space<vmem>>
    %dma_start3A_98 = tpu.memref_squeeze %dma_start3A_97 : memref<1x1x80xi32, #tpu.memory_space<vmem>> -> memref<80xi32, #tpu.memory_space<vmem>>
    %dma_start3A_99 = arith.constant 0 : i32
    %dma_start3A_100 = tpu.memref_slice %arg7[%add3A, %dma_start3A_94, %dma_start3A_99] : memref<32x125x80xi32, #tpu.memory_space<hbm>> -> memref<1x1x80xi32, #tpu.memory_space<hbm>>
    %dma_start3A_101 = tpu.memref_squeeze %dma_start3A_100 : memref<1x1x80xi32, #tpu.memory_space<hbm>> -> memref<80xi32, #tpu.memory_space<hbm>>
    %dma_start3A_102 = arith.constant 0 : i32
    %dma_start3A_103 = tpu.memref_slice %arg10[%rem3A_79, %dma_start3A_95, %dma_start3A_102] : memref<4x2x80xi32, #tpu.memory_space<vmem>> -> memref<1x1x80xi32, #tpu.memory_space<vmem>>
    %dma_start3A_104 = tpu.memref_squeeze %dma_start3A_103 : memref<1x1x80xi32, #tpu.memory_space<vmem>> -> memref<80xi32, #tpu.memory_space<vmem>>
    %dma_start3A_105 = arith.constant 0 : i32
    %dma_start3A_106 = tpu.memref_slice %arg7[%add3A, %dma_start3A_94, %dma_start3A_105] : memref<32x125x80xi32, #tpu.memory_space<hbm>> -> memref<1x1x80xi32, #tpu.memory_space<hbm>>
    %dma_start3A_107 = tpu.memref_squeeze %dma_start3A_106 : memref<1x1x80xi32, #tpu.memory_space<hbm>> -> memref<80xi32, #tpu.memory_space<hbm>>
    tpu.enqueue_dma source(%dma_start3A_107 : memref<80xi32, #tpu.memory_space<hbm>>) target(%dma_start3A_104 : memref<80xi32, #tpu.memory_space<vmem>>) target_semaphore(%arg17 : memref<!tpu.dma_semaphore, #tpu.memory_space<semaphore_mem>>)
    %scan3A_108 = arith.constant 0 : i32
    %scan3A_109 = arith.constant 125 : i32
    %scan3A_110 = arith.addi %scan3A_108, %scan3A_109 : i32
    %scan3A_111 = arith.constant 1 : i32
    scf.for %scan3A_201 = %scan3A_108 to %scan3A_110 step %scan3A_111  : i32 {
      %mul3A_202 = arith.constant 1 : i32
      %mul3A_203 = arith.muli %scan3A_201, %mul3A_202 : i32
      %add3A_204 = arith.constant 0 : i32
      %add3A_205 = arith.addi %add3A_204, %mul3A_203 : i32
      %rem3A_206 = arith.constant 2 : i32
      %rem3A_207 = arith.remsi %add3A_205, %rem3A_206 : i32
      %add3A_208 = arith.constant 1 : i32
      %add3A_209 = arith.addi %add3A_205, %add3A_208 : i32
      %lt3A = arith.constant 125 : i32
      %lt3A_210 = arith.cmpi slt, %add3A_209, %lt3A : i32
      %convert_element_type3A = arith.extui %lt3A_210 : i1 to i32
      %cond3A = arith.constant 0 : i32
      %cond3A_211 = arith.cmpi ne, %convert_element_type3A, %cond3A : i32
      scf.if %cond3A_211 {
        %add3A_324 = arith.constant 1 : i32
        %add3A_325 = arith.addi %add3A_205, %add3A_324 : i32
        %rem3A_326 = arith.constant 4 : i32
        %rem3A_327 = arith.remsi %add3A_325, %rem3A_326 : i32
        %dma_wait3A_328 = arith.constant 0 : i32
        %dma_wait3A_329 = arith.constant 0 : i32
        %dma_wait3A_330 = tpu.memref_slice %arg10[%rem3A_327, %dma_wait3A_328, %dma_wait3A_329] : memref<4x2x80xi32, #tpu.memory_space<vmem>> -> memref<1x1x80xi32, #tpu.memory_space<vmem>>
        %dma_wait3A_331 = tpu.memref_squeeze %dma_wait3A_330 : memref<1x1x80xi32, #tpu.memory_space<vmem>> -> memref<80xi32, #tpu.memory_space<vmem>>
        %dma_wait3A_332 = arith.constant 0 : i32
        %dma_wait3A_333 = tpu.memref_slice %arg6[%add3A, %add3A_325, %dma_wait3A_332] : memref<32x125x80xi32, #tpu.memory_space<hbm>> -> memref<1x1x80xi32, #tpu.memory_space<hbm>>
        %dma_wait3A_334 = tpu.memref_squeeze %dma_wait3A_333 : memref<1x1x80xi32, #tpu.memory_space<hbm>> -> memref<80xi32, #tpu.memory_space<hbm>>
        %dma_wait3A_335 = arith.constant 0 : i32
        %dma_wait3A_336 = tpu.memref_slice %arg10[%rem3A_327, %dma_wait3A_328, %dma_wait3A_335] : memref<4x2x80xi32, #tpu.memory_space<vmem>> -> memref<1x1x80xi32, #tpu.memory_space<vmem>>
        %dma_wait3A_337 = tpu.memref_squeeze %dma_wait3A_336 : memref<1x1x80xi32, #tpu.memory_space<vmem>> -> memref<80xi32, #tpu.memory_space<vmem>>
        %dma_wait3A_338 = arith.constant 0 : i32
        %dma_wait3A_339 = tpu.memref_slice %arg6[%add3A, %add3A_325, %dma_wait3A_338] : memref<32x125x80xi32, #tpu.memory_space<hbm>> -> memref<1x1x80xi32, #tpu.memory_space<hbm>>
        %dma_wait3A_340 = tpu.memref_squeeze %dma_wait3A_339 : memref<1x1x80xi32, #tpu.memory_space<hbm>> -> memref<80xi32, #tpu.memory_space<hbm>>
        tpu.wait_dma2 semaphore(%arg17 : memref<!tpu.dma_semaphore, #tpu.memory_space<semaphore_mem>>) src(%dma_wait3A_340 : memref<80xi32, #tpu.memory_space<hbm>>) dst(%dma_wait3A_337 : memref<80xi32, #tpu.memory_space<vmem>>)
        %dma_wait3A_341 = arith.constant 1 : i32
        %dma_wait3A_342 = arith.constant 0 : i32
        %dma_wait3A_343 = tpu.memref_slice %arg10[%rem3A_327, %dma_wait3A_341, %dma_wait3A_342] : memref<4x2x80xi32, #tpu.memory_space<vmem>> -> memref<1x1x80xi32, #tpu.memory_space<vmem>>
        %dma_wait3A_344 = tpu.memref_squeeze %dma_wait3A_343 : memref<1x1x80xi32, #tpu.memory_space<vmem>> -> memref<80xi32, #tpu.memory_space<vmem>>
        %dma_wait3A_345 = arith.constant 0 : i32
        %dma_wait3A_346 = tpu.memref_slice %arg7[%add3A, %add3A_325, %dma_wait3A_345] : memref<32x125x80xi32, #tpu.memory_space<hbm>> -> memref<1x1x80xi32, #tpu.memory_space<hbm>>
        %dma_wait3A_347 = tpu.memref_squeeze %dma_wait3A_346 : memref<1x1x80xi32, #tpu.memory_space<hbm>> -> memref<80xi32, #tpu.memory_space<hbm>>
        %dma_wait3A_348 = arith.constant 0 : i32
        %dma_wait3A_349 = tpu.memref_slice %arg10[%rem3A_327, %dma_wait3A_341, %dma_wait3A_348] : memref<4x2x80xi32, #tpu.memory_space<vmem>> -> memref<1x1x80xi32, #tpu.memory_space<vmem>>
        %dma_wait3A_350 = tpu.memref_squeeze %dma_wait3A_349 : memref<1x1x80xi32, #tpu.memory_space<vmem>> -> memref<80xi32, #tpu.memory_space<vmem>>
        %dma_wait3A_351 = arith.constant 0 : i32
        %dma_wait3A_352 = tpu.memref_slice %arg7[%add3A, %add3A_325, %dma_wait3A_351] : memref<32x125x80xi32, #tpu.memory_space<hbm>> -> memref<1x1x80xi32, #tpu.memory_space<hbm>>
        %dma_wait3A_353 = tpu.memref_squeeze %dma_wait3A_352 : memref<1x1x80xi32, #tpu.memory_space<hbm>> -> memref<80xi32, #tpu.memory_space<hbm>>
        tpu.wait_dma2 semaphore(%arg17 : memref<!tpu.dma_semaphore, #tpu.memory_space<semaphore_mem>>) src(%dma_wait3A_353 : memref<80xi32, #tpu.memory_space<hbm>>) dst(%dma_wait3A_350 : memref<80xi32, #tpu.memory_space<vmem>>)
        %add3A_354 = arith.constant 1 : i32
        %add3A_355 = arith.addi %add3A_205, %add3A_354 : i32
        %sub3A_356 = arith.constant 1 : i32
        %sub3A_357 = arith.subi %sub3A_356, %rem3A_207 : i32
        %mul3A_358 = arith.constant 80 : i32
        %mul3A_359 = arith.muli %add3A_355, %mul3A_358 : i32
        %add3A_360 = arith.addi %mul3A_2, %mul3A_359 : i32
        %rem3A_361 = arith.constant 4 : i32
        %rem3A_362 = arith.remsi %add3A_355, %rem3A_361 : i32
        %dma_start3A_363 = arith.constant 0 : i32
        %dma_start3A_364 = arith.constant 0 : i32
        %dma_start3A_365 = tpu.memref_slice %arg13[%sub3A_357, %dma_start3A_363, %dma_start3A_364] : memref<2x4x80xf32, #tpu.memory_space<vmem>> -> memref<1x4x80xf32, #tpu.memory_space<vmem>>
        %dma_start3A_366 = tpu.memref_squeeze %dma_start3A_365 : memref<1x4x80xf32, #tpu.memory_space<vmem>> -> memref<4x80xf32, #tpu.memory_space<vmem>>
        %dma_start3A_367 = arith.constant 0 : i32
        %dma_start3A_368 = tpu.memref_slice %arg4[%dma_start3A_367, %add3A_360] : memref<4x320000xf32, #tpu.memory_space<hbm>> -> memref<4x80xf32, #tpu.memory_space<hbm>>
        %dma_start3A_369 = tpu.memref_slice %arg19[%sub3A_357] : memref<2x!tpu.dma_semaphore, #tpu.memory_space<semaphore_mem>> -> memref<1x!tpu.dma_semaphore, #tpu.memory_space<semaphore_mem>>
        %dma_start3A_370 = tpu.memref_squeeze %dma_start3A_369 : memref<1x!tpu.dma_semaphore, #tpu.memory_space<semaphore_mem>> -> memref<!tpu.dma_semaphore, #tpu.memory_space<semaphore_mem>>
        %dma_start3A_371 = arith.constant 0 : i32
        %dma_start3A_372 = arith.constant 0 : i32
        %dma_start3A_373 = tpu.memref_slice %arg13[%sub3A_357, %dma_start3A_371, %dma_start3A_372] : memref<2x4x80xf32, #tpu.memory_space<vmem>> -> memref<1x4x80xf32, #tpu.memory_space<vmem>>
        %dma_start3A_374 = tpu.memref_squeeze %dma_start3A_373 : memref<1x4x80xf32, #tpu.memory_space<vmem>> -> memref<4x80xf32, #tpu.memory_space<vmem>>
        %dma_start3A_375 = arith.constant 0 : i32
        %dma_start3A_376 = tpu.memref_slice %arg4[%dma_start3A_375, %add3A_360] : memref<4x320000xf32, #tpu.memory_space<hbm>> -> memref<4x80xf32, #tpu.memory_space<hbm>>
        tpu.enqueue_dma source(%dma_start3A_376 : memref<4x80xf32, #tpu.memory_space<hbm>>) target(%dma_start3A_374 : memref<4x80xf32, #tpu.memory_space<vmem>>) target_semaphore(%dma_start3A_370 : memref<!tpu.dma_semaphore, #tpu.memory_space<semaphore_mem>>)
        %dma_start3A_377 = arith.constant 0 : i32
        %dma_start3A_378 = arith.constant 0 : i32
        %dma_start3A_379 = arith.constant 0 : i32
        %dma_start3A_380 = tpu.memref_slice %arg11[%sub3A_357, %dma_start3A_378, %dma_start3A_379] : memref<2x80x16xf32, #tpu.memory_space<vmem>> -> memref<1x80x16xf32, #tpu.memory_space<vmem>>
        %dma_start3A_381 = tpu.memref_squeeze %dma_start3A_380 : memref<1x80x16xf32, #tpu.memory_space<vmem>> -> memref<80x16xf32, #tpu.memory_space<vmem>>
        %dma_start3A_382 = arith.constant 0 : i32
        %dma_start3A_383 = tpu.memref_slice %arg10[%rem3A_362, %dma_start3A_377, %dma_start3A_382] : memref<4x2x80xi32, #tpu.memory_space<vmem>> -> memref<1x1x80xi32, #tpu.memory_space<vmem>>
        %dma_start3A_384 = tpu.memref_squeeze %dma_start3A_383 : memref<1x1x80xi32, #tpu.memory_space<vmem>> -> memref<80xi32, #tpu.memory_space<vmem>>
        %dma_start3A_385 = arith.constant 0 : i32
        %dma_start3A_386 = arith.constant 0 : i32
        %dma_start3A_387 = tpu.memref_slice %arg2[%dma_start3A_385, %dma_start3A_386] : memref<10000x16xf32, #tpu.memory_space<hbm>> -> memref<10000x16xf32, #tpu.memory_space<hbm>>
        %dma_start3A_388 = tpu.memref_slice %arg18[%sub3A_357] : memref<2x!tpu.dma_semaphore, #tpu.memory_space<semaphore_mem>> -> memref<1x!tpu.dma_semaphore, #tpu.memory_space<semaphore_mem>>
        %dma_start3A_389 = tpu.memref_squeeze %dma_start3A_388 : memref<1x!tpu.dma_semaphore, #tpu.memory_space<semaphore_mem>> -> memref<!tpu.dma_semaphore, #tpu.memory_space<semaphore_mem>>
        tpu.enqueue_indirect_dma source(%dma_start3A_387 : memref<10000x16xf32, #tpu.memory_space<hbm>>) target(%dma_start3A_381 : memref<80x16xf32, #tpu.memory_space<vmem>>) offsets(%dma_start3A_384 : memref<80xi32, #tpu.memory_space<vmem>>) semaphore(%dma_start3A_389 : memref<!tpu.dma_semaphore, #tpu.memory_space<semaphore_mem>>)
        %dma_start3A_390 = arith.constant 1 : i32
        %dma_start3A_391 = arith.constant 0 : i32
        %dma_start3A_392 = arith.constant 0 : i32
        %dma_start3A_393 = tpu.memref_slice %arg12[%sub3A_357, %dma_start3A_391, %dma_start3A_392] : memref<2x80x16xf32, #tpu.memory_space<vmem>> -> memref<1x80x16xf32, #tpu.memory_space<vmem>>
        %dma_start3A_394 = tpu.memref_squeeze %dma_start3A_393 : memref<1x80x16xf32, #tpu.memory_space<vmem>> -> memref<80x16xf32, #tpu.memory_space<vmem>>
        %dma_start3A_395 = arith.constant 0 : i32
        %dma_start3A_396 = tpu.memref_slice %arg10[%rem3A_362, %dma_start3A_390, %dma_start3A_395] : memref<4x2x80xi32, #tpu.memory_space<vmem>> -> memref<1x1x80xi32, #tpu.memory_space<vmem>>
        %dma_start3A_397 = tpu.memref_squeeze %dma_start3A_396 : memref<1x1x80xi32, #tpu.memory_space<vmem>> -> memref<80xi32, #tpu.memory_space<vmem>>
        %dma_start3A_398 = arith.constant 0 : i32
        %dma_start3A_399 = arith.constant 0 : i32
        %dma_start3A_400 = tpu.memref_slice %arg3[%dma_start3A_398, %dma_start3A_399] : memref<10000x16xf32, #tpu.memory_space<hbm>> -> memref<10000x16xf32, #tpu.memory_space<hbm>>
        %dma_start3A_401 = tpu.memref_slice %arg18[%sub3A_357] : memref<2x!tpu.dma_semaphore, #tpu.memory_space<semaphore_mem>> -> memref<1x!tpu.dma_semaphore, #tpu.memory_space<semaphore_mem>>
        %dma_start3A_402 = tpu.memref_squeeze %dma_start3A_401 : memref<1x!tpu.dma_semaphore, #tpu.memory_space<semaphore_mem>> -> memref<!tpu.dma_semaphore, #tpu.memory_space<semaphore_mem>>
        tpu.enqueue_indirect_dma source(%dma_start3A_400 : memref<10000x16xf32, #tpu.memory_space<hbm>>) target(%dma_start3A_394 : memref<80x16xf32, #tpu.memory_space<vmem>>) offsets(%dma_start3A_397 : memref<80xi32, #tpu.memory_space<vmem>>) semaphore(%dma_start3A_402 : memref<!tpu.dma_semaphore, #tpu.memory_space<semaphore_mem>>)
      } else {
      }
      %ge3A = arith.constant 2 : i32
      %ge3A_212 = arith.cmpi sge, %add3A_205, %ge3A : i32
      %convert_element_type3A_213 = arith.extui %ge3A_212 : i1 to i32
      %cond3A_214 = arith.constant 0 : i32
      %cond3A_215 = arith.cmpi ne, %convert_element_type3A_213, %cond3A_214 : i32
      scf.if %cond3A_215 {
        %sub3A_324 = arith.constant 2 : i32
        %sub3A_325 = arith.subi %add3A_205, %sub3A_324 : i32
        %mul3A_326 = arith.constant 80 : i32
        %mul3A_327 = arith.muli %sub3A_325, %mul3A_326 : i32
        %add3A_328 = arith.addi %mul3A_2, %mul3A_327 : i32
        %rem3A_329 = arith.constant 4 : i32
        %rem3A_330 = arith.remsi %sub3A_325, %rem3A_329 : i32
        %dma_wait3A_331 = arith.constant 1 : i32
        %dma_wait3A_332 = arith.constant 0 : i32
        %dma_wait3A_333 = arith.constant 0 : i32
        %dma_wait3A_334 = tpu.memref_slice %arg14[%rem3A_207, %dma_wait3A_332, %dma_wait3A_333] : memref<2x80x16xf32, #tpu.memory_space<vmem>> -> memref<1x80x16xf32, #tpu.memory_space<vmem>>
        %dma_wait3A_335 = tpu.memref_squeeze %dma_wait3A_334 : memref<1x80x16xf32, #tpu.memory_space<vmem>> -> memref<80x16xf32, #tpu.memory_space<vmem>>
        %dma_wait3A_336 = arith.constant 0 : i32
        %dma_wait3A_337 = tpu.memref_slice %arg10[%rem3A_330, %dma_wait3A_331, %dma_wait3A_336] : memref<4x2x80xi32, #tpu.memory_space<vmem>> -> memref<1x1x80xi32, #tpu.memory_space<vmem>>
        %dma_wait3A_338 = tpu.memref_squeeze %dma_wait3A_337 : memref<1x1x80xi32, #tpu.memory_space<vmem>> -> memref<80xi32, #tpu.memory_space<vmem>>
        %dma_wait3A_339 = arith.constant 0 : i32
        %dma_wait3A_340 = arith.constant 0 : i32
        %dma_wait3A_341 = tpu.memref_slice %arg16[%dma_wait3A_339, %dma_wait3A_340] : memref<10000x16xf32, #tpu.memory_space<vmem_shared>> -> memref<10000x16xf32, #tpu.memory_space<vmem_shared>>
        %dma_wait3A_342 = tpu.memref_slice %arg20[%rem3A_207] : memref<2x!tpu.dma_semaphore, #tpu.memory_space<semaphore_mem>> -> memref<1x!tpu.dma_semaphore, #tpu.memory_space<semaphore_mem>>
        %dma_wait3A_343 = tpu.memref_squeeze %dma_wait3A_342 : memref<1x!tpu.dma_semaphore, #tpu.memory_space<semaphore_mem>> -> memref<!tpu.dma_semaphore, #tpu.memory_space<semaphore_mem>>
        tpu.wait_indirect_dma semaphore(%dma_wait3A_343 : memref<!tpu.dma_semaphore, #tpu.memory_space<semaphore_mem>>) src(%dma_wait3A_335 : memref<80x16xf32, #tpu.memory_space<vmem>>) dst(%dma_wait3A_341 : memref<10000x16xf32, #tpu.memory_space<vmem_shared>>)
        %dma_wait3A_344 = arith.constant 0 : i32
        %dma_wait3A_345 = arith.constant 0 : i32
        %dma_wait3A_346 = tpu.memref_slice %arg14[%rem3A_207, %dma_wait3A_344, %dma_wait3A_345] : memref<2x80x16xf32, #tpu.memory_space<vmem>> -> memref<1x80x16xf32, #tpu.memory_space<vmem>>
        %dma_wait3A_347 = tpu.memref_squeeze %dma_wait3A_346 : memref<1x80x16xf32, #tpu.memory_space<vmem>> -> memref<80x16xf32, #tpu.memory_space<vmem>>
        %dma_wait3A_348 = arith.constant 0 : i32
        %dma_wait3A_349 = tpu.memref_slice %arg8[%add3A_328, %dma_wait3A_348] : memref<320000x16xf32, #tpu.memory_space<hbm>> -> memref<80x16xf32, #tpu.memory_space<hbm>>
        %dma_wait3A_350 = tpu.memref_slice %arg21[%rem3A_207] : memref<2x!tpu.dma_semaphore, #tpu.memory_space<semaphore_mem>> -> memref<1x!tpu.dma_semaphore, #tpu.memory_space<semaphore_mem>>
        %dma_wait3A_351 = tpu.memref_squeeze %dma_wait3A_350 : memref<1x!tpu.dma_semaphore, #tpu.memory_space<semaphore_mem>> -> memref<!tpu.dma_semaphore, #tpu.memory_space<semaphore_mem>>
        %dma_wait3A_352 = arith.constant 0 : i32
        %dma_wait3A_353 = tpu.memref_slice %arg8[%add3A_328, %dma_wait3A_352] : memref<320000x16xf32, #tpu.memory_space<hbm>> -> memref<80x16xf32, #tpu.memory_space<hbm>>
        %dma_wait3A_354 = arith.constant 0 : i32
        %dma_wait3A_355 = arith.constant 0 : i32
        %dma_wait3A_356 = tpu.memref_slice %arg14[%rem3A_207, %dma_wait3A_354, %dma_wait3A_355] : memref<2x80x16xf32, #tpu.memory_space<vmem>> -> memref<1x80x16xf32, #tpu.memory_space<vmem>>
        %dma_wait3A_357 = tpu.memref_squeeze %dma_wait3A_356 : memref<1x80x16xf32, #tpu.memory_space<vmem>> -> memref<80x16xf32, #tpu.memory_space<vmem>>
        tpu.wait_dma2 semaphore(%dma_wait3A_351 : memref<!tpu.dma_semaphore, #tpu.memory_space<semaphore_mem>>) src(%dma_wait3A_357 : memref<80x16xf32, #tpu.memory_space<vmem>>) dst(%dma_wait3A_353 : memref<80x16xf32, #tpu.memory_space<hbm>>)
      } else {
      }
      %add3A_216 = arith.constant 2 : i32
      %add3A_217 = arith.addi %add3A_205, %add3A_216 : i32
      %lt3A_218 = arith.constant 125 : i32
      %lt3A_219 = arith.cmpi slt, %add3A_217, %lt3A_218 : i32
      %convert_element_type3A_220 = arith.extui %lt3A_219 : i1 to i32
      %cond3A_221 = arith.constant 0 : i32
      %cond3A_222 = arith.cmpi ne, %convert_element_type3A_220, %cond3A_221 : i32
      scf.if %cond3A_222 {
        %add3A_324 = arith.constant 2 : i32
        %add3A_325 = arith.addi %add3A_205, %add3A_324 : i32
        %rem3A_326 = arith.constant 4 : i32
        %rem3A_327 = arith.remsi %add3A_325, %rem3A_326 : i32
        %dma_start3A_328 = arith.constant 0 : i32
        %dma_start3A_329 = arith.constant 0 : i32
        %dma_start3A_330 = tpu.memref_slice %arg10[%rem3A_327, %dma_start3A_328, %dma_start3A_329] : memref<4x2x80xi32, #tpu.memory_space<vmem>> -> memref<1x1x80xi32, #tpu.memory_space<vmem>>
        %dma_start3A_331 = tpu.memref_squeeze %dma_start3A_330 : memref<1x1x80xi32, #tpu.memory_space<vmem>> -> memref<80xi32, #tpu.memory_space<vmem>>
        %dma_start3A_332 = arith.constant 0 : i32
        %dma_start3A_333 = tpu.memref_slice %arg6[%add3A, %add3A_325, %dma_start3A_332] : memref<32x125x80xi32, #tpu.memory_space<hbm>> -> memref<1x1x80xi32, #tpu.memory_space<hbm>>
        %dma_start3A_334 = tpu.memref_squeeze %dma_start3A_333 : memref<1x1x80xi32, #tpu.memory_space<hbm>> -> memref<80xi32, #tpu.memory_space<hbm>>
        %dma_start3A_335 = arith.constant 0 : i32
        %dma_start3A_336 = tpu.memref_slice %arg10[%rem3A_327, %dma_start3A_328, %dma_start3A_335] : memref<4x2x80xi32, #tpu.memory_space<vmem>> -> memref<1x1x80xi32, #tpu.memory_space<vmem>>
        %dma_start3A_337 = tpu.memref_squeeze %dma_start3A_336 : memref<1x1x80xi32, #tpu.memory_space<vmem>> -> memref<80xi32, #tpu.memory_space<vmem>>
        %dma_start3A_338 = arith.constant 0 : i32
        %dma_start3A_339 = tpu.memref_slice %arg6[%add3A, %add3A_325, %dma_start3A_338] : memref<32x125x80xi32, #tpu.memory_space<hbm>> -> memref<1x1x80xi32, #tpu.memory_space<hbm>>
        %dma_start3A_340 = tpu.memref_squeeze %dma_start3A_339 : memref<1x1x80xi32, #tpu.memory_space<hbm>> -> memref<80xi32, #tpu.memory_space<hbm>>
        tpu.enqueue_dma source(%dma_start3A_340 : memref<80xi32, #tpu.memory_space<hbm>>) target(%dma_start3A_337 : memref<80xi32, #tpu.memory_space<vmem>>) target_semaphore(%arg17 : memref<!tpu.dma_semaphore, #tpu.memory_space<semaphore_mem>>)
        %dma_start3A_341 = arith.constant 1 : i32
        %dma_start3A_342 = arith.constant 0 : i32
        %dma_start3A_343 = tpu.memref_slice %arg10[%rem3A_327, %dma_start3A_341, %dma_start3A_342] : memref<4x2x80xi32, #tpu.memory_space<vmem>> -> memref<1x1x80xi32, #tpu.memory_space<vmem>>
        %dma_start3A_344 = tpu.memref_squeeze %dma_start3A_343 : memref<1x1x80xi32, #tpu.memory_space<vmem>> -> memref<80xi32, #tpu.memory_space<vmem>>
        %dma_start3A_345 = arith.constant 0 : i32
        %dma_start3A_346 = tpu.memref_slice %arg7[%add3A, %add3A_325, %dma_start3A_345] : memref<32x125x80xi32, #tpu.memory_space<hbm>> -> memref<1x1x80xi32, #tpu.memory_space<hbm>>
        %dma_start3A_347 = tpu.memref_squeeze %dma_start3A_346 : memref<1x1x80xi32, #tpu.memory_space<hbm>> -> memref<80xi32, #tpu.memory_space<hbm>>
        %dma_start3A_348 = arith.constant 0 : i32
        %dma_start3A_349 = tpu.memref_slice %arg10[%rem3A_327, %dma_start3A_341, %dma_start3A_348] : memref<4x2x80xi32, #tpu.memory_space<vmem>> -> memref<1x1x80xi32, #tpu.memory_space<vmem>>
        %dma_start3A_350 = tpu.memref_squeeze %dma_start3A_349 : memref<1x1x80xi32, #tpu.memory_space<vmem>> -> memref<80xi32, #tpu.memory_space<vmem>>
        %dma_start3A_351 = arith.constant 0 : i32
        %dma_start3A_352 = tpu.memref_slice %arg7[%add3A, %add3A_325, %dma_start3A_351] : memref<32x125x80xi32, #tpu.memory_space<hbm>> -> memref<1x1x80xi32, #tpu.memory_space<hbm>>
        %dma_start3A_353 = tpu.memref_squeeze %dma_start3A_352 : memref<1x1x80xi32, #tpu.memory_space<hbm>> -> memref<80xi32, #tpu.memory_space<hbm>>
        tpu.enqueue_dma source(%dma_start3A_353 : memref<80xi32, #tpu.memory_space<hbm>>) target(%dma_start3A_350 : memref<80xi32, #tpu.memory_space<vmem>>) target_semaphore(%arg17 : memref<!tpu.dma_semaphore, #tpu.memory_space<semaphore_mem>>)
      } else {
      }
      %mul3A_223 = arith.constant 80 : i32
      %mul3A_224 = arith.muli %add3A_205, %mul3A_223 : i32
      %add3A_225 = arith.addi %mul3A_2, %mul3A_224 : i32
      %rem3A_226 = arith.constant 4 : i32
      %rem3A_227 = arith.remsi %add3A_205, %rem3A_226 : i32
      %dma_wait3A_228 = arith.constant 0 : i32
      %dma_wait3A_229 = arith.constant 0 : i32
      %dma_wait3A_230 = tpu.memref_slice %arg13[%rem3A_207, %dma_wait3A_228, %dma_wait3A_229] : memref<2x4x80xf32, #tpu.memory_space<vmem>> -> memref<1x4x80xf32, #tpu.memory_space<vmem>>
      %dma_wait3A_231 = tpu.memref_squeeze %dma_wait3A_230 : memref<1x4x80xf32, #tpu.memory_space<vmem>> -> memref<4x80xf32, #tpu.memory_space<vmem>>
      %dma_wait3A_232 = arith.constant 0 : i32
      %dma_wait3A_233 = tpu.memref_slice %arg4[%dma_wait3A_232, %add3A_225] : memref<4x320000xf32, #tpu.memory_space<hbm>> -> memref<4x80xf32, #tpu.memory_space<hbm>>
      %dma_wait3A_234 = tpu.memref_slice %arg19[%rem3A_207] : memref<2x!tpu.dma_semaphore, #tpu.memory_space<semaphore_mem>> -> memref<1x!tpu.dma_semaphore, #tpu.memory_space<semaphore_mem>>
      %dma_wait3A_235 = tpu.memref_squeeze %dma_wait3A_234 : memref<1x!tpu.dma_semaphore, #tpu.memory_space<semaphore_mem>> -> memref<!tpu.dma_semaphore, #tpu.memory_space<semaphore_mem>>
      %dma_wait3A_236 = arith.constant 0 : i32
      %dma_wait3A_237 = arith.constant 0 : i32
      %dma_wait3A_238 = tpu.memref_slice %arg13[%rem3A_207, %dma_wait3A_236, %dma_wait3A_237] : memref<2x4x80xf32, #tpu.memory_space<vmem>> -> memref<1x4x80xf32, #tpu.memory_space<vmem>>
      %dma_wait3A_239 = tpu.memref_squeeze %dma_wait3A_238 : memref<1x4x80xf32, #tpu.memory_space<vmem>> -> memref<4x80xf32, #tpu.memory_space<vmem>>
      %dma_wait3A_240 = arith.constant 0 : i32
      %dma_wait3A_241 = tpu.memref_slice %arg4[%dma_wait3A_240, %add3A_225] : memref<4x320000xf32, #tpu.memory_space<hbm>> -> memref<4x80xf32, #tpu.memory_space<hbm>>
      tpu.wait_dma2 semaphore(%dma_wait3A_235 : memref<!tpu.dma_semaphore, #tpu.memory_space<semaphore_mem>>) src(%dma_wait3A_241 : memref<4x80xf32, #tpu.memory_space<hbm>>) dst(%dma_wait3A_239 : memref<4x80xf32, #tpu.memory_space<vmem>>)
      %dma_wait3A_242 = arith.constant 0 : i32
      %dma_wait3A_243 = arith.constant 0 : i32
      %dma_wait3A_244 = arith.constant 0 : i32
      %dma_wait3A_245 = tpu.memref_slice %arg11[%rem3A_207, %dma_wait3A_243, %dma_wait3A_244] : memref<2x80x16xf32, #tpu.memory_space<vmem>> -> memref<1x80x16xf32, #tpu.memory_space<vmem>>
      %dma_wait3A_246 = tpu.memref_squeeze %dma_wait3A_245 : memref<1x80x16xf32, #tpu.memory_space<vmem>> -> memref<80x16xf32, #tpu.memory_space<vmem>>
      %dma_wait3A_247 = arith.constant 0 : i32
      %dma_wait3A_248 = tpu.memref_slice %arg10[%rem3A_227, %dma_wait3A_242, %dma_wait3A_247] : memref<4x2x80xi32, #tpu.memory_space<vmem>> -> memref<1x1x80xi32, #tpu.memory_space<vmem>>
      %dma_wait3A_249 = tpu.memref_squeeze %dma_wait3A_248 : memref<1x1x80xi32, #tpu.memory_space<vmem>> -> memref<80xi32, #tpu.memory_space<vmem>>
      %dma_wait3A_250 = arith.constant 0 : i32
      %dma_wait3A_251 = arith.constant 0 : i32
      %dma_wait3A_252 = tpu.memref_slice %arg2[%dma_wait3A_250, %dma_wait3A_251] : memref<10000x16xf32, #tpu.memory_space<hbm>> -> memref<10000x16xf32, #tpu.memory_space<hbm>>
      %dma_wait3A_253 = tpu.memref_slice %arg18[%rem3A_207] : memref<2x!tpu.dma_semaphore, #tpu.memory_space<semaphore_mem>> -> memref<1x!tpu.dma_semaphore, #tpu.memory_space<semaphore_mem>>
      %dma_wait3A_254 = tpu.memref_squeeze %dma_wait3A_253 : memref<1x!tpu.dma_semaphore, #tpu.memory_space<semaphore_mem>> -> memref<!tpu.dma_semaphore, #tpu.memory_space<semaphore_mem>>
      tpu.wait_indirect_dma semaphore(%dma_wait3A_254 : memref<!tpu.dma_semaphore, #tpu.memory_space<semaphore_mem>>) src(%dma_wait3A_252 : memref<10000x16xf32, #tpu.memory_space<hbm>>) dst(%dma_wait3A_246 : memref<80x16xf32, #tpu.memory_space<vmem>>)
      %dma_wait3A_255 = arith.constant 1 : i32
      %dma_wait3A_256 = arith.constant 0 : i32
      %dma_wait3A_257 = arith.constant 0 : i32
      %dma_wait3A_258 = tpu.memref_slice %arg12[%rem3A_207, %dma_wait3A_256, %dma_wait3A_257] : memref<2x80x16xf32, #tpu.memory_space<vmem>> -> memref<1x80x16xf32, #tpu.memory_space<vmem>>
      %dma_wait3A_259 = tpu.memref_squeeze %dma_wait3A_258 : memref<1x80x16xf32, #tpu.memory_space<vmem>> -> memref<80x16xf32, #tpu.memory_space<vmem>>
      %dma_wait3A_260 = arith.constant 0 : i32
      %dma_wait3A_261 = tpu.memref_slice %arg10[%rem3A_227, %dma_wait3A_255, %dma_wait3A_260] : memref<4x2x80xi32, #tpu.memory_space<vmem>> -> memref<1x1x80xi32, #tpu.memory_space<vmem>>
      %dma_wait3A_262 = tpu.memref_squeeze %dma_wait3A_261 : memref<1x1x80xi32, #tpu.memory_space<vmem>> -> memref<80xi32, #tpu.memory_space<vmem>>
      %dma_wait3A_263 = arith.constant 0 : i32
      %dma_wait3A_264 = arith.constant 0 : i32
      %dma_wait3A_265 = tpu.memref_slice %arg3[%dma_wait3A_263, %dma_wait3A_264] : memref<10000x16xf32, #tpu.memory_space<hbm>> -> memref<10000x16xf32, #tpu.memory_space<hbm>>
      %dma_wait3A_266 = tpu.memref_slice %arg18[%rem3A_207] : memref<2x!tpu.dma_semaphore, #tpu.memory_space<semaphore_mem>> -> memref<1x!tpu.dma_semaphore, #tpu.memory_space<semaphore_mem>>
      %dma_wait3A_267 = tpu.memref_squeeze %dma_wait3A_266 : memref<1x!tpu.dma_semaphore, #tpu.memory_space<semaphore_mem>> -> memref<!tpu.dma_semaphore, #tpu.memory_space<semaphore_mem>>
      tpu.wait_indirect_dma semaphore(%dma_wait3A_267 : memref<!tpu.dma_semaphore, #tpu.memory_space<semaphore_mem>>) src(%dma_wait3A_265 : memref<10000x16xf32, #tpu.memory_space<hbm>>) dst(%dma_wait3A_259 : memref<80x16xf32, #tpu.memory_space<vmem>>)
      %get3A = arith.constant 0 : i32
      %get3A_268 = arith.index_cast %get3A : i32 to index
      %get3A_269 = arith.constant 0 : index
      %get3A_270 = tpu.vector_load %arg15[%get3A_268, %get3A_269] {strides = array<i32>} : memref<4x16xf32, #tpu.memory_space<vmem>>, vector<1x16xf32>,
      %get3A_271 = vector.shape_cast %get3A_270 : vector<1x16xf32> to vector<16xf32>
      %get3A_272 = arith.constant 1 : i32
      %get3A_273 = arith.index_cast %get3A_272 : i32 to index
      %get3A_274 = arith.constant 0 : index
      %get3A_275 = tpu.vector_load %arg15[%get3A_273, %get3A_274] {strides = array<i32>} : memref<4x16xf32, #tpu.memory_space<vmem>>, vector<1x16xf32>,
      %get3A_276 = vector.shape_cast %get3A_275 : vector<1x16xf32> to vector<16xf32>
      %get3A_277 = arith.constant 2 : i32
      %get3A_278 = arith.index_cast %get3A_277 : i32 to index
      %get3A_279 = arith.constant 0 : index
      %get3A_280 = tpu.vector_load %arg15[%get3A_278, %get3A_279] {strides = array<i32>} : memref<4x16xf32, #tpu.memory_space<vmem>>, vector<1x16xf32>,
      %get3A_281 = vector.shape_cast %get3A_280 : vector<1x16xf32> to vector<16xf32>
      %get3A_282 = arith.constant 3 : i32
      %get3A_283 = arith.index_cast %get3A_282 : i32 to index
      %get3A_284 = arith.constant 0 : index
      %get3A_285 = tpu.vector_load %arg15[%get3A_283, %get3A_284] {strides = array<i32>} : memref<4x16xf32, #tpu.memory_space<vmem>>, vector<1x16xf32>,
      %get3A_286 = vector.shape_cast %get3A_285 : vector<1x16xf32> to vector<16xf32>
      %scan3A_287 = arith.constant 0 : i32
      %scan3A_288 = arith.constant 5 : i32
      %scan3A_289 = arith.addi %scan3A_287, %scan3A_288 : i32
      %scan3A_290 = arith.constant 1 : i32
      scf.for %scan3A_324 = %scan3A_287 to %scan3A_289 step %scan3A_290  : i32 {
        %mul3A_325 = arith.constant 16 : i32
        %mul3A_326 = arith.muli %scan3A_324, %mul3A_325 : i32
        %add3A_327 = arith.constant 0 : i32
        %add3A_328 = arith.addi %add3A_327, %mul3A_326 : i32
        %get3A_329 = arith.constant 0 : i32
        %get3A_330 = arith.index_cast %rem3A_207 : i32 to index
        %get3A_331 = arith.index_cast %get3A_329 : i32 to index
        %get3A_332 = arith.index_cast %add3A_328 : i32 to index
        %get3A_333 = tpu.vector_load %arg13[%get3A_330, %get3A_331, %get3A_332] {strides = array<i32>} : memref<2x4x80xf32, #tpu.memory_space<vmem>>, vector<1x1x16xf32>,
        %get3A_334 = vector.shape_cast %get3A_333 : vector<1x1x16xf32> to vector<16xf32>
        %get3A_335 = arith.constant 1 : i32
        %get3A_336 = arith.index_cast %rem3A_207 : i32 to index
        %get3A_337 = arith.index_cast %get3A_335 : i32 to index
        %get3A_338 = arith.index_cast %add3A_328 : i32 to index
        %get3A_339 = tpu.vector_load %arg13[%get3A_336, %get3A_337, %get3A_338] {strides = array<i32>} : memref<2x4x80xf32, #tpu.memory_space<vmem>>, vector<1x1x16xf32>,
        %get3A_340 = vector.shape_cast %get3A_339 : vector<1x1x16xf32> to vector<16xf32>
        %get3A_341 = arith.constant 2 : i32
        %get3A_342 = arith.index_cast %rem3A_207 : i32 to index
        %get3A_343 = arith.index_cast %get3A_341 : i32 to index
        %get3A_344 = arith.index_cast %add3A_328 : i32 to index
        %get3A_345 = tpu.vector_load %arg13[%get3A_342, %get3A_343, %get3A_344] {strides = array<i32>} : memref<2x4x80xf32, #tpu.memory_space<vmem>>, vector<1x1x16xf32>,
        %get3A_346 = vector.shape_cast %get3A_345 : vector<1x1x16xf32> to vector<16xf32>
        %get3A_347 = arith.constant 3 : i32
        %get3A_348 = arith.index_cast %rem3A_207 : i32 to index
        %get3A_349 = arith.index_cast %get3A_347 : i32 to index
        %get3A_350 = arith.index_cast %add3A_328 : i32 to index
        %get3A_351 = tpu.vector_load %arg13[%get3A_348, %get3A_349, %get3A_350] {strides = array<i32>} : memref<2x4x80xf32, #tpu.memory_space<vmem>>, vector<1x1x16xf32>,
        %get3A_352 = vector.shape_cast %get3A_351 : vector<1x1x16xf32> to vector<16xf32>
        %add3A_353 = arith.constant 0 : i32
        %add3A_354 = arith.addi %add3A_328, %add3A_353 : i32
        %broadcast_in_dim3A = arith.constant 0 : i32
        %broadcast_in_dim3A_355 = vector.broadcast %broadcast_in_dim3A : i32 to vector<16x1xi32>
        %gather3A = vector.shape_cast %broadcast_in_dim3A_355 : vector<16x1xi32> to vector<16xi32>
        %gather3A_356 = tpu.dynamic_gather %get3A_334[%gather3A] in [0] : vector<16xf32>, vector<16xi32> -> vector<16xf32>
        %mul3A_357 = arith.mulf %gather3A_356, %get3A_271 : vector<16xf32>
        %broadcast_in_dim3A_358 = arith.constant 0 : i32
        %broadcast_in_dim3A_359 = vector.broadcast %broadcast_in_dim3A_358 : i32 to vector<16x1xi32>
        %gather3A_360 = vector.shape_cast %broadcast_in_dim3A_359 : vector<16x1xi32> to vector<16xi32>
        %gather3A_361 = tpu.dynamic_gather %get3A_340[%gather3A_360] in [0] : vector<16xf32>, vector<16xi32> -> vector<16xf32>
        %mul3A_362 = arith.mulf %gather3A_361, %get3A_276 : vector<16xf32>
        %add3A_363 = arith.addf %mul3A_357, %mul3A_362 : vector<16xf32>
        %broadcast_in_dim3A_364 = arith.constant 0 : i32
        %broadcast_in_dim3A_365 = vector.broadcast %broadcast_in_dim3A_364 : i32 to vector<16x1xi32>
        %gather3A_366 = vector.shape_cast %broadcast_in_dim3A_365 : vector<16x1xi32> to vector<16xi32>
        %gather3A_367 = tpu.dynamic_gather %get3A_346[%gather3A_366] in [0] : vector<16xf32>, vector<16xi32> -> vector<16xf32>
        %mul3A_368 = arith.mulf %gather3A_367, %get3A_281 : vector<16xf32>
        %add3A_369 = arith.addf %add3A_363, %mul3A_368 : vector<16xf32>
        %broadcast_in_dim3A_370 = arith.constant 0 : i32
        %broadcast_in_dim3A_371 = vector.broadcast %broadcast_in_dim3A_370 : i32 to vector<16x1xi32>
        %gather3A_372 = vector.shape_cast %broadcast_in_dim3A_371 : vector<16x1xi32> to vector<16xi32>
        %gather3A_373 = tpu.dynamic_gather %get3A_352[%gather3A_372] in [0] : vector<16xf32>, vector<16xi32> -> vector<16xf32>
        %mul3A_374 = arith.mulf %gather3A_373, %get3A_286 : vector<16xf32>
        %add3A_375 = arith.addf %add3A_369, %mul3A_374 : vector<16xf32>
        %get3A_376 = arith.index_cast %rem3A_207 : i32 to index
        %get3A_377 = arith.index_cast %add3A_354 : i32 to index
        %get3A_378 = arith.constant 0 : index
        %get3A_379 = tpu.vector_load %arg11[%get3A_376, %get3A_377, %get3A_378] {strides = array<i32>} : memref<2x80x16xf32, #tpu.memory_space<vmem>>, vector<1x1x16xf32>,
        %get3A_380 = vector.shape_cast %get3A_379 : vector<1x1x16xf32> to vector<16xf32>
        %get3A_381 = arith.index_cast %rem3A_207 : i32 to index
        %get3A_382 = arith.index_cast %add3A_354 : i32 to index
        %get3A_383 = arith.constant 0 : index
        %get3A_384 = tpu.vector_load %arg12[%get3A_381, %get3A_382, %get3A_383] {strides = array<i32>} : memref<2x80x16xf32, #tpu.memory_space<vmem>>, vector<1x1x16xf32>,
        %get3A_385 = vector.shape_cast %get3A_384 : vector<1x1x16xf32> to vector<16xf32>
        %add3A_386 = arith.addf %get3A_380, %get3A_385 : vector<16xf32>
        %add3A_387 = arith.addf %add3A_386, %add3A_375 : vector<16xf32>
        %ge3A_388 = arith.constant 0.000000e+00 : f32
        %ge3A_389 = vector.broadcast %ge3A_388 : f32 to vector<16xf32>
        %ge3A_390 = arith.cmpf oge, %add3A_387, %ge3A_389 : vector<16xf32>
        %mul3A_391 = arith.constant 2.000000e-01 : f32
        %mul3A_392 = vector.broadcast %mul3A_391 : f32 to vector<16xf32>
        %mul3A_393 = arith.mulf %add3A_387, %mul3A_392 : vector<16xf32>
        %select_n3A = arith.select %ge3A_390, %add3A_387, %mul3A_393 : vector<16xi1>, vector<16xf32>
        %exp3A = math.exp %select_n3A : vector<16xf32>
        %swap3A = arith.index_cast %rem3A_207 : i32 to index
        %swap3A_394 = arith.index_cast %add3A_354 : i32 to index
        %swap3A_395 = arith.constant 0 : index
        %swap3A_396 = tpu.vector_load %arg14[%swap3A, %swap3A_394, %swap3A_395] {strides = array<i32>} : memref<2x80x16xf32, #tpu.memory_space<vmem>>, vector<1x1x16xf32>,
        %swap3A_397 = vector.shape_cast %swap3A_396 : vector<1x1x16xf32> to vector<16xf32>
        %swap3A_398 = vector.shape_cast %exp3A : vector<16xf32> to vector<1x1x16xf32>
        tpu.vector_store %arg14[%swap3A, %swap3A_394, %swap3A_395], %swap3A_398 {strides = array<i32>} : memref<2x80x16xf32, #tpu.memory_space<vmem>>, vector<1x1x16xf32>,
        %add3A_399 = arith.constant 1 : i32
        %add3A_400 = arith.addi %add3A_328, %add3A_399 : i32
        %broadcast_in_dim3A_401 = arith.constant 1 : i32
        %broadcast_in_dim3A_402 = vector.broadcast %broadcast_in_dim3A_401 : i32 to vector<16x1xi32>
        %gather3A_403 = vector.shape_cast %broadcast_in_dim3A_402 : vector<16x1xi32> to vector<16xi32>
        %gather3A_404 = tpu.dynamic_gather %get3A_334[%gather3A_403] in [0] : vector<16xf32>, vector<16xi32> -> vector<16xf32>
        %mul3A_405 = arith.mulf %gather3A_404, %get3A_271 : vector<16xf32>
        %broadcast_in_dim3A_406 = arith.constant 1 : i32
        %broadcast_in_dim3A_407 = vector.broadcast %broadcast_in_dim3A_406 : i32 to vector<16x1xi32>
        %gather3A_408 = vector.shape_cast %broadcast_in_dim3A_407 : vector<16x1xi32> to vector<16xi32>
        %gather3A_409 = tpu.dynamic_gather %get3A_340[%gather3A_408] in [0] : vector<16xf32>, vector<16xi32> -> vector<16xf32>
        %mul3A_410 = arith.mulf %gather3A_409, %get3A_276 : vector<16xf32>
        %add3A_411 = arith.addf %mul3A_405, %mul3A_410 : vector<16xf32>
        %broadcast_in_dim3A_412 = arith.constant 1 : i32
        %broadcast_in_dim3A_413 = vector.broadcast %broadcast_in_dim3A_412 : i32 to vector<16x1xi32>
        %gather3A_414 = vector.shape_cast %broadcast_in_dim3A_413 : vector<16x1xi32> to vector<16xi32>
        %gather3A_415 = tpu.dynamic_gather %get3A_346[%gather3A_414] in [0] : vector<16xf32>, vector<16xi32> -> vector<16xf32>
        %mul3A_416 = arith.mulf %gather3A_415, %get3A_281 : vector<16xf32>
        %add3A_417 = arith.addf %add3A_411, %mul3A_416 : vector<16xf32>
        %broadcast_in_dim3A_418 = arith.constant 1 : i32
        %broadcast_in_dim3A_419 = vector.broadcast %broadcast_in_dim3A_418 : i32 to vector<16x1xi32>
        %gather3A_420 = vector.shape_cast %broadcast_in_dim3A_419 : vector<16x1xi32> to vector<16xi32>
        %gather3A_421 = tpu.dynamic_gather %get3A_352[%gather3A_420] in [0] : vector<16xf32>, vector<16xi32> -> vector<16xf32>
        %mul3A_422 = arith.mulf %gather3A_421, %get3A_286 : vector<16xf32>
        %add3A_423 = arith.addf %add3A_417, %mul3A_422 : vector<16xf32>
        %get3A_424 = arith.index_cast %rem3A_207 : i32 to index
        %get3A_425 = arith.index_cast %add3A_400 : i32 to index
        %get3A_426 = arith.constant 0 : index
        %get3A_427 = tpu.vector_load %arg11[%get3A_424, %get3A_425, %get3A_426] {strides = array<i32>} : memref<2x80x16xf32, #tpu.memory_space<vmem>>, vector<1x1x16xf32>,
        %get3A_428 = vector.shape_cast %get3A_427 : vector<1x1x16xf32> to vector<16xf32>
        %get3A_429 = arith.index_cast %rem3A_207 : i32 to index
        %get3A_430 = arith.index_cast %add3A_400 : i32 to index
        %get3A_431 = arith.constant 0 : index
        %get3A_432 = tpu.vector_load %arg12[%get3A_429, %get3A_430, %get3A_431] {strides = array<i32>} : memref<2x80x16xf32, #tpu.memory_space<vmem>>, vector<1x1x16xf32>,
        %get3A_433 = vector.shape_cast %get3A_432 : vector<1x1x16xf32> to vector<16xf32>
        %add3A_434 = arith.addf %get3A_428, %get3A_433 : vector<16xf32>
        %add3A_435 = arith.addf %add3A_434, %add3A_423 : vector<16xf32>
        %ge3A_436 = arith.constant 0.000000e+00 : f32
        %ge3A_437 = vector.broadcast %ge3A_436 : f32 to vector<16xf32>
        %ge3A_438 = arith.cmpf oge, %add3A_435, %ge3A_437 : vector<16xf32>
        %mul3A_439 = arith.constant 2.000000e-01 : f32
        %mul3A_440 = vector.broadcast %mul3A_439 : f32 to vector<16xf32>
        %mul3A_441 = arith.mulf %add3A_435, %mul3A_440 : vector<16xf32>
        %select_n3A_442 = arith.select %ge3A_438, %add3A_435, %mul3A_441 : vector<16xi1>, vector<16xf32>
        %exp3A_443 = math.exp %select_n3A_442 : vector<16xf32>
        %swap3A_444 = arith.index_cast %rem3A_207 : i32 to index
        %swap3A_445 = arith.index_cast %add3A_400 : i32 to index
        %swap3A_446 = arith.constant 0 : index
        %swap3A_447 = tpu.vector_load %arg14[%swap3A_444, %swap3A_445, %swap3A_446] {strides = array<i32>} : memref<2x80x16xf32, #tpu.memory_space<vmem>>, vector<1x1x16xf32>,
        %swap3A_448 = vector.shape_cast %swap3A_447 : vector<1x1x16xf32> to vector<16xf32>
        %swap3A_449 = vector.shape_cast %exp3A_443 : vector<16xf32> to vector<1x1x16xf32>
        tpu.vector_store %arg14[%swap3A_444, %swap3A_445, %swap3A_446], %swap3A_449 {strides = array<i32>} : memref<2x80x16xf32, #tpu.memory_space<vmem>>, vector<1x1x16xf32>,
        %add3A_450 = arith.constant 2 : i32
        %add3A_451 = arith.addi %add3A_328, %add3A_450 : i32
        %broadcast_in_dim3A_452 = arith.constant 2 : i32
        %broadcast_in_dim3A_453 = vector.broadcast %broadcast_in_dim3A_452 : i32 to vector<16x1xi32>
        %gather3A_454 = vector.shape_cast %broadcast_in_dim3A_453 : vector<16x1xi32> to vector<16xi32>
        %gather3A_455 = tpu.dynamic_gather %get3A_334[%gather3A_454] in [0] : vector<16xf32>, vector<16xi32> -> vector<16xf32>
        %mul3A_456 = arith.mulf %gather3A_455, %get3A_271 : vector<16xf32>
        %broadcast_in_dim3A_457 = arith.constant 2 : i32
        %broadcast_in_dim3A_458 = vector.broadcast %broadcast_in_dim3A_457 : i32 to vector<16x1xi32>
        %gather3A_459 = vector.shape_cast %broadcast_in_dim3A_458 : vector<16x1xi32> to vector<16xi32>
        %gather3A_460 = tpu.dynamic_gather %get3A_340[%gather3A_459] in [0] : vector<16xf32>, vector<16xi32> -> vector<16xf32>
        %mul3A_461 = arith.mulf %gather3A_460, %get3A_276 : vector<16xf32>
        %add3A_462 = arith.addf %mul3A_456, %mul3A_461 : vector<16xf32>
        %broadcast_in_dim3A_463 = arith.constant 2 : i32
        %broadcast_in_dim3A_464 = vector.broadcast %broadcast_in_dim3A_463 : i32 to vector<16x1xi32>
        %gather3A_465 = vector.shape_cast %broadcast_in_dim3A_464 : vector<16x1xi32> to vector<16xi32>
        %gather3A_466 = tpu.dynamic_gather %get3A_346[%gather3A_465] in [0] : vector<16xf32>, vector<16xi32> -> vector<16xf32>
        %mul3A_467 = arith.mulf %gather3A_466, %get3A_281 : vector<16xf32>
        %add3A_468 = arith.addf %add3A_462, %mul3A_467 : vector<16xf32>
        %broadcast_in_dim3A_469 = arith.constant 2 : i32
        %broadcast_in_dim3A_470 = vector.broadcast %broadcast_in_dim3A_469 : i32 to vector<16x1xi32>
        %gather3A_471 = vector.shape_cast %broadcast_in_dim3A_470 : vector<16x1xi32> to vector<16xi32>
        %gather3A_472 = tpu.dynamic_gather %get3A_352[%gather3A_471] in [0] : vector<16xf32>, vector<16xi32> -> vector<16xf32>
        %mul3A_473 = arith.mulf %gather3A_472, %get3A_286 : vector<16xf32>
        %add3A_474 = arith.addf %add3A_468, %mul3A_473 : vector<16xf32>
        %get3A_475 = arith.index_cast %rem3A_207 : i32 to index
        %get3A_476 = arith.index_cast %add3A_451 : i32 to index
        %get3A_477 = arith.constant 0 : index
        %get3A_478 = tpu.vector_load %arg11[%get3A_475, %get3A_476, %get3A_477] {strides = array<i32>} : memref<2x80x16xf32, #tpu.memory_space<vmem>>, vector<1x1x16xf32>,
        %get3A_479 = vector.shape_cast %get3A_478 : vector<1x1x16xf32> to vector<16xf32>
        %get3A_480 = arith.index_cast %rem3A_207 : i32 to index
        %get3A_481 = arith.index_cast %add3A_451 : i32 to index
        %get3A_482 = arith.constant 0 : index
        %get3A_483 = tpu.vector_load %arg12[%get3A_480, %get3A_481, %get3A_482] {strides = array<i32>} : memref<2x80x16xf32, #tpu.memory_space<vmem>>, vector<1x1x16xf32>,
        %get3A_484 = vector.shape_cast %get3A_483 : vector<1x1x16xf32> to vector<16xf32>
        %add3A_485 = arith.addf %get3A_479, %get3A_484 : vector<16xf32>
        %add3A_486 = arith.addf %add3A_485, %add3A_474 : vector<16xf32>
        %ge3A_487 = arith.constant 0.000000e+00 : f32
        %ge3A_488 = vector.broadcast %ge3A_487 : f32 to vector<16xf32>
        %ge3A_489 = arith.cmpf oge, %add3A_486, %ge3A_488 : vector<16xf32>
        %mul3A_490 = arith.constant 2.000000e-01 : f32
        %mul3A_491 = vector.broadcast %mul3A_490 : f32 to vector<16xf32>
        %mul3A_492 = arith.mulf %add3A_486, %mul3A_491 : vector<16xf32>
        %select_n3A_493 = arith.select %ge3A_489, %add3A_486, %mul3A_492 : vector<16xi1>, vector<16xf32>
        %exp3A_494 = math.exp %select_n3A_493 : vector<16xf32>
        %swap3A_495 = arith.index_cast %rem3A_207 : i32 to index
        %swap3A_496 = arith.index_cast %add3A_451 : i32 to index
        %swap3A_497 = arith.constant 0 : index
        %swap3A_498 = tpu.vector_load %arg14[%swap3A_495, %swap3A_496, %swap3A_497] {strides = array<i32>} : memref<2x80x16xf32, #tpu.memory_space<vmem>>, vector<1x1x16xf32>,
        %swap3A_499 = vector.shape_cast %swap3A_498 : vector<1x1x16xf32> to vector<16xf32>
        %swap3A_500 = vector.shape_cast %exp3A_494 : vector<16xf32> to vector<1x1x16xf32>
        tpu.vector_store %arg14[%swap3A_495, %swap3A_496, %swap3A_497], %swap3A_500 {strides = array<i32>} : memref<2x80x16xf32, #tpu.memory_space<vmem>>, vector<1x1x16xf32>,
        %add3A_501 = arith.constant 3 : i32
        %add3A_502 = arith.addi %add3A_328, %add3A_501 : i32
        %broadcast_in_dim3A_503 = arith.constant 3 : i32
        %broadcast_in_dim3A_504 = vector.broadcast %broadcast_in_dim3A_503 : i32 to vector<16x1xi32>
        %gather3A_505 = vector.shape_cast %broadcast_in_dim3A_504 : vector<16x1xi32> to vector<16xi32>
        %gather3A_506 = tpu.dynamic_gather %get3A_334[%gather3A_505] in [0] : vector<16xf32>, vector<16xi32> -> vector<16xf32>
        %mul3A_507 = arith.mulf %gather3A_506, %get3A_271 : vector<16xf32>
        %broadcast_in_dim3A_508 = arith.constant 3 : i32
        %broadcast_in_dim3A_509 = vector.broadcast %broadcast_in_dim3A_508 : i32 to vector<16x1xi32>
        %gather3A_510 = vector.shape_cast %broadcast_in_dim3A_509 : vector<16x1xi32> to vector<16xi32>
        %gather3A_511 = tpu.dynamic_gather %get3A_340[%gather3A_510] in [0] : vector<16xf32>, vector<16xi32> -> vector<16xf32>
        %mul3A_512 = arith.mulf %gather3A_511, %get3A_276 : vector<16xf32>
        %add3A_513 = arith.addf %mul3A_507, %mul3A_512 : vector<16xf32>
        %broadcast_in_dim3A_514 = arith.constant 3 : i32
        %broadcast_in_dim3A_515 = vector.broadcast %broadcast_in_dim3A_514 : i32 to vector<16x1xi32>
        %gather3A_516 = vector.shape_cast %broadcast_in_dim3A_515 : vector<16x1xi32> to vector<16xi32>
        %gather3A_517 = tpu.dynamic_gather %get3A_346[%gather3A_516] in [0] : vector<16xf32>, vector<16xi32> -> vector<16xf32>
        %mul3A_518 = arith.mulf %gather3A_517, %get3A_281 : vector<16xf32>
        %add3A_519 = arith.addf %add3A_513, %mul3A_518 : vector<16xf32>
        %broadcast_in_dim3A_520 = arith.constant 3 : i32
        %broadcast_in_dim3A_521 = vector.broadcast %broadcast_in_dim3A_520 : i32 to vector<16x1xi32>
        %gather3A_522 = vector.shape_cast %broadcast_in_dim3A_521 : vector<16x1xi32> to vector<16xi32>
        %gather3A_523 = tpu.dynamic_gather %get3A_352[%gather3A_522] in [0] : vector<16xf32>, vector<16xi32> -> vector<16xf32>
        %mul3A_524 = arith.mulf %gather3A_523, %get3A_286 : vector<16xf32>
        %add3A_525 = arith.addf %add3A_519, %mul3A_524 : vector<16xf32>
        %get3A_526 = arith.index_cast %rem3A_207 : i32 to index
        %get3A_527 = arith.index_cast %add3A_502 : i32 to index
        %get3A_528 = arith.constant 0 : index
        %get3A_529 = tpu.vector_load %arg11[%get3A_526, %get3A_527, %get3A_528] {strides = array<i32>} : memref<2x80x16xf32, #tpu.memory_space<vmem>>, vector<1x1x16xf32>,
        %get3A_530 = vector.shape_cast %get3A_529 : vector<1x1x16xf32> to vector<16xf32>
        %get3A_531 = arith.index_cast %rem3A_207 : i32 to index
        %get3A_532 = arith.index_cast %add3A_502 : i32 to index
        %get3A_533 = arith.constant 0 : index
        %get3A_534 = tpu.vector_load %arg12[%get3A_531, %get3A_532, %get3A_533] {strides = array<i32>} : memref<2x80x16xf32, #tpu.memory_space<vmem>>, vector<1x1x16xf32>,
        %get3A_535 = vector.shape_cast %get3A_534 : vector<1x1x16xf32> to vector<16xf32>
        %add3A_536 = arith.addf %get3A_530, %get3A_535 : vector<16xf32>
        %add3A_537 = arith.addf %add3A_536, %add3A_525 : vector<16xf32>
        %ge3A_538 = arith.constant 0.000000e+00 : f32
        %ge3A_539 = vector.broadcast %ge3A_538 : f32 to vector<16xf32>
        %ge3A_540 = arith.cmpf oge, %add3A_537, %ge3A_539 : vector<16xf32>
        %mul3A_541 = arith.constant 2.000000e-01 : f32
        %mul3A_542 = vector.broadcast %mul3A_541 : f32 to vector<16xf32>
        %mul3A_543 = arith.mulf %add3A_537, %mul3A_542 : vector<16xf32>
        %select_n3A_544 = arith.select %ge3A_540, %add3A_537, %mul3A_543 : vector<16xi1>, vector<16xf32>
        %exp3A_545 = math.exp %select_n3A_544 : vector<16xf32>
        %swap3A_546 = arith.index_cast %rem3A_207 : i32 to index
        %swap3A_547 = arith.index_cast %add3A_502 : i32 to index
        %swap3A_548 = arith.constant 0 : index
        %swap3A_549 = tpu.vector_load %arg14[%swap3A_546, %swap3A_547, %swap3A_548] {strides = array<i32>} : memref<2x80x16xf32, #tpu.memory_space<vmem>>, vector<1x1x16xf32>,
        %swap3A_550 = vector.shape_cast %swap3A_549 : vector<1x1x16xf32> to vector<16xf32>
        %swap3A_551 = vector.shape_cast %exp3A_545 : vector<16xf32> to vector<1x1x16xf32>
        tpu.vector_store %arg14[%swap3A_546, %swap3A_547, %swap3A_548], %swap3A_551 {strides = array<i32>} : memref<2x80x16xf32, #tpu.memory_space<vmem>>, vector<1x1x16xf32>,
        %add3A_552 = arith.constant 4 : i32
        %add3A_553 = arith.addi %add3A_328, %add3A_552 : i32
        %broadcast_in_dim3A_554 = arith.constant 4 : i32
        %broadcast_in_dim3A_555 = vector.broadcast %broadcast_in_dim3A_554 : i32 to vector<16x1xi32>
        %gather3A_556 = vector.shape_cast %broadcast_in_dim3A_555 : vector<16x1xi32> to vector<16xi32>
        %gather3A_557 = tpu.dynamic_gather %get3A_334[%gather3A_556] in [0] : vector<16xf32>, vector<16xi32> -> vector<16xf32>
        %mul3A_558 = arith.mulf %gather3A_557, %get3A_271 : vector<16xf32>
        %broadcast_in_dim3A_559 = arith.constant 4 : i32
        %broadcast_in_dim3A_560 = vector.broadcast %broadcast_in_dim3A_559 : i32 to vector<16x1xi32>
        %gather3A_561 = vector.shape_cast %broadcast_in_dim3A_560 : vector<16x1xi32> to vector<16xi32>
        %gather3A_562 = tpu.dynamic_gather %get3A_340[%gather3A_561] in [0] : vector<16xf32>, vector<16xi32> -> vector<16xf32>
        %mul3A_563 = arith.mulf %gather3A_562, %get3A_276 : vector<16xf32>
        %add3A_564 = arith.addf %mul3A_558, %mul3A_563 : vector<16xf32>
        %broadcast_in_dim3A_565 = arith.constant 4 : i32
        %broadcast_in_dim3A_566 = vector.broadcast %broadcast_in_dim3A_565 : i32 to vector<16x1xi32>
        %gather3A_567 = vector.shape_cast %broadcast_in_dim3A_566 : vector<16x1xi32> to vector<16xi32>
        %gather3A_568 = tpu.dynamic_gather %get3A_346[%gather3A_567] in [0] : vector<16xf32>, vector<16xi32> -> vector<16xf32>
        %mul3A_569 = arith.mulf %gather3A_568, %get3A_281 : vector<16xf32>
        %add3A_570 = arith.addf %add3A_564, %mul3A_569 : vector<16xf32>
        %broadcast_in_dim3A_571 = arith.constant 4 : i32
        %broadcast_in_dim3A_572 = vector.broadcast %broadcast_in_dim3A_571 : i32 to vector<16x1xi32>
        %gather3A_573 = vector.shape_cast %broadcast_in_dim3A_572 : vector<16x1xi32> to vector<16xi32>
        %gather3A_574 = tpu.dynamic_gather %get3A_352[%gather3A_573] in [0] : vector<16xf32>, vector<16xi32> -> vector<16xf32>
        %mul3A_575 = arith.mulf %gather3A_574, %get3A_286 : vector<16xf32>
        %add3A_576 = arith.addf %add3A_570, %mul3A_575 : vector<16xf32>
        %get3A_577 = arith.index_cast %rem3A_207 : i32 to index
        %get3A_578 = arith.index_cast %add3A_553 : i32 to index
        %get3A_579 = arith.constant 0 : index
        %get3A_580 = tpu.vector_load %arg11[%get3A_577, %get3A_578, %get3A_579] {strides = array<i32>} : memref<2x80x16xf32, #tpu.memory_space<vmem>>, vector<1x1x16xf32>,
        %get3A_581 = vector.shape_cast %get3A_580 : vector<1x1x16xf32> to vector<16xf32>
        %get3A_582 = arith.index_cast %rem3A_207 : i32 to index
        %get3A_583 = arith.index_cast %add3A_553 : i32 to index
        %get3A_584 = arith.constant 0 : index
        %get3A_585 = tpu.vector_load %arg12[%get3A_582, %get3A_583, %get3A_584] {strides = array<i32>} : memref<2x80x16xf32, #tpu.memory_space<vmem>>, vector<1x1x16xf32>,
        %get3A_586 = vector.shape_cast %get3A_585 : vector<1x1x16xf32> to vector<16xf32>
        %add3A_587 = arith.addf %get3A_581, %get3A_586 : vector<16xf32>
        %add3A_588 = arith.addf %add3A_587, %add3A_576 : vector<16xf32>
        %ge3A_589 = arith.constant 0.000000e+00 : f32
        %ge3A_590 = vector.broadcast %ge3A_589 : f32 to vector<16xf32>
        %ge3A_591 = arith.cmpf oge, %add3A_588, %ge3A_590 : vector<16xf32>
        %mul3A_592 = arith.constant 2.000000e-01 : f32
        %mul3A_593 = vector.broadcast %mul3A_592 : f32 to vector<16xf32>
        %mul3A_594 = arith.mulf %add3A_588, %mul3A_593 : vector<16xf32>
        %select_n3A_595 = arith.select %ge3A_591, %add3A_588, %mul3A_594 : vector<16xi1>, vector<16xf32>
        %exp3A_596 = math.exp %select_n3A_595 : vector<16xf32>
        %swap3A_597 = arith.index_cast %rem3A_207 : i32 to index
        %swap3A_598 = arith.index_cast %add3A_553 : i32 to index
        %swap3A_599 = arith.constant 0 : index
        %swap3A_600 = tpu.vector_load %arg14[%swap3A_597, %swap3A_598, %swap3A_599] {strides = array<i32>} : memref<2x80x16xf32, #tpu.memory_space<vmem>>, vector<1x1x16xf32>,
        %swap3A_601 = vector.shape_cast %swap3A_600 : vector<1x1x16xf32> to vector<16xf32>
        %swap3A_602 = vector.shape_cast %exp3A_596 : vector<16xf32> to vector<1x1x16xf32>
        tpu.vector_store %arg14[%swap3A_597, %swap3A_598, %swap3A_599], %swap3A_602 {strides = array<i32>} : memref<2x80x16xf32, #tpu.memory_space<vmem>>, vector<1x1x16xf32>,
        %add3A_603 = arith.constant 5 : i32
        %add3A_604 = arith.addi %add3A_328, %add3A_603 : i32
        %broadcast_in_dim3A_605 = arith.constant 5 : i32
        %broadcast_in_dim3A_606 = vector.broadcast %broadcast_in_dim3A_605 : i32 to vector<16x1xi32>
        %gather3A_607 = vector.shape_cast %broadcast_in_dim3A_606 : vector<16x1xi32> to vector<16xi32>
        %gather3A_608 = tpu.dynamic_gather %get3A_334[%gather3A_607] in [0] : vector<16xf32>, vector<16xi32> -> vector<16xf32>
        %mul3A_609 = arith.mulf %gather3A_608, %get3A_271 : vector<16xf32>
        %broadcast_in_dim3A_610 = arith.constant 5 : i32
        %broadcast_in_dim3A_611 = vector.broadcast %broadcast_in_dim3A_610 : i32 to vector<16x1xi32>
        %gather3A_612 = vector.shape_cast %broadcast_in_dim3A_611 : vector<16x1xi32> to vector<16xi32>
        %gather3A_613 = tpu.dynamic_gather %get3A_340[%gather3A_612] in [0] : vector<16xf32>, vector<16xi32> -> vector<16xf32>
        %mul3A_614 = arith.mulf %gather3A_613, %get3A_276 : vector<16xf32>
        %add3A_615 = arith.addf %mul3A_609, %mul3A_614 : vector<16xf32>
        %broadcast_in_dim3A_616 = arith.constant 5 : i32
        %broadcast_in_dim3A_617 = vector.broadcast %broadcast_in_dim3A_616 : i32 to vector<16x1xi32>
        %gather3A_618 = vector.shape_cast %broadcast_in_dim3A_617 : vector<16x1xi32> to vector<16xi32>
        %gather3A_619 = tpu.dynamic_gather %get3A_346[%gather3A_618] in [0] : vector<16xf32>, vector<16xi32> -> vector<16xf32>
        %mul3A_620 = arith.mulf %gather3A_619, %get3A_281 : vector<16xf32>
        %add3A_621 = arith.addf %add3A_615, %mul3A_620 : vector<16xf32>
        %broadcast_in_dim3A_622 = arith.constant 5 : i32
        %broadcast_in_dim3A_623 = vector.broadcast %broadcast_in_dim3A_622 : i32 to vector<16x1xi32>
        %gather3A_624 = vector.shape_cast %broadcast_in_dim3A_623 : vector<16x1xi32> to vector<16xi32>
        %gather3A_625 = tpu.dynamic_gather %get3A_352[%gather3A_624] in [0] : vector<16xf32>, vector<16xi32> -> vector<16xf32>
        %mul3A_626 = arith.mulf %gather3A_625, %get3A_286 : vector<16xf32>
        %add3A_627 = arith.addf %add3A_621, %mul3A_626 : vector<16xf32>
        %get3A_628 = arith.index_cast %rem3A_207 : i32 to index
        %get3A_629 = arith.index_cast %add3A_604 : i32 to index
        %get3A_630 = arith.constant 0 : index
        %get3A_631 = tpu.vector_load %arg11[%get3A_628, %get3A_629, %get3A_630] {strides = array<i32>} : memref<2x80x16xf32, #tpu.memory_space<vmem>>, vector<1x1x16xf32>,
        %get3A_632 = vector.shape_cast %get3A_631 : vector<1x1x16xf32> to vector<16xf32>
        %get3A_633 = arith.index_cast %rem3A_207 : i32 to index
        %get3A_634 = arith.index_cast %add3A_604 : i32 to index
        %get3A_635 = arith.constant 0 : index
        %get3A_636 = tpu.vector_load %arg12[%get3A_633, %get3A_634, %get3A_635] {strides = array<i32>} : memref<2x80x16xf32, #tpu.memory_space<vmem>>, vector<1x1x16xf32>,
        %get3A_637 = vector.shape_cast %get3A_636 : vector<1x1x16xf32> to vector<16xf32>
        %add3A_638 = arith.addf %get3A_632, %get3A_637 : vector<16xf32>
        %add3A_639 = arith.addf %add3A_638, %add3A_627 : vector<16xf32>
        %ge3A_640 = arith.constant 0.000000e+00 : f32
        %ge3A_641 = vector.broadcast %ge3A_640 : f32 to vector<16xf32>
        %ge3A_642 = arith.cmpf oge, %add3A_639, %ge3A_641 : vector<16xf32>
        %mul3A_643 = arith.constant 2.000000e-01 : f32
        %mul3A_644 = vector.broadcast %mul3A_643 : f32 to vector<16xf32>
        %mul3A_645 = arith.mulf %add3A_639, %mul3A_644 : vector<16xf32>
        %select_n3A_646 = arith.select %ge3A_642, %add3A_639, %mul3A_645 : vector<16xi1>, vector<16xf32>
        %exp3A_647 = math.exp %select_n3A_646 : vector<16xf32>
        %swap3A_648 = arith.index_cast %rem3A_207 : i32 to index
        %swap3A_649 = arith.index_cast %add3A_604 : i32 to index
        %swap3A_650 = arith.constant 0 : index
        %swap3A_651 = tpu.vector_load %arg14[%swap3A_648, %swap3A_649, %swap3A_650] {strides = array<i32>} : memref<2x80x16xf32, #tpu.memory_space<vmem>>, vector<1x1x16xf32>,
        %swap3A_652 = vector.shape_cast %swap3A_651 : vector<1x1x16xf32> to vector<16xf32>
        %swap3A_653 = vector.shape_cast %exp3A_647 : vector<16xf32> to vector<1x1x16xf32>
        tpu.vector_store %arg14[%swap3A_648, %swap3A_649, %swap3A_650], %swap3A_653 {strides = array<i32>} : memref<2x80x16xf32, #tpu.memory_space<vmem>>, vector<1x1x16xf32>,
        %add3A_654 = arith.constant 6 : i32
        %add3A_655 = arith.addi %add3A_328, %add3A_654 : i32
        %broadcast_in_dim3A_656 = arith.constant 6 : i32
        %broadcast_in_dim3A_657 = vector.broadcast %broadcast_in_dim3A_656 : i32 to vector<16x1xi32>
        %gather3A_658 = vector.shape_cast %broadcast_in_dim3A_657 : vector<16x1xi32> to vector<16xi32>
        %gather3A_659 = tpu.dynamic_gather %get3A_334[%gather3A_658] in [0] : vector<16xf32>, vector<16xi32> -> vector<16xf32>
        %mul3A_660 = arith.mulf %gather3A_659, %get3A_271 : vector<16xf32>
        %broadcast_in_dim3A_661 = arith.constant 6 : i32
        %broadcast_in_dim3A_662 = vector.broadcast %broadcast_in_dim3A_661 : i32 to vector<16x1xi32>
        %gather3A_663 = vector.shape_cast %broadcast_in_dim3A_662 : vector<16x1xi32> to vector<16xi32>
        %gather3A_664 = tpu.dynamic_gather %get3A_340[%gather3A_663] in [0] : vector<16xf32>, vector<16xi32> -> vector<16xf32>
        %mul3A_665 = arith.mulf %gather3A_664, %get3A_276 : vector<16xf32>
        %add3A_666 = arith.addf %mul3A_660, %mul3A_665 : vector<16xf32>
        %broadcast_in_dim3A_667 = arith.constant 6 : i32
        %broadcast_in_dim3A_668 = vector.broadcast %broadcast_in_dim3A_667 : i32 to vector<16x1xi32>
        %gather3A_669 = vector.shape_cast %broadcast_in_dim3A_668 : vector<16x1xi32> to vector<16xi32>
        %gather3A_670 = tpu.dynamic_gather %get3A_346[%gather3A_669] in [0] : vector<16xf32>, vector<16xi32> -> vector<16xf32>
        %mul3A_671 = arith.mulf %gather3A_670, %get3A_281 : vector<16xf32>
        %add3A_672 = arith.addf %add3A_666, %mul3A_671 : vector<16xf32>
        %broadcast_in_dim3A_673 = arith.constant 6 : i32
        %broadcast_in_dim3A_674 = vector.broadcast %broadcast_in_dim3A_673 : i32 to vector<16x1xi32>
        %gather3A_675 = vector.shape_cast %broadcast_in_dim3A_674 : vector<16x1xi32> to vector<16xi32>
        %gather3A_676 = tpu.dynamic_gather %get3A_352[%gather3A_675] in [0] : vector<16xf32>, vector<16xi32> -> vector<16xf32>
        %mul3A_677 = arith.mulf %gather3A_676, %get3A_286 : vector<16xf32>
        %add3A_678 = arith.addf %add3A_672, %mul3A_677 : vector<16xf32>
        %get3A_679 = arith.index_cast %rem3A_207 : i32 to index
        %get3A_680 = arith.index_cast %add3A_655 : i32 to index
        %get3A_681 = arith.constant 0 : index
        %get3A_682 = tpu.vector_load %arg11[%get3A_679, %get3A_680, %get3A_681] {strides = array<i32>} : memref<2x80x16xf32, #tpu.memory_space<vmem>>, vector<1x1x16xf32>,
        %get3A_683 = vector.shape_cast %get3A_682 : vector<1x1x16xf32> to vector<16xf32>
        %get3A_684 = arith.index_cast %rem3A_207 : i32 to index
        %get3A_685 = arith.index_cast %add3A_655 : i32 to index
        %get3A_686 = arith.constant 0 : index
        %get3A_687 = tpu.vector_load %arg12[%get3A_684, %get3A_685, %get3A_686] {strides = array<i32>} : memref<2x80x16xf32, #tpu.memory_space<vmem>>, vector<1x1x16xf32>,
        %get3A_688 = vector.shape_cast %get3A_687 : vector<1x1x16xf32> to vector<16xf32>
        %add3A_689 = arith.addf %get3A_683, %get3A_688 : vector<16xf32>
        %add3A_690 = arith.addf %add3A_689, %add3A_678 : vector<16xf32>
        %ge3A_691 = arith.constant 0.000000e+00 : f32
        %ge3A_692 = vector.broadcast %ge3A_691 : f32 to vector<16xf32>
        %ge3A_693 = arith.cmpf oge, %add3A_690, %ge3A_692 : vector<16xf32>
        %mul3A_694 = arith.constant 2.000000e-01 : f32
        %mul3A_695 = vector.broadcast %mul3A_694 : f32 to vector<16xf32>
        %mul3A_696 = arith.mulf %add3A_690, %mul3A_695 : vector<16xf32>
        %select_n3A_697 = arith.select %ge3A_693, %add3A_690, %mul3A_696 : vector<16xi1>, vector<16xf32>
        %exp3A_698 = math.exp %select_n3A_697 : vector<16xf32>
        %swap3A_699 = arith.index_cast %rem3A_207 : i32 to index
        %swap3A_700 = arith.index_cast %add3A_655 : i32 to index
        %swap3A_701 = arith.constant 0 : index
        %swap3A_702 = tpu.vector_load %arg14[%swap3A_699, %swap3A_700, %swap3A_701] {strides = array<i32>} : memref<2x80x16xf32, #tpu.memory_space<vmem>>, vector<1x1x16xf32>,
        %swap3A_703 = vector.shape_cast %swap3A_702 : vector<1x1x16xf32> to vector<16xf32>
        %swap3A_704 = vector.shape_cast %exp3A_698 : vector<16xf32> to vector<1x1x16xf32>
        tpu.vector_store %arg14[%swap3A_699, %swap3A_700, %swap3A_701], %swap3A_704 {strides = array<i32>} : memref<2x80x16xf32, #tpu.memory_space<vmem>>, vector<1x1x16xf32>,
        %add3A_705 = arith.constant 7 : i32
        %add3A_706 = arith.addi %add3A_328, %add3A_705 : i32
        %broadcast_in_dim3A_707 = arith.constant 7 : i32
        %broadcast_in_dim3A_708 = vector.broadcast %broadcast_in_dim3A_707 : i32 to vector<16x1xi32>
        %gather3A_709 = vector.shape_cast %broadcast_in_dim3A_708 : vector<16x1xi32> to vector<16xi32>
        %gather3A_710 = tpu.dynamic_gather %get3A_334[%gather3A_709] in [0] : vector<16xf32>, vector<16xi32> -> vector<16xf32>
        %mul3A_711 = arith.mulf %gather3A_710, %get3A_271 : vector<16xf32>
        %broadcast_in_dim3A_712 = arith.constant 7 : i32
        %broadcast_in_dim3A_713 = vector.broadcast %broadcast_in_dim3A_712 : i32 to vector<16x1xi32>
        %gather3A_714 = vector.shape_cast %broadcast_in_dim3A_713 : vector<16x1xi32> to vector<16xi32>
        %gather3A_715 = tpu.dynamic_gather %get3A_340[%gather3A_714] in [0] : vector<16xf32>, vector<16xi32> -> vector<16xf32>
        %mul3A_716 = arith.mulf %gather3A_715, %get3A_276 : vector<16xf32>
        %add3A_717 = arith.addf %mul3A_711, %mul3A_716 : vector<16xf32>
        %broadcast_in_dim3A_718 = arith.constant 7 : i32
        %broadcast_in_dim3A_719 = vector.broadcast %broadcast_in_dim3A_718 : i32 to vector<16x1xi32>
        %gather3A_720 = vector.shape_cast %broadcast_in_dim3A_719 : vector<16x1xi32> to vector<16xi32>
        %gather3A_721 = tpu.dynamic_gather %get3A_346[%gather3A_720] in [0] : vector<16xf32>, vector<16xi32> -> vector<16xf32>
        %mul3A_722 = arith.mulf %gather3A_721, %get3A_281 : vector<16xf32>
        %add3A_723 = arith.addf %add3A_717, %mul3A_722 : vector<16xf32>
        %broadcast_in_dim3A_724 = arith.constant 7 : i32
        %broadcast_in_dim3A_725 = vector.broadcast %broadcast_in_dim3A_724 : i32 to vector<16x1xi32>
        %gather3A_726 = vector.shape_cast %broadcast_in_dim3A_725 : vector<16x1xi32> to vector<16xi32>
        %gather3A_727 = tpu.dynamic_gather %get3A_352[%gather3A_726] in [0] : vector<16xf32>, vector<16xi32> -> vector<16xf32>
        %mul3A_728 = arith.mulf %gather3A_727, %get3A_286 : vector<16xf32>
        %add3A_729 = arith.addf %add3A_723, %mul3A_728 : vector<16xf32>
        %get3A_730 = arith.index_cast %rem3A_207 : i32 to index
        %get3A_731 = arith.index_cast %add3A_706 : i32 to index
        %get3A_732 = arith.constant 0 : index
        %get3A_733 = tpu.vector_load %arg11[%get3A_730, %get3A_731, %get3A_732] {strides = array<i32>} : memref<2x80x16xf32, #tpu.memory_space<vmem>>, vector<1x1x16xf32>,
        %get3A_734 = vector.shape_cast %get3A_733 : vector<1x1x16xf32> to vector<16xf32>
        %get3A_735 = arith.index_cast %rem3A_207 : i32 to index
        %get3A_736 = arith.index_cast %add3A_706 : i32 to index
        %get3A_737 = arith.constant 0 : index
        %get3A_738 = tpu.vector_load %arg12[%get3A_735, %get3A_736, %get3A_737] {strides = array<i32>} : memref<2x80x16xf32, #tpu.memory_space<vmem>>, vector<1x1x16xf32>,
        %get3A_739 = vector.shape_cast %get3A_738 : vector<1x1x16xf32> to vector<16xf32>
        %add3A_740 = arith.addf %get3A_734, %get3A_739 : vector<16xf32>
        %add3A_741 = arith.addf %add3A_740, %add3A_729 : vector<16xf32>
        %ge3A_742 = arith.constant 0.000000e+00 : f32
        %ge3A_743 = vector.broadcast %ge3A_742 : f32 to vector<16xf32>
        %ge3A_744 = arith.cmpf oge, %add3A_741, %ge3A_743 : vector<16xf32>
        %mul3A_745 = arith.constant 2.000000e-01 : f32
        %mul3A_746 = vector.broadcast %mul3A_745 : f32 to vector<16xf32>
        %mul3A_747 = arith.mulf %add3A_741, %mul3A_746 : vector<16xf32>
        %select_n3A_748 = arith.select %ge3A_744, %add3A_741, %mul3A_747 : vector<16xi1>, vector<16xf32>
        %exp3A_749 = math.exp %select_n3A_748 : vector<16xf32>
        %swap3A_750 = arith.index_cast %rem3A_207 : i32 to index
        %swap3A_751 = arith.index_cast %add3A_706 : i32 to index
        %swap3A_752 = arith.constant 0 : index
        %swap3A_753 = tpu.vector_load %arg14[%swap3A_750, %swap3A_751, %swap3A_752] {strides = array<i32>} : memref<2x80x16xf32, #tpu.memory_space<vmem>>, vector<1x1x16xf32>,
        %swap3A_754 = vector.shape_cast %swap3A_753 : vector<1x1x16xf32> to vector<16xf32>
        %swap3A_755 = vector.shape_cast %exp3A_749 : vector<16xf32> to vector<1x1x16xf32>
        tpu.vector_store %arg14[%swap3A_750, %swap3A_751, %swap3A_752], %swap3A_755 {strides = array<i32>} : memref<2x80x16xf32, #tpu.memory_space<vmem>>, vector<1x1x16xf32>,
        %add3A_756 = arith.constant 8 : i32
        %add3A_757 = arith.addi %add3A_328, %add3A_756 : i32
        %broadcast_in_dim3A_758 = arith.constant 8 : i32
        %broadcast_in_dim3A_759 = vector.broadcast %broadcast_in_dim3A_758 : i32 to vector<16x1xi32>
        %gather3A_760 = vector.shape_cast %broadcast_in_dim3A_759 : vector<16x1xi32> to vector<16xi32>
        %gather3A_761 = tpu.dynamic_gather %get3A_334[%gather3A_760] in [0] : vector<16xf32>, vector<16xi32> -> vector<16xf32>
        %mul3A_762 = arith.mulf %gather3A_761, %get3A_271 : vector<16xf32>
        %broadcast_in_dim3A_763 = arith.constant 8 : i32
        %broadcast_in_dim3A_764 = vector.broadcast %broadcast_in_dim3A_763 : i32 to vector<16x1xi32>
        %gather3A_765 = vector.shape_cast %broadcast_in_dim3A_764 : vector<16x1xi32> to vector<16xi32>
        %gather3A_766 = tpu.dynamic_gather %get3A_340[%gather3A_765] in [0] : vector<16xf32>, vector<16xi32> -> vector<16xf32>
        %mul3A_767 = arith.mulf %gather3A_766, %get3A_276 : vector<16xf32>
        %add3A_768 = arith.addf %mul3A_762, %mul3A_767 : vector<16xf32>
        %broadcast_in_dim3A_769 = arith.constant 8 : i32
        %broadcast_in_dim3A_770 = vector.broadcast %broadcast_in_dim3A_769 : i32 to vector<16x1xi32>
        %gather3A_771 = vector.shape_cast %broadcast_in_dim3A_770 : vector<16x1xi32> to vector<16xi32>
        %gather3A_772 = tpu.dynamic_gather %get3A_346[%gather3A_771] in [0] : vector<16xf32>, vector<16xi32> -> vector<16xf32>
        %mul3A_773 = arith.mulf %gather3A_772, %get3A_281 : vector<16xf32>
        %add3A_774 = arith.addf %add3A_768, %mul3A_773 : vector<16xf32>
        %broadcast_in_dim3A_775 = arith.constant 8 : i32
        %broadcast_in_dim3A_776 = vector.broadcast %broadcast_in_dim3A_775 : i32 to vector<16x1xi32>
        %gather3A_777 = vector.shape_cast %broadcast_in_dim3A_776 : vector<16x1xi32> to vector<16xi32>
        %gather3A_778 = tpu.dynamic_gather %get3A_352[%gather3A_777] in [0] : vector<16xf32>, vector<16xi32> -> vector<16xf32>
        %mul3A_779 = arith.mulf %gather3A_778, %get3A_286 : vector<16xf32>
        %add3A_780 = arith.addf %add3A_774, %mul3A_779 : vector<16xf32>
        %get3A_781 = arith.index_cast %rem3A_207 : i32 to index
        %get3A_782 = arith.index_cast %add3A_757 : i32 to index
        %get3A_783 = arith.constant 0 : index
        %get3A_784 = tpu.vector_load %arg11[%get3A_781, %get3A_782, %get3A_783] {strides = array<i32>} : memref<2x80x16xf32, #tpu.memory_space<vmem>>, vector<1x1x16xf32>,
        %get3A_785 = vector.shape_cast %get3A_784 : vector<1x1x16xf32> to vector<16xf32>
        %get3A_786 = arith.index_cast %rem3A_207 : i32 to index
        %get3A_787 = arith.index_cast %add3A_757 : i32 to index
        %get3A_788 = arith.constant 0 : index
        %get3A_789 = tpu.vector_load %arg12[%get3A_786, %get3A_787, %get3A_788] {strides = array<i32>} : memref<2x80x16xf32, #tpu.memory_space<vmem>>, vector<1x1x16xf32>,
        %get3A_790 = vector.shape_cast %get3A_789 : vector<1x1x16xf32> to vector<16xf32>
        %add3A_791 = arith.addf %get3A_785, %get3A_790 : vector<16xf32>
        %add3A_792 = arith.addf %add3A_791, %add3A_780 : vector<16xf32>
        %ge3A_793 = arith.constant 0.000000e+00 : f32
        %ge3A_794 = vector.broadcast %ge3A_793 : f32 to vector<16xf32>
        %ge3A_795 = arith.cmpf oge, %add3A_792, %ge3A_794 : vector<16xf32>
        %mul3A_796 = arith.constant 2.000000e-01 : f32
        %mul3A_797 = vector.broadcast %mul3A_796 : f32 to vector<16xf32>
        %mul3A_798 = arith.mulf %add3A_792, %mul3A_797 : vector<16xf32>
        %select_n3A_799 = arith.select %ge3A_795, %add3A_792, %mul3A_798 : vector<16xi1>, vector<16xf32>
        %exp3A_800 = math.exp %select_n3A_799 : vector<16xf32>
        %swap3A_801 = arith.index_cast %rem3A_207 : i32 to index
        %swap3A_802 = arith.index_cast %add3A_757 : i32 to index
        %swap3A_803 = arith.constant 0 : index
        %swap3A_804 = tpu.vector_load %arg14[%swap3A_801, %swap3A_802, %swap3A_803] {strides = array<i32>} : memref<2x80x16xf32, #tpu.memory_space<vmem>>, vector<1x1x16xf32>,
        %swap3A_805 = vector.shape_cast %swap3A_804 : vector<1x1x16xf32> to vector<16xf32>
        %swap3A_806 = vector.shape_cast %exp3A_800 : vector<16xf32> to vector<1x1x16xf32>
        tpu.vector_store %arg14[%swap3A_801, %swap3A_802, %swap3A_803], %swap3A_806 {strides = array<i32>} : memref<2x80x16xf32, #tpu.memory_space<vmem>>, vector<1x1x16xf32>,
        %add3A_807 = arith.constant 9 : i32
        %add3A_808 = arith.addi %add3A_328, %add3A_807 : i32
        %broadcast_in_dim3A_809 = arith.constant 9 : i32
        %broadcast_in_dim3A_810 = vector.broadcast %broadcast_in_dim3A_809 : i32 to vector<16x1xi32>
        %gather3A_811 = vector.shape_cast %broadcast_in_dim3A_810 : vector<16x1xi32> to vector<16xi32>
        %gather3A_812 = tpu.dynamic_gather %get3A_334[%gather3A_811] in [0] : vector<16xf32>, vector<16xi32> -> vector<16xf32>
        %mul3A_813 = arith.mulf %gather3A_812, %get3A_271 : vector<16xf32>
        %broadcast_in_dim3A_814 = arith.constant 9 : i32
        %broadcast_in_dim3A_815 = vector.broadcast %broadcast_in_dim3A_814 : i32 to vector<16x1xi32>
        %gather3A_816 = vector.shape_cast %broadcast_in_dim3A_815 : vector<16x1xi32> to vector<16xi32>
        %gather3A_817 = tpu.dynamic_gather %get3A_340[%gather3A_816] in [0] : vector<16xf32>, vector<16xi32> -> vector<16xf32>
        %mul3A_818 = arith.mulf %gather3A_817, %get3A_276 : vector<16xf32>
        %add3A_819 = arith.addf %mul3A_813, %mul3A_818 : vector<16xf32>
        %broadcast_in_dim3A_820 = arith.constant 9 : i32
        %broadcast_in_dim3A_821 = vector.broadcast %broadcast_in_dim3A_820 : i32 to vector<16x1xi32>
        %gather3A_822 = vector.shape_cast %broadcast_in_dim3A_821 : vector<16x1xi32> to vector<16xi32>
        %gather3A_823 = tpu.dynamic_gather %get3A_346[%gather3A_822] in [0] : vector<16xf32>, vector<16xi32> -> vector<16xf32>
        %mul3A_824 = arith.mulf %gather3A_823, %get3A_281 : vector<16xf32>
        %add3A_825 = arith.addf %add3A_819, %mul3A_824 : vector<16xf32>
        %broadcast_in_dim3A_826 = arith.constant 9 : i32
        %broadcast_in_dim3A_827 = vector.broadcast %broadcast_in_dim3A_826 : i32 to vector<16x1xi32>
        %gather3A_828 = vector.shape_cast %broadcast_in_dim3A_827 : vector<16x1xi32> to vector<16xi32>
        %gather3A_829 = tpu.dynamic_gather %get3A_352[%gather3A_828] in [0] : vector<16xf32>, vector<16xi32> -> vector<16xf32>
        %mul3A_830 = arith.mulf %gather3A_829, %get3A_286 : vector<16xf32>
        %add3A_831 = arith.addf %add3A_825, %mul3A_830 : vector<16xf32>
        %get3A_832 = arith.index_cast %rem3A_207 : i32 to index
        %get3A_833 = arith.index_cast %add3A_808 : i32 to index
        %get3A_834 = arith.constant 0 : index
        %get3A_835 = tpu.vector_load %arg11[%get3A_832, %get3A_833, %get3A_834] {strides = array<i32>} : memref<2x80x16xf32, #tpu.memory_space<vmem>>, vector<1x1x16xf32>,
        %get3A_836 = vector.shape_cast %get3A_835 : vector<1x1x16xf32> to vector<16xf32>
        %get3A_837 = arith.index_cast %rem3A_207 : i32 to index
        %get3A_838 = arith.index_cast %add3A_808 : i32 to index
        %get3A_839 = arith.constant 0 : index
        %get3A_840 = tpu.vector_load %arg12[%get3A_837, %get3A_838, %get3A_839] {strides = array<i32>} : memref<2x80x16xf32, #tpu.memory_space<vmem>>, vector<1x1x16xf32>,
        %get3A_841 = vector.shape_cast %get3A_840 : vector<1x1x16xf32> to vector<16xf32>
        %add3A_842 = arith.addf %get3A_836, %get3A_841 : vector<16xf32>
        %add3A_843 = arith.addf %add3A_842, %add3A_831 : vector<16xf32>
        %ge3A_844 = arith.constant 0.000000e+00 : f32
        %ge3A_845 = vector.broadcast %ge3A_844 : f32 to vector<16xf32>
        %ge3A_846 = arith.cmpf oge, %add3A_843, %ge3A_845 : vector<16xf32>
        %mul3A_847 = arith.constant 2.000000e-01 : f32
        %mul3A_848 = vector.broadcast %mul3A_847 : f32 to vector<16xf32>
        %mul3A_849 = arith.mulf %add3A_843, %mul3A_848 : vector<16xf32>
        %select_n3A_850 = arith.select %ge3A_846, %add3A_843, %mul3A_849 : vector<16xi1>, vector<16xf32>
        %exp3A_851 = math.exp %select_n3A_850 : vector<16xf32>
        %swap3A_852 = arith.index_cast %rem3A_207 : i32 to index
        %swap3A_853 = arith.index_cast %add3A_808 : i32 to index
        %swap3A_854 = arith.constant 0 : index
        %swap3A_855 = tpu.vector_load %arg14[%swap3A_852, %swap3A_853, %swap3A_854] {strides = array<i32>} : memref<2x80x16xf32, #tpu.memory_space<vmem>>, vector<1x1x16xf32>,
        %swap3A_856 = vector.shape_cast %swap3A_855 : vector<1x1x16xf32> to vector<16xf32>
        %swap3A_857 = vector.shape_cast %exp3A_851 : vector<16xf32> to vector<1x1x16xf32>
        tpu.vector_store %arg14[%swap3A_852, %swap3A_853, %swap3A_854], %swap3A_857 {strides = array<i32>} : memref<2x80x16xf32, #tpu.memory_space<vmem>>, vector<1x1x16xf32>,
        %add3A_858 = arith.constant 10 : i32
        %add3A_859 = arith.addi %add3A_328, %add3A_858 : i32
        %broadcast_in_dim3A_860 = arith.constant 10 : i32
        %broadcast_in_dim3A_861 = vector.broadcast %broadcast_in_dim3A_860 : i32 to vector<16x1xi32>
        %gather3A_862 = vector.shape_cast %broadcast_in_dim3A_861 : vector<16x1xi32> to vector<16xi32>
        %gather3A_863 = tpu.dynamic_gather %get3A_334[%gather3A_862] in [0] : vector<16xf32>, vector<16xi32> -> vector<16xf32>
        %mul3A_864 = arith.mulf %gather3A_863, %get3A_271 : vector<16xf32>
        %broadcast_in_dim3A_865 = arith.constant 10 : i32
        %broadcast_in_dim3A_866 = vector.broadcast %broadcast_in_dim3A_865 : i32 to vector<16x1xi32>
        %gather3A_867 = vector.shape_cast %broadcast_in_dim3A_866 : vector<16x1xi32> to vector<16xi32>
        %gather3A_868 = tpu.dynamic_gather %get3A_340[%gather3A_867] in [0] : vector<16xf32>, vector<16xi32> -> vector<16xf32>
        %mul3A_869 = arith.mulf %gather3A_868, %get3A_276 : vector<16xf32>
        %add3A_870 = arith.addf %mul3A_864, %mul3A_869 : vector<16xf32>
        %broadcast_in_dim3A_871 = arith.constant 10 : i32
        %broadcast_in_dim3A_872 = vector.broadcast %broadcast_in_dim3A_871 : i32 to vector<16x1xi32>
        %gather3A_873 = vector.shape_cast %broadcast_in_dim3A_872 : vector<16x1xi32> to vector<16xi32>
        %gather3A_874 = tpu.dynamic_gather %get3A_346[%gather3A_873] in [0] : vector<16xf32>, vector<16xi32> -> vector<16xf32>
        %mul3A_875 = arith.mulf %gather3A_874, %get3A_281 : vector<16xf32>
        %add3A_876 = arith.addf %add3A_870, %mul3A_875 : vector<16xf32>
        %broadcast_in_dim3A_877 = arith.constant 10 : i32
        %broadcast_in_dim3A_878 = vector.broadcast %broadcast_in_dim3A_877 : i32 to vector<16x1xi32>
        %gather3A_879 = vector.shape_cast %broadcast_in_dim3A_878 : vector<16x1xi32> to vector<16xi32>
        %gather3A_880 = tpu.dynamic_gather %get3A_352[%gather3A_879] in [0] : vector<16xf32>, vector<16xi32> -> vector<16xf32>
        %mul3A_881 = arith.mulf %gather3A_880, %get3A_286 : vector<16xf32>
        %add3A_882 = arith.addf %add3A_876, %mul3A_881 : vector<16xf32>
        %get3A_883 = arith.index_cast %rem3A_207 : i32 to index
        %get3A_884 = arith.index_cast %add3A_859 : i32 to index
        %get3A_885 = arith.constant 0 : index
        %get3A_886 = tpu.vector_load %arg11[%get3A_883, %get3A_884, %get3A_885] {strides = array<i32>} : memref<2x80x16xf32, #tpu.memory_space<vmem>>, vector<1x1x16xf32>,
        %get3A_887 = vector.shape_cast %get3A_886 : vector<1x1x16xf32> to vector<16xf32>
        %get3A_888 = arith.index_cast %rem3A_207 : i32 to index
        %get3A_889 = arith.index_cast %add3A_859 : i32 to index
        %get3A_890 = arith.constant 0 : index
        %get3A_891 = tpu.vector_load %arg12[%get3A_888, %get3A_889, %get3A_890] {strides = array<i32>} : memref<2x80x16xf32, #tpu.memory_space<vmem>>, vector<1x1x16xf32>,
        %get3A_892 = vector.shape_cast %get3A_891 : vector<1x1x16xf32> to vector<16xf32>
        %add3A_893 = arith.addf %get3A_887, %get3A_892 : vector<16xf32>
        %add3A_894 = arith.addf %add3A_893, %add3A_882 : vector<16xf32>
        %ge3A_895 = arith.constant 0.000000e+00 : f32
        %ge3A_896 = vector.broadcast %ge3A_895 : f32 to vector<16xf32>
        %ge3A_897 = arith.cmpf oge, %add3A_894, %ge3A_896 : vector<16xf32>
        %mul3A_898 = arith.constant 2.000000e-01 : f32
        %mul3A_899 = vector.broadcast %mul3A_898 : f32 to vector<16xf32>
        %mul3A_900 = arith.mulf %add3A_894, %mul3A_899 : vector<16xf32>
        %select_n3A_901 = arith.select %ge3A_897, %add3A_894, %mul3A_900 : vector<16xi1>, vector<16xf32>
        %exp3A_902 = math.exp %select_n3A_901 : vector<16xf32>
        %swap3A_903 = arith.index_cast %rem3A_207 : i32 to index
        %swap3A_904 = arith.index_cast %add3A_859 : i32 to index
        %swap3A_905 = arith.constant 0 : index
        %swap3A_906 = tpu.vector_load %arg14[%swap3A_903, %swap3A_904, %swap3A_905] {strides = array<i32>} : memref<2x80x16xf32, #tpu.memory_space<vmem>>, vector<1x1x16xf32>,
        %swap3A_907 = vector.shape_cast %swap3A_906 : vector<1x1x16xf32> to vector<16xf32>
        %swap3A_908 = vector.shape_cast %exp3A_902 : vector<16xf32> to vector<1x1x16xf32>
        tpu.vector_store %arg14[%swap3A_903, %swap3A_904, %swap3A_905], %swap3A_908 {strides = array<i32>} : memref<2x80x16xf32, #tpu.memory_space<vmem>>, vector<1x1x16xf32>,
        %add3A_909 = arith.constant 11 : i32
        %add3A_910 = arith.addi %add3A_328, %add3A_909 : i32
        %broadcast_in_dim3A_911 = arith.constant 11 : i32
        %broadcast_in_dim3A_912 = vector.broadcast %broadcast_in_dim3A_911 : i32 to vector<16x1xi32>
        %gather3A_913 = vector.shape_cast %broadcast_in_dim3A_912 : vector<16x1xi32> to vector<16xi32>
        %gather3A_914 = tpu.dynamic_gather %get3A_334[%gather3A_913] in [0] : vector<16xf32>, vector<16xi32> -> vector<16xf32>
        %mul3A_915 = arith.mulf %gather3A_914, %get3A_271 : vector<16xf32>
        %broadcast_in_dim3A_916 = arith.constant 11 : i32
        %broadcast_in_dim3A_917 = vector.broadcast %broadcast_in_dim3A_916 : i32 to vector<16x1xi32>
        %gather3A_918 = vector.shape_cast %broadcast_in_dim3A_917 : vector<16x1xi32> to vector<16xi32>
        %gather3A_919 = tpu.dynamic_gather %get3A_340[%gather3A_918] in [0] : vector<16xf32>, vector<16xi32> -> vector<16xf32>
        %mul3A_920 = arith.mulf %gather3A_919, %get3A_276 : vector<16xf32>
        %add3A_921 = arith.addf %mul3A_915, %mul3A_920 : vector<16xf32>
        %broadcast_in_dim3A_922 = arith.constant 11 : i32
        %broadcast_in_dim3A_923 = vector.broadcast %broadcast_in_dim3A_922 : i32 to vector<16x1xi32>
        %gather3A_924 = vector.shape_cast %broadcast_in_dim3A_923 : vector<16x1xi32> to vector<16xi32>
        %gather3A_925 = tpu.dynamic_gather %get3A_346[%gather3A_924] in [0] : vector<16xf32>, vector<16xi32> -> vector<16xf32>
        %mul3A_926 = arith.mulf %gather3A_925, %get3A_281 : vector<16xf32>
        %add3A_927 = arith.addf %add3A_921, %mul3A_926 : vector<16xf32>
        %broadcast_in_dim3A_928 = arith.constant 11 : i32
        %broadcast_in_dim3A_929 = vector.broadcast %broadcast_in_dim3A_928 : i32 to vector<16x1xi32>
        %gather3A_930 = vector.shape_cast %broadcast_in_dim3A_929 : vector<16x1xi32> to vector<16xi32>
        %gather3A_931 = tpu.dynamic_gather %get3A_352[%gather3A_930] in [0] : vector<16xf32>, vector<16xi32> -> vector<16xf32>
        %mul3A_932 = arith.mulf %gather3A_931, %get3A_286 : vector<16xf32>
        %add3A_933 = arith.addf %add3A_927, %mul3A_932 : vector<16xf32>
        %get3A_934 = arith.index_cast %rem3A_207 : i32 to index
        %get3A_935 = arith.index_cast %add3A_910 : i32 to index
        %get3A_936 = arith.constant 0 : index
        %get3A_937 = tpu.vector_load %arg11[%get3A_934, %get3A_935, %get3A_936] {strides = array<i32>} : memref<2x80x16xf32, #tpu.memory_space<vmem>>, vector<1x1x16xf32>,
        %get3A_938 = vector.shape_cast %get3A_937 : vector<1x1x16xf32> to vector<16xf32>
        %get3A_939 = arith.index_cast %rem3A_207 : i32 to index
        %get3A_940 = arith.index_cast %add3A_910 : i32 to index
        %get3A_941 = arith.constant 0 : index
        %get3A_942 = tpu.vector_load %arg12[%get3A_939, %get3A_940, %get3A_941] {strides = array<i32>} : memref<2x80x16xf32, #tpu.memory_space<vmem>>, vector<1x1x16xf32>,
        %get3A_943 = vector.shape_cast %get3A_942 : vector<1x1x16xf32> to vector<16xf32>
        %add3A_944 = arith.addf %get3A_938, %get3A_943 : vector<16xf32>
        %add3A_945 = arith.addf %add3A_944, %add3A_933 : vector<16xf32>
        %ge3A_946 = arith.constant 0.000000e+00 : f32
        %ge3A_947 = vector.broadcast %ge3A_946 : f32 to vector<16xf32>
        %ge3A_948 = arith.cmpf oge, %add3A_945, %ge3A_947 : vector<16xf32>
        %mul3A_949 = arith.constant 2.000000e-01 : f32
        %mul3A_950 = vector.broadcast %mul3A_949 : f32 to vector<16xf32>
        %mul3A_951 = arith.mulf %add3A_945, %mul3A_950 : vector<16xf32>
        %select_n3A_952 = arith.select %ge3A_948, %add3A_945, %mul3A_951 : vector<16xi1>, vector<16xf32>
        %exp3A_953 = math.exp %select_n3A_952 : vector<16xf32>
        %swap3A_954 = arith.index_cast %rem3A_207 : i32 to index
        %swap3A_955 = arith.index_cast %add3A_910 : i32 to index
        %swap3A_956 = arith.constant 0 : index
        %swap3A_957 = tpu.vector_load %arg14[%swap3A_954, %swap3A_955, %swap3A_956] {strides = array<i32>} : memref<2x80x16xf32, #tpu.memory_space<vmem>>, vector<1x1x16xf32>,
        %swap3A_958 = vector.shape_cast %swap3A_957 : vector<1x1x16xf32> to vector<16xf32>
        %swap3A_959 = vector.shape_cast %exp3A_953 : vector<16xf32> to vector<1x1x16xf32>
        tpu.vector_store %arg14[%swap3A_954, %swap3A_955, %swap3A_956], %swap3A_959 {strides = array<i32>} : memref<2x80x16xf32, #tpu.memory_space<vmem>>, vector<1x1x16xf32>,
        %add3A_960 = arith.constant 12 : i32
        %add3A_961 = arith.addi %add3A_328, %add3A_960 : i32
        %broadcast_in_dim3A_962 = arith.constant 12 : i32
        %broadcast_in_dim3A_963 = vector.broadcast %broadcast_in_dim3A_962 : i32 to vector<16x1xi32>
        %gather3A_964 = vector.shape_cast %broadcast_in_dim3A_963 : vector<16x1xi32> to vector<16xi32>
        %gather3A_965 = tpu.dynamic_gather %get3A_334[%gather3A_964] in [0] : vector<16xf32>, vector<16xi32> -> vector<16xf32>
        %mul3A_966 = arith.mulf %gather3A_965, %get3A_271 : vector<16xf32>
        %broadcast_in_dim3A_967 = arith.constant 12 : i32
        %broadcast_in_dim3A_968 = vector.broadcast %broadcast_in_dim3A_967 : i32 to vector<16x1xi32>
        %gather3A_969 = vector.shape_cast %broadcast_in_dim3A_968 : vector<16x1xi32> to vector<16xi32>
        %gather3A_970 = tpu.dynamic_gather %get3A_340[%gather3A_969] in [0] : vector<16xf32>, vector<16xi32> -> vector<16xf32>
        %mul3A_971 = arith.mulf %gather3A_970, %get3A_276 : vector<16xf32>
        %add3A_972 = arith.addf %mul3A_966, %mul3A_971 : vector<16xf32>
        %broadcast_in_dim3A_973 = arith.constant 12 : i32
        %broadcast_in_dim3A_974 = vector.broadcast %broadcast_in_dim3A_973 : i32 to vector<16x1xi32>
        %gather3A_975 = vector.shape_cast %broadcast_in_dim3A_974 : vector<16x1xi32> to vector<16xi32>
        %gather3A_976 = tpu.dynamic_gather %get3A_346[%gather3A_975] in [0] : vector<16xf32>, vector<16xi32> -> vector<16xf32>
        %mul3A_977 = arith.mulf %gather3A_976, %get3A_281 : vector<16xf32>
        %add3A_978 = arith.addf %add3A_972, %mul3A_977 : vector<16xf32>
        %broadcast_in_dim3A_979 = arith.constant 12 : i32
        %broadcast_in_dim3A_980 = vector.broadcast %broadcast_in_dim3A_979 : i32 to vector<16x1xi32>
        %gather3A_981 = vector.shape_cast %broadcast_in_dim3A_980 : vector<16x1xi32> to vector<16xi32>
        %gather3A_982 = tpu.dynamic_gather %get3A_352[%gather3A_981] in [0] : vector<16xf32>, vector<16xi32> -> vector<16xf32>
        %mul3A_983 = arith.mulf %gather3A_982, %get3A_286 : vector<16xf32>
        %add3A_984 = arith.addf %add3A_978, %mul3A_983 : vector<16xf32>
        %get3A_985 = arith.index_cast %rem3A_207 : i32 to index
        %get3A_986 = arith.index_cast %add3A_961 : i32 to index
        %get3A_987 = arith.constant 0 : index
        %get3A_988 = tpu.vector_load %arg11[%get3A_985, %get3A_986, %get3A_987] {strides = array<i32>} : memref<2x80x16xf32, #tpu.memory_space<vmem>>, vector<1x1x16xf32>,
        %get3A_989 = vector.shape_cast %get3A_988 : vector<1x1x16xf32> to vector<16xf32>
        %get3A_990 = arith.index_cast %rem3A_207 : i32 to index
        %get3A_991 = arith.index_cast %add3A_961 : i32 to index
        %get3A_992 = arith.constant 0 : index
        %get3A_993 = tpu.vector_load %arg12[%get3A_990, %get3A_991, %get3A_992] {strides = array<i32>} : memref<2x80x16xf32, #tpu.memory_space<vmem>>, vector<1x1x16xf32>,
        %get3A_994 = vector.shape_cast %get3A_993 : vector<1x1x16xf32> to vector<16xf32>
        %add3A_995 = arith.addf %get3A_989, %get3A_994 : vector<16xf32>
        %add3A_996 = arith.addf %add3A_995, %add3A_984 : vector<16xf32>
        %ge3A_997 = arith.constant 0.000000e+00 : f32
        %ge3A_998 = vector.broadcast %ge3A_997 : f32 to vector<16xf32>
        %ge3A_999 = arith.cmpf oge, %add3A_996, %ge3A_998 : vector<16xf32>
        %mul3A_1000 = arith.constant 2.000000e-01 : f32
        %mul3A_1001 = vector.broadcast %mul3A_1000 : f32 to vector<16xf32>
        %mul3A_1002 = arith.mulf %add3A_996, %mul3A_1001 : vector<16xf32>
        %select_n3A_1003 = arith.select %ge3A_999, %add3A_996, %mul3A_1002 : vector<16xi1>, vector<16xf32>
        %exp3A_1004 = math.exp %select_n3A_1003 : vector<16xf32>
        %swap3A_1005 = arith.index_cast %rem3A_207 : i32 to index
        %swap3A_1006 = arith.index_cast %add3A_961 : i32 to index
        %swap3A_1007 = arith.constant 0 : index
        %swap3A_1008 = tpu.vector_load %arg14[%swap3A_1005, %swap3A_1006, %swap3A_1007] {strides = array<i32>} : memref<2x80x16xf32, #tpu.memory_space<vmem>>, vector<1x1x16xf32>,
        %swap3A_1009 = vector.shape_cast %swap3A_1008 : vector<1x1x16xf32> to vector<16xf32>
        %swap3A_1010 = vector.shape_cast %exp3A_1004 : vector<16xf32> to vector<1x1x16xf32>
        tpu.vector_store %arg14[%swap3A_1005, %swap3A_1006, %swap3A_1007], %swap3A_1010 {strides = array<i32>} : memref<2x80x16xf32, #tpu.memory_space<vmem>>, vector<1x1x16xf32>,
        %add3A_1011 = arith.constant 13 : i32
        %add3A_1012 = arith.addi %add3A_328, %add3A_1011 : i32
        %broadcast_in_dim3A_1013 = arith.constant 13 : i32
        %broadcast_in_dim3A_1014 = vector.broadcast %broadcast_in_dim3A_1013 : i32 to vector<16x1xi32>
        %gather3A_1015 = vector.shape_cast %broadcast_in_dim3A_1014 : vector<16x1xi32> to vector<16xi32>
        %gather3A_1016 = tpu.dynamic_gather %get3A_334[%gather3A_1015] in [0] : vector<16xf32>, vector<16xi32> -> vector<16xf32>
        %mul3A_1017 = arith.mulf %gather3A_1016, %get3A_271 : vector<16xf32>
        %broadcast_in_dim3A_1018 = arith.constant 13 : i32
        %broadcast_in_dim3A_1019 = vector.broadcast %broadcast_in_dim3A_1018 : i32 to vector<16x1xi32>
        %gather3A_1020 = vector.shape_cast %broadcast_in_dim3A_1019 : vector<16x1xi32> to vector<16xi32>
        %gather3A_1021 = tpu.dynamic_gather %get3A_340[%gather3A_1020] in [0] : vector<16xf32>, vector<16xi32> -> vector<16xf32>
        %mul3A_1022 = arith.mulf %gather3A_1021, %get3A_276 : vector<16xf32>
        %add3A_1023 = arith.addf %mul3A_1017, %mul3A_1022 : vector<16xf32>
        %broadcast_in_dim3A_1024 = arith.constant 13 : i32
        %broadcast_in_dim3A_1025 = vector.broadcast %broadcast_in_dim3A_1024 : i32 to vector<16x1xi32>
        %gather3A_1026 = vector.shape_cast %broadcast_in_dim3A_1025 : vector<16x1xi32> to vector<16xi32>
        %gather3A_1027 = tpu.dynamic_gather %get3A_346[%gather3A_1026] in [0] : vector<16xf32>, vector<16xi32> -> vector<16xf32>
        %mul3A_1028 = arith.mulf %gather3A_1027, %get3A_281 : vector<16xf32>
        %add3A_1029 = arith.addf %add3A_1023, %mul3A_1028 : vector<16xf32>
        %broadcast_in_dim3A_1030 = arith.constant 13 : i32
        %broadcast_in_dim3A_1031 = vector.broadcast %broadcast_in_dim3A_1030 : i32 to vector<16x1xi32>
        %gather3A_1032 = vector.shape_cast %broadcast_in_dim3A_1031 : vector<16x1xi32> to vector<16xi32>
        %gather3A_1033 = tpu.dynamic_gather %get3A_352[%gather3A_1032] in [0] : vector<16xf32>, vector<16xi32> -> vector<16xf32>
        %mul3A_1034 = arith.mulf %gather3A_1033, %get3A_286 : vector<16xf32>
        %add3A_1035 = arith.addf %add3A_1029, %mul3A_1034 : vector<16xf32>
        %get3A_1036 = arith.index_cast %rem3A_207 : i32 to index
        %get3A_1037 = arith.index_cast %add3A_1012 : i32 to index
        %get3A_1038 = arith.constant 0 : index
        %get3A_1039 = tpu.vector_load %arg11[%get3A_1036, %get3A_1037, %get3A_1038] {strides = array<i32>} : memref<2x80x16xf32, #tpu.memory_space<vmem>>, vector<1x1x16xf32>,
        %get3A_1040 = vector.shape_cast %get3A_1039 : vector<1x1x16xf32> to vector<16xf32>
        %get3A_1041 = arith.index_cast %rem3A_207 : i32 to index
        %get3A_1042 = arith.index_cast %add3A_1012 : i32 to index
        %get3A_1043 = arith.constant 0 : index
        %get3A_1044 = tpu.vector_load %arg12[%get3A_1041, %get3A_1042, %get3A_1043] {strides = array<i32>} : memref<2x80x16xf32, #tpu.memory_space<vmem>>, vector<1x1x16xf32>,
        %get3A_1045 = vector.shape_cast %get3A_1044 : vector<1x1x16xf32> to vector<16xf32>
        %add3A_1046 = arith.addf %get3A_1040, %get3A_1045 : vector<16xf32>
        %add3A_1047 = arith.addf %add3A_1046, %add3A_1035 : vector<16xf32>
        %ge3A_1048 = arith.constant 0.000000e+00 : f32
        %ge3A_1049 = vector.broadcast %ge3A_1048 : f32 to vector<16xf32>
        %ge3A_1050 = arith.cmpf oge, %add3A_1047, %ge3A_1049 : vector<16xf32>
        %mul3A_1051 = arith.constant 2.000000e-01 : f32
        %mul3A_1052 = vector.broadcast %mul3A_1051 : f32 to vector<16xf32>
        %mul3A_1053 = arith.mulf %add3A_1047, %mul3A_1052 : vector<16xf32>
        %select_n3A_1054 = arith.select %ge3A_1050, %add3A_1047, %mul3A_1053 : vector<16xi1>, vector<16xf32>
        %exp3A_1055 = math.exp %select_n3A_1054 : vector<16xf32>
        %swap3A_1056 = arith.index_cast %rem3A_207 : i32 to index
        %swap3A_1057 = arith.index_cast %add3A_1012 : i32 to index
        %swap3A_1058 = arith.constant 0 : index
        %swap3A_1059 = tpu.vector_load %arg14[%swap3A_1056, %swap3A_1057, %swap3A_1058] {strides = array<i32>} : memref<2x80x16xf32, #tpu.memory_space<vmem>>, vector<1x1x16xf32>,
        %swap3A_1060 = vector.shape_cast %swap3A_1059 : vector<1x1x16xf32> to vector<16xf32>
        %swap3A_1061 = vector.shape_cast %exp3A_1055 : vector<16xf32> to vector<1x1x16xf32>
        tpu.vector_store %arg14[%swap3A_1056, %swap3A_1057, %swap3A_1058], %swap3A_1061 {strides = array<i32>} : memref<2x80x16xf32, #tpu.memory_space<vmem>>, vector<1x1x16xf32>,
        %add3A_1062 = arith.constant 14 : i32
        %add3A_1063 = arith.addi %add3A_328, %add3A_1062 : i32
        %broadcast_in_dim3A_1064 = arith.constant 14 : i32
        %broadcast_in_dim3A_1065 = vector.broadcast %broadcast_in_dim3A_1064 : i32 to vector<16x1xi32>
        %gather3A_1066 = vector.shape_cast %broadcast_in_dim3A_1065 : vector<16x1xi32> to vector<16xi32>
        %gather3A_1067 = tpu.dynamic_gather %get3A_334[%gather3A_1066] in [0] : vector<16xf32>, vector<16xi32> -> vector<16xf32>
        %mul3A_1068 = arith.mulf %gather3A_1067, %get3A_271 : vector<16xf32>
        %broadcast_in_dim3A_1069 = arith.constant 14 : i32
        %broadcast_in_dim3A_1070 = vector.broadcast %broadcast_in_dim3A_1069 : i32 to vector<16x1xi32>
        %gather3A_1071 = vector.shape_cast %broadcast_in_dim3A_1070 : vector<16x1xi32> to vector<16xi32>
        %gather3A_1072 = tpu.dynamic_gather %get3A_340[%gather3A_1071] in [0] : vector<16xf32>, vector<16xi32> -> vector<16xf32>
        %mul3A_1073 = arith.mulf %gather3A_1072, %get3A_276 : vector<16xf32>
        %add3A_1074 = arith.addf %mul3A_1068, %mul3A_1073 : vector<16xf32>
        %broadcast_in_dim3A_1075 = arith.constant 14 : i32
        %broadcast_in_dim3A_1076 = vector.broadcast %broadcast_in_dim3A_1075 : i32 to vector<16x1xi32>
        %gather3A_1077 = vector.shape_cast %broadcast_in_dim3A_1076 : vector<16x1xi32> to vector<16xi32>
        %gather3A_1078 = tpu.dynamic_gather %get3A_346[%gather3A_1077] in [0] : vector<16xf32>, vector<16xi32> -> vector<16xf32>
        %mul3A_1079 = arith.mulf %gather3A_1078, %get3A_281 : vector<16xf32>
        %add3A_1080 = arith.addf %add3A_1074, %mul3A_1079 : vector<16xf32>
        %broadcast_in_dim3A_1081 = arith.constant 14 : i32
        %broadcast_in_dim3A_1082 = vector.broadcast %broadcast_in_dim3A_1081 : i32 to vector<16x1xi32>
        %gather3A_1083 = vector.shape_cast %broadcast_in_dim3A_1082 : vector<16x1xi32> to vector<16xi32>
        %gather3A_1084 = tpu.dynamic_gather %get3A_352[%gather3A_1083] in [0] : vector<16xf32>, vector<16xi32> -> vector<16xf32>
        %mul3A_1085 = arith.mulf %gather3A_1084, %get3A_286 : vector<16xf32>
        %add3A_1086 = arith.addf %add3A_1080, %mul3A_1085 : vector<16xf32>
        %get3A_1087 = arith.index_cast %rem3A_207 : i32 to index
        %get3A_1088 = arith.index_cast %add3A_1063 : i32 to index
        %get3A_1089 = arith.constant 0 : index
        %get3A_1090 = tpu.vector_load %arg11[%get3A_1087, %get3A_1088, %get3A_1089] {strides = array<i32>} : memref<2x80x16xf32, #tpu.memory_space<vmem>>, vector<1x1x16xf32>,
        %get3A_1091 = vector.shape_cast %get3A_1090 : vector<1x1x16xf32> to vector<16xf32>
        %get3A_1092 = arith.index_cast %rem3A_207 : i32 to index
        %get3A_1093 = arith.index_cast %add3A_1063 : i32 to index
        %get3A_1094 = arith.constant 0 : index
        %get3A_1095 = tpu.vector_load %arg12[%get3A_1092, %get3A_1093, %get3A_1094] {strides = array<i32>} : memref<2x80x16xf32, #tpu.memory_space<vmem>>, vector<1x1x16xf32>,
        %get3A_1096 = vector.shape_cast %get3A_1095 : vector<1x1x16xf32> to vector<16xf32>
        %add3A_1097 = arith.addf %get3A_1091, %get3A_1096 : vector<16xf32>
        %add3A_1098 = arith.addf %add3A_1097, %add3A_1086 : vector<16xf32>
        %ge3A_1099 = arith.constant 0.000000e+00 : f32
        %ge3A_1100 = vector.broadcast %ge3A_1099 : f32 to vector<16xf32>
        %ge3A_1101 = arith.cmpf oge, %add3A_1098, %ge3A_1100 : vector<16xf32>
        %mul3A_1102 = arith.constant 2.000000e-01 : f32
        %mul3A_1103 = vector.broadcast %mul3A_1102 : f32 to vector<16xf32>
        %mul3A_1104 = arith.mulf %add3A_1098, %mul3A_1103 : vector<16xf32>
        %select_n3A_1105 = arith.select %ge3A_1101, %add3A_1098, %mul3A_1104 : vector<16xi1>, vector<16xf32>
        %exp3A_1106 = math.exp %select_n3A_1105 : vector<16xf32>
        %swap3A_1107 = arith.index_cast %rem3A_207 : i32 to index
        %swap3A_1108 = arith.index_cast %add3A_1063 : i32 to index
        %swap3A_1109 = arith.constant 0 : index
        %swap3A_1110 = tpu.vector_load %arg14[%swap3A_1107, %swap3A_1108, %swap3A_1109] {strides = array<i32>} : memref<2x80x16xf32, #tpu.memory_space<vmem>>, vector<1x1x16xf32>,
        %swap3A_1111 = vector.shape_cast %swap3A_1110 : vector<1x1x16xf32> to vector<16xf32>
        %swap3A_1112 = vector.shape_cast %exp3A_1106 : vector<16xf32> to vector<1x1x16xf32>
        tpu.vector_store %arg14[%swap3A_1107, %swap3A_1108, %swap3A_1109], %swap3A_1112 {strides = array<i32>} : memref<2x80x16xf32, #tpu.memory_space<vmem>>, vector<1x1x16xf32>,
        %add3A_1113 = arith.constant 15 : i32
        %add3A_1114 = arith.addi %add3A_328, %add3A_1113 : i32
        %broadcast_in_dim3A_1115 = arith.constant 15 : i32
        %broadcast_in_dim3A_1116 = vector.broadcast %broadcast_in_dim3A_1115 : i32 to vector<16x1xi32>
        %gather3A_1117 = vector.shape_cast %broadcast_in_dim3A_1116 : vector<16x1xi32> to vector<16xi32>
        %gather3A_1118 = tpu.dynamic_gather %get3A_334[%gather3A_1117] in [0] : vector<16xf32>, vector<16xi32> -> vector<16xf32>
        %mul3A_1119 = arith.mulf %gather3A_1118, %get3A_271 : vector<16xf32>
        %broadcast_in_dim3A_1120 = arith.constant 15 : i32
        %broadcast_in_dim3A_1121 = vector.broadcast %broadcast_in_dim3A_1120 : i32 to vector<16x1xi32>
        %gather3A_1122 = vector.shape_cast %broadcast_in_dim3A_1121 : vector<16x1xi32> to vector<16xi32>
        %gather3A_1123 = tpu.dynamic_gather %get3A_340[%gather3A_1122] in [0] : vector<16xf32>, vector<16xi32> -> vector<16xf32>
        %mul3A_1124 = arith.mulf %gather3A_1123, %get3A_276 : vector<16xf32>
        %add3A_1125 = arith.addf %mul3A_1119, %mul3A_1124 : vector<16xf32>
        %broadcast_in_dim3A_1126 = arith.constant 15 : i32
        %broadcast_in_dim3A_1127 = vector.broadcast %broadcast_in_dim3A_1126 : i32 to vector<16x1xi32>
        %gather3A_1128 = vector.shape_cast %broadcast_in_dim3A_1127 : vector<16x1xi32> to vector<16xi32>
        %gather3A_1129 = tpu.dynamic_gather %get3A_346[%gather3A_1128] in [0] : vector<16xf32>, vector<16xi32> -> vector<16xf32>
        %mul3A_1130 = arith.mulf %gather3A_1129, %get3A_281 : vector<16xf32>
        %add3A_1131 = arith.addf %add3A_1125, %mul3A_1130 : vector<16xf32>
        %broadcast_in_dim3A_1132 = arith.constant 15 : i32
        %broadcast_in_dim3A_1133 = vector.broadcast %broadcast_in_dim3A_1132 : i32 to vector<16x1xi32>
        %gather3A_1134 = vector.shape_cast %broadcast_in_dim3A_1133 : vector<16x1xi32> to vector<16xi32>
        %gather3A_1135 = tpu.dynamic_gather %get3A_352[%gather3A_1134] in [0] : vector<16xf32>, vector<16xi32> -> vector<16xf32>
        %mul3A_1136 = arith.mulf %gather3A_1135, %get3A_286 : vector<16xf32>
        %add3A_1137 = arith.addf %add3A_1131, %mul3A_1136 : vector<16xf32>
        %get3A_1138 = arith.index_cast %rem3A_207 : i32 to index
        %get3A_1139 = arith.index_cast %add3A_1114 : i32 to index
        %get3A_1140 = arith.constant 0 : index
        %get3A_1141 = tpu.vector_load %arg11[%get3A_1138, %get3A_1139, %get3A_1140] {strides = array<i32>} : memref<2x80x16xf32, #tpu.memory_space<vmem>>, vector<1x1x16xf32>,
        %get3A_1142 = vector.shape_cast %get3A_1141 : vector<1x1x16xf32> to vector<16xf32>
        %get3A_1143 = arith.index_cast %rem3A_207 : i32 to index
        %get3A_1144 = arith.index_cast %add3A_1114 : i32 to index
        %get3A_1145 = arith.constant 0 : index
        %get3A_1146 = tpu.vector_load %arg12[%get3A_1143, %get3A_1144, %get3A_1145] {strides = array<i32>} : memref<2x80x16xf32, #tpu.memory_space<vmem>>, vector<1x1x16xf32>,
        %get3A_1147 = vector.shape_cast %get3A_1146 : vector<1x1x16xf32> to vector<16xf32>
        %add3A_1148 = arith.addf %get3A_1142, %get3A_1147 : vector<16xf32>
        %add3A_1149 = arith.addf %add3A_1148, %add3A_1137 : vector<16xf32>
        %ge3A_1150 = arith.constant 0.000000e+00 : f32
        %ge3A_1151 = vector.broadcast %ge3A_1150 : f32 to vector<16xf32>
        %ge3A_1152 = arith.cmpf oge, %add3A_1149, %ge3A_1151 : vector<16xf32>
        %mul3A_1153 = arith.constant 2.000000e-01 : f32
        %mul3A_1154 = vector.broadcast %mul3A_1153 : f32 to vector<16xf32>
        %mul3A_1155 = arith.mulf %add3A_1149, %mul3A_1154 : vector<16xf32>
        %select_n3A_1156 = arith.select %ge3A_1152, %add3A_1149, %mul3A_1155 : vector<16xi1>, vector<16xf32>
        %exp3A_1157 = math.exp %select_n3A_1156 : vector<16xf32>
        %swap3A_1158 = arith.index_cast %rem3A_207 : i32 to index
        %swap3A_1159 = arith.index_cast %add3A_1114 : i32 to index
        %swap3A_1160 = arith.constant 0 : index
        %swap3A_1161 = tpu.vector_load %arg14[%swap3A_1158, %swap3A_1159, %swap3A_1160] {strides = array<i32>} : memref<2x80x16xf32, #tpu.memory_space<vmem>>, vector<1x1x16xf32>,
        %swap3A_1162 = vector.shape_cast %swap3A_1161 : vector<1x1x16xf32> to vector<16xf32>
        %swap3A_1163 = vector.shape_cast %exp3A_1157 : vector<16xf32> to vector<1x1x16xf32>
        tpu.vector_store %arg14[%swap3A_1158, %swap3A_1159, %swap3A_1160], %swap3A_1163 {strides = array<i32>} : memref<2x80x16xf32, #tpu.memory_space<vmem>>, vector<1x1x16xf32>,
      }
      %scan3A_291 = arith.constant 5 : i32
      %mul3A_292 = arith.constant 80 : i32
      %mul3A_293 = arith.muli %add3A_205, %mul3A_292 : i32
      %add3A_294 = arith.addi %mul3A_2, %mul3A_293 : i32
      %rem3A_295 = arith.constant 4 : i32
      %rem3A_296 = arith.remsi %add3A_205, %rem3A_295 : i32
      %dma_start3A_297 = arith.constant 1 : i32
      %dma_start3A_298 = arith.constant 0 : i32
      %dma_start3A_299 = arith.constant 0 : i32
      %dma_start3A_300 = tpu.memref_slice %arg14[%rem3A_207, %dma_start3A_298, %dma_start3A_299] : memref<2x80x16xf32, #tpu.memory_space<vmem>> -> memref<1x80x16xf32, #tpu.memory_space<vmem>>
      %dma_start3A_301 = tpu.memref_squeeze %dma_start3A_300 : memref<1x80x16xf32, #tpu.memory_space<vmem>> -> memref<80x16xf32, #tpu.memory_space<vmem>>
      %dma_start3A_302 = arith.constant 0 : i32
      %dma_start3A_303 = tpu.memref_slice %arg10[%rem3A_296, %dma_start3A_297, %dma_start3A_302] : memref<4x2x80xi32, #tpu.memory_space<vmem>> -> memref<1x1x80xi32, #tpu.memory_space<vmem>>
      %dma_start3A_304 = tpu.memref_squeeze %dma_start3A_303 : memref<1x1x80xi32, #tpu.memory_space<vmem>> -> memref<80xi32, #tpu.memory_space<vmem>>
      %dma_start3A_305 = arith.constant 0 : i32
      %dma_start3A_306 = arith.constant 0 : i32
      %dma_start3A_307 = tpu.memref_slice %arg16[%dma_start3A_305, %dma_start3A_306] : memref<10000x16xf32, #tpu.memory_space<vmem_shared>> -> memref<10000x16xf32, #tpu.memory_space<vmem_shared>>
      %dma_start3A_308 = tpu.memref_slice %arg20[%rem3A_207] : memref<2x!tpu.dma_semaphore, #tpu.memory_space<semaphore_mem>> -> memref<1x!tpu.dma_semaphore, #tpu.memory_space<semaphore_mem>>
      %dma_start3A_309 = tpu.memref_squeeze %dma_start3A_308 : memref<1x!tpu.dma_semaphore, #tpu.memory_space<semaphore_mem>> -> memref<!tpu.dma_semaphore, #tpu.memory_space<semaphore_mem>>
      tpu.enqueue_indirect_dma source(%dma_start3A_301 : memref<80x16xf32, #tpu.memory_space<vmem>>) target(%dma_start3A_307 : memref<10000x16xf32, #tpu.memory_space<vmem_shared>>) offsets(%dma_start3A_304 : memref<80xi32, #tpu.memory_space<vmem>>) semaphore(%dma_start3A_309 : memref<!tpu.dma_semaphore, #tpu.memory_space<semaphore_mem>>) {add = true}
      %dma_start3A_310 = arith.constant 0 : i32
      %dma_start3A_311 = arith.constant 0 : i32
      %dma_start3A_312 = tpu.memref_slice %arg14[%rem3A_207, %dma_start3A_310, %dma_start3A_311] : memref<2x80x16xf32, #tpu.memory_space<vmem>> -> memref<1x80x16xf32, #tpu.memory_space<vmem>>
      %dma_start3A_313 = tpu.memref_squeeze %dma_start3A_312 : memref<1x80x16xf32, #tpu.memory_space<vmem>> -> memref<80x16xf32, #tpu.memory_space<vmem>>
      %dma_start3A_314 = arith.constant 0 : i32
      %dma_start3A_315 = tpu.memref_slice %arg8[%add3A_294, %dma_start3A_314] : memref<320000x16xf32, #tpu.memory_space<hbm>> -> memref<80x16xf32, #tpu.memory_space<hbm>>
      %dma_start3A_316 = tpu.memref_slice %arg21[%rem3A_207] : memref<2x!tpu.dma_semaphore, #tpu.memory_space<semaphore_mem>> -> memref<1x!tpu.dma_semaphore, #tpu.memory_space<semaphore_mem>>
      %dma_start3A_317 = tpu.memref_squeeze %dma_start3A_316 : memref<1x!tpu.dma_semaphore, #tpu.memory_space<semaphore_mem>> -> memref<!tpu.dma_semaphore, #tpu.memory_space<semaphore_mem>>
      %dma_start3A_318 = arith.constant 0 : i32
      %dma_start3A_319 = tpu.memref_slice %arg8[%add3A_294, %dma_start3A_318] : memref<320000x16xf32, #tpu.memory_space<hbm>> -> memref<80x16xf32, #tpu.memory_space<hbm>>
      %dma_start3A_320 = arith.constant 0 : i32
      %dma_start3A_321 = arith.constant 0 : i32
      %dma_start3A_322 = tpu.memref_slice %arg14[%rem3A_207, %dma_start3A_320, %dma_start3A_321] : memref<2x80x16xf32, #tpu.memory_space<vmem>> -> memref<1x80x16xf32, #tpu.memory_space<vmem>>
      %dma_start3A_323 = tpu.memref_squeeze %dma_start3A_322 : memref<1x80x16xf32, #tpu.memory_space<vmem>> -> memref<80x16xf32, #tpu.memory_space<vmem>>
      tpu.enqueue_dma source(%dma_start3A_323 : memref<80x16xf32, #tpu.memory_space<vmem>>) target(%dma_start3A_319 : memref<80x16xf32, #tpu.memory_space<hbm>>) target_semaphore(%dma_start3A_317 : memref<!tpu.dma_semaphore, #tpu.memory_space<semaphore_mem>>)
    }
    %scan3A_112 = arith.constant 125 : i32
    %rem3A_113 = arith.constant 123 : i32
    %rem3A_114 = arith.constant 2 : i32
    %rem3A_115 = arith.remsi %rem3A_113, %rem3A_114 : i32
    %add3A_116 = arith.constant 9840 : i32
    %add3A_117 = arith.addi %mul3A_2, %add3A_116 : i32
    %rem3A_118 = arith.constant 123 : i32
    %rem3A_119 = arith.constant 4 : i32
    %rem3A_120 = arith.remsi %rem3A_118, %rem3A_119 : i32
    %dma_wait3A = arith.constant 1 : i32
    %dma_wait3A_121 = arith.constant 0 : i32
    %dma_wait3A_122 = arith.constant 0 : i32
    %dma_wait3A_123 = tpu.memref_slice %arg14[%rem3A_115, %dma_wait3A_121, %dma_wait3A_122] : memref<2x80x16xf32, #tpu.memory_space<vmem>> -> memref<1x80x16xf32, #tpu.memory_space<vmem>>
    %dma_wait3A_124 = tpu.memref_squeeze %dma_wait3A_123 : memref<1x80x16xf32, #tpu.memory_space<vmem>> -> memref<80x16xf32, #tpu.memory_space<vmem>>
    %dma_wait3A_125 = arith.constant 0 : i32
    %dma_wait3A_126 = tpu.memref_slice %arg10[%rem3A_120, %dma_wait3A, %dma_wait3A_125] : memref<4x2x80xi32, #tpu.memory_space<vmem>> -> memref<1x1x80xi32, #tpu.memory_space<vmem>>
    %dma_wait3A_127 = tpu.memref_squeeze %dma_wait3A_126 : memref<1x1x80xi32, #tpu.memory_space<vmem>> -> memref<80xi32, #tpu.memory_space<vmem>>
    %dma_wait3A_128 = arith.constant 0 : i32
    %dma_wait3A_129 = arith.constant 0 : i32
    %dma_wait3A_130 = tpu.memref_slice %arg16[%dma_wait3A_128, %dma_wait3A_129] : memref<10000x16xf32, #tpu.memory_space<vmem_shared>> -> memref<10000x16xf32, #tpu.memory_space<vmem_shared>>
    %dma_wait3A_131 = tpu.memref_slice %arg20[%rem3A_115] : memref<2x!tpu.dma_semaphore, #tpu.memory_space<semaphore_mem>> -> memref<1x!tpu.dma_semaphore, #tpu.memory_space<semaphore_mem>>
    %dma_wait3A_132 = tpu.memref_squeeze %dma_wait3A_131 : memref<1x!tpu.dma_semaphore, #tpu.memory_space<semaphore_mem>> -> memref<!tpu.dma_semaphore, #tpu.memory_space<semaphore_mem>>
    tpu.wait_indirect_dma semaphore(%dma_wait3A_132 : memref<!tpu.dma_semaphore, #tpu.memory_space<semaphore_mem>>) src(%dma_wait3A_124 : memref<80x16xf32, #tpu.memory_space<vmem>>) dst(%dma_wait3A_130 : memref<10000x16xf32, #tpu.memory_space<vmem_shared>>)
    %dma_wait3A_133 = arith.constant 0 : i32
    %dma_wait3A_134 = arith.constant 0 : i32
    %dma_wait3A_135 = tpu.memref_slice %arg14[%rem3A_115, %dma_wait3A_133, %dma_wait3A_134] : memref<2x80x16xf32, #tpu.memory_space<vmem>> -> memref<1x80x16xf32, #tpu.memory_space<vmem>>
    %dma_wait3A_136 = tpu.memref_squeeze %dma_wait3A_135 : memref<1x80x16xf32, #tpu.memory_space<vmem>> -> memref<80x16xf32, #tpu.memory_space<vmem>>
    %dma_wait3A_137 = arith.constant 0 : i32
    %dma_wait3A_138 = tpu.memref_slice %arg8[%add3A_117, %dma_wait3A_137] : memref<320000x16xf32, #tpu.memory_space<hbm>> -> memref<80x16xf32, #tpu.memory_space<hbm>>
    %dma_wait3A_139 = tpu.memref_slice %arg21[%rem3A_115] : memref<2x!tpu.dma_semaphore, #tpu.memory_space<semaphore_mem>> -> memref<1x!tpu.dma_semaphore, #tpu.memory_space<semaphore_mem>>
    %dma_wait3A_140 = tpu.memref_squeeze %dma_wait3A_139 : memref<1x!tpu.dma_semaphore, #tpu.memory_space<semaphore_mem>> -> memref<!tpu.dma_semaphore, #tpu.memory_space<semaphore_mem>>
    %dma_wait3A_141 = arith.constant 0 : i32
    %dma_wait3A_142 = tpu.memref_slice %arg8[%add3A_117, %dma_wait3A_141] : memref<320000x16xf32, #tpu.memory_space<hbm>> -> memref<80x16xf32, #tpu.memory_space<hbm>>
    %dma_wait3A_143 = arith.constant 0 : i32
    %dma_wait3A_144 = arith.constant 0 : i32
    %dma_wait3A_145 = tpu.memref_slice %arg14[%rem3A_115, %dma_wait3A_143, %dma_wait3A_144] : memref<2x80x16xf32, #tpu.memory_space<vmem>> -> memref<1x80x16xf32, #tpu.memory_space<vmem>>
    %dma_wait3A_146 = tpu.memref_squeeze %dma_wait3A_145 : memref<1x80x16xf32, #tpu.memory_space<vmem>> -> memref<80x16xf32, #tpu.memory_space<vmem>>
    tpu.wait_dma2 semaphore(%dma_wait3A_140 : memref<!tpu.dma_semaphore, #tpu.memory_space<semaphore_mem>>) src(%dma_wait3A_146 : memref<80x16xf32, #tpu.memory_space<vmem>>) dst(%dma_wait3A_142 : memref<80x16xf32, #tpu.memory_space<hbm>>)
    %rem3A_147 = arith.constant 124 : i32
    %rem3A_148 = arith.constant 2 : i32
    %rem3A_149 = arith.remsi %rem3A_147, %rem3A_148 : i32
    %add3A_150 = arith.constant 9920 : i32
    %add3A_151 = arith.addi %mul3A_2, %add3A_150 : i32
    %rem3A_152 = arith.constant 124 : i32
    %rem3A_153 = arith.constant 4 : i32
    %rem3A_154 = arith.remsi %rem3A_152, %rem3A_153 : i32
    %dma_wait3A_155 = arith.constant 1 : i32
    %dma_wait3A_156 = arith.constant 0 : i32
    %dma_wait3A_157 = arith.constant 0 : i32
    %dma_wait3A_158 = tpu.memref_slice %arg14[%rem3A_149, %dma_wait3A_156, %dma_wait3A_157] : memref<2x80x16xf32, #tpu.memory_space<vmem>> -> memref<1x80x16xf32, #tpu.memory_space<vmem>>
    %dma_wait3A_159 = tpu.memref_squeeze %dma_wait3A_158 : memref<1x80x16xf32, #tpu.memory_space<vmem>> -> memref<80x16xf32, #tpu.memory_space<vmem>>
    %dma_wait3A_160 = arith.constant 0 : i32
    %dma_wait3A_161 = tpu.memref_slice %arg10[%rem3A_154, %dma_wait3A_155, %dma_wait3A_160] : memref<4x2x80xi32, #tpu.memory_space<vmem>> -> memref<1x1x80xi32, #tpu.memory_space<vmem>>
    %dma_wait3A_162 = tpu.memref_squeeze %dma_wait3A_161 : memref<1x1x80xi32, #tpu.memory_space<vmem>> -> memref<80xi32, #tpu.memory_space<vmem>>
    %dma_wait3A_163 = arith.constant 0 : i32
    %dma_wait3A_164 = arith.constant 0 : i32
    %dma_wait3A_165 = tpu.memref_slice %arg16[%dma_wait3A_163, %dma_wait3A_164] : memref<10000x16xf32, #tpu.memory_space<vmem_shared>> -> memref<10000x16xf32, #tpu.memory_space<vmem_shared>>
    %dma_wait3A_166 = tpu.memref_slice %arg20[%rem3A_149] : memref<2x!tpu.dma_semaphore, #tpu.memory_space<semaphore_mem>> -> memref<1x!tpu.dma_semaphore, #tpu.memory_space<semaphore_mem>>
    %dma_wait3A_167 = tpu.memref_squeeze %dma_wait3A_166 : memref<1x!tpu.dma_semaphore, #tpu.memory_space<semaphore_mem>> -> memref<!tpu.dma_semaphore, #tpu.memory_space<semaphore_mem>>
    tpu.wait_indirect_dma semaphore(%dma_wait3A_167 : memref<!tpu.dma_semaphore, #tpu.memory_space<semaphore_mem>>) src(%dma_wait3A_159 : memref<80x16xf32, #tpu.memory_space<vmem>>) dst(%dma_wait3A_165 : memref<10000x16xf32, #tpu.memory_space<vmem_shared>>)
    %dma_wait3A_168 = arith.constant 0 : i32
    %dma_wait3A_169 = arith.constant 0 : i32
    %dma_wait3A_170 = tpu.memref_slice %arg14[%rem3A_149, %dma_wait3A_168, %dma_wait3A_169] : memref<2x80x16xf32, #tpu.memory_space<vmem>> -> memref<1x80x16xf32, #tpu.memory_space<vmem>>
    %dma_wait3A_171 = tpu.memref_squeeze %dma_wait3A_170 : memref<1x80x16xf32, #tpu.memory_space<vmem>> -> memref<80x16xf32, #tpu.memory_space<vmem>>
    %dma_wait3A_172 = arith.constant 0 : i32
    %dma_wait3A_173 = tpu.memref_slice %arg8[%add3A_151, %dma_wait3A_172] : memref<320000x16xf32, #tpu.memory_space<hbm>> -> memref<80x16xf32, #tpu.memory_space<hbm>>
    %dma_wait3A_174 = tpu.memref_slice %arg21[%rem3A_149] : memref<2x!tpu.dma_semaphore, #tpu.memory_space<semaphore_mem>> -> memref<1x!tpu.dma_semaphore, #tpu.memory_space<semaphore_mem>>
    %dma_wait3A_175 = tpu.memref_squeeze %dma_wait3A_174 : memref<1x!tpu.dma_semaphore, #tpu.memory_space<semaphore_mem>> -> memref<!tpu.dma_semaphore, #tpu.memory_space<semaphore_mem>>
    %dma_wait3A_176 = arith.constant 0 : i32
    %dma_wait3A_177 = tpu.memref_slice %arg8[%add3A_151, %dma_wait3A_176] : memref<320000x16xf32, #tpu.memory_space<hbm>> -> memref<80x16xf32, #tpu.memory_space<hbm>>
    %dma_wait3A_178 = arith.constant 0 : i32
    %dma_wait3A_179 = arith.constant 0 : i32
    %dma_wait3A_180 = tpu.memref_slice %arg14[%rem3A_149, %dma_wait3A_178, %dma_wait3A_179] : memref<2x80x16xf32, #tpu.memory_space<vmem>> -> memref<1x80x16xf32, #tpu.memory_space<vmem>>
    %dma_wait3A_181 = tpu.memref_squeeze %dma_wait3A_180 : memref<1x80x16xf32, #tpu.memory_space<vmem>> -> memref<80x16xf32, #tpu.memory_space<vmem>>
    tpu.wait_dma2 semaphore(%dma_wait3A_175 : memref<!tpu.dma_semaphore, #tpu.memory_space<semaphore_mem>>) src(%dma_wait3A_181 : memref<80x16xf32, #tpu.memory_space<vmem>>) dst(%dma_wait3A_177 : memref<80x16xf32, #tpu.memory_space<hbm>>)
    %barrier3A_182 = arith.constant 0 : index
    tpu.barrier barrier_id(%barrier3A_182)
    %sub3A_183 = arith.constant 125 : i32
    %sub3A_184 = arith.subi %sub3A_183, %arg1 : i32
    %sub3A_185 = arith.constant 16 : i32
    %sub3A_186 = arith.constant 1 : i32
    %sub3A_187 = arith.subi %sub3A_185, %sub3A_186 : i32
    %add3A_188 = arith.addi %sub3A_184, %sub3A_187 : i32
    %div3A_189 = arith.constant 16 : i32
    %div3A_190 = arith.divsi %add3A_188, %div3A_189 : i32
    %while3A_191 = arith.constant 16 : i32
    %while3A_192 = arith.constant 0 : i32
    %while3A_193 = arith.subi %div3A_190, %while3A_192 : i32
    %while3A_194 = arith.addi %while3A_192, %while3A_193 : i32
    %while3A_195 = arith.constant 1 : i32
    %while3A_196 = arith.divsi %while3A_193, %while3A_195 : i32
    %while3A_197 = arith.muli %while3A_196, %while3A_195 : i32
    %while3A_198 = arith.addi %while3A_192, %while3A_197 : i32
    %while3A_199 = arith.constant 1 : i32
    scf.for %while3A_201 = %while3A_192 to %while3A_198 step %while3A_199  : i32 {
      %mul3A_202 = arith.muli %while3A_201, %while3A_191 : i32
      %add3A_203 = arith.addi %arg1, %mul3A_202 : i32
      %mul3A_204 = arith.constant 80 : i32
      %mul3A_205 = arith.muli %add3A_203, %mul3A_204 : i32
      %mul3A_206 = arith.constant 80 : i32
      %mul3A_207 = arith.muli %add3A_203, %mul3A_206 : i32
      "tpu.region"() ({
        %run_scoped3A_208 = tpu.sem_alloc : memref<!tpu.dma_semaphore, #tpu.memory_space<semaphore_mem>>
        %dma_start3A_209 = arith.constant 0 : i32
        %dma_start3A_210 = tpu.memref_slice %arg9[%arg0, %mul3A_207, %dma_start3A_209] : memref<2x10000x16xf32, #tpu.memory_space<hbm>> -> memref<1x80x16xf32, #tpu.memory_space<hbm>>
        %dma_start3A_211 = tpu.memref_squeeze %dma_start3A_210 : memref<1x80x16xf32, #tpu.memory_space<hbm>> -> memref<80x16xf32, #tpu.memory_space<hbm>>
        %dma_start3A_212 = arith.constant 0 : i32
        %dma_start3A_213 = tpu.memref_slice %arg16[%mul3A_205, %dma_start3A_212] : memref<10000x16xf32, #tpu.memory_space<vmem_shared>> -> memref<80x16xf32, #tpu.memory_space<vmem_shared>>
        tpu.enqueue_dma source(%dma_start3A_213 : memref<80x16xf32, #tpu.memory_space<vmem_shared>>) target(%dma_start3A_211 : memref<80x16xf32, #tpu.memory_space<hbm>>) target_semaphore(%run_scoped3A_208 : memref<!tpu.dma_semaphore, #tpu.memory_space<semaphore_mem>>)
        %dma_wait3A_214 = arith.constant 0 : i32
        %dma_wait3A_215 = tpu.memref_slice %arg9[%arg0, %mul3A_207, %dma_wait3A_214] : memref<2x10000x16xf32, #tpu.memory_space<hbm>> -> memref<1x80x16xf32, #tpu.memory_space<hbm>>
        %dma_wait3A_216 = tpu.memref_squeeze %dma_wait3A_215 : memref<1x80x16xf32, #tpu.memory_space<hbm>> -> memref<80x16xf32, #tpu.memory_space<hbm>>
        %dma_wait3A_217 = arith.constant 0 : i32
        %dma_wait3A_218 = tpu.memref_slice %arg16[%mul3A_205, %dma_wait3A_217] : memref<10000x16xf32, #tpu.memory_space<vmem_shared>> -> memref<80x16xf32, #tpu.memory_space<vmem_shared>>
        tpu.wait_dma2 semaphore(%run_scoped3A_208 : memref<!tpu.dma_semaphore, #tpu.memory_space<semaphore_mem>>) src(%dma_wait3A_218 : memref<80x16xf32, #tpu.memory_space<vmem_shared>>) dst(%dma_wait3A_216 : memref<80x16xf32, #tpu.memory_space<hbm>>)
        tpu.yield
      }) : () -> ()
    }
    %while3A_200 = arith.constant 1 : i32
    scf.for %while3A_201 = %while3A_198 to %while3A_194 step %while3A_200  : i32 {
      %mul3A_202 = arith.muli %while3A_201, %while3A_191 : i32
      %add3A_203 = arith.addi %arg1, %mul3A_202 : i32
      %mul3A_204 = arith.constant 80 : i32
      %mul3A_205 = arith.muli %add3A_203, %mul3A_204 : i32
      %mul3A_206 = arith.constant 80 : i32
      %mul3A_207 = arith.muli %add3A_203, %mul3A_206 : i32
      "tpu.region"() ({
        %run_scoped3A_208 = tpu.sem_alloc : memref<!tpu.dma_semaphore, #tpu.memory_space<semaphore_mem>>
        %dma_start3A_209 = arith.constant 0 : i32
        %dma_start3A_210 = tpu.memref_slice %arg9[%arg0, %mul3A_207, %dma_start3A_209] : memref<2x10000x16xf32, #tpu.memory_space<hbm>> -> memref<1x80x16xf32, #tpu.memory_space<hbm>>
        %dma_start3A_211 = tpu.memref_squeeze %dma_start3A_210 : memref<1x80x16xf32, #tpu.memory_space<hbm>> -> memref<80x16xf32, #tpu.memory_space<hbm>>
        %dma_start3A_212 = arith.constant 0 : i32
        %dma_start3A_213 = tpu.memref_slice %arg16[%mul3A_205, %dma_start3A_212] : memref<10000x16xf32, #tpu.memory_space<vmem_shared>> -> memref<80x16xf32, #tpu.memory_space<vmem_shared>>
        tpu.enqueue_dma source(%dma_start3A_213 : memref<80x16xf32, #tpu.memory_space<vmem_shared>>) target(%dma_start3A_211 : memref<80x16xf32, #tpu.memory_space<hbm>>) target_semaphore(%run_scoped3A_208 : memref<!tpu.dma_semaphore, #tpu.memory_space<semaphore_mem>>)
        %dma_wait3A_214 = arith.constant 0 : i32
        %dma_wait3A_215 = tpu.memref_slice %arg9[%arg0, %mul3A_207, %dma_wait3A_214] : memref<2x10000x16xf32, #tpu.memory_space<hbm>> -> memref<1x80x16xf32, #tpu.memory_space<hbm>>
        %dma_wait3A_216 = tpu.memref_squeeze %dma_wait3A_215 : memref<1x80x16xf32, #tpu.memory_space<hbm>> -> memref<80x16xf32, #tpu.memory_space<hbm>>
        %dma_wait3A_217 = arith.constant 0 : i32
        %dma_wait3A_218 = tpu.memref_slice %arg16[%mul3A_205, %dma_wait3A_217] : memref<10000x16xf32, #tpu.memory_space<vmem_shared>> -> memref<80x16xf32, #tpu.memory_space<vmem_shared>>
        tpu.wait_dma2 semaphore(%run_scoped3A_208 : memref<!tpu.dma_semaphore, #tpu.memory_space<semaphore_mem>>) src(%dma_wait3A_218 : memref<80x16xf32, #tpu.memory_space<vmem_shared>>) dst(%dma_wait3A_216 : memref<80x16xf32, #tpu.memory_space<hbm>>)
        tpu.yield
      }) : () -> ()
    }
    return
  }
}

#map = affine_map<(d0, d1) -> (0, 0)>
#map1 = affine_map<(d0, d1) -> (0, 0, 0)>
module attributes {stable_mosaic.version = 14 : i64} {
  func.func @_agg_pass_body(%arg0: i32, %arg1: i32, %arg2: memref<10000x128xf32, #tpu.memory_space<hbm>>, %arg3: memref<10000x16xf32, #tpu.memory_space<hbm>>, %arg4: memref<320000x128xf32, #tpu.memory_space<hbm>>, %arg5: memref<320000x16xf32, #tpu.memory_space<hbm>>, %arg6: memref<32x125x80xi32, #tpu.memory_space<hbm>>, %arg7: memref<32x125x80xi32, #tpu.memory_space<hbm>>, %arg8: memref<2x10000x16xf32, #tpu.memory_space<hbm>>, %arg9: memref<4x2x80xi32, #tpu.memory_space<vmem>>, %arg10: memref<2x80x128xf32, #tpu.memory_space<vmem>>, %arg11: memref<2x80x16xf32, #tpu.memory_space<vmem>>, %arg12: memref<2x80x128xf32, #tpu.memory_space<vmem>>, %arg13: memref<2x80x16xf32, #tpu.memory_space<vmem>>, %arg14: memref<2x80x16xf32, #tpu.memory_space<vmem>>, %arg15: memref<10000x16xf32, #tpu.memory_space<vmem_shared>>, %arg16: memref<!tpu.dma_semaphore, #tpu.memory_space<semaphore_mem>>, %arg17: memref<2x!tpu.dma_semaphore, #tpu.memory_space<semaphore_mem>>, %arg18: memref<2x!tpu.dma_semaphore, #tpu.memory_space<semaphore_mem>>, %arg19: memref<2x!tpu.dma_semaphore, #tpu.memory_space<semaphore_mem>>) attributes {dimension_semantics = [#tpu.dimension_semantics<core_parallel>, #tpu.dimension_semantics<subcore_parallel>], iteration_bounds = array<i64: 2, 16>, scalar_prefetch = 0 : i64, scratch_operands = 11 : i64, tpu.core_type = #tpu.core_type<sc_vector_subcore>, window_params = [{transform_indices = #map}, {transform_indices = #map}, {transform_indices = #map}, {transform_indices = #map}, {transform_indices = #map1}, {transform_indices = #map1}, {transform_indices = #map1}]} {
    %mul3A = arith.constant 2 : i32
    %mul3A_0 = arith.muli %arg1, %mul3A : i32
    %add3A = arith.addi %mul3A_0, %arg0 : i32
    %mul3A_1 = arith.constant 10000 : i32
    %mul3A_2 = arith.muli %add3A, %mul3A_1 : i32
    %scan3A = arith.constant 0 : i32
    %scan3A_3 = arith.constant 80 : i32
    %scan3A_4 = arith.addi %scan3A, %scan3A_3 : i32
    %scan3A_5 = arith.constant 1 : i32
    scf.for %scan3A_185 = %scan3A to %scan3A_4 step %scan3A_5  : i32 {
      %mul3A_186 = arith.constant 1 : i32
      %mul3A_187 = arith.muli %scan3A_185, %mul3A_186 : i32
      %add3A_188 = arith.constant 0 : i32
      %add3A_189 = arith.addi %add3A_188, %mul3A_187 : i32
      %broadcast_in_dim3A = arith.constant 0.000000e+00 : f32
      %broadcast_in_dim3A_190 = vector.broadcast %broadcast_in_dim3A : f32 to vector<16xf32>
      %swap3A = arith.constant 0 : i32
      %swap3A_191 = arith.index_cast %swap3A : i32 to index
      %swap3A_192 = arith.index_cast %add3A_189 : i32 to index
      %swap3A_193 = arith.constant 0 : index
      %swap3A_194 = tpu.vector_load %arg14[%swap3A_191, %swap3A_192, %swap3A_193] {strides = array<i32>} : memref<2x80x16xf32, #tpu.memory_space<vmem>>, vector<1x1x16xf32>,
      %swap3A_195 = vector.shape_cast %swap3A_194 : vector<1x1x16xf32> to vector<16xf32>
      %swap3A_196 = vector.shape_cast %broadcast_in_dim3A_190 : vector<16xf32> to vector<1x1x16xf32>
      tpu.vector_store %arg14[%swap3A_191, %swap3A_192, %swap3A_193], %swap3A_196 {strides = array<i32>} : memref<2x80x16xf32, #tpu.memory_space<vmem>>, vector<1x1x16xf32>,
    }
    %scan3A_6 = arith.constant 80 : i32
    %sub3A = arith.constant 125 : i32
    %sub3A_7 = arith.subi %sub3A, %arg1 : i32
    %sub3A_8 = arith.constant 16 : i32
    %sub3A_9 = arith.constant 1 : i32
    %sub3A_10 = arith.subi %sub3A_8, %sub3A_9 : i32
    %add3A_11 = arith.addi %sub3A_7, %sub3A_10 : i32
    %div3A = arith.constant 16 : i32
    %div3A_12 = arith.divsi %add3A_11, %div3A : i32
    %while3A = arith.constant 16 : i32
    %while3A_13 = arith.constant 0 : i32
    %while3A_14 = arith.subi %div3A_12, %while3A_13 : i32
    %while3A_15 = arith.addi %while3A_13, %while3A_14 : i32
    %while3A_16 = arith.constant 1 : i32
    %while3A_17 = arith.divsi %while3A_14, %while3A_16 : i32
    %while3A_18 = arith.muli %while3A_17, %while3A_16 : i32
    %while3A_19 = arith.addi %while3A_13, %while3A_18 : i32
    %while3A_20 = arith.constant 1 : i32
    scf.for %while3A_185 = %while3A_13 to %while3A_19 step %while3A_20  : i32 {
      %mul3A_186 = arith.muli %while3A_185, %while3A : i32
      %add3A_187 = arith.addi %arg1, %mul3A_186 : i32
      %mul3A_188 = arith.constant 80 : i32
      %mul3A_189 = arith.muli %add3A_187, %mul3A_188 : i32
      %run_scoped3A_190 = arith.constant 0 : i32
      "tpu.region"() ({
        %run_scoped3A_191 = tpu.sem_alloc : memref<!tpu.dma_semaphore, #tpu.memory_space<semaphore_mem>>
        %dma_start3A_192 = arith.constant 0 : i32
        %dma_start3A_193 = arith.constant 0 : i32
        %dma_start3A_194 = tpu.memref_slice %arg14[%run_scoped3A_190, %dma_start3A_192, %dma_start3A_193] : memref<2x80x16xf32, #tpu.memory_space<vmem>> -> memref<1x80x16xf32, #tpu.memory_space<vmem>>
        %dma_start3A_195 = tpu.memref_squeeze %dma_start3A_194 : memref<1x80x16xf32, #tpu.memory_space<vmem>> -> memref<80x16xf32, #tpu.memory_space<vmem>>
        %dma_start3A_196 = arith.constant 0 : i32
        %dma_start3A_197 = tpu.memref_slice %arg15[%mul3A_189, %dma_start3A_196] : memref<10000x16xf32, #tpu.memory_space<vmem_shared>> -> memref<80x16xf32, #tpu.memory_space<vmem_shared>>
        %dma_start3A_198 = arith.constant 0 : i32
        %dma_start3A_199 = tpu.memref_slice %arg15[%mul3A_189, %dma_start3A_198] : memref<10000x16xf32, #tpu.memory_space<vmem_shared>> -> memref<80x16xf32, #tpu.memory_space<vmem_shared>>
        %dma_start3A_200 = arith.constant 0 : i32
        %dma_start3A_201 = arith.constant 0 : i32
        %dma_start3A_202 = tpu.memref_slice %arg14[%run_scoped3A_190, %dma_start3A_200, %dma_start3A_201] : memref<2x80x16xf32, #tpu.memory_space<vmem>> -> memref<1x80x16xf32, #tpu.memory_space<vmem>>
        %dma_start3A_203 = tpu.memref_squeeze %dma_start3A_202 : memref<1x80x16xf32, #tpu.memory_space<vmem>> -> memref<80x16xf32, #tpu.memory_space<vmem>>
        tpu.enqueue_dma source(%dma_start3A_203 : memref<80x16xf32, #tpu.memory_space<vmem>>) target(%dma_start3A_199 : memref<80x16xf32, #tpu.memory_space<vmem_shared>>) target_semaphore(%run_scoped3A_191 : memref<!tpu.dma_semaphore, #tpu.memory_space<semaphore_mem>>)
        %dma_wait3A_204 = arith.constant 0 : i32
        %dma_wait3A_205 = arith.constant 0 : i32
        %dma_wait3A_206 = tpu.memref_slice %arg14[%run_scoped3A_190, %dma_wait3A_204, %dma_wait3A_205] : memref<2x80x16xf32, #tpu.memory_space<vmem>> -> memref<1x80x16xf32, #tpu.memory_space<vmem>>
        %dma_wait3A_207 = tpu.memref_squeeze %dma_wait3A_206 : memref<1x80x16xf32, #tpu.memory_space<vmem>> -> memref<80x16xf32, #tpu.memory_space<vmem>>
        %dma_wait3A_208 = arith.constant 0 : i32
        %dma_wait3A_209 = tpu.memref_slice %arg15[%mul3A_189, %dma_wait3A_208] : memref<10000x16xf32, #tpu.memory_space<vmem_shared>> -> memref<80x16xf32, #tpu.memory_space<vmem_shared>>
        %dma_wait3A_210 = arith.constant 0 : i32
        %dma_wait3A_211 = tpu.memref_slice %arg15[%mul3A_189, %dma_wait3A_210] : memref<10000x16xf32, #tpu.memory_space<vmem_shared>> -> memref<80x16xf32, #tpu.memory_space<vmem_shared>>
        %dma_wait3A_212 = arith.constant 0 : i32
        %dma_wait3A_213 = arith.constant 0 : i32
        %dma_wait3A_214 = tpu.memref_slice %arg14[%run_scoped3A_190, %dma_wait3A_212, %dma_wait3A_213] : memref<2x80x16xf32, #tpu.memory_space<vmem>> -> memref<1x80x16xf32, #tpu.memory_space<vmem>>
        %dma_wait3A_215 = tpu.memref_squeeze %dma_wait3A_214 : memref<1x80x16xf32, #tpu.memory_space<vmem>> -> memref<80x16xf32, #tpu.memory_space<vmem>>
        tpu.wait_dma2 semaphore(%run_scoped3A_191 : memref<!tpu.dma_semaphore, #tpu.memory_space<semaphore_mem>>) src(%dma_wait3A_215 : memref<80x16xf32, #tpu.memory_space<vmem>>) dst(%dma_wait3A_211 : memref<80x16xf32, #tpu.memory_space<vmem_shared>>)
        tpu.yield
      }) : () -> ()
    }
    %while3A_21 = arith.constant 1 : i32
    scf.for %while3A_185 = %while3A_19 to %while3A_15 step %while3A_21  : i32 {
      %mul3A_186 = arith.muli %while3A_185, %while3A : i32
      %add3A_187 = arith.addi %arg1, %mul3A_186 : i32
      %mul3A_188 = arith.constant 80 : i32
      %mul3A_189 = arith.muli %add3A_187, %mul3A_188 : i32
      %run_scoped3A_190 = arith.constant 0 : i32
      "tpu.region"() ({
        %run_scoped3A_191 = tpu.sem_alloc : memref<!tpu.dma_semaphore, #tpu.memory_space<semaphore_mem>>
        %dma_start3A_192 = arith.constant 0 : i32
        %dma_start3A_193 = arith.constant 0 : i32
        %dma_start3A_194 = tpu.memref_slice %arg14[%run_scoped3A_190, %dma_start3A_192, %dma_start3A_193] : memref<2x80x16xf32, #tpu.memory_space<vmem>> -> memref<1x80x16xf32, #tpu.memory_space<vmem>>
        %dma_start3A_195 = tpu.memref_squeeze %dma_start3A_194 : memref<1x80x16xf32, #tpu.memory_space<vmem>> -> memref<80x16xf32, #tpu.memory_space<vmem>>
        %dma_start3A_196 = arith.constant 0 : i32
        %dma_start3A_197 = tpu.memref_slice %arg15[%mul3A_189, %dma_start3A_196] : memref<10000x16xf32, #tpu.memory_space<vmem_shared>> -> memref<80x16xf32, #tpu.memory_space<vmem_shared>>
        %dma_start3A_198 = arith.constant 0 : i32
        %dma_start3A_199 = tpu.memref_slice %arg15[%mul3A_189, %dma_start3A_198] : memref<10000x16xf32, #tpu.memory_space<vmem_shared>> -> memref<80x16xf32, #tpu.memory_space<vmem_shared>>
        %dma_start3A_200 = arith.constant 0 : i32
        %dma_start3A_201 = arith.constant 0 : i32
        %dma_start3A_202 = tpu.memref_slice %arg14[%run_scoped3A_190, %dma_start3A_200, %dma_start3A_201] : memref<2x80x16xf32, #tpu.memory_space<vmem>> -> memref<1x80x16xf32, #tpu.memory_space<vmem>>
        %dma_start3A_203 = tpu.memref_squeeze %dma_start3A_202 : memref<1x80x16xf32, #tpu.memory_space<vmem>> -> memref<80x16xf32, #tpu.memory_space<vmem>>
        tpu.enqueue_dma source(%dma_start3A_203 : memref<80x16xf32, #tpu.memory_space<vmem>>) target(%dma_start3A_199 : memref<80x16xf32, #tpu.memory_space<vmem_shared>>) target_semaphore(%run_scoped3A_191 : memref<!tpu.dma_semaphore, #tpu.memory_space<semaphore_mem>>)
        %dma_wait3A_204 = arith.constant 0 : i32
        %dma_wait3A_205 = arith.constant 0 : i32
        %dma_wait3A_206 = tpu.memref_slice %arg14[%run_scoped3A_190, %dma_wait3A_204, %dma_wait3A_205] : memref<2x80x16xf32, #tpu.memory_space<vmem>> -> memref<1x80x16xf32, #tpu.memory_space<vmem>>
        %dma_wait3A_207 = tpu.memref_squeeze %dma_wait3A_206 : memref<1x80x16xf32, #tpu.memory_space<vmem>> -> memref<80x16xf32, #tpu.memory_space<vmem>>
        %dma_wait3A_208 = arith.constant 0 : i32
        %dma_wait3A_209 = tpu.memref_slice %arg15[%mul3A_189, %dma_wait3A_208] : memref<10000x16xf32, #tpu.memory_space<vmem_shared>> -> memref<80x16xf32, #tpu.memory_space<vmem_shared>>
        %dma_wait3A_210 = arith.constant 0 : i32
        %dma_wait3A_211 = tpu.memref_slice %arg15[%mul3A_189, %dma_wait3A_210] : memref<10000x16xf32, #tpu.memory_space<vmem_shared>> -> memref<80x16xf32, #tpu.memory_space<vmem_shared>>
        %dma_wait3A_212 = arith.constant 0 : i32
        %dma_wait3A_213 = arith.constant 0 : i32
        %dma_wait3A_214 = tpu.memref_slice %arg14[%run_scoped3A_190, %dma_wait3A_212, %dma_wait3A_213] : memref<2x80x16xf32, #tpu.memory_space<vmem>> -> memref<1x80x16xf32, #tpu.memory_space<vmem>>
        %dma_wait3A_215 = tpu.memref_squeeze %dma_wait3A_214 : memref<1x80x16xf32, #tpu.memory_space<vmem>> -> memref<80x16xf32, #tpu.memory_space<vmem>>
        tpu.wait_dma2 semaphore(%run_scoped3A_191 : memref<!tpu.dma_semaphore, #tpu.memory_space<semaphore_mem>>) src(%dma_wait3A_215 : memref<80x16xf32, #tpu.memory_space<vmem>>) dst(%dma_wait3A_211 : memref<80x16xf32, #tpu.memory_space<vmem_shared>>)
        tpu.yield
      }) : () -> ()
    }
    %barrier3A = arith.constant 0 : index
    tpu.barrier barrier_id(%barrier3A)
    %rem3A = arith.constant 0 : i32
    %rem3A_22 = arith.constant 4 : i32
    %rem3A_23 = arith.remsi %rem3A, %rem3A_22 : i32
    %run_scoped3A = arith.constant 0 : i32
    %run_scoped3A_24 = arith.constant 0 : i32
    "tpu.region"() ({
      %run_scoped3A_185 = tpu.sem_alloc : memref<!tpu.dma_semaphore, #tpu.memory_space<semaphore_mem>>
      %dma_start3A_186 = arith.constant 0 : i32
      %dma_start3A_187 = tpu.memref_slice %arg9[%rem3A_23, %run_scoped3A_24, %dma_start3A_186] : memref<4x2x80xi32, #tpu.memory_space<vmem>> -> memref<1x1x80xi32, #tpu.memory_space<vmem>>
      %dma_start3A_188 = tpu.memref_squeeze %dma_start3A_187 : memref<1x1x80xi32, #tpu.memory_space<vmem>> -> memref<80xi32, #tpu.memory_space<vmem>>
      %dma_start3A_189 = arith.constant 0 : i32
      %dma_start3A_190 = tpu.memref_slice %arg6[%add3A, %run_scoped3A, %dma_start3A_189] : memref<32x125x80xi32, #tpu.memory_space<hbm>> -> memref<1x1x80xi32, #tpu.memory_space<hbm>>
      %dma_start3A_191 = tpu.memref_squeeze %dma_start3A_190 : memref<1x1x80xi32, #tpu.memory_space<hbm>> -> memref<80xi32, #tpu.memory_space<hbm>>
      %dma_start3A_192 = arith.constant 0 : i32
      %dma_start3A_193 = tpu.memref_slice %arg9[%rem3A_23, %run_scoped3A_24, %dma_start3A_192] : memref<4x2x80xi32, #tpu.memory_space<vmem>> -> memref<1x1x80xi32, #tpu.memory_space<vmem>>
      %dma_start3A_194 = tpu.memref_squeeze %dma_start3A_193 : memref<1x1x80xi32, #tpu.memory_space<vmem>> -> memref<80xi32, #tpu.memory_space<vmem>>
      %dma_start3A_195 = arith.constant 0 : i32
      %dma_start3A_196 = tpu.memref_slice %arg6[%add3A, %run_scoped3A, %dma_start3A_195] : memref<32x125x80xi32, #tpu.memory_space<hbm>> -> memref<1x1x80xi32, #tpu.memory_space<hbm>>
      %dma_start3A_197 = tpu.memref_squeeze %dma_start3A_196 : memref<1x1x80xi32, #tpu.memory_space<hbm>> -> memref<80xi32, #tpu.memory_space<hbm>>
      tpu.enqueue_dma source(%dma_start3A_197 : memref<80xi32, #tpu.memory_space<hbm>>) target(%dma_start3A_194 : memref<80xi32, #tpu.memory_space<vmem>>) target_semaphore(%run_scoped3A_185 : memref<!tpu.dma_semaphore, #tpu.memory_space<semaphore_mem>>)
      %dma_wait3A_198 = arith.constant 0 : i32
      %dma_wait3A_199 = tpu.memref_slice %arg9[%rem3A_23, %run_scoped3A_24, %dma_wait3A_198] : memref<4x2x80xi32, #tpu.memory_space<vmem>> -> memref<1x1x80xi32, #tpu.memory_space<vmem>>
      %dma_wait3A_200 = tpu.memref_squeeze %dma_wait3A_199 : memref<1x1x80xi32, #tpu.memory_space<vmem>> -> memref<80xi32, #tpu.memory_space<vmem>>
      %dma_wait3A_201 = arith.constant 0 : i32
      %dma_wait3A_202 = tpu.memref_slice %arg6[%add3A, %run_scoped3A, %dma_wait3A_201] : memref<32x125x80xi32, #tpu.memory_space<hbm>> -> memref<1x1x80xi32, #tpu.memory_space<hbm>>
      %dma_wait3A_203 = tpu.memref_squeeze %dma_wait3A_202 : memref<1x1x80xi32, #tpu.memory_space<hbm>> -> memref<80xi32, #tpu.memory_space<hbm>>
      %dma_wait3A_204 = arith.constant 0 : i32
      %dma_wait3A_205 = tpu.memref_slice %arg9[%rem3A_23, %run_scoped3A_24, %dma_wait3A_204] : memref<4x2x80xi32, #tpu.memory_space<vmem>> -> memref<1x1x80xi32, #tpu.memory_space<vmem>>
      %dma_wait3A_206 = tpu.memref_squeeze %dma_wait3A_205 : memref<1x1x80xi32, #tpu.memory_space<vmem>> -> memref<80xi32, #tpu.memory_space<vmem>>
      %dma_wait3A_207 = arith.constant 0 : i32
      %dma_wait3A_208 = tpu.memref_slice %arg6[%add3A, %run_scoped3A, %dma_wait3A_207] : memref<32x125x80xi32, #tpu.memory_space<hbm>> -> memref<1x1x80xi32, #tpu.memory_space<hbm>>
      %dma_wait3A_209 = tpu.memref_squeeze %dma_wait3A_208 : memref<1x1x80xi32, #tpu.memory_space<hbm>> -> memref<80xi32, #tpu.memory_space<hbm>>
      tpu.wait_dma2 semaphore(%run_scoped3A_185 : memref<!tpu.dma_semaphore, #tpu.memory_space<semaphore_mem>>) src(%dma_wait3A_209 : memref<80xi32, #tpu.memory_space<hbm>>) dst(%dma_wait3A_206 : memref<80xi32, #tpu.memory_space<vmem>>)
      tpu.yield
    }) : () -> ()
    %run_scoped3A_25 = arith.constant 0 : i32
    %run_scoped3A_26 = arith.constant 1 : i32
    "tpu.region"() ({
      %run_scoped3A_185 = tpu.sem_alloc : memref<!tpu.dma_semaphore, #tpu.memory_space<semaphore_mem>>
      %dma_start3A_186 = arith.constant 0 : i32
      %dma_start3A_187 = tpu.memref_slice %arg9[%rem3A_23, %run_scoped3A_26, %dma_start3A_186] : memref<4x2x80xi32, #tpu.memory_space<vmem>> -> memref<1x1x80xi32, #tpu.memory_space<vmem>>
      %dma_start3A_188 = tpu.memref_squeeze %dma_start3A_187 : memref<1x1x80xi32, #tpu.memory_space<vmem>> -> memref<80xi32, #tpu.memory_space<vmem>>
      %dma_start3A_189 = arith.constant 0 : i32
      %dma_start3A_190 = tpu.memref_slice %arg7[%add3A, %run_scoped3A_25, %dma_start3A_189] : memref<32x125x80xi32, #tpu.memory_space<hbm>> -> memref<1x1x80xi32, #tpu.memory_space<hbm>>
      %dma_start3A_191 = tpu.memref_squeeze %dma_start3A_190 : memref<1x1x80xi32, #tpu.memory_space<hbm>> -> memref<80xi32, #tpu.memory_space<hbm>>
      %dma_start3A_192 = arith.constant 0 : i32
      %dma_start3A_193 = tpu.memref_slice %arg9[%rem3A_23, %run_scoped3A_26, %dma_start3A_192] : memref<4x2x80xi32, #tpu.memory_space<vmem>> -> memref<1x1x80xi32, #tpu.memory_space<vmem>>
      %dma_start3A_194 = tpu.memref_squeeze %dma_start3A_193 : memref<1x1x80xi32, #tpu.memory_space<vmem>> -> memref<80xi32, #tpu.memory_space<vmem>>
      %dma_start3A_195 = arith.constant 0 : i32
      %dma_start3A_196 = tpu.memref_slice %arg7[%add3A, %run_scoped3A_25, %dma_start3A_195] : memref<32x125x80xi32, #tpu.memory_space<hbm>> -> memref<1x1x80xi32, #tpu.memory_space<hbm>>
      %dma_start3A_197 = tpu.memref_squeeze %dma_start3A_196 : memref<1x1x80xi32, #tpu.memory_space<hbm>> -> memref<80xi32, #tpu.memory_space<hbm>>
      tpu.enqueue_dma source(%dma_start3A_197 : memref<80xi32, #tpu.memory_space<hbm>>) target(%dma_start3A_194 : memref<80xi32, #tpu.memory_space<vmem>>) target_semaphore(%run_scoped3A_185 : memref<!tpu.dma_semaphore, #tpu.memory_space<semaphore_mem>>)
      %dma_wait3A_198 = arith.constant 0 : i32
      %dma_wait3A_199 = tpu.memref_slice %arg9[%rem3A_23, %run_scoped3A_26, %dma_wait3A_198] : memref<4x2x80xi32, #tpu.memory_space<vmem>> -> memref<1x1x80xi32, #tpu.memory_space<vmem>>
      %dma_wait3A_200 = tpu.memref_squeeze %dma_wait3A_199 : memref<1x1x80xi32, #tpu.memory_space<vmem>> -> memref<80xi32, #tpu.memory_space<vmem>>
      %dma_wait3A_201 = arith.constant 0 : i32
      %dma_wait3A_202 = tpu.memref_slice %arg7[%add3A, %run_scoped3A_25, %dma_wait3A_201] : memref<32x125x80xi32, #tpu.memory_space<hbm>> -> memref<1x1x80xi32, #tpu.memory_space<hbm>>
      %dma_wait3A_203 = tpu.memref_squeeze %dma_wait3A_202 : memref<1x1x80xi32, #tpu.memory_space<hbm>> -> memref<80xi32, #tpu.memory_space<hbm>>
      %dma_wait3A_204 = arith.constant 0 : i32
      %dma_wait3A_205 = tpu.memref_slice %arg9[%rem3A_23, %run_scoped3A_26, %dma_wait3A_204] : memref<4x2x80xi32, #tpu.memory_space<vmem>> -> memref<1x1x80xi32, #tpu.memory_space<vmem>>
      %dma_wait3A_206 = tpu.memref_squeeze %dma_wait3A_205 : memref<1x1x80xi32, #tpu.memory_space<vmem>> -> memref<80xi32, #tpu.memory_space<vmem>>
      %dma_wait3A_207 = arith.constant 0 : i32
      %dma_wait3A_208 = tpu.memref_slice %arg7[%add3A, %run_scoped3A_25, %dma_wait3A_207] : memref<32x125x80xi32, #tpu.memory_space<hbm>> -> memref<1x1x80xi32, #tpu.memory_space<hbm>>
      %dma_wait3A_209 = tpu.memref_squeeze %dma_wait3A_208 : memref<1x1x80xi32, #tpu.memory_space<hbm>> -> memref<80xi32, #tpu.memory_space<hbm>>
      tpu.wait_dma2 semaphore(%run_scoped3A_185 : memref<!tpu.dma_semaphore, #tpu.memory_space<semaphore_mem>>) src(%dma_wait3A_209 : memref<80xi32, #tpu.memory_space<hbm>>) dst(%dma_wait3A_206 : memref<80xi32, #tpu.memory_space<vmem>>)
      tpu.yield
    }) : () -> ()
    %add3A_27 = arith.constant 0 : i32
    %add3A_28 = arith.addi %mul3A_2, %add3A_27 : i32
    %rem3A_29 = arith.constant 0 : i32
    %rem3A_30 = arith.constant 4 : i32
    %rem3A_31 = arith.remsi %rem3A_29, %rem3A_30 : i32
    %dma_start3A = arith.constant 0 : i32
    %dma_start3A_32 = arith.constant 0 : i32
    %dma_start3A_33 = arith.constant 0 : i32
    %dma_start3A_34 = arith.constant 0 : i32
    %dma_start3A_35 = tpu.memref_slice %arg12[%dma_start3A, %dma_start3A_33, %dma_start3A_34] : memref<2x80x128xf32, #tpu.memory_space<vmem>> -> memref<1x80x128xf32, #tpu.memory_space<vmem>>
    %dma_start3A_36 = tpu.memref_squeeze %dma_start3A_35 : memref<1x80x128xf32, #tpu.memory_space<vmem>> -> memref<80x128xf32, #tpu.memory_space<vmem>>
    %dma_start3A_37 = arith.constant 0 : i32
    %dma_start3A_38 = tpu.memref_slice %arg4[%add3A_28, %dma_start3A_37] : memref<320000x128xf32, #tpu.memory_space<hbm>> -> memref<80x128xf32, #tpu.memory_space<hbm>>
    %dma_start3A_39 = tpu.memref_slice %arg18[%dma_start3A_32] : memref<2x!tpu.dma_semaphore, #tpu.memory_space<semaphore_mem>> -> memref<1x!tpu.dma_semaphore, #tpu.memory_space<semaphore_mem>>
    %dma_start3A_40 = tpu.memref_squeeze %dma_start3A_39 : memref<1x!tpu.dma_semaphore, #tpu.memory_space<semaphore_mem>> -> memref<!tpu.dma_semaphore, #tpu.memory_space<semaphore_mem>>
    %dma_start3A_41 = arith.constant 0 : i32
    %dma_start3A_42 = arith.constant 0 : i32
    %dma_start3A_43 = tpu.memref_slice %arg12[%dma_start3A, %dma_start3A_41, %dma_start3A_42] : memref<2x80x128xf32, #tpu.memory_space<vmem>> -> memref<1x80x128xf32, #tpu.memory_space<vmem>>
    %dma_start3A_44 = tpu.memref_squeeze %dma_start3A_43 : memref<1x80x128xf32, #tpu.memory_space<vmem>> -> memref<80x128xf32, #tpu.memory_space<vmem>>
    %dma_start3A_45 = arith.constant 0 : i32
    %dma_start3A_46 = tpu.memref_slice %arg4[%add3A_28, %dma_start3A_45] : memref<320000x128xf32, #tpu.memory_space<hbm>> -> memref<80x128xf32, #tpu.memory_space<hbm>>
    tpu.enqueue_dma source(%dma_start3A_46 : memref<80x128xf32, #tpu.memory_space<hbm>>) target(%dma_start3A_44 : memref<80x128xf32, #tpu.memory_space<vmem>>) target_semaphore(%dma_start3A_40 : memref<!tpu.dma_semaphore, #tpu.memory_space<semaphore_mem>>)
    %dma_start3A_47 = arith.constant 0 : i32
    %dma_start3A_48 = arith.constant 0 : i32
    %dma_start3A_49 = arith.constant 0 : i32
    %dma_start3A_50 = arith.constant 0 : i32
    %dma_start3A_51 = tpu.memref_slice %arg13[%dma_start3A_47, %dma_start3A_49, %dma_start3A_50] : memref<2x80x16xf32, #tpu.memory_space<vmem>> -> memref<1x80x16xf32, #tpu.memory_space<vmem>>
    %dma_start3A_52 = tpu.memref_squeeze %dma_start3A_51 : memref<1x80x16xf32, #tpu.memory_space<vmem>> -> memref<80x16xf32, #tpu.memory_space<vmem>>
    %dma_start3A_53 = arith.constant 0 : i32
    %dma_start3A_54 = tpu.memref_slice %arg5[%add3A_28, %dma_start3A_53] : memref<320000x16xf32, #tpu.memory_space<hbm>> -> memref<80x16xf32, #tpu.memory_space<hbm>>
    %dma_start3A_55 = tpu.memref_slice %arg18[%dma_start3A_48] : memref<2x!tpu.dma_semaphore, #tpu.memory_space<semaphore_mem>> -> memref<1x!tpu.dma_semaphore, #tpu.memory_space<semaphore_mem>>
    %dma_start3A_56 = tpu.memref_squeeze %dma_start3A_55 : memref<1x!tpu.dma_semaphore, #tpu.memory_space<semaphore_mem>> -> memref<!tpu.dma_semaphore, #tpu.memory_space<semaphore_mem>>
    %dma_start3A_57 = arith.constant 0 : i32
    %dma_start3A_58 = arith.constant 0 : i32
    %dma_start3A_59 = tpu.memref_slice %arg13[%dma_start3A_47, %dma_start3A_57, %dma_start3A_58] : memref<2x80x16xf32, #tpu.memory_space<vmem>> -> memref<1x80x16xf32, #tpu.memory_space<vmem>>
    %dma_start3A_60 = tpu.memref_squeeze %dma_start3A_59 : memref<1x80x16xf32, #tpu.memory_space<vmem>> -> memref<80x16xf32, #tpu.memory_space<vmem>>
    %dma_start3A_61 = arith.constant 0 : i32
    %dma_start3A_62 = tpu.memref_slice %arg5[%add3A_28, %dma_start3A_61] : memref<320000x16xf32, #tpu.memory_space<hbm>> -> memref<80x16xf32, #tpu.memory_space<hbm>>
    tpu.enqueue_dma source(%dma_start3A_62 : memref<80x16xf32, #tpu.memory_space<hbm>>) target(%dma_start3A_60 : memref<80x16xf32, #tpu.memory_space<vmem>>) target_semaphore(%dma_start3A_56 : memref<!tpu.dma_semaphore, #tpu.memory_space<semaphore_mem>>)
    %dma_start3A_63 = arith.constant 0 : i32
    %dma_start3A_64 = arith.constant 0 : i32
    %dma_start3A_65 = arith.constant 0 : i32
    %dma_start3A_66 = arith.constant 0 : i32
    %dma_start3A_67 = arith.constant 0 : i32
    %dma_start3A_68 = tpu.memref_slice %arg10[%dma_start3A_64, %dma_start3A_66, %dma_start3A_67] : memref<2x80x128xf32, #tpu.memory_space<vmem>> -> memref<1x80x128xf32, #tpu.memory_space<vmem>>
    %dma_start3A_69 = tpu.memref_squeeze %dma_start3A_68 : memref<1x80x128xf32, #tpu.memory_space<vmem>> -> memref<80x128xf32, #tpu.memory_space<vmem>>
    %dma_start3A_70 = arith.constant 0 : i32
    %dma_start3A_71 = tpu.memref_slice %arg9[%rem3A_31, %dma_start3A_63, %dma_start3A_70] : memref<4x2x80xi32, #tpu.memory_space<vmem>> -> memref<1x1x80xi32, #tpu.memory_space<vmem>>
    %dma_start3A_72 = tpu.memref_squeeze %dma_start3A_71 : memref<1x1x80xi32, #tpu.memory_space<vmem>> -> memref<80xi32, #tpu.memory_space<vmem>>
    %dma_start3A_73 = arith.constant 0 : i32
    %dma_start3A_74 = arith.constant 0 : i32
    %dma_start3A_75 = tpu.memref_slice %arg2[%dma_start3A_73, %dma_start3A_74] : memref<10000x128xf32, #tpu.memory_space<hbm>> -> memref<10000x128xf32, #tpu.memory_space<hbm>>
    %dma_start3A_76 = tpu.memref_slice %arg17[%dma_start3A_65] : memref<2x!tpu.dma_semaphore, #tpu.memory_space<semaphore_mem>> -> memref<1x!tpu.dma_semaphore, #tpu.memory_space<semaphore_mem>>
    %dma_start3A_77 = tpu.memref_squeeze %dma_start3A_76 : memref<1x!tpu.dma_semaphore, #tpu.memory_space<semaphore_mem>> -> memref<!tpu.dma_semaphore, #tpu.memory_space<semaphore_mem>>
    tpu.enqueue_indirect_dma source(%dma_start3A_75 : memref<10000x128xf32, #tpu.memory_space<hbm>>) target(%dma_start3A_69 : memref<80x128xf32, #tpu.memory_space<vmem>>) offsets(%dma_start3A_72 : memref<80xi32, #tpu.memory_space<vmem>>) semaphore(%dma_start3A_77 : memref<!tpu.dma_semaphore, #tpu.memory_space<semaphore_mem>>)
    %dma_start3A_78 = arith.constant 1 : i32
    %dma_start3A_79 = arith.constant 0 : i32
    %dma_start3A_80 = arith.constant 0 : i32
    %dma_start3A_81 = arith.constant 0 : i32
    %dma_start3A_82 = arith.constant 0 : i32
    %dma_start3A_83 = tpu.memref_slice %arg11[%dma_start3A_79, %dma_start3A_81, %dma_start3A_82] : memref<2x80x16xf32, #tpu.memory_space<vmem>> -> memref<1x80x16xf32, #tpu.memory_space<vmem>>
    %dma_start3A_84 = tpu.memref_squeeze %dma_start3A_83 : memref<1x80x16xf32, #tpu.memory_space<vmem>> -> memref<80x16xf32, #tpu.memory_space<vmem>>
    %dma_start3A_85 = arith.constant 0 : i32
    %dma_start3A_86 = tpu.memref_slice %arg9[%rem3A_31, %dma_start3A_78, %dma_start3A_85] : memref<4x2x80xi32, #tpu.memory_space<vmem>> -> memref<1x1x80xi32, #tpu.memory_space<vmem>>
    %dma_start3A_87 = tpu.memref_squeeze %dma_start3A_86 : memref<1x1x80xi32, #tpu.memory_space<vmem>> -> memref<80xi32, #tpu.memory_space<vmem>>
    %dma_start3A_88 = arith.constant 0 : i32
    %dma_start3A_89 = arith.constant 0 : i32
    %dma_start3A_90 = tpu.memref_slice %arg3[%dma_start3A_88, %dma_start3A_89] : memref<10000x16xf32, #tpu.memory_space<hbm>> -> memref<10000x16xf32, #tpu.memory_space<hbm>>
    %dma_start3A_91 = tpu.memref_slice %arg17[%dma_start3A_80] : memref<2x!tpu.dma_semaphore, #tpu.memory_space<semaphore_mem>> -> memref<1x!tpu.dma_semaphore, #tpu.memory_space<semaphore_mem>>
    %dma_start3A_92 = tpu.memref_squeeze %dma_start3A_91 : memref<1x!tpu.dma_semaphore, #tpu.memory_space<semaphore_mem>> -> memref<!tpu.dma_semaphore, #tpu.memory_space<semaphore_mem>>
    tpu.enqueue_indirect_dma source(%dma_start3A_90 : memref<10000x16xf32, #tpu.memory_space<hbm>>) target(%dma_start3A_84 : memref<80x16xf32, #tpu.memory_space<vmem>>) offsets(%dma_start3A_87 : memref<80xi32, #tpu.memory_space<vmem>>) semaphore(%dma_start3A_92 : memref<!tpu.dma_semaphore, #tpu.memory_space<semaphore_mem>>)
    %rem3A_93 = arith.constant 1 : i32
    %rem3A_94 = arith.constant 4 : i32
    %rem3A_95 = arith.remsi %rem3A_93, %rem3A_94 : i32
    %dma_start3A_96 = arith.constant 1 : i32
    %dma_start3A_97 = arith.constant 0 : i32
    %dma_start3A_98 = arith.constant 0 : i32
    %dma_start3A_99 = tpu.memref_slice %arg9[%rem3A_95, %dma_start3A_97, %dma_start3A_98] : memref<4x2x80xi32, #tpu.memory_space<vmem>> -> memref<1x1x80xi32, #tpu.memory_space<vmem>>
    %dma_start3A_100 = tpu.memref_squeeze %dma_start3A_99 : memref<1x1x80xi32, #tpu.memory_space<vmem>> -> memref<80xi32, #tpu.memory_space<vmem>>
    %dma_start3A_101 = arith.constant 0 : i32
    %dma_start3A_102 = tpu.memref_slice %arg6[%add3A, %dma_start3A_96, %dma_start3A_101] : memref<32x125x80xi32, #tpu.memory_space<hbm>> -> memref<1x1x80xi32, #tpu.memory_space<hbm>>
    %dma_start3A_103 = tpu.memref_squeeze %dma_start3A_102 : memref<1x1x80xi32, #tpu.memory_space<hbm>> -> memref<80xi32, #tpu.memory_space<hbm>>
    %dma_start3A_104 = arith.constant 0 : i32
    %dma_start3A_105 = tpu.memref_slice %arg9[%rem3A_95, %dma_start3A_97, %dma_start3A_104] : memref<4x2x80xi32, #tpu.memory_space<vmem>> -> memref<1x1x80xi32, #tpu.memory_space<vmem>>
    %dma_start3A_106 = tpu.memref_squeeze %dma_start3A_105 : memref<1x1x80xi32, #tpu.memory_space<vmem>> -> memref<80xi32, #tpu.memory_space<vmem>>
    %dma_start3A_107 = arith.constant 0 : i32
    %dma_start3A_108 = tpu.memref_slice %arg6[%add3A, %dma_start3A_96, %dma_start3A_107] : memref<32x125x80xi32, #tpu.memory_space<hbm>> -> memref<1x1x80xi32, #tpu.memory_space<hbm>>
    %dma_start3A_109 = tpu.memref_squeeze %dma_start3A_108 : memref<1x1x80xi32, #tpu.memory_space<hbm>> -> memref<80xi32, #tpu.memory_space<hbm>>
    tpu.enqueue_dma source(%dma_start3A_109 : memref<80xi32, #tpu.memory_space<hbm>>) target(%dma_start3A_106 : memref<80xi32, #tpu.memory_space<vmem>>) target_semaphore(%arg16 : memref<!tpu.dma_semaphore, #tpu.memory_space<semaphore_mem>>)
    %dma_start3A_110 = arith.constant 1 : i32
    %dma_start3A_111 = arith.constant 1 : i32
    %dma_start3A_112 = arith.constant 0 : i32
    %dma_start3A_113 = tpu.memref_slice %arg9[%rem3A_95, %dma_start3A_111, %dma_start3A_112] : memref<4x2x80xi32, #tpu.memory_space<vmem>> -> memref<1x1x80xi32, #tpu.memory_space<vmem>>
    %dma_start3A_114 = tpu.memref_squeeze %dma_start3A_113 : memref<1x1x80xi32, #tpu.memory_space<vmem>> -> memref<80xi32, #tpu.memory_space<vmem>>
    %dma_start3A_115 = arith.constant 0 : i32
    %dma_start3A_116 = tpu.memref_slice %arg7[%add3A, %dma_start3A_110, %dma_start3A_115] : memref<32x125x80xi32, #tpu.memory_space<hbm>> -> memref<1x1x80xi32, #tpu.memory_space<hbm>>
    %dma_start3A_117 = tpu.memref_squeeze %dma_start3A_116 : memref<1x1x80xi32, #tpu.memory_space<hbm>> -> memref<80xi32, #tpu.memory_space<hbm>>
    %dma_start3A_118 = arith.constant 0 : i32
    %dma_start3A_119 = tpu.memref_slice %arg9[%rem3A_95, %dma_start3A_111, %dma_start3A_118] : memref<4x2x80xi32, #tpu.memory_space<vmem>> -> memref<1x1x80xi32, #tpu.memory_space<vmem>>
    %dma_start3A_120 = tpu.memref_squeeze %dma_start3A_119 : memref<1x1x80xi32, #tpu.memory_space<vmem>> -> memref<80xi32, #tpu.memory_space<vmem>>
    %dma_start3A_121 = arith.constant 0 : i32
    %dma_start3A_122 = tpu.memref_slice %arg7[%add3A, %dma_start3A_110, %dma_start3A_121] : memref<32x125x80xi32, #tpu.memory_space<hbm>> -> memref<1x1x80xi32, #tpu.memory_space<hbm>>
    %dma_start3A_123 = tpu.memref_squeeze %dma_start3A_122 : memref<1x1x80xi32, #tpu.memory_space<hbm>> -> memref<80xi32, #tpu.memory_space<hbm>>
    tpu.enqueue_dma source(%dma_start3A_123 : memref<80xi32, #tpu.memory_space<hbm>>) target(%dma_start3A_120 : memref<80xi32, #tpu.memory_space<vmem>>) target_semaphore(%arg16 : memref<!tpu.dma_semaphore, #tpu.memory_space<semaphore_mem>>)
    %scan3A_124 = arith.constant 0 : i32
    %scan3A_125 = arith.constant 125 : i32
    %scan3A_126 = arith.addi %scan3A_124, %scan3A_125 : i32
    %scan3A_127 = arith.constant 1 : i32
    scf.for %scan3A_185 = %scan3A_124 to %scan3A_126 step %scan3A_127  : i32 {
      %mul3A_186 = arith.constant 1 : i32
      %mul3A_187 = arith.muli %scan3A_185, %mul3A_186 : i32
      %add3A_188 = arith.constant 0 : i32
      %add3A_189 = arith.addi %add3A_188, %mul3A_187 : i32
      %rem3A_190 = arith.constant 2 : i32
      %rem3A_191 = arith.remsi %add3A_189, %rem3A_190 : i32
      %add3A_192 = arith.constant 1 : i32
      %add3A_193 = arith.addi %add3A_189, %add3A_192 : i32
      %lt3A = arith.constant 125 : i32
      %lt3A_194 = arith.cmpi slt, %add3A_193, %lt3A : i32
      %convert_element_type3A = arith.extui %lt3A_194 : i1 to i32
      %cond3A = arith.constant 0 : i32
      %cond3A_195 = arith.cmpi ne, %convert_element_type3A, %cond3A : i32
      scf.if %cond3A_195 {
        %add3A_286 = arith.constant 1 : i32
        %add3A_287 = arith.addi %add3A_189, %add3A_286 : i32
        %rem3A_288 = arith.constant 4 : i32
        %rem3A_289 = arith.remsi %add3A_287, %rem3A_288 : i32
        %dma_wait3A_290 = arith.constant 0 : i32
        %dma_wait3A_291 = arith.constant 0 : i32
        %dma_wait3A_292 = tpu.memref_slice %arg9[%rem3A_289, %dma_wait3A_290, %dma_wait3A_291] : memref<4x2x80xi32, #tpu.memory_space<vmem>> -> memref<1x1x80xi32, #tpu.memory_space<vmem>>
        %dma_wait3A_293 = tpu.memref_squeeze %dma_wait3A_292 : memref<1x1x80xi32, #tpu.memory_space<vmem>> -> memref<80xi32, #tpu.memory_space<vmem>>
        %dma_wait3A_294 = arith.constant 0 : i32
        %dma_wait3A_295 = tpu.memref_slice %arg6[%add3A, %add3A_287, %dma_wait3A_294] : memref<32x125x80xi32, #tpu.memory_space<hbm>> -> memref<1x1x80xi32, #tpu.memory_space<hbm>>
        %dma_wait3A_296 = tpu.memref_squeeze %dma_wait3A_295 : memref<1x1x80xi32, #tpu.memory_space<hbm>> -> memref<80xi32, #tpu.memory_space<hbm>>
        %dma_wait3A_297 = arith.constant 0 : i32
        %dma_wait3A_298 = tpu.memref_slice %arg9[%rem3A_289, %dma_wait3A_290, %dma_wait3A_297] : memref<4x2x80xi32, #tpu.memory_space<vmem>> -> memref<1x1x80xi32, #tpu.memory_space<vmem>>
        %dma_wait3A_299 = tpu.memref_squeeze %dma_wait3A_298 : memref<1x1x80xi32, #tpu.memory_space<vmem>> -> memref<80xi32, #tpu.memory_space<vmem>>
        %dma_wait3A_300 = arith.constant 0 : i32
        %dma_wait3A_301 = tpu.memref_slice %arg6[%add3A, %add3A_287, %dma_wait3A_300] : memref<32x125x80xi32, #tpu.memory_space<hbm>> -> memref<1x1x80xi32, #tpu.memory_space<hbm>>
        %dma_wait3A_302 = tpu.memref_squeeze %dma_wait3A_301 : memref<1x1x80xi32, #tpu.memory_space<hbm>> -> memref<80xi32, #tpu.memory_space<hbm>>
        tpu.wait_dma2 semaphore(%arg16 : memref<!tpu.dma_semaphore, #tpu.memory_space<semaphore_mem>>) src(%dma_wait3A_302 : memref<80xi32, #tpu.memory_space<hbm>>) dst(%dma_wait3A_299 : memref<80xi32, #tpu.memory_space<vmem>>)
        %dma_wait3A_303 = arith.constant 1 : i32
        %dma_wait3A_304 = arith.constant 0 : i32
        %dma_wait3A_305 = tpu.memref_slice %arg9[%rem3A_289, %dma_wait3A_303, %dma_wait3A_304] : memref<4x2x80xi32, #tpu.memory_space<vmem>> -> memref<1x1x80xi32, #tpu.memory_space<vmem>>
        %dma_wait3A_306 = tpu.memref_squeeze %dma_wait3A_305 : memref<1x1x80xi32, #tpu.memory_space<vmem>> -> memref<80xi32, #tpu.memory_space<vmem>>
        %dma_wait3A_307 = arith.constant 0 : i32
        %dma_wait3A_308 = tpu.memref_slice %arg7[%add3A, %add3A_287, %dma_wait3A_307] : memref<32x125x80xi32, #tpu.memory_space<hbm>> -> memref<1x1x80xi32, #tpu.memory_space<hbm>>
        %dma_wait3A_309 = tpu.memref_squeeze %dma_wait3A_308 : memref<1x1x80xi32, #tpu.memory_space<hbm>> -> memref<80xi32, #tpu.memory_space<hbm>>
        %dma_wait3A_310 = arith.constant 0 : i32
        %dma_wait3A_311 = tpu.memref_slice %arg9[%rem3A_289, %dma_wait3A_303, %dma_wait3A_310] : memref<4x2x80xi32, #tpu.memory_space<vmem>> -> memref<1x1x80xi32, #tpu.memory_space<vmem>>
        %dma_wait3A_312 = tpu.memref_squeeze %dma_wait3A_311 : memref<1x1x80xi32, #tpu.memory_space<vmem>> -> memref<80xi32, #tpu.memory_space<vmem>>
        %dma_wait3A_313 = arith.constant 0 : i32
        %dma_wait3A_314 = tpu.memref_slice %arg7[%add3A, %add3A_287, %dma_wait3A_313] : memref<32x125x80xi32, #tpu.memory_space<hbm>> -> memref<1x1x80xi32, #tpu.memory_space<hbm>>
        %dma_wait3A_315 = tpu.memref_squeeze %dma_wait3A_314 : memref<1x1x80xi32, #tpu.memory_space<hbm>> -> memref<80xi32, #tpu.memory_space<hbm>>
        tpu.wait_dma2 semaphore(%arg16 : memref<!tpu.dma_semaphore, #tpu.memory_space<semaphore_mem>>) src(%dma_wait3A_315 : memref<80xi32, #tpu.memory_space<hbm>>) dst(%dma_wait3A_312 : memref<80xi32, #tpu.memory_space<vmem>>)
        %add3A_316 = arith.constant 1 : i32
        %add3A_317 = arith.addi %add3A_189, %add3A_316 : i32
        %sub3A_318 = arith.constant 1 : i32
        %sub3A_319 = arith.subi %sub3A_318, %rem3A_191 : i32
        %mul3A_320 = arith.constant 80 : i32
        %mul3A_321 = arith.muli %add3A_317, %mul3A_320 : i32
        %add3A_322 = arith.addi %mul3A_2, %mul3A_321 : i32
        %rem3A_323 = arith.constant 4 : i32
        %rem3A_324 = arith.remsi %add3A_317, %rem3A_323 : i32
        %dma_start3A_325 = arith.constant 0 : i32
        %dma_start3A_326 = arith.constant 0 : i32
        %dma_start3A_327 = tpu.memref_slice %arg12[%sub3A_319, %dma_start3A_325, %dma_start3A_326] : memref<2x80x128xf32, #tpu.memory_space<vmem>> -> memref<1x80x128xf32, #tpu.memory_space<vmem>>
        %dma_start3A_328 = tpu.memref_squeeze %dma_start3A_327 : memref<1x80x128xf32, #tpu.memory_space<vmem>> -> memref<80x128xf32, #tpu.memory_space<vmem>>
        %dma_start3A_329 = arith.constant 0 : i32
        %dma_start3A_330 = tpu.memref_slice %arg4[%add3A_322, %dma_start3A_329] : memref<320000x128xf32, #tpu.memory_space<hbm>> -> memref<80x128xf32, #tpu.memory_space<hbm>>
        %dma_start3A_331 = tpu.memref_slice %arg18[%sub3A_319] : memref<2x!tpu.dma_semaphore, #tpu.memory_space<semaphore_mem>> -> memref<1x!tpu.dma_semaphore, #tpu.memory_space<semaphore_mem>>
        %dma_start3A_332 = tpu.memref_squeeze %dma_start3A_331 : memref<1x!tpu.dma_semaphore, #tpu.memory_space<semaphore_mem>> -> memref<!tpu.dma_semaphore, #tpu.memory_space<semaphore_mem>>
        %dma_start3A_333 = arith.constant 0 : i32
        %dma_start3A_334 = arith.constant 0 : i32
        %dma_start3A_335 = tpu.memref_slice %arg12[%sub3A_319, %dma_start3A_333, %dma_start3A_334] : memref<2x80x128xf32, #tpu.memory_space<vmem>> -> memref<1x80x128xf32, #tpu.memory_space<vmem>>
        %dma_start3A_336 = tpu.memref_squeeze %dma_start3A_335 : memref<1x80x128xf32, #tpu.memory_space<vmem>> -> memref<80x128xf32, #tpu.memory_space<vmem>>
        %dma_start3A_337 = arith.constant 0 : i32
        %dma_start3A_338 = tpu.memref_slice %arg4[%add3A_322, %dma_start3A_337] : memref<320000x128xf32, #tpu.memory_space<hbm>> -> memref<80x128xf32, #tpu.memory_space<hbm>>
        tpu.enqueue_dma source(%dma_start3A_338 : memref<80x128xf32, #tpu.memory_space<hbm>>) target(%dma_start3A_336 : memref<80x128xf32, #tpu.memory_space<vmem>>) target_semaphore(%dma_start3A_332 : memref<!tpu.dma_semaphore, #tpu.memory_space<semaphore_mem>>)
        %dma_start3A_339 = arith.constant 0 : i32
        %dma_start3A_340 = arith.constant 0 : i32
        %dma_start3A_341 = tpu.memref_slice %arg13[%sub3A_319, %dma_start3A_339, %dma_start3A_340] : memref<2x80x16xf32, #tpu.memory_space<vmem>> -> memref<1x80x16xf32, #tpu.memory_space<vmem>>
        %dma_start3A_342 = tpu.memref_squeeze %dma_start3A_341 : memref<1x80x16xf32, #tpu.memory_space<vmem>> -> memref<80x16xf32, #tpu.memory_space<vmem>>
        %dma_start3A_343 = arith.constant 0 : i32
        %dma_start3A_344 = tpu.memref_slice %arg5[%add3A_322, %dma_start3A_343] : memref<320000x16xf32, #tpu.memory_space<hbm>> -> memref<80x16xf32, #tpu.memory_space<hbm>>
        %dma_start3A_345 = tpu.memref_slice %arg18[%sub3A_319] : memref<2x!tpu.dma_semaphore, #tpu.memory_space<semaphore_mem>> -> memref<1x!tpu.dma_semaphore, #tpu.memory_space<semaphore_mem>>
        %dma_start3A_346 = tpu.memref_squeeze %dma_start3A_345 : memref<1x!tpu.dma_semaphore, #tpu.memory_space<semaphore_mem>> -> memref<!tpu.dma_semaphore, #tpu.memory_space<semaphore_mem>>
        %dma_start3A_347 = arith.constant 0 : i32
        %dma_start3A_348 = arith.constant 0 : i32
        %dma_start3A_349 = tpu.memref_slice %arg13[%sub3A_319, %dma_start3A_347, %dma_start3A_348] : memref<2x80x16xf32, #tpu.memory_space<vmem>> -> memref<1x80x16xf32, #tpu.memory_space<vmem>>
        %dma_start3A_350 = tpu.memref_squeeze %dma_start3A_349 : memref<1x80x16xf32, #tpu.memory_space<vmem>> -> memref<80x16xf32, #tpu.memory_space<vmem>>
        %dma_start3A_351 = arith.constant 0 : i32
        %dma_start3A_352 = tpu.memref_slice %arg5[%add3A_322, %dma_start3A_351] : memref<320000x16xf32, #tpu.memory_space<hbm>> -> memref<80x16xf32, #tpu.memory_space<hbm>>
        tpu.enqueue_dma source(%dma_start3A_352 : memref<80x16xf32, #tpu.memory_space<hbm>>) target(%dma_start3A_350 : memref<80x16xf32, #tpu.memory_space<vmem>>) target_semaphore(%dma_start3A_346 : memref<!tpu.dma_semaphore, #tpu.memory_space<semaphore_mem>>)
        %dma_start3A_353 = arith.constant 0 : i32
        %dma_start3A_354 = arith.constant 0 : i32
        %dma_start3A_355 = arith.constant 0 : i32
        %dma_start3A_356 = tpu.memref_slice %arg10[%sub3A_319, %dma_start3A_354, %dma_start3A_355] : memref<2x80x128xf32, #tpu.memory_space<vmem>> -> memref<1x80x128xf32, #tpu.memory_space<vmem>>
        %dma_start3A_357 = tpu.memref_squeeze %dma_start3A_356 : memref<1x80x128xf32, #tpu.memory_space<vmem>> -> memref<80x128xf32, #tpu.memory_space<vmem>>
        %dma_start3A_358 = arith.constant 0 : i32
        %dma_start3A_359 = tpu.memref_slice %arg9[%rem3A_324, %dma_start3A_353, %dma_start3A_358] : memref<4x2x80xi32, #tpu.memory_space<vmem>> -> memref<1x1x80xi32, #tpu.memory_space<vmem>>
        %dma_start3A_360 = tpu.memref_squeeze %dma_start3A_359 : memref<1x1x80xi32, #tpu.memory_space<vmem>> -> memref<80xi32, #tpu.memory_space<vmem>>
        %dma_start3A_361 = arith.constant 0 : i32
        %dma_start3A_362 = arith.constant 0 : i32
        %dma_start3A_363 = tpu.memref_slice %arg2[%dma_start3A_361, %dma_start3A_362] : memref<10000x128xf32, #tpu.memory_space<hbm>> -> memref<10000x128xf32, #tpu.memory_space<hbm>>
        %dma_start3A_364 = tpu.memref_slice %arg17[%sub3A_319] : memref<2x!tpu.dma_semaphore, #tpu.memory_space<semaphore_mem>> -> memref<1x!tpu.dma_semaphore, #tpu.memory_space<semaphore_mem>>
        %dma_start3A_365 = tpu.memref_squeeze %dma_start3A_364 : memref<1x!tpu.dma_semaphore, #tpu.memory_space<semaphore_mem>> -> memref<!tpu.dma_semaphore, #tpu.memory_space<semaphore_mem>>
        tpu.enqueue_indirect_dma source(%dma_start3A_363 : memref<10000x128xf32, #tpu.memory_space<hbm>>) target(%dma_start3A_357 : memref<80x128xf32, #tpu.memory_space<vmem>>) offsets(%dma_start3A_360 : memref<80xi32, #tpu.memory_space<vmem>>) semaphore(%dma_start3A_365 : memref<!tpu.dma_semaphore, #tpu.memory_space<semaphore_mem>>)
        %dma_start3A_366 = arith.constant 1 : i32
        %dma_start3A_367 = arith.constant 0 : i32
        %dma_start3A_368 = arith.constant 0 : i32
        %dma_start3A_369 = tpu.memref_slice %arg11[%sub3A_319, %dma_start3A_367, %dma_start3A_368] : memref<2x80x16xf32, #tpu.memory_space<vmem>> -> memref<1x80x16xf32, #tpu.memory_space<vmem>>
        %dma_start3A_370 = tpu.memref_squeeze %dma_start3A_369 : memref<1x80x16xf32, #tpu.memory_space<vmem>> -> memref<80x16xf32, #tpu.memory_space<vmem>>
        %dma_start3A_371 = arith.constant 0 : i32
        %dma_start3A_372 = tpu.memref_slice %arg9[%rem3A_324, %dma_start3A_366, %dma_start3A_371] : memref<4x2x80xi32, #tpu.memory_space<vmem>> -> memref<1x1x80xi32, #tpu.memory_space<vmem>>
        %dma_start3A_373 = tpu.memref_squeeze %dma_start3A_372 : memref<1x1x80xi32, #tpu.memory_space<vmem>> -> memref<80xi32, #tpu.memory_space<vmem>>
        %dma_start3A_374 = arith.constant 0 : i32
        %dma_start3A_375 = arith.constant 0 : i32
        %dma_start3A_376 = tpu.memref_slice %arg3[%dma_start3A_374, %dma_start3A_375] : memref<10000x16xf32, #tpu.memory_space<hbm>> -> memref<10000x16xf32, #tpu.memory_space<hbm>>
        %dma_start3A_377 = tpu.memref_slice %arg17[%sub3A_319] : memref<2x!tpu.dma_semaphore, #tpu.memory_space<semaphore_mem>> -> memref<1x!tpu.dma_semaphore, #tpu.memory_space<semaphore_mem>>
        %dma_start3A_378 = tpu.memref_squeeze %dma_start3A_377 : memref<1x!tpu.dma_semaphore, #tpu.memory_space<semaphore_mem>> -> memref<!tpu.dma_semaphore, #tpu.memory_space<semaphore_mem>>
        tpu.enqueue_indirect_dma source(%dma_start3A_376 : memref<10000x16xf32, #tpu.memory_space<hbm>>) target(%dma_start3A_370 : memref<80x16xf32, #tpu.memory_space<vmem>>) offsets(%dma_start3A_373 : memref<80xi32, #tpu.memory_space<vmem>>) semaphore(%dma_start3A_378 : memref<!tpu.dma_semaphore, #tpu.memory_space<semaphore_mem>>)
      } else {
      }
      %ge3A = arith.constant 2 : i32
      %ge3A_196 = arith.cmpi sge, %add3A_189, %ge3A : i32
      %convert_element_type3A_197 = arith.extui %ge3A_196 : i1 to i32
      %cond3A_198 = arith.constant 0 : i32
      %cond3A_199 = arith.cmpi ne, %convert_element_type3A_197, %cond3A_198 : i32
      scf.if %cond3A_199 {
        %sub3A_286 = arith.constant 2 : i32
        %sub3A_287 = arith.subi %add3A_189, %sub3A_286 : i32
        %rem3A_288 = arith.constant 4 : i32
        %rem3A_289 = arith.remsi %sub3A_287, %rem3A_288 : i32
        %dma_wait3A_290 = arith.constant 1 : i32
        %dma_wait3A_291 = arith.constant 0 : i32
        %dma_wait3A_292 = arith.constant 0 : i32
        %dma_wait3A_293 = tpu.memref_slice %arg14[%rem3A_191, %dma_wait3A_291, %dma_wait3A_292] : memref<2x80x16xf32, #tpu.memory_space<vmem>> -> memref<1x80x16xf32, #tpu.memory_space<vmem>>
        %dma_wait3A_294 = tpu.memref_squeeze %dma_wait3A_293 : memref<1x80x16xf32, #tpu.memory_space<vmem>> -> memref<80x16xf32, #tpu.memory_space<vmem>>
        %dma_wait3A_295 = arith.constant 0 : i32
        %dma_wait3A_296 = tpu.memref_slice %arg9[%rem3A_289, %dma_wait3A_290, %dma_wait3A_295] : memref<4x2x80xi32, #tpu.memory_space<vmem>> -> memref<1x1x80xi32, #tpu.memory_space<vmem>>
        %dma_wait3A_297 = tpu.memref_squeeze %dma_wait3A_296 : memref<1x1x80xi32, #tpu.memory_space<vmem>> -> memref<80xi32, #tpu.memory_space<vmem>>
        %dma_wait3A_298 = arith.constant 0 : i32
        %dma_wait3A_299 = arith.constant 0 : i32
        %dma_wait3A_300 = tpu.memref_slice %arg15[%dma_wait3A_298, %dma_wait3A_299] : memref<10000x16xf32, #tpu.memory_space<vmem_shared>> -> memref<10000x16xf32, #tpu.memory_space<vmem_shared>>
        %dma_wait3A_301 = tpu.memref_slice %arg19[%rem3A_191] : memref<2x!tpu.dma_semaphore, #tpu.memory_space<semaphore_mem>> -> memref<1x!tpu.dma_semaphore, #tpu.memory_space<semaphore_mem>>
        %dma_wait3A_302 = tpu.memref_squeeze %dma_wait3A_301 : memref<1x!tpu.dma_semaphore, #tpu.memory_space<semaphore_mem>> -> memref<!tpu.dma_semaphore, #tpu.memory_space<semaphore_mem>>
        tpu.wait_indirect_dma semaphore(%dma_wait3A_302 : memref<!tpu.dma_semaphore, #tpu.memory_space<semaphore_mem>>) src(%dma_wait3A_294 : memref<80x16xf32, #tpu.memory_space<vmem>>) dst(%dma_wait3A_300 : memref<10000x16xf32, #tpu.memory_space<vmem_shared>>)
      } else {
      }
      %add3A_200 = arith.constant 2 : i32
      %add3A_201 = arith.addi %add3A_189, %add3A_200 : i32
      %lt3A_202 = arith.constant 125 : i32
      %lt3A_203 = arith.cmpi slt, %add3A_201, %lt3A_202 : i32
      %convert_element_type3A_204 = arith.extui %lt3A_203 : i1 to i32
      %cond3A_205 = arith.constant 0 : i32
      %cond3A_206 = arith.cmpi ne, %convert_element_type3A_204, %cond3A_205 : i32
      scf.if %cond3A_206 {
        %add3A_286 = arith.constant 2 : i32
        %add3A_287 = arith.addi %add3A_189, %add3A_286 : i32
        %rem3A_288 = arith.constant 4 : i32
        %rem3A_289 = arith.remsi %add3A_287, %rem3A_288 : i32
        %dma_start3A_290 = arith.constant 0 : i32
        %dma_start3A_291 = arith.constant 0 : i32
        %dma_start3A_292 = tpu.memref_slice %arg9[%rem3A_289, %dma_start3A_290, %dma_start3A_291] : memref<4x2x80xi32, #tpu.memory_space<vmem>> -> memref<1x1x80xi32, #tpu.memory_space<vmem>>
        %dma_start3A_293 = tpu.memref_squeeze %dma_start3A_292 : memref<1x1x80xi32, #tpu.memory_space<vmem>> -> memref<80xi32, #tpu.memory_space<vmem>>
        %dma_start3A_294 = arith.constant 0 : i32
        %dma_start3A_295 = tpu.memref_slice %arg6[%add3A, %add3A_287, %dma_start3A_294] : memref<32x125x80xi32, #tpu.memory_space<hbm>> -> memref<1x1x80xi32, #tpu.memory_space<hbm>>
        %dma_start3A_296 = tpu.memref_squeeze %dma_start3A_295 : memref<1x1x80xi32, #tpu.memory_space<hbm>> -> memref<80xi32, #tpu.memory_space<hbm>>
        %dma_start3A_297 = arith.constant 0 : i32
        %dma_start3A_298 = tpu.memref_slice %arg9[%rem3A_289, %dma_start3A_290, %dma_start3A_297] : memref<4x2x80xi32, #tpu.memory_space<vmem>> -> memref<1x1x80xi32, #tpu.memory_space<vmem>>
        %dma_start3A_299 = tpu.memref_squeeze %dma_start3A_298 : memref<1x1x80xi32, #tpu.memory_space<vmem>> -> memref<80xi32, #tpu.memory_space<vmem>>
        %dma_start3A_300 = arith.constant 0 : i32
        %dma_start3A_301 = tpu.memref_slice %arg6[%add3A, %add3A_287, %dma_start3A_300] : memref<32x125x80xi32, #tpu.memory_space<hbm>> -> memref<1x1x80xi32, #tpu.memory_space<hbm>>
        %dma_start3A_302 = tpu.memref_squeeze %dma_start3A_301 : memref<1x1x80xi32, #tpu.memory_space<hbm>> -> memref<80xi32, #tpu.memory_space<hbm>>
        tpu.enqueue_dma source(%dma_start3A_302 : memref<80xi32, #tpu.memory_space<hbm>>) target(%dma_start3A_299 : memref<80xi32, #tpu.memory_space<vmem>>) target_semaphore(%arg16 : memref<!tpu.dma_semaphore, #tpu.memory_space<semaphore_mem>>)
        %dma_start3A_303 = arith.constant 1 : i32
        %dma_start3A_304 = arith.constant 0 : i32
        %dma_start3A_305 = tpu.memref_slice %arg9[%rem3A_289, %dma_start3A_303, %dma_start3A_304] : memref<4x2x80xi32, #tpu.memory_space<vmem>> -> memref<1x1x80xi32, #tpu.memory_space<vmem>>
        %dma_start3A_306 = tpu.memref_squeeze %dma_start3A_305 : memref<1x1x80xi32, #tpu.memory_space<vmem>> -> memref<80xi32, #tpu.memory_space<vmem>>
        %dma_start3A_307 = arith.constant 0 : i32
        %dma_start3A_308 = tpu.memref_slice %arg7[%add3A, %add3A_287, %dma_start3A_307] : memref<32x125x80xi32, #tpu.memory_space<hbm>> -> memref<1x1x80xi32, #tpu.memory_space<hbm>>
        %dma_start3A_309 = tpu.memref_squeeze %dma_start3A_308 : memref<1x1x80xi32, #tpu.memory_space<hbm>> -> memref<80xi32, #tpu.memory_space<hbm>>
        %dma_start3A_310 = arith.constant 0 : i32
        %dma_start3A_311 = tpu.memref_slice %arg9[%rem3A_289, %dma_start3A_303, %dma_start3A_310] : memref<4x2x80xi32, #tpu.memory_space<vmem>> -> memref<1x1x80xi32, #tpu.memory_space<vmem>>
        %dma_start3A_312 = tpu.memref_squeeze %dma_start3A_311 : memref<1x1x80xi32, #tpu.memory_space<vmem>> -> memref<80xi32, #tpu.memory_space<vmem>>
        %dma_start3A_313 = arith.constant 0 : i32
        %dma_start3A_314 = tpu.memref_slice %arg7[%add3A, %add3A_287, %dma_start3A_313] : memref<32x125x80xi32, #tpu.memory_space<hbm>> -> memref<1x1x80xi32, #tpu.memory_space<hbm>>
        %dma_start3A_315 = tpu.memref_squeeze %dma_start3A_314 : memref<1x1x80xi32, #tpu.memory_space<hbm>> -> memref<80xi32, #tpu.memory_space<hbm>>
        tpu.enqueue_dma source(%dma_start3A_315 : memref<80xi32, #tpu.memory_space<hbm>>) target(%dma_start3A_312 : memref<80xi32, #tpu.memory_space<vmem>>) target_semaphore(%arg16 : memref<!tpu.dma_semaphore, #tpu.memory_space<semaphore_mem>>)
      } else {
      }
      %mul3A_207 = arith.constant 80 : i32
      %mul3A_208 = arith.muli %add3A_189, %mul3A_207 : i32
      %add3A_209 = arith.addi %mul3A_2, %mul3A_208 : i32
      %rem3A_210 = arith.constant 4 : i32
      %rem3A_211 = arith.remsi %add3A_189, %rem3A_210 : i32
      %dma_wait3A_212 = arith.constant 0 : i32
      %dma_wait3A_213 = arith.constant 0 : i32
      %dma_wait3A_214 = tpu.memref_slice %arg12[%rem3A_191, %dma_wait3A_212, %dma_wait3A_213] : memref<2x80x128xf32, #tpu.memory_space<vmem>> -> memref<1x80x128xf32, #tpu.memory_space<vmem>>
      %dma_wait3A_215 = tpu.memref_squeeze %dma_wait3A_214 : memref<1x80x128xf32, #tpu.memory_space<vmem>> -> memref<80x128xf32, #tpu.memory_space<vmem>>
      %dma_wait3A_216 = arith.constant 0 : i32
      %dma_wait3A_217 = tpu.memref_slice %arg4[%add3A_209, %dma_wait3A_216] : memref<320000x128xf32, #tpu.memory_space<hbm>> -> memref<80x128xf32, #tpu.memory_space<hbm>>
      %dma_wait3A_218 = tpu.memref_slice %arg18[%rem3A_191] : memref<2x!tpu.dma_semaphore, #tpu.memory_space<semaphore_mem>> -> memref<1x!tpu.dma_semaphore, #tpu.memory_space<semaphore_mem>>
      %dma_wait3A_219 = tpu.memref_squeeze %dma_wait3A_218 : memref<1x!tpu.dma_semaphore, #tpu.memory_space<semaphore_mem>> -> memref<!tpu.dma_semaphore, #tpu.memory_space<semaphore_mem>>
      %dma_wait3A_220 = arith.constant 0 : i32
      %dma_wait3A_221 = arith.constant 0 : i32
      %dma_wait3A_222 = tpu.memref_slice %arg12[%rem3A_191, %dma_wait3A_220, %dma_wait3A_221] : memref<2x80x128xf32, #tpu.memory_space<vmem>> -> memref<1x80x128xf32, #tpu.memory_space<vmem>>
      %dma_wait3A_223 = tpu.memref_squeeze %dma_wait3A_222 : memref<1x80x128xf32, #tpu.memory_space<vmem>> -> memref<80x128xf32, #tpu.memory_space<vmem>>
      %dma_wait3A_224 = arith.constant 0 : i32
      %dma_wait3A_225 = tpu.memref_slice %arg4[%add3A_209, %dma_wait3A_224] : memref<320000x128xf32, #tpu.memory_space<hbm>> -> memref<80x128xf32, #tpu.memory_space<hbm>>
      tpu.wait_dma2 semaphore(%dma_wait3A_219 : memref<!tpu.dma_semaphore, #tpu.memory_space<semaphore_mem>>) src(%dma_wait3A_225 : memref<80x128xf32, #tpu.memory_space<hbm>>) dst(%dma_wait3A_223 : memref<80x128xf32, #tpu.memory_space<vmem>>)
      %dma_wait3A_226 = arith.constant 0 : i32
      %dma_wait3A_227 = arith.constant 0 : i32
      %dma_wait3A_228 = tpu.memref_slice %arg13[%rem3A_191, %dma_wait3A_226, %dma_wait3A_227] : memref<2x80x16xf32, #tpu.memory_space<vmem>> -> memref<1x80x16xf32, #tpu.memory_space<vmem>>
      %dma_wait3A_229 = tpu.memref_squeeze %dma_wait3A_228 : memref<1x80x16xf32, #tpu.memory_space<vmem>> -> memref<80x16xf32, #tpu.memory_space<vmem>>
      %dma_wait3A_230 = arith.constant 0 : i32
      %dma_wait3A_231 = tpu.memref_slice %arg5[%add3A_209, %dma_wait3A_230] : memref<320000x16xf32, #tpu.memory_space<hbm>> -> memref<80x16xf32, #tpu.memory_space<hbm>>
      %dma_wait3A_232 = tpu.memref_slice %arg18[%rem3A_191] : memref<2x!tpu.dma_semaphore, #tpu.memory_space<semaphore_mem>> -> memref<1x!tpu.dma_semaphore, #tpu.memory_space<semaphore_mem>>
      %dma_wait3A_233 = tpu.memref_squeeze %dma_wait3A_232 : memref<1x!tpu.dma_semaphore, #tpu.memory_space<semaphore_mem>> -> memref<!tpu.dma_semaphore, #tpu.memory_space<semaphore_mem>>
      %dma_wait3A_234 = arith.constant 0 : i32
      %dma_wait3A_235 = arith.constant 0 : i32
      %dma_wait3A_236 = tpu.memref_slice %arg13[%rem3A_191, %dma_wait3A_234, %dma_wait3A_235] : memref<2x80x16xf32, #tpu.memory_space<vmem>> -> memref<1x80x16xf32, #tpu.memory_space<vmem>>
      %dma_wait3A_237 = tpu.memref_squeeze %dma_wait3A_236 : memref<1x80x16xf32, #tpu.memory_space<vmem>> -> memref<80x16xf32, #tpu.memory_space<vmem>>
      %dma_wait3A_238 = arith.constant 0 : i32
      %dma_wait3A_239 = tpu.memref_slice %arg5[%add3A_209, %dma_wait3A_238] : memref<320000x16xf32, #tpu.memory_space<hbm>> -> memref<80x16xf32, #tpu.memory_space<hbm>>
      tpu.wait_dma2 semaphore(%dma_wait3A_233 : memref<!tpu.dma_semaphore, #tpu.memory_space<semaphore_mem>>) src(%dma_wait3A_239 : memref<80x16xf32, #tpu.memory_space<hbm>>) dst(%dma_wait3A_237 : memref<80x16xf32, #tpu.memory_space<vmem>>)
      %dma_wait3A_240 = arith.constant 0 : i32
      %dma_wait3A_241 = arith.constant 0 : i32
      %dma_wait3A_242 = arith.constant 0 : i32
      %dma_wait3A_243 = tpu.memref_slice %arg10[%rem3A_191, %dma_wait3A_241, %dma_wait3A_242] : memref<2x80x128xf32, #tpu.memory_space<vmem>> -> memref<1x80x128xf32, #tpu.memory_space<vmem>>
      %dma_wait3A_244 = tpu.memref_squeeze %dma_wait3A_243 : memref<1x80x128xf32, #tpu.memory_space<vmem>> -> memref<80x128xf32, #tpu.memory_space<vmem>>
      %dma_wait3A_245 = arith.constant 0 : i32
      %dma_wait3A_246 = tpu.memref_slice %arg9[%rem3A_211, %dma_wait3A_240, %dma_wait3A_245] : memref<4x2x80xi32, #tpu.memory_space<vmem>> -> memref<1x1x80xi32, #tpu.memory_space<vmem>>
      %dma_wait3A_247 = tpu.memref_squeeze %dma_wait3A_246 : memref<1x1x80xi32, #tpu.memory_space<vmem>> -> memref<80xi32, #tpu.memory_space<vmem>>
      %dma_wait3A_248 = arith.constant 0 : i32
      %dma_wait3A_249 = arith.constant 0 : i32
      %dma_wait3A_250 = tpu.memref_slice %arg2[%dma_wait3A_248, %dma_wait3A_249] : memref<10000x128xf32, #tpu.memory_space<hbm>> -> memref<10000x128xf32, #tpu.memory_space<hbm>>
      %dma_wait3A_251 = tpu.memref_slice %arg17[%rem3A_191] : memref<2x!tpu.dma_semaphore, #tpu.memory_space<semaphore_mem>> -> memref<1x!tpu.dma_semaphore, #tpu.memory_space<semaphore_mem>>
      %dma_wait3A_252 = tpu.memref_squeeze %dma_wait3A_251 : memref<1x!tpu.dma_semaphore, #tpu.memory_space<semaphore_mem>> -> memref<!tpu.dma_semaphore, #tpu.memory_space<semaphore_mem>>
      tpu.wait_indirect_dma semaphore(%dma_wait3A_252 : memref<!tpu.dma_semaphore, #tpu.memory_space<semaphore_mem>>) src(%dma_wait3A_250 : memref<10000x128xf32, #tpu.memory_space<hbm>>) dst(%dma_wait3A_244 : memref<80x128xf32, #tpu.memory_space<vmem>>)
      %dma_wait3A_253 = arith.constant 1 : i32
      %dma_wait3A_254 = arith.constant 0 : i32
      %dma_wait3A_255 = arith.constant 0 : i32
      %dma_wait3A_256 = tpu.memref_slice %arg11[%rem3A_191, %dma_wait3A_254, %dma_wait3A_255] : memref<2x80x16xf32, #tpu.memory_space<vmem>> -> memref<1x80x16xf32, #tpu.memory_space<vmem>>
      %dma_wait3A_257 = tpu.memref_squeeze %dma_wait3A_256 : memref<1x80x16xf32, #tpu.memory_space<vmem>> -> memref<80x16xf32, #tpu.memory_space<vmem>>
      %dma_wait3A_258 = arith.constant 0 : i32
      %dma_wait3A_259 = tpu.memref_slice %arg9[%rem3A_211, %dma_wait3A_253, %dma_wait3A_258] : memref<4x2x80xi32, #tpu.memory_space<vmem>> -> memref<1x1x80xi32, #tpu.memory_space<vmem>>
      %dma_wait3A_260 = tpu.memref_squeeze %dma_wait3A_259 : memref<1x1x80xi32, #tpu.memory_space<vmem>> -> memref<80xi32, #tpu.memory_space<vmem>>
      %dma_wait3A_261 = arith.constant 0 : i32
      %dma_wait3A_262 = arith.constant 0 : i32
      %dma_wait3A_263 = tpu.memref_slice %arg3[%dma_wait3A_261, %dma_wait3A_262] : memref<10000x16xf32, #tpu.memory_space<hbm>> -> memref<10000x16xf32, #tpu.memory_space<hbm>>
      %dma_wait3A_264 = tpu.memref_slice %arg17[%rem3A_191] : memref<2x!tpu.dma_semaphore, #tpu.memory_space<semaphore_mem>> -> memref<1x!tpu.dma_semaphore, #tpu.memory_space<semaphore_mem>>
      %dma_wait3A_265 = tpu.memref_squeeze %dma_wait3A_264 : memref<1x!tpu.dma_semaphore, #tpu.memory_space<semaphore_mem>> -> memref<!tpu.dma_semaphore, #tpu.memory_space<semaphore_mem>>
      tpu.wait_indirect_dma semaphore(%dma_wait3A_265 : memref<!tpu.dma_semaphore, #tpu.memory_space<semaphore_mem>>) src(%dma_wait3A_263 : memref<10000x16xf32, #tpu.memory_space<hbm>>) dst(%dma_wait3A_257 : memref<80x16xf32, #tpu.memory_space<vmem>>)
      %scan3A_266 = arith.constant 0 : i32
      %scan3A_267 = arith.constant 80 : i32
      %scan3A_268 = arith.addi %scan3A_266, %scan3A_267 : i32
      %scan3A_269 = arith.constant 2 : i32
      scf.for %scan3A_286 = %scan3A_266 to %scan3A_268 step %scan3A_269  : i32 {
        %mul3A_287 = arith.constant 1 : i32
        %mul3A_288 = arith.muli %scan3A_286, %mul3A_287 : i32
        %add3A_289 = arith.constant 0 : i32
        %add3A_290 = arith.addi %add3A_289, %mul3A_288 : i32
        %get3A = arith.index_cast %rem3A_191 : i32 to index
        %get3A_291 = arith.index_cast %add3A_290 : i32 to index
        %get3A_292 = arith.constant 0 : index
        %get3A_293 = tpu.vector_load %arg13[%get3A, %get3A_291, %get3A_292] {strides = array<i32>} : memref<2x80x16xf32, #tpu.memory_space<vmem>>, vector<1x1x16xf32>,
        %get3A_294 = vector.shape_cast %get3A_293 : vector<1x1x16xf32> to vector<16xf32>
        %get3A_295 = arith.index_cast %rem3A_191 : i32 to index
        %get3A_296 = arith.index_cast %add3A_290 : i32 to index
        %get3A_297 = arith.constant 0 : index
        %get3A_298 = tpu.vector_load %arg11[%get3A_295, %get3A_296, %get3A_297] {strides = array<i32>} : memref<2x80x16xf32, #tpu.memory_space<vmem>>, vector<1x1x16xf32>,
        %get3A_299 = vector.shape_cast %get3A_298 : vector<1x1x16xf32> to vector<16xf32>
        %mul3A_300 = arith.mulf %get3A_294, %get3A_299 : vector<16xf32>
        %get3A_301 = arith.index_cast %rem3A_191 : i32 to index
        %get3A_302 = arith.index_cast %add3A_290 : i32 to index
        %get3A_303 = arith.constant 0 : index
        %get3A_304 = tpu.vector_load %arg10[%get3A_301, %get3A_302, %get3A_303] {strides = array<i32>} : memref<2x80x128xf32, #tpu.memory_space<vmem>>, vector<1x1x16xf32>,
        %get3A_305 = vector.shape_cast %get3A_304 : vector<1x1x16xf32> to vector<16xf32>
        %get3A_306 = arith.index_cast %rem3A_191 : i32 to index
        %get3A_307 = arith.index_cast %add3A_290 : i32 to index
        %get3A_308 = arith.constant 0 : index
        %get3A_309 = tpu.vector_load %arg12[%get3A_306, %get3A_307, %get3A_308] {strides = array<i32>} : memref<2x80x128xf32, #tpu.memory_space<vmem>>, vector<1x1x16xf32>,
        %get3A_310 = vector.shape_cast %get3A_309 : vector<1x1x16xf32> to vector<16xf32>
        %add3A_311 = arith.addf %get3A_305, %get3A_310 : vector<16xf32>
        %slice3A = vector.extract_strided_slice %mul3A_300 {offsets = [0], sizes = [1], strides = [1]} : vector<16xf32> to vector<1xf32>
        %squeeze3A = vector.extract %slice3A[0] : f32 from vector<1xf32>
        %mul3A_312 = vector.broadcast %squeeze3A : f32 to vector<16xf32>
        %mul3A_313 = arith.mulf %add3A_311, %mul3A_312 : vector<16xf32>
        %get3A_314 = arith.index_cast %rem3A_191 : i32 to index
        %get3A_315 = arith.index_cast %add3A_290 : i32 to index
        %get3A_316 = arith.constant 16 : index
        %get3A_317 = tpu.vector_load %arg10[%get3A_314, %get3A_315, %get3A_316] {strides = array<i32>} : memref<2x80x128xf32, #tpu.memory_space<vmem>>, vector<1x1x16xf32>,
        %get3A_318 = vector.shape_cast %get3A_317 : vector<1x1x16xf32> to vector<16xf32>
        %get3A_319 = arith.index_cast %rem3A_191 : i32 to index
        %get3A_320 = arith.index_cast %add3A_290 : i32 to index
        %get3A_321 = arith.constant 16 : index
        %get3A_322 = tpu.vector_load %arg12[%get3A_319, %get3A_320, %get3A_321] {strides = array<i32>} : memref<2x80x128xf32, #tpu.memory_space<vmem>>, vector<1x1x16xf32>,
        %get3A_323 = vector.shape_cast %get3A_322 : vector<1x1x16xf32> to vector<16xf32>
        %add3A_324 = arith.addf %get3A_318, %get3A_323 : vector<16xf32>
        %slice3A_325 = vector.extract_strided_slice %mul3A_300 {offsets = [1], sizes = [1], strides = [1]} : vector<16xf32> to vector<1xf32>
        %squeeze3A_326 = vector.extract %slice3A_325[0] : f32 from vector<1xf32>
        %mul3A_327 = vector.broadcast %squeeze3A_326 : f32 to vector<16xf32>
        %mul3A_328 = arith.mulf %add3A_324, %mul3A_327 : vector<16xf32>
        %add3A_329 = arith.addf %mul3A_313, %mul3A_328 : vector<16xf32>
        %get3A_330 = arith.index_cast %rem3A_191 : i32 to index
        %get3A_331 = arith.index_cast %add3A_290 : i32 to index
        %get3A_332 = arith.constant 32 : index
        %get3A_333 = tpu.vector_load %arg10[%get3A_330, %get3A_331, %get3A_332] {strides = array<i32>} : memref<2x80x128xf32, #tpu.memory_space<vmem>>, vector<1x1x16xf32>,
        %get3A_334 = vector.shape_cast %get3A_333 : vector<1x1x16xf32> to vector<16xf32>
        %get3A_335 = arith.index_cast %rem3A_191 : i32 to index
        %get3A_336 = arith.index_cast %add3A_290 : i32 to index
        %get3A_337 = arith.constant 32 : index
        %get3A_338 = tpu.vector_load %arg12[%get3A_335, %get3A_336, %get3A_337] {strides = array<i32>} : memref<2x80x128xf32, #tpu.memory_space<vmem>>, vector<1x1x16xf32>,
        %get3A_339 = vector.shape_cast %get3A_338 : vector<1x1x16xf32> to vector<16xf32>
        %add3A_340 = arith.addf %get3A_334, %get3A_339 : vector<16xf32>
        %slice3A_341 = vector.extract_strided_slice %mul3A_300 {offsets = [2], sizes = [1], strides = [1]} : vector<16xf32> to vector<1xf32>
        %squeeze3A_342 = vector.extract %slice3A_341[0] : f32 from vector<1xf32>
        %mul3A_343 = vector.broadcast %squeeze3A_342 : f32 to vector<16xf32>
        %mul3A_344 = arith.mulf %add3A_340, %mul3A_343 : vector<16xf32>
        %add3A_345 = arith.addf %add3A_329, %mul3A_344 : vector<16xf32>
        %get3A_346 = arith.index_cast %rem3A_191 : i32 to index
        %get3A_347 = arith.index_cast %add3A_290 : i32 to index
        %get3A_348 = arith.constant 48 : index
        %get3A_349 = tpu.vector_load %arg10[%get3A_346, %get3A_347, %get3A_348] {strides = array<i32>} : memref<2x80x128xf32, #tpu.memory_space<vmem>>, vector<1x1x16xf32>,
        %get3A_350 = vector.shape_cast %get3A_349 : vector<1x1x16xf32> to vector<16xf32>
        %get3A_351 = arith.index_cast %rem3A_191 : i32 to index
        %get3A_352 = arith.index_cast %add3A_290 : i32 to index
        %get3A_353 = arith.constant 48 : index
        %get3A_354 = tpu.vector_load %arg12[%get3A_351, %get3A_352, %get3A_353] {strides = array<i32>} : memref<2x80x128xf32, #tpu.memory_space<vmem>>, vector<1x1x16xf32>,
        %get3A_355 = vector.shape_cast %get3A_354 : vector<1x1x16xf32> to vector<16xf32>
        %add3A_356 = arith.addf %get3A_350, %get3A_355 : vector<16xf32>
        %slice3A_357 = vector.extract_strided_slice %mul3A_300 {offsets = [3], sizes = [1], strides = [1]} : vector<16xf32> to vector<1xf32>
        %squeeze3A_358 = vector.extract %slice3A_357[0] : f32 from vector<1xf32>
        %mul3A_359 = vector.broadcast %squeeze3A_358 : f32 to vector<16xf32>
        %mul3A_360 = arith.mulf %add3A_356, %mul3A_359 : vector<16xf32>
        %add3A_361 = arith.addf %add3A_345, %mul3A_360 : vector<16xf32>
        %get3A_362 = arith.index_cast %rem3A_191 : i32 to index
        %get3A_363 = arith.index_cast %add3A_290 : i32 to index
        %get3A_364 = arith.constant 64 : index
        %get3A_365 = tpu.vector_load %arg10[%get3A_362, %get3A_363, %get3A_364] {strides = array<i32>} : memref<2x80x128xf32, #tpu.memory_space<vmem>>, vector<1x1x16xf32>,
        %get3A_366 = vector.shape_cast %get3A_365 : vector<1x1x16xf32> to vector<16xf32>
        %get3A_367 = arith.index_cast %rem3A_191 : i32 to index
        %get3A_368 = arith.index_cast %add3A_290 : i32 to index
        %get3A_369 = arith.constant 64 : index
        %get3A_370 = tpu.vector_load %arg12[%get3A_367, %get3A_368, %get3A_369] {strides = array<i32>} : memref<2x80x128xf32, #tpu.memory_space<vmem>>, vector<1x1x16xf32>,
        %get3A_371 = vector.shape_cast %get3A_370 : vector<1x1x16xf32> to vector<16xf32>
        %add3A_372 = arith.addf %get3A_366, %get3A_371 : vector<16xf32>
        %slice3A_373 = vector.extract_strided_slice %mul3A_300 {offsets = [4], sizes = [1], strides = [1]} : vector<16xf32> to vector<1xf32>
        %squeeze3A_374 = vector.extract %slice3A_373[0] : f32 from vector<1xf32>
        %mul3A_375 = vector.broadcast %squeeze3A_374 : f32 to vector<16xf32>
        %mul3A_376 = arith.mulf %add3A_372, %mul3A_375 : vector<16xf32>
        %add3A_377 = arith.addf %add3A_361, %mul3A_376 : vector<16xf32>
        %get3A_378 = arith.index_cast %rem3A_191 : i32 to index
        %get3A_379 = arith.index_cast %add3A_290 : i32 to index
        %get3A_380 = arith.constant 80 : index
        %get3A_381 = tpu.vector_load %arg10[%get3A_378, %get3A_379, %get3A_380] {strides = array<i32>} : memref<2x80x128xf32, #tpu.memory_space<vmem>>, vector<1x1x16xf32>,
        %get3A_382 = vector.shape_cast %get3A_381 : vector<1x1x16xf32> to vector<16xf32>
        %get3A_383 = arith.index_cast %rem3A_191 : i32 to index
        %get3A_384 = arith.index_cast %add3A_290 : i32 to index
        %get3A_385 = arith.constant 80 : index
        %get3A_386 = tpu.vector_load %arg12[%get3A_383, %get3A_384, %get3A_385] {strides = array<i32>} : memref<2x80x128xf32, #tpu.memory_space<vmem>>, vector<1x1x16xf32>,
        %get3A_387 = vector.shape_cast %get3A_386 : vector<1x1x16xf32> to vector<16xf32>
        %add3A_388 = arith.addf %get3A_382, %get3A_387 : vector<16xf32>
        %slice3A_389 = vector.extract_strided_slice %mul3A_300 {offsets = [5], sizes = [1], strides = [1]} : vector<16xf32> to vector<1xf32>
        %squeeze3A_390 = vector.extract %slice3A_389[0] : f32 from vector<1xf32>
        %mul3A_391 = vector.broadcast %squeeze3A_390 : f32 to vector<16xf32>
        %mul3A_392 = arith.mulf %add3A_388, %mul3A_391 : vector<16xf32>
        %add3A_393 = arith.addf %add3A_377, %mul3A_392 : vector<16xf32>
        %get3A_394 = arith.index_cast %rem3A_191 : i32 to index
        %get3A_395 = arith.index_cast %add3A_290 : i32 to index
        %get3A_396 = arith.constant 96 : index
        %get3A_397 = tpu.vector_load %arg10[%get3A_394, %get3A_395, %get3A_396] {strides = array<i32>} : memref<2x80x128xf32, #tpu.memory_space<vmem>>, vector<1x1x16xf32>,
        %get3A_398 = vector.shape_cast %get3A_397 : vector<1x1x16xf32> to vector<16xf32>
        %get3A_399 = arith.index_cast %rem3A_191 : i32 to index
        %get3A_400 = arith.index_cast %add3A_290 : i32 to index
        %get3A_401 = arith.constant 96 : index
        %get3A_402 = tpu.vector_load %arg12[%get3A_399, %get3A_400, %get3A_401] {strides = array<i32>} : memref<2x80x128xf32, #tpu.memory_space<vmem>>, vector<1x1x16xf32>,
        %get3A_403 = vector.shape_cast %get3A_402 : vector<1x1x16xf32> to vector<16xf32>
        %add3A_404 = arith.addf %get3A_398, %get3A_403 : vector<16xf32>
        %slice3A_405 = vector.extract_strided_slice %mul3A_300 {offsets = [6], sizes = [1], strides = [1]} : vector<16xf32> to vector<1xf32>
        %squeeze3A_406 = vector.extract %slice3A_405[0] : f32 from vector<1xf32>
        %mul3A_407 = vector.broadcast %squeeze3A_406 : f32 to vector<16xf32>
        %mul3A_408 = arith.mulf %add3A_404, %mul3A_407 : vector<16xf32>
        %add3A_409 = arith.addf %add3A_393, %mul3A_408 : vector<16xf32>
        %get3A_410 = arith.index_cast %rem3A_191 : i32 to index
        %get3A_411 = arith.index_cast %add3A_290 : i32 to index
        %get3A_412 = arith.constant 112 : index
        %get3A_413 = tpu.vector_load %arg10[%get3A_410, %get3A_411, %get3A_412] {strides = array<i32>} : memref<2x80x128xf32, #tpu.memory_space<vmem>>, vector<1x1x16xf32>,
        %get3A_414 = vector.shape_cast %get3A_413 : vector<1x1x16xf32> to vector<16xf32>
        %get3A_415 = arith.index_cast %rem3A_191 : i32 to index
        %get3A_416 = arith.index_cast %add3A_290 : i32 to index
        %get3A_417 = arith.constant 112 : index
        %get3A_418 = tpu.vector_load %arg12[%get3A_415, %get3A_416, %get3A_417] {strides = array<i32>} : memref<2x80x128xf32, #tpu.memory_space<vmem>>, vector<1x1x16xf32>,
        %get3A_419 = vector.shape_cast %get3A_418 : vector<1x1x16xf32> to vector<16xf32>
        %add3A_420 = arith.addf %get3A_414, %get3A_419 : vector<16xf32>
        %slice3A_421 = vector.extract_strided_slice %mul3A_300 {offsets = [7], sizes = [1], strides = [1]} : vector<16xf32> to vector<1xf32>
        %squeeze3A_422 = vector.extract %slice3A_421[0] : f32 from vector<1xf32>
        %mul3A_423 = vector.broadcast %squeeze3A_422 : f32 to vector<16xf32>
        %mul3A_424 = arith.mulf %add3A_420, %mul3A_423 : vector<16xf32>
        %add3A_425 = arith.addf %add3A_409, %mul3A_424 : vector<16xf32>
        %swap3A = arith.index_cast %rem3A_191 : i32 to index
        %swap3A_426 = arith.index_cast %add3A_290 : i32 to index
        %swap3A_427 = arith.constant 0 : index
        %swap3A_428 = tpu.vector_load %arg14[%swap3A, %swap3A_426, %swap3A_427] {strides = array<i32>} : memref<2x80x16xf32, #tpu.memory_space<vmem>>, vector<1x1x16xf32>,
        %swap3A_429 = vector.shape_cast %swap3A_428 : vector<1x1x16xf32> to vector<16xf32>
        %swap3A_430 = vector.shape_cast %add3A_425 : vector<16xf32> to vector<1x1x16xf32>
        tpu.vector_store %arg14[%swap3A, %swap3A_426, %swap3A_427], %swap3A_430 {strides = array<i32>} : memref<2x80x16xf32, #tpu.memory_space<vmem>>, vector<1x1x16xf32>,
        %scan3A_431 = arith.constant 1 : i32
        %scan3A_432 = arith.addi %scan3A_286, %scan3A_431 : i32
        %mul3A_433 = arith.constant 1 : i32
        %mul3A_434 = arith.muli %scan3A_432, %mul3A_433 : i32
        %add3A_435 = arith.constant 0 : i32
        %add3A_436 = arith.addi %add3A_435, %mul3A_434 : i32
        %get3A_437 = arith.index_cast %rem3A_191 : i32 to index
        %get3A_438 = arith.index_cast %add3A_436 : i32 to index
        %get3A_439 = arith.constant 0 : index
        %get3A_440 = tpu.vector_load %arg13[%get3A_437, %get3A_438, %get3A_439] {strides = array<i32>} : memref<2x80x16xf32, #tpu.memory_space<vmem>>, vector<1x1x16xf32>,
        %get3A_441 = vector.shape_cast %get3A_440 : vector<1x1x16xf32> to vector<16xf32>
        %get3A_442 = arith.index_cast %rem3A_191 : i32 to index
        %get3A_443 = arith.index_cast %add3A_436 : i32 to index
        %get3A_444 = arith.constant 0 : index
        %get3A_445 = tpu.vector_load %arg11[%get3A_442, %get3A_443, %get3A_444] {strides = array<i32>} : memref<2x80x16xf32, #tpu.memory_space<vmem>>, vector<1x1x16xf32>,
        %get3A_446 = vector.shape_cast %get3A_445 : vector<1x1x16xf32> to vector<16xf32>
        %mul3A_447 = arith.mulf %get3A_441, %get3A_446 : vector<16xf32>
        %get3A_448 = arith.index_cast %rem3A_191 : i32 to index
        %get3A_449 = arith.index_cast %add3A_436 : i32 to index
        %get3A_450 = arith.constant 0 : index
        %get3A_451 = tpu.vector_load %arg10[%get3A_448, %get3A_449, %get3A_450] {strides = array<i32>} : memref<2x80x128xf32, #tpu.memory_space<vmem>>, vector<1x1x16xf32>,
        %get3A_452 = vector.shape_cast %get3A_451 : vector<1x1x16xf32> to vector<16xf32>
        %get3A_453 = arith.index_cast %rem3A_191 : i32 to index
        %get3A_454 = arith.index_cast %add3A_436 : i32 to index
        %get3A_455 = arith.constant 0 : index
        %get3A_456 = tpu.vector_load %arg12[%get3A_453, %get3A_454, %get3A_455] {strides = array<i32>} : memref<2x80x128xf32, #tpu.memory_space<vmem>>, vector<1x1x16xf32>,
        %get3A_457 = vector.shape_cast %get3A_456 : vector<1x1x16xf32> to vector<16xf32>
        %add3A_458 = arith.addf %get3A_452, %get3A_457 : vector<16xf32>
        %slice3A_459 = vector.extract_strided_slice %mul3A_447 {offsets = [0], sizes = [1], strides = [1]} : vector<16xf32> to vector<1xf32>
        %squeeze3A_460 = vector.extract %slice3A_459[0] : f32 from vector<1xf32>
        %mul3A_461 = vector.broadcast %squeeze3A_460 : f32 to vector<16xf32>
        %mul3A_462 = arith.mulf %add3A_458, %mul3A_461 : vector<16xf32>
        %get3A_463 = arith.index_cast %rem3A_191 : i32 to index
        %get3A_464 = arith.index_cast %add3A_436 : i32 to index
        %get3A_465 = arith.constant 16 : index
        %get3A_466 = tpu.vector_load %arg10[%get3A_463, %get3A_464, %get3A_465] {strides = array<i32>} : memref<2x80x128xf32, #tpu.memory_space<vmem>>, vector<1x1x16xf32>,
        %get3A_467 = vector.shape_cast %get3A_466 : vector<1x1x16xf32> to vector<16xf32>
        %get3A_468 = arith.index_cast %rem3A_191 : i32 to index
        %get3A_469 = arith.index_cast %add3A_436 : i32 to index
        %get3A_470 = arith.constant 16 : index
        %get3A_471 = tpu.vector_load %arg12[%get3A_468, %get3A_469, %get3A_470] {strides = array<i32>} : memref<2x80x128xf32, #tpu.memory_space<vmem>>, vector<1x1x16xf32>,
        %get3A_472 = vector.shape_cast %get3A_471 : vector<1x1x16xf32> to vector<16xf32>
        %add3A_473 = arith.addf %get3A_467, %get3A_472 : vector<16xf32>
        %slice3A_474 = vector.extract_strided_slice %mul3A_447 {offsets = [1], sizes = [1], strides = [1]} : vector<16xf32> to vector<1xf32>
        %squeeze3A_475 = vector.extract %slice3A_474[0] : f32 from vector<1xf32>
        %mul3A_476 = vector.broadcast %squeeze3A_475 : f32 to vector<16xf32>
        %mul3A_477 = arith.mulf %add3A_473, %mul3A_476 : vector<16xf32>
        %add3A_478 = arith.addf %mul3A_462, %mul3A_477 : vector<16xf32>
        %get3A_479 = arith.index_cast %rem3A_191 : i32 to index
        %get3A_480 = arith.index_cast %add3A_436 : i32 to index
        %get3A_481 = arith.constant 32 : index
        %get3A_482 = tpu.vector_load %arg10[%get3A_479, %get3A_480, %get3A_481] {strides = array<i32>} : memref<2x80x128xf32, #tpu.memory_space<vmem>>, vector<1x1x16xf32>,
        %get3A_483 = vector.shape_cast %get3A_482 : vector<1x1x16xf32> to vector<16xf32>
        %get3A_484 = arith.index_cast %rem3A_191 : i32 to index
        %get3A_485 = arith.index_cast %add3A_436 : i32 to index
        %get3A_486 = arith.constant 32 : index
        %get3A_487 = tpu.vector_load %arg12[%get3A_484, %get3A_485, %get3A_486] {strides = array<i32>} : memref<2x80x128xf32, #tpu.memory_space<vmem>>, vector<1x1x16xf32>,
        %get3A_488 = vector.shape_cast %get3A_487 : vector<1x1x16xf32> to vector<16xf32>
        %add3A_489 = arith.addf %get3A_483, %get3A_488 : vector<16xf32>
        %slice3A_490 = vector.extract_strided_slice %mul3A_447 {offsets = [2], sizes = [1], strides = [1]} : vector<16xf32> to vector<1xf32>
        %squeeze3A_491 = vector.extract %slice3A_490[0] : f32 from vector<1xf32>
        %mul3A_492 = vector.broadcast %squeeze3A_491 : f32 to vector<16xf32>
        %mul3A_493 = arith.mulf %add3A_489, %mul3A_492 : vector<16xf32>
        %add3A_494 = arith.addf %add3A_478, %mul3A_493 : vector<16xf32>
        %get3A_495 = arith.index_cast %rem3A_191 : i32 to index
        %get3A_496 = arith.index_cast %add3A_436 : i32 to index
        %get3A_497 = arith.constant 48 : index
        %get3A_498 = tpu.vector_load %arg10[%get3A_495, %get3A_496, %get3A_497] {strides = array<i32>} : memref<2x80x128xf32, #tpu.memory_space<vmem>>, vector<1x1x16xf32>,
        %get3A_499 = vector.shape_cast %get3A_498 : vector<1x1x16xf32> to vector<16xf32>
        %get3A_500 = arith.index_cast %rem3A_191 : i32 to index
        %get3A_501 = arith.index_cast %add3A_436 : i32 to index
        %get3A_502 = arith.constant 48 : index
        %get3A_503 = tpu.vector_load %arg12[%get3A_500, %get3A_501, %get3A_502] {strides = array<i32>} : memref<2x80x128xf32, #tpu.memory_space<vmem>>, vector<1x1x16xf32>,
        %get3A_504 = vector.shape_cast %get3A_503 : vector<1x1x16xf32> to vector<16xf32>
        %add3A_505 = arith.addf %get3A_499, %get3A_504 : vector<16xf32>
        %slice3A_506 = vector.extract_strided_slice %mul3A_447 {offsets = [3], sizes = [1], strides = [1]} : vector<16xf32> to vector<1xf32>
        %squeeze3A_507 = vector.extract %slice3A_506[0] : f32 from vector<1xf32>
        %mul3A_508 = vector.broadcast %squeeze3A_507 : f32 to vector<16xf32>
        %mul3A_509 = arith.mulf %add3A_505, %mul3A_508 : vector<16xf32>
        %add3A_510 = arith.addf %add3A_494, %mul3A_509 : vector<16xf32>
        %get3A_511 = arith.index_cast %rem3A_191 : i32 to index
        %get3A_512 = arith.index_cast %add3A_436 : i32 to index
        %get3A_513 = arith.constant 64 : index
        %get3A_514 = tpu.vector_load %arg10[%get3A_511, %get3A_512, %get3A_513] {strides = array<i32>} : memref<2x80x128xf32, #tpu.memory_space<vmem>>, vector<1x1x16xf32>,
        %get3A_515 = vector.shape_cast %get3A_514 : vector<1x1x16xf32> to vector<16xf32>
        %get3A_516 = arith.index_cast %rem3A_191 : i32 to index
        %get3A_517 = arith.index_cast %add3A_436 : i32 to index
        %get3A_518 = arith.constant 64 : index
        %get3A_519 = tpu.vector_load %arg12[%get3A_516, %get3A_517, %get3A_518] {strides = array<i32>} : memref<2x80x128xf32, #tpu.memory_space<vmem>>, vector<1x1x16xf32>,
        %get3A_520 = vector.shape_cast %get3A_519 : vector<1x1x16xf32> to vector<16xf32>
        %add3A_521 = arith.addf %get3A_515, %get3A_520 : vector<16xf32>
        %slice3A_522 = vector.extract_strided_slice %mul3A_447 {offsets = [4], sizes = [1], strides = [1]} : vector<16xf32> to vector<1xf32>
        %squeeze3A_523 = vector.extract %slice3A_522[0] : f32 from vector<1xf32>
        %mul3A_524 = vector.broadcast %squeeze3A_523 : f32 to vector<16xf32>
        %mul3A_525 = arith.mulf %add3A_521, %mul3A_524 : vector<16xf32>
        %add3A_526 = arith.addf %add3A_510, %mul3A_525 : vector<16xf32>
        %get3A_527 = arith.index_cast %rem3A_191 : i32 to index
        %get3A_528 = arith.index_cast %add3A_436 : i32 to index
        %get3A_529 = arith.constant 80 : index
        %get3A_530 = tpu.vector_load %arg10[%get3A_527, %get3A_528, %get3A_529] {strides = array<i32>} : memref<2x80x128xf32, #tpu.memory_space<vmem>>, vector<1x1x16xf32>,
        %get3A_531 = vector.shape_cast %get3A_530 : vector<1x1x16xf32> to vector<16xf32>
        %get3A_532 = arith.index_cast %rem3A_191 : i32 to index
        %get3A_533 = arith.index_cast %add3A_436 : i32 to index
        %get3A_534 = arith.constant 80 : index
        %get3A_535 = tpu.vector_load %arg12[%get3A_532, %get3A_533, %get3A_534] {strides = array<i32>} : memref<2x80x128xf32, #tpu.memory_space<vmem>>, vector<1x1x16xf32>,
        %get3A_536 = vector.shape_cast %get3A_535 : vector<1x1x16xf32> to vector<16xf32>
        %add3A_537 = arith.addf %get3A_531, %get3A_536 : vector<16xf32>
        %slice3A_538 = vector.extract_strided_slice %mul3A_447 {offsets = [5], sizes = [1], strides = [1]} : vector<16xf32> to vector<1xf32>
        %squeeze3A_539 = vector.extract %slice3A_538[0] : f32 from vector<1xf32>
        %mul3A_540 = vector.broadcast %squeeze3A_539 : f32 to vector<16xf32>
        %mul3A_541 = arith.mulf %add3A_537, %mul3A_540 : vector<16xf32>
        %add3A_542 = arith.addf %add3A_526, %mul3A_541 : vector<16xf32>
        %get3A_543 = arith.index_cast %rem3A_191 : i32 to index
        %get3A_544 = arith.index_cast %add3A_436 : i32 to index
        %get3A_545 = arith.constant 96 : index
        %get3A_546 = tpu.vector_load %arg10[%get3A_543, %get3A_544, %get3A_545] {strides = array<i32>} : memref<2x80x128xf32, #tpu.memory_space<vmem>>, vector<1x1x16xf32>,
        %get3A_547 = vector.shape_cast %get3A_546 : vector<1x1x16xf32> to vector<16xf32>
        %get3A_548 = arith.index_cast %rem3A_191 : i32 to index
        %get3A_549 = arith.index_cast %add3A_436 : i32 to index
        %get3A_550 = arith.constant 96 : index
        %get3A_551 = tpu.vector_load %arg12[%get3A_548, %get3A_549, %get3A_550] {strides = array<i32>} : memref<2x80x128xf32, #tpu.memory_space<vmem>>, vector<1x1x16xf32>,
        %get3A_552 = vector.shape_cast %get3A_551 : vector<1x1x16xf32> to vector<16xf32>
        %add3A_553 = arith.addf %get3A_547, %get3A_552 : vector<16xf32>
        %slice3A_554 = vector.extract_strided_slice %mul3A_447 {offsets = [6], sizes = [1], strides = [1]} : vector<16xf32> to vector<1xf32>
        %squeeze3A_555 = vector.extract %slice3A_554[0] : f32 from vector<1xf32>
        %mul3A_556 = vector.broadcast %squeeze3A_555 : f32 to vector<16xf32>
        %mul3A_557 = arith.mulf %add3A_553, %mul3A_556 : vector<16xf32>
        %add3A_558 = arith.addf %add3A_542, %mul3A_557 : vector<16xf32>
        %get3A_559 = arith.index_cast %rem3A_191 : i32 to index
        %get3A_560 = arith.index_cast %add3A_436 : i32 to index
        %get3A_561 = arith.constant 112 : index
        %get3A_562 = tpu.vector_load %arg10[%get3A_559, %get3A_560, %get3A_561] {strides = array<i32>} : memref<2x80x128xf32, #tpu.memory_space<vmem>>, vector<1x1x16xf32>,
        %get3A_563 = vector.shape_cast %get3A_562 : vector<1x1x16xf32> to vector<16xf32>
        %get3A_564 = arith.index_cast %rem3A_191 : i32 to index
        %get3A_565 = arith.index_cast %add3A_436 : i32 to index
        %get3A_566 = arith.constant 112 : index
        %get3A_567 = tpu.vector_load %arg12[%get3A_564, %get3A_565, %get3A_566] {strides = array<i32>} : memref<2x80x128xf32, #tpu.memory_space<vmem>>, vector<1x1x16xf32>,
        %get3A_568 = vector.shape_cast %get3A_567 : vector<1x1x16xf32> to vector<16xf32>
        %add3A_569 = arith.addf %get3A_563, %get3A_568 : vector<16xf32>
        %slice3A_570 = vector.extract_strided_slice %mul3A_447 {offsets = [7], sizes = [1], strides = [1]} : vector<16xf32> to vector<1xf32>
        %squeeze3A_571 = vector.extract %slice3A_570[0] : f32 from vector<1xf32>
        %mul3A_572 = vector.broadcast %squeeze3A_571 : f32 to vector<16xf32>
        %mul3A_573 = arith.mulf %add3A_569, %mul3A_572 : vector<16xf32>
        %add3A_574 = arith.addf %add3A_558, %mul3A_573 : vector<16xf32>
        %swap3A_575 = arith.index_cast %rem3A_191 : i32 to index
        %swap3A_576 = arith.index_cast %add3A_436 : i32 to index
        %swap3A_577 = arith.constant 0 : index
        %swap3A_578 = tpu.vector_load %arg14[%swap3A_575, %swap3A_576, %swap3A_577] {strides = array<i32>} : memref<2x80x16xf32, #tpu.memory_space<vmem>>, vector<1x1x16xf32>,
        %swap3A_579 = vector.shape_cast %swap3A_578 : vector<1x1x16xf32> to vector<16xf32>
        %swap3A_580 = vector.shape_cast %add3A_574 : vector<16xf32> to vector<1x1x16xf32>
        tpu.vector_store %arg14[%swap3A_575, %swap3A_576, %swap3A_577], %swap3A_580 {strides = array<i32>} : memref<2x80x16xf32, #tpu.memory_space<vmem>>, vector<1x1x16xf32>,
      }
      %scan3A_270 = arith.constant 80 : i32
      %rem3A_271 = arith.constant 4 : i32
      %rem3A_272 = arith.remsi %add3A_189, %rem3A_271 : i32
      %dma_start3A_273 = arith.constant 1 : i32
      %dma_start3A_274 = arith.constant 0 : i32
      %dma_start3A_275 = arith.constant 0 : i32
      %dma_start3A_276 = tpu.memref_slice %arg14[%rem3A_191, %dma_start3A_274, %dma_start3A_275] : memref<2x80x16xf32, #tpu.memory_space<vmem>> -> memref<1x80x16xf32, #tpu.memory_space<vmem>>
      %dma_start3A_277 = tpu.memref_squeeze %dma_start3A_276 : memref<1x80x16xf32, #tpu.memory_space<vmem>> -> memref<80x16xf32, #tpu.memory_space<vmem>>
      %dma_start3A_278 = arith.constant 0 : i32
      %dma_start3A_279 = tpu.memref_slice %arg9[%rem3A_272, %dma_start3A_273, %dma_start3A_278] : memref<4x2x80xi32, #tpu.memory_space<vmem>> -> memref<1x1x80xi32, #tpu.memory_space<vmem>>
      %dma_start3A_280 = tpu.memref_squeeze %dma_start3A_279 : memref<1x1x80xi32, #tpu.memory_space<vmem>> -> memref<80xi32, #tpu.memory_space<vmem>>
      %dma_start3A_281 = arith.constant 0 : i32
      %dma_start3A_282 = arith.constant 0 : i32
      %dma_start3A_283 = tpu.memref_slice %arg15[%dma_start3A_281, %dma_start3A_282] : memref<10000x16xf32, #tpu.memory_space<vmem_shared>> -> memref<10000x16xf32, #tpu.memory_space<vmem_shared>>
      %dma_start3A_284 = tpu.memref_slice %arg19[%rem3A_191] : memref<2x!tpu.dma_semaphore, #tpu.memory_space<semaphore_mem>> -> memref<1x!tpu.dma_semaphore, #tpu.memory_space<semaphore_mem>>
      %dma_start3A_285 = tpu.memref_squeeze %dma_start3A_284 : memref<1x!tpu.dma_semaphore, #tpu.memory_space<semaphore_mem>> -> memref<!tpu.dma_semaphore, #tpu.memory_space<semaphore_mem>>
      tpu.enqueue_indirect_dma source(%dma_start3A_277 : memref<80x16xf32, #tpu.memory_space<vmem>>) target(%dma_start3A_283 : memref<10000x16xf32, #tpu.memory_space<vmem_shared>>) offsets(%dma_start3A_280 : memref<80xi32, #tpu.memory_space<vmem>>) semaphore(%dma_start3A_285 : memref<!tpu.dma_semaphore, #tpu.memory_space<semaphore_mem>>) {add = true}
    }
    %scan3A_128 = arith.constant 125 : i32
    %rem3A_129 = arith.constant 123 : i32
    %rem3A_130 = arith.constant 2 : i32
    %rem3A_131 = arith.remsi %rem3A_129, %rem3A_130 : i32
    %rem3A_132 = arith.constant 123 : i32
    %rem3A_133 = arith.constant 4 : i32
    %rem3A_134 = arith.remsi %rem3A_132, %rem3A_133 : i32
    %dma_wait3A = arith.constant 1 : i32
    %dma_wait3A_135 = arith.constant 0 : i32
    %dma_wait3A_136 = arith.constant 0 : i32
    %dma_wait3A_137 = tpu.memref_slice %arg14[%rem3A_131, %dma_wait3A_135, %dma_wait3A_136] : memref<2x80x16xf32, #tpu.memory_space<vmem>> -> memref<1x80x16xf32, #tpu.memory_space<vmem>>
    %dma_wait3A_138 = tpu.memref_squeeze %dma_wait3A_137 : memref<1x80x16xf32, #tpu.memory_space<vmem>> -> memref<80x16xf32, #tpu.memory_space<vmem>>
    %dma_wait3A_139 = arith.constant 0 : i32
    %dma_wait3A_140 = tpu.memref_slice %arg9[%rem3A_134, %dma_wait3A, %dma_wait3A_139] : memref<4x2x80xi32, #tpu.memory_space<vmem>> -> memref<1x1x80xi32, #tpu.memory_space<vmem>>
    %dma_wait3A_141 = tpu.memref_squeeze %dma_wait3A_140 : memref<1x1x80xi32, #tpu.memory_space<vmem>> -> memref<80xi32, #tpu.memory_space<vmem>>
    %dma_wait3A_142 = arith.constant 0 : i32
    %dma_wait3A_143 = arith.constant 0 : i32
    %dma_wait3A_144 = tpu.memref_slice %arg15[%dma_wait3A_142, %dma_wait3A_143] : memref<10000x16xf32, #tpu.memory_space<vmem_shared>> -> memref<10000x16xf32, #tpu.memory_space<vmem_shared>>
    %dma_wait3A_145 = tpu.memref_slice %arg19[%rem3A_131] : memref<2x!tpu.dma_semaphore, #tpu.memory_space<semaphore_mem>> -> memref<1x!tpu.dma_semaphore, #tpu.memory_space<semaphore_mem>>
    %dma_wait3A_146 = tpu.memref_squeeze %dma_wait3A_145 : memref<1x!tpu.dma_semaphore, #tpu.memory_space<semaphore_mem>> -> memref<!tpu.dma_semaphore, #tpu.memory_space<semaphore_mem>>
    tpu.wait_indirect_dma semaphore(%dma_wait3A_146 : memref<!tpu.dma_semaphore, #tpu.memory_space<semaphore_mem>>) src(%dma_wait3A_138 : memref<80x16xf32, #tpu.memory_space<vmem>>) dst(%dma_wait3A_144 : memref<10000x16xf32, #tpu.memory_space<vmem_shared>>)
    %rem3A_147 = arith.constant 124 : i32
    %rem3A_148 = arith.constant 2 : i32
    %rem3A_149 = arith.remsi %rem3A_147, %rem3A_148 : i32
    %rem3A_150 = arith.constant 124 : i32
    %rem3A_151 = arith.constant 4 : i32
    %rem3A_152 = arith.remsi %rem3A_150, %rem3A_151 : i32
    %dma_wait3A_153 = arith.constant 1 : i32
    %dma_wait3A_154 = arith.constant 0 : i32
    %dma_wait3A_155 = arith.constant 0 : i32
    %dma_wait3A_156 = tpu.memref_slice %arg14[%rem3A_149, %dma_wait3A_154, %dma_wait3A_155] : memref<2x80x16xf32, #tpu.memory_space<vmem>> -> memref<1x80x16xf32, #tpu.memory_space<vmem>>
    %dma_wait3A_157 = tpu.memref_squeeze %dma_wait3A_156 : memref<1x80x16xf32, #tpu.memory_space<vmem>> -> memref<80x16xf32, #tpu.memory_space<vmem>>
    %dma_wait3A_158 = arith.constant 0 : i32
    %dma_wait3A_159 = tpu.memref_slice %arg9[%rem3A_152, %dma_wait3A_153, %dma_wait3A_158] : memref<4x2x80xi32, #tpu.memory_space<vmem>> -> memref<1x1x80xi32, #tpu.memory_space<vmem>>
    %dma_wait3A_160 = tpu.memref_squeeze %dma_wait3A_159 : memref<1x1x80xi32, #tpu.memory_space<vmem>> -> memref<80xi32, #tpu.memory_space<vmem>>
    %dma_wait3A_161 = arith.constant 0 : i32
    %dma_wait3A_162 = arith.constant 0 : i32
    %dma_wait3A_163 = tpu.memref_slice %arg15[%dma_wait3A_161, %dma_wait3A_162] : memref<10000x16xf32, #tpu.memory_space<vmem_shared>> -> memref<10000x16xf32, #tpu.memory_space<vmem_shared>>
    %dma_wait3A_164 = tpu.memref_slice %arg19[%rem3A_149] : memref<2x!tpu.dma_semaphore, #tpu.memory_space<semaphore_mem>> -> memref<1x!tpu.dma_semaphore, #tpu.memory_space<semaphore_mem>>
    %dma_wait3A_165 = tpu.memref_squeeze %dma_wait3A_164 : memref<1x!tpu.dma_semaphore, #tpu.memory_space<semaphore_mem>> -> memref<!tpu.dma_semaphore, #tpu.memory_space<semaphore_mem>>
    tpu.wait_indirect_dma semaphore(%dma_wait3A_165 : memref<!tpu.dma_semaphore, #tpu.memory_space<semaphore_mem>>) src(%dma_wait3A_157 : memref<80x16xf32, #tpu.memory_space<vmem>>) dst(%dma_wait3A_163 : memref<10000x16xf32, #tpu.memory_space<vmem_shared>>)
    %barrier3A_166 = arith.constant 0 : index
    tpu.barrier barrier_id(%barrier3A_166)
    %sub3A_167 = arith.constant 125 : i32
    %sub3A_168 = arith.subi %sub3A_167, %arg1 : i32
    %sub3A_169 = arith.constant 16 : i32
    %sub3A_170 = arith.constant 1 : i32
    %sub3A_171 = arith.subi %sub3A_169, %sub3A_170 : i32
    %add3A_172 = arith.addi %sub3A_168, %sub3A_171 : i32
    %div3A_173 = arith.constant 16 : i32
    %div3A_174 = arith.divsi %add3A_172, %div3A_173 : i32
    %while3A_175 = arith.constant 16 : i32
    %while3A_176 = arith.constant 0 : i32
    %while3A_177 = arith.subi %div3A_174, %while3A_176 : i32
    %while3A_178 = arith.addi %while3A_176, %while3A_177 : i32
    %while3A_179 = arith.constant 1 : i32
    %while3A_180 = arith.divsi %while3A_177, %while3A_179 : i32
    %while3A_181 = arith.muli %while3A_180, %while3A_179 : i32
    %while3A_182 = arith.addi %while3A_176, %while3A_181 : i32
    %while3A_183 = arith.constant 1 : i32
    scf.for %while3A_185 = %while3A_176 to %while3A_182 step %while3A_183  : i32 {
      %mul3A_186 = arith.muli %while3A_185, %while3A_175 : i32
      %add3A_187 = arith.addi %arg1, %mul3A_186 : i32
      %mul3A_188 = arith.constant 80 : i32
      %mul3A_189 = arith.muli %add3A_187, %mul3A_188 : i32
      %mul3A_190 = arith.constant 80 : i32
      %mul3A_191 = arith.muli %add3A_187, %mul3A_190 : i32
      "tpu.region"() ({
        %run_scoped3A_192 = tpu.sem_alloc : memref<!tpu.dma_semaphore, #tpu.memory_space<semaphore_mem>>
        %dma_start3A_193 = arith.constant 0 : i32
        %dma_start3A_194 = tpu.memref_slice %arg8[%arg0, %mul3A_191, %dma_start3A_193] : memref<2x10000x16xf32, #tpu.memory_space<hbm>> -> memref<1x80x16xf32, #tpu.memory_space<hbm>>
        %dma_start3A_195 = tpu.memref_squeeze %dma_start3A_194 : memref<1x80x16xf32, #tpu.memory_space<hbm>> -> memref<80x16xf32, #tpu.memory_space<hbm>>
        %dma_start3A_196 = arith.constant 0 : i32
        %dma_start3A_197 = tpu.memref_slice %arg15[%mul3A_189, %dma_start3A_196] : memref<10000x16xf32, #tpu.memory_space<vmem_shared>> -> memref<80x16xf32, #tpu.memory_space<vmem_shared>>
        tpu.enqueue_dma source(%dma_start3A_197 : memref<80x16xf32, #tpu.memory_space<vmem_shared>>) target(%dma_start3A_195 : memref<80x16xf32, #tpu.memory_space<hbm>>) target_semaphore(%run_scoped3A_192 : memref<!tpu.dma_semaphore, #tpu.memory_space<semaphore_mem>>)
        %dma_wait3A_198 = arith.constant 0 : i32
        %dma_wait3A_199 = tpu.memref_slice %arg8[%arg0, %mul3A_191, %dma_wait3A_198] : memref<2x10000x16xf32, #tpu.memory_space<hbm>> -> memref<1x80x16xf32, #tpu.memory_space<hbm>>
        %dma_wait3A_200 = tpu.memref_squeeze %dma_wait3A_199 : memref<1x80x16xf32, #tpu.memory_space<hbm>> -> memref<80x16xf32, #tpu.memory_space<hbm>>
        %dma_wait3A_201 = arith.constant 0 : i32
        %dma_wait3A_202 = tpu.memref_slice %arg15[%mul3A_189, %dma_wait3A_201] : memref<10000x16xf32, #tpu.memory_space<vmem_shared>> -> memref<80x16xf32, #tpu.memory_space<vmem_shared>>
        tpu.wait_dma2 semaphore(%run_scoped3A_192 : memref<!tpu.dma_semaphore, #tpu.memory_space<semaphore_mem>>) src(%dma_wait3A_202 : memref<80x16xf32, #tpu.memory_space<vmem_shared>>) dst(%dma_wait3A_200 : memref<80x16xf32, #tpu.memory_space<hbm>>)
        tpu.yield
      }) : () -> ()
    }
    %while3A_184 = arith.constant 1 : i32
    scf.for %while3A_185 = %while3A_182 to %while3A_178 step %while3A_184  : i32 {
      %mul3A_186 = arith.muli %while3A_185, %while3A_175 : i32
      %add3A_187 = arith.addi %arg1, %mul3A_186 : i32
      %mul3A_188 = arith.constant 80 : i32
      %mul3A_189 = arith.muli %add3A_187, %mul3A_188 : i32
      %mul3A_190 = arith.constant 80 : i32
      %mul3A_191 = arith.muli %add3A_187, %mul3A_190 : i32
      "tpu.region"() ({
        %run_scoped3A_192 = tpu.sem_alloc : memref<!tpu.dma_semaphore, #tpu.memory_space<semaphore_mem>>
        %dma_start3A_193 = arith.constant 0 : i32
        %dma_start3A_194 = tpu.memref_slice %arg8[%arg0, %mul3A_191, %dma_start3A_193] : memref<2x10000x16xf32, #tpu.memory_space<hbm>> -> memref<1x80x16xf32, #tpu.memory_space<hbm>>
        %dma_start3A_195 = tpu.memref_squeeze %dma_start3A_194 : memref<1x80x16xf32, #tpu.memory_space<hbm>> -> memref<80x16xf32, #tpu.memory_space<hbm>>
        %dma_start3A_196 = arith.constant 0 : i32
        %dma_start3A_197 = tpu.memref_slice %arg15[%mul3A_189, %dma_start3A_196] : memref<10000x16xf32, #tpu.memory_space<vmem_shared>> -> memref<80x16xf32, #tpu.memory_space<vmem_shared>>
        tpu.enqueue_dma source(%dma_start3A_197 : memref<80x16xf32, #tpu.memory_space<vmem_shared>>) target(%dma_start3A_195 : memref<80x16xf32, #tpu.memory_space<hbm>>) target_semaphore(%run_scoped3A_192 : memref<!tpu.dma_semaphore, #tpu.memory_space<semaphore_mem>>)
        %dma_wait3A_198 = arith.constant 0 : i32
        %dma_wait3A_199 = tpu.memref_slice %arg8[%arg0, %mul3A_191, %dma_wait3A_198] : memref<2x10000x16xf32, #tpu.memory_space<hbm>> -> memref<1x80x16xf32, #tpu.memory_space<hbm>>
        %dma_wait3A_200 = tpu.memref_squeeze %dma_wait3A_199 : memref<1x80x16xf32, #tpu.memory_space<hbm>> -> memref<80x16xf32, #tpu.memory_space<hbm>>
        %dma_wait3A_201 = arith.constant 0 : i32
        %dma_wait3A_202 = tpu.memref_slice %arg15[%mul3A_189, %dma_wait3A_201] : memref<10000x16xf32, #tpu.memory_space<vmem_shared>> -> memref<80x16xf32, #tpu.memory_space<vmem_shared>>
        tpu.wait_dma2 semaphore(%run_scoped3A_192 : memref<!tpu.dma_semaphore, #tpu.memory_space<semaphore_mem>>) src(%dma_wait3A_202 : memref<80x16xf32, #tpu.memory_space<vmem_shared>>) dst(%dma_wait3A_200 : memref<80x16xf32, #tpu.memory_space<hbm>>)
        tpu.yield
      }) : () -> ()
    }
    return
  }
}

module attributes {stable_mosaic.version = 14 : i64} {
  func.func @_node_tables_body(%arg0: i32, %arg1: memref<1000x128xf32, #tpu.memory_space<vmem>>, %arg2: memref<128x128xf32, #tpu.memory_space<vmem>>, %arg3: memref<128x16xf32, #tpu.memory_space<vmem>>, %arg4: memref<128x16xf32, #tpu.memory_space<vmem>>, %arg5: memref<1000x128xf32, #tpu.memory_space<vmem>>, %arg6: memref<1000x16xf32, #tpu.memory_space<vmem>>, %arg7: memref<1000x16xf32, #tpu.memory_space<vmem>>) attributes {dimension_semantics = [#tpu.dimension_semantics<arbitrary>], iteration_bounds = array<i64: 10>, scalar_prefetch = 0 : i64, scratch_operands = 0 : i64, tpu.core_type = #tpu.core_type<tc>, window_params = [{transform_indices = @transform_0, window_bounds = array<i64: 1000, 128>}, {pipeline_mode = #tpu.pipeline_mode<synchronous>, transform_indices = @transform_1, window_bounds = array<i64: 128, 128>}, {pipeline_mode = #tpu.pipeline_mode<synchronous>, transform_indices = @transform_2, window_bounds = array<i64: 128, 16>}, {pipeline_mode = #tpu.pipeline_mode<synchronous>, transform_indices = @transform_3, window_bounds = array<i64: 128, 16>}, {transform_indices = @transform_4, window_bounds = array<i64: 1000, 128>}, {transform_indices = @transform_5, window_bounds = array<i64: 1000, 16>}, {transform_indices = @transform_6, window_bounds = array<i64: 1000, 16>}]} {
    %get3A = arith.constant 0 : index
    %get3A_0 = arith.constant 0 : index
    %get3A_1 = vector.load %arg1[%get3A, %get3A_0] : memref<1000x128xf32, #tpu.memory_space<vmem>>, vector<1000x128xf32>
    %get3A_2 = arith.constant 0 : index
    %get3A_3 = arith.constant 0 : index
    %get3A_4 = vector.load %arg2[%get3A_2, %get3A_3] : memref<128x128xf32, #tpu.memory_space<vmem>>, vector<128x128xf32>
    %dot_general3A = arith.constant dense<0.000000e+00> : vector<1000x128xf32>
    %dot_general3A_5 = tpu.matmul %get3A_1, %get3A_4, %dot_general3A {dimension_numbers = #tpu.dot_dimension_numbers<[1], [0], [0], [1], [0, 0, 1, 1], [], []>, transpose_lhs_hint = false} : vector<1000x128xf32>, vector<128x128xf32>, vector<1000x128xf32> -> vector<1000x128xf32>
    %swap3A = arith.constant 0 : index
    %swap3A_6 = arith.constant 0 : index
    %swap3A_7 = vector.load %arg5[%swap3A, %swap3A_6] : memref<1000x128xf32, #tpu.memory_space<vmem>>, vector<1000x128xf32>
    tpu.vector_store %arg5[%swap3A, %swap3A_6], %dot_general3A_5 {strides = array<i32>} : memref<1000x128xf32, #tpu.memory_space<vmem>>, vector<1000x128xf32>,
    %get3A_8 = arith.constant 0 : index
    %get3A_9 = arith.constant 0 : index
    %get3A_10 = vector.load %arg3[%get3A_8, %get3A_9] : memref<128x16xf32, #tpu.memory_space<vmem>>, vector<128x16xf32>
    %dot_general3A_11 = arith.constant dense<0.000000e+00> : vector<1000x16xf32>
    %dot_general3A_12 = tpu.matmul %get3A_1, %get3A_10, %dot_general3A_11 {dimension_numbers = #tpu.dot_dimension_numbers<[1], [0], [0], [1], [0, 0, 1, 1], [], []>, transpose_lhs_hint = false} : vector<1000x128xf32>, vector<128x16xf32>, vector<1000x16xf32> -> vector<1000x16xf32>
    %swap3A_13 = arith.constant 0 : index
    %swap3A_14 = arith.constant 0 : index
    %swap3A_15 = vector.load %arg6[%swap3A_13, %swap3A_14] : memref<1000x16xf32, #tpu.memory_space<vmem>>, vector<1000x16xf32>
    tpu.vector_store %arg6[%swap3A_13, %swap3A_14], %dot_general3A_12 {strides = array<i32>} : memref<1000x16xf32, #tpu.memory_space<vmem>>, vector<1000x16xf32>,
    %get3A_16 = arith.constant 0 : index
    %get3A_17 = arith.constant 0 : index
    %get3A_18 = vector.load %arg4[%get3A_16, %get3A_17] : memref<128x16xf32, #tpu.memory_space<vmem>>, vector<128x16xf32>
    %dot_general3A_19 = arith.constant dense<0.000000e+00> : vector<1000x16xf32>
    %dot_general3A_20 = tpu.matmul %get3A_1, %get3A_18, %dot_general3A_19 {dimension_numbers = #tpu.dot_dimension_numbers<[1], [0], [0], [1], [0, 0, 1, 1], [], []>, transpose_lhs_hint = false} : vector<1000x128xf32>, vector<128x16xf32>, vector<1000x16xf32> -> vector<1000x16xf32>
    %swap3A_21 = arith.constant 0 : index
    %swap3A_22 = arith.constant 0 : index
    %swap3A_23 = vector.load %arg7[%swap3A_21, %swap3A_22] : memref<1000x16xf32, #tpu.memory_space<vmem>>, vector<1000x16xf32>
    tpu.vector_store %arg7[%swap3A_21, %swap3A_22], %dot_general3A_20 {strides = array<i32>} : memref<1000x16xf32, #tpu.memory_space<vmem>>, vector<1000x16xf32>,
    return
  }
  func.func @transform_0(%arg0: i32) -> (i32, i32) {
    %c0_i32 = arith.constant 0 : i32
    %c0_i32_0 = arith.constant 0 : i32
    return %arg0, %c0_i32 : i32, i32
  }
  func.func @transform_1(%arg0: i32) -> (i32, i32) {
    %c0_i32 = arith.constant 0 : i32
    %c0_i32_0 = arith.constant 0 : i32
    %c0_i32_1 = arith.constant 0 : i32
    return %c0_i32, %c0_i32_0 : i32, i32
  }
  func.func @transform_2(%arg0: i32) -> (i32, i32) {
    %c0_i32 = arith.constant 0 : i32
    %c0_i32_0 = arith.constant 0 : i32
    %c0_i32_1 = arith.constant 0 : i32
    return %c0_i32, %c0_i32_0 : i32, i32
  }
  func.func @transform_3(%arg0: i32) -> (i32, i32) {
    %c0_i32 = arith.constant 0 : i32
    %c0_i32_0 = arith.constant 0 : i32
    %c0_i32_1 = arith.constant 0 : i32
    return %c0_i32, %c0_i32_0 : i32, i32
  }
  func.func @transform_4(%arg0: i32) -> (i32, i32) {
    %c0_i32 = arith.constant 0 : i32
    %c0_i32_0 = arith.constant 0 : i32
    return %arg0, %c0_i32 : i32, i32
  }
  func.func @transform_5(%arg0: i32) -> (i32, i32) {
    %c0_i32 = arith.constant 0 : i32
    %c0_i32_0 = arith.constant 0 : i32
    return %arg0, %c0_i32 : i32, i32
  }
  func.func @transform_6(%arg0: i32) -> (i32, i32) {
    %c0_i32 = arith.constant 0 : i32
    %c0_i32_0 = arith.constant 0 : i32
    return %arg0, %c0_i32 : i32, i32
  }
}

module attributes {stable_mosaic.version = 14 : i64} {
  func.func @_edge_table_body(%arg0: i32, %arg1: memref<4x6400xf32, #tpu.memory_space<vmem>>, %arg2: memref<4x128xf32, #tpu.memory_space<vmem>>, %arg3: memref<6400x128xf32, #tpu.memory_space<vmem>>) attributes {dimension_semantics = [#tpu.dimension_semantics<arbitrary>], iteration_bounds = array<i64: 50>, scalar_prefetch = 0 : i64, scratch_operands = 0 : i64, tpu.core_type = #tpu.core_type<tc>, window_params = [{transform_indices = @transform_0, window_bounds = array<i64: 4, 6400>}, {pipeline_mode = #tpu.pipeline_mode<synchronous>, transform_indices = @transform_1, window_bounds = array<i64: 4, 128>}, {transform_indices = @transform_2, window_bounds = array<i64: 6400, 128>}]} {
    %get3A = arith.constant 0 : index
    %get3A_0 = arith.constant 0 : index
    %get3A_1 = vector.load %arg1[%get3A, %get3A_0] : memref<4x6400xf32, #tpu.memory_space<vmem>>, vector<4x6400xf32>
    %get3A_2 = arith.constant 0 : index
    %get3A_3 = arith.constant 0 : index
    %get3A_4 = vector.load %arg2[%get3A_2, %get3A_3] : memref<4x128xf32, #tpu.memory_space<vmem>>, vector<4x128xf32>
    %dot_general3A = arith.constant dense<0.000000e+00> : vector<6400x128xf32>
    %dot_general3A_5 = tpu.matmul %get3A_1, %get3A_4, %dot_general3A {dimension_numbers = #tpu.dot_dimension_numbers<[0], [0], [1], [1], [0, 1, 1, 1], [], []>, transpose_lhs_hint = false} : vector<4x6400xf32>, vector<4x128xf32>, vector<6400x128xf32> -> vector<6400x128xf32>
    %swap3A = arith.constant 0 : index
    %swap3A_6 = arith.constant 0 : index
    %swap3A_7 = vector.load %arg3[%swap3A, %swap3A_6] : memref<6400x128xf32, #tpu.memory_space<vmem>>, vector<6400x128xf32>
    tpu.vector_store %arg3[%swap3A, %swap3A_6], %dot_general3A_5 {strides = array<i32>} : memref<6400x128xf32, #tpu.memory_space<vmem>>, vector<6400x128xf32>,
    return
  }
  func.func @transform_0(%arg0: i32) -> (i32, i32) {
    %c0_i32 = arith.constant 0 : i32
    %c0_i32_0 = arith.constant 0 : i32
    return %c0_i32, %arg0 : i32, i32
  }
  func.func @transform_1(%arg0: i32) -> (i32, i32) {
    %c0_i32 = arith.constant 0 : i32
    %c0_i32_0 = arith.constant 0 : i32
    %c0_i32_1 = arith.constant 0 : i32
    return %c0_i32, %c0_i32_0 : i32, i32
  }
  func.func @transform_2(%arg0: i32) -> (i32, i32) {
    %c0_i32 = arith.constant 0 : i32
    %c0_i32_0 = arith.constant 0 : i32
    return %arg0, %c0_i32 : i32, i32
  }
}

module attributes {stable_mosaic.version = 14 : i64} {
  func.func @_combine_body(%arg0: i32, %arg1: memref<2x1000x16xf32, #tpu.memory_space<vmem>>, %arg2: memref<1000x16xf32, #tpu.memory_space<vmem>>) attributes {dimension_semantics = [#tpu.dimension_semantics<arbitrary>], iteration_bounds = array<i64: 10>, scalar_prefetch = 0 : i64, scratch_operands = 0 : i64, tpu.core_type = #tpu.core_type<tc>, window_params = [{transform_indices = @transform_0, window_bounds = array<i64: 2, 1000, 16>}, {transform_indices = @transform_1, window_bounds = array<i64: 1000, 16>}]} {
    %get3A = arith.constant 0 : index
    %get3A_0 = arith.constant 0 : index
    %get3A_1 = arith.constant 0 : index
    %get3A_2 = vector.load %arg1[%get3A, %get3A_0, %get3A_1] : memref<2x1000x16xf32, #tpu.memory_space<vmem>>, vector<1x1000x16xf32>
    %get3A_3 = vector.shape_cast %get3A_2 : vector<1x1000x16xf32> to vector<1000x16xf32>
    %get3A_4 = arith.constant 1 : index
    %get3A_5 = arith.constant 0 : index
    %get3A_6 = arith.constant 0 : index
    %get3A_7 = vector.load %arg1[%get3A_4, %get3A_5, %get3A_6] : memref<2x1000x16xf32, #tpu.memory_space<vmem>>, vector<1x1000x16xf32>
    %get3A_8 = vector.shape_cast %get3A_7 : vector<1x1000x16xf32> to vector<1000x16xf32>
    %add3A = arith.addf %get3A_3, %get3A_8 : vector<1000x16xf32>
    %max3A = arith.constant 9.99999996E-13 : f32
    %max3A_9 = vector.broadcast %max3A : f32 to vector<1000x16xf32>
    %max3A_10 = arith.maximumf %add3A, %max3A_9 : vector<1000x16xf32>
    %mul3A = arith.constant 8.000000e+00 : f32
    %mul3A_11 = vector.broadcast %mul3A : f32 to vector<1000x16xf32>
    %mul3A_12 = arith.mulf %mul3A_11, %max3A_10 : vector<1000x16xf32>
    %div3A = arith.constant 1.000000e+00 : f32
    %div3A_13 = vector.broadcast %div3A : f32 to vector<1000x16xf32>
    %div3A_14 = arith.divf %div3A_13, %mul3A_12 : vector<1000x16xf32>
    %swap3A = arith.constant 0 : index
    %swap3A_15 = arith.constant 0 : index
    %swap3A_16 = vector.load %arg2[%swap3A, %swap3A_15] : memref<1000x16xf32, #tpu.memory_space<vmem>>, vector<1000x16xf32>
    tpu.vector_store %arg2[%swap3A, %swap3A_15], %div3A_14 {strides = array<i32>} : memref<1000x16xf32, #tpu.memory_space<vmem>>, vector<1000x16xf32>,
    return
  }
  func.func @transform_0(%arg0: i32) -> (i32, i32, i32) {
    %c0_i32 = arith.constant 0 : i32
    %c0_i32_0 = arith.constant 0 : i32
    %c0_i32_1 = arith.constant 0 : i32
    return %c0_i32, %arg0, %c0_i32_0 : i32, i32, i32
  }
  func.func @transform_1(%arg0: i32) -> (i32, i32) {
    %c0_i32 = arith.constant 0 : i32
    %c0_i32_0 = arith.constant 0 : i32
    return %arg0, %c0_i32 : i32, i32
  }
}

module attributes {stable_mosaic.version = 14 : i64} {
  func.func @_final_body(%arg0: i32, %arg1: memref<2x1000x16xf32, #tpu.memory_space<vmem>>, %arg2: memref<1000x16xf32, #tpu.memory_space<vmem>>) attributes {dimension_semantics = [#tpu.dimension_semantics<arbitrary>], iteration_bounds = array<i64: 10>, scalar_prefetch = 0 : i64, scratch_operands = 0 : i64, tpu.core_type = #tpu.core_type<tc>, window_params = [{transform_indices = @transform_0, window_bounds = array<i64: 2, 1000, 16>}, {transform_indices = @transform_1, window_bounds = array<i64: 1000, 16>}]} {
    %get3A = arith.constant 0 : index
    %get3A_0 = arith.constant 0 : index
    %get3A_1 = arith.constant 0 : index
    %get3A_2 = vector.load %arg1[%get3A, %get3A_0, %get3A_1] : memref<2x1000x16xf32, #tpu.memory_space<vmem>>, vector<1x1000x16xf32>
    %get3A_3 = vector.shape_cast %get3A_2 : vector<1x1000x16xf32> to vector<1000x16xf32>
    %get3A_4 = arith.constant 1 : index
    %get3A_5 = arith.constant 0 : index
    %get3A_6 = arith.constant 0 : index
    %get3A_7 = vector.load %arg1[%get3A_4, %get3A_5, %get3A_6] : memref<2x1000x16xf32, #tpu.memory_space<vmem>>, vector<1x1000x16xf32>
    %get3A_8 = vector.shape_cast %get3A_7 : vector<1x1000x16xf32> to vector<1000x16xf32>
    %add3A = arith.addf %get3A_3, %get3A_8 : vector<1000x16xf32>
    %swap3A = arith.constant 0 : index
    %swap3A_9 = arith.constant 0 : index
    %swap3A_10 = vector.load %arg2[%swap3A, %swap3A_9] : memref<1000x16xf32, #tpu.memory_space<vmem>>, vector<1000x16xf32>
    tpu.vector_store %arg2[%swap3A, %swap3A_9], %add3A {strides = array<i32>} : memref<1000x16xf32, #tpu.memory_space<vmem>>, vector<1000x16xf32>,
    return
  }
  func.func @transform_0(%arg0: i32) -> (i32, i32, i32) {
    %c0_i32 = arith.constant 0 : i32
    %c0_i32_0 = arith.constant 0 : i32
    %c0_i32_1 = arith.constant 0 : i32
    return %c0_i32, %arg0, %c0_i32_0 : i32, i32, i32
  }
  func.func @transform_1(%arg0: i32) -> (i32, i32) {
    %c0_i32 = arith.constant 0 : i32
    %c0_i32_0 = arith.constant 0 : i32
    return %arg0, %c0_i32 : i32, i32
  }
}

</mosaic_0001>

<sc_bundles>
// kernel: kernel.11.cloned.1.call-start
scs
__scs_entry_jumppad:
0x0: {  	(pc) =	sbr.rel $0x88, $3  }
0x1: {  	(tag) =	ssettag $0x0;
	lr =	simm.s32 $0x1  }
0x2: {  	[smem:$0x3F99] =	sst lr;
	_ =	strace $0xD0000000  }
0x3: {  	_ = 	snop  }
0x4: {  	_ = 	snop  }
0x5: {  	_ = 	snop  }
0x6: {  	_ = 	snop  }
0x7: {  	_ = 	snop  }
__scs_overlays_trampoline_lowered:
0x8: {  	[smem:$0x3FA8] =	sst s0  }
0x9: {  	[smem:$0x3FA9] =	sst s1  }
0xa: {  	[smem:$0x3FAA] =	sst s2  }
0xb: {  	[smem:$0x3FAB] =	sst s3  }
0xc: {  	[smem:$0x3FAC] =	sst s4  }
0xd: {  	[smem:$0x3FAD] =	sst s5  }
0xe: {  	[smem:$0x3FAE] =	sst s6  }
0xf: {  	[smem:$0x3FAF] =	sst s7  }
0x10: {  	[smem:$0x3FB0] =	sst s8  }
0x11: {  	[smem:$0x3FB1] =	sst s9;
	s0 =	simm.s32 @!p0 $0x0  }
0x12: {  	s1 =	sld [smem:$0x3F97];
	s0 =	simm.s32 @p0 $0x1  }
0x13: {  	[smem:$0x3FB2] =	sst s0;
	s0 =	simm.s32 @!p1 $0x0  }
0x14: {  	s2 =	sld [smem:$0x3F96];
	s0 =	simm.s32 @p1 $0x1  }
0x15: {  	[smem:$0x3FB3] =	sst s0;
	s0 =	simm.s32 @!p2 $0x0  }
0x16: {  	s3 =	sld [smem:$0x3FDB];
	s0 =	simm.s32 @p2 $0x1  }
0x17: {  	s4 =	simm.s32 $0x1BF5;
	[smem:$0x3FB5] =	sst s0  }
0x18: {  	s0 =	sld [smem:$0x3F98];
	_ =	swait.ge [sflag:s4], $0x0  }
0x19: {  	s7 =	sld [smem:$0x3F99]  }
0x1a: {  	s8 =	sadd.s32 $0xFFFFE003, lr  }
0x1b: {  	s9 =	sadd.s32 $0xFFFFFEF7, lr;
	s5 =	simm.s32 $0xFFFFFFFF;
	p2 =	slt.u32 s8, $0xFFFFF086  }
0x1c: {  	p1 =	slt.u32 s9, $0xF7A;
	s5 =	simm.s32 @!p2 $0x0  }
0x1d: {  	s5 =	simm.s32 @p1 $0x1;
	p0 =	seq.s32 s7, s2  }
0x1e: {  	s7 =	smul.u32 @!p0 $0xF7A, s2;
	p2 =	seq.s32 @!p0 s5, $0x0  }
0x1f: {  	s9 =	smul.u32 $0xF7A, s1;
	s8 =	simm.s32 @!p0 $0x1BF5;
	p2 =	por !p2, p0  }
0x20: {  	[sflag:s8] =	ssyncset.s32 @!p0 $0xFFFFF086;
	s6 =	sadd.s32 @!p0 s3, s7;
	s7 =	simm.s32 @!p0 $0x108  }
0x21: {  	s3 =	sadd.s32 s3, s9;
	s6 =	sadd.s32 @!p0 $0x88, s6;
	s7 =	simm.s32 @p2 $0x1082  }
0x22: {  	[simem:s7], [sflag:s8] =	dma.local @!p0 [hbm:s6], $0xF7A  }
0x23: {  	s9 =	sor.u32 $0xD0000000, s2;
	s6 =	simm.s32 $0x108;
	_ =	swait.ge @!p0 [sflag:s8], $0x0  }
0x24: {  	s3 =	sadd.s32 $0x88, s3;
	s6 =	simm.s32 @!p1 $0x1082;
	[sflag:s4] =	ssyncset.s32 $0xFFFFF086  }
0x25: {  	[simem:s6], [sflag:s4] =	dma.local [hbm:s3], $0xF7A  }
0x26: {  	[smem:$0x3F99] =	sst s1;
	(tag) =	ssettag s2;
	_ =	strace s9  }
0x27: {  	s1 =	sld [smem:$0x3FA9]  }
0x28: {  	s2 =	sld [smem:$0x3FAA]  }
0x29: {  	s4 =	sld [smem:$0x3FAC]  }
0x2a: {  	p0 =	seq.s32 s5, $0x0;
	s5 =	sld [smem:$0x3FAD]  }
0x2b: {  	s6 =	sld [smem:$0x3FAE]  }
0x2c: {  	s7 =	sld [smem:$0x3FAF]  }
0x2d: {  	s3 =	simm.s32 $0x108;
	s8 =	sld [smem:$0x3FB0]  }
0x2e: {  	s3 =	simm.s32 @!p0 $0x1082;
	s9 =	sld [smem:$0x3FB1]  }
0x2f: {  	lr =	sadd.s32 s0, s3;
	s0 =	sld [smem:$0x3FA8]  }
0x30: {  	s3 =	sld [smem:$0x3FAB]  }
0x31: {  	[smem:$0x3FB4] =	sst s10  }
0x32: {  	s10 =	sld [smem:$0x3FB2];
	_ =	sdelay $0x3  }
0x33: {  	p0 =	seq.s32 s10, $0x1;
	s10 =	sld [smem:$0x3FB4];
	_ =	sdelay $0x3  }
0x34: {  	[smem:$0x3FB4] =	sst s10  }
0x35: {  	s10 =	sld [smem:$0x3FB3];
	_ =	sdelay $0x3  }
0x36: {  	p1 =	seq.s32 s10, $0x1;
	s10 =	sld [smem:$0x3FB4];
	_ =	sdelay $0x3  }
0x37: {  	[smem:$0x3FB4] =	sst s10  }
0x38: {  	s10 =	sld [smem:$0x3FB5]  }
0x39: {  	_ = 	snop;
	(pc) =	sbr.ind lr, $3  }
0x3a: {  	_ = 	snop  }
0x3b: {  	_ = 	snop  }
0x3c: {  	p2 =	seq.s32 s10, $0x1;
	s10 =	sld [smem:$0x3FB4]  }
0x3d: {  	_ =	shalt  }
0x3e: {  	_ =	shalt  }
0x3f: {  	_ =	shalt  }
0x40: {  	_ =	shalt  }
0x41: {  	_ =	shalt  }
0x42: {  	_ =	shalt  }
0x43: {  	_ =	shalt  }
0x44: {  	_ =	shalt  }
0x45: {  	_ =	shalt  }
0x46: {  	_ =	shalt  }
0x47: {  	_ =	shalt  }
0x48: {  	_ =	shalt  }
0x49: {  	_ =	shalt  }
0x4a: {  	_ =	shalt  }
0x4b: {  	_ =	shalt  }
0x4c: {  	_ =	shalt  }
0x4d: {  	_ =	shalt  }
0x4e: {  	_ =	shalt  }
0x4f: {  	_ =	shalt  }
0x50: {  	_ =	shalt  }
0x51: {  	_ =	shalt  }
0x52: {  	_ =	shalt  }
0x53: {  	_ =	shalt  }
0x54: {  	_ =	shalt  }
0x55: {  	_ =	shalt  }
0x56: {  	_ =	shalt  }
0x57: {  	_ =	shalt  }
0x58: {  	_ =	shalt  }
0x59: {  	_ =	shalt  }
0x5a: {  	_ =	shalt  }
0x5b: {  	_ =	shalt  }
0x5c: {  	_ =	shalt  }
0x5d: {  	_ =	shalt  }
0x5e: {  	_ =	shalt  }
0x5f: {  	_ =	shalt  }
0x60: {  	_ =	shalt  }
0x61: {  	_ =	shalt  }
0x62: {  	_ =	shalt  }
0x63: {  	_ =	shalt  }
0x64: {  	_ =	shalt  }
0x65: {  	_ =	shalt  }
0x66: {  	_ =	shalt  }
0x67: {  	_ =	shalt  }
0x68: {  	_ =	shalt  }
0x69: {  	_ =	shalt  }
0x6a: {  	_ =	shalt  }
0x6b: {  	_ =	shalt  }
0x6c: {  	_ =	shalt  }
0x6d: {  	_ =	shalt  }
0x6e: {  	_ =	shalt  }
0x6f: {  	_ =	shalt  }
0x70: {  	_ =	shalt  }
0x71: {  	_ =	shalt  }
0x72: {  	_ =	shalt  }
0x73: {  	_ =	shalt  }
0x74: {  	_ =	shalt  }
0x75: {  	_ =	shalt  }
0x76: {  	_ =	shalt  }
0x77: {  	_ =	shalt  }
0x78: {  	_ =	shalt  }
0x79: {  	_ =	shalt  }
0x7a: {  	_ =	shalt  }
0x7b: {  	_ =	shalt  }
0x7c: {  	_ =	shalt  }
0x7d: {  	_ =	shalt  }
0x7e: {  	_ =	shalt  }
0x7f: {  	_ =	shalt  }
0x80: {  	_ =	shalt  }
0x81: {  	_ =	shalt  }
0x82: {  	_ =	shalt  }
0x83: {  	_ =	shalt  }
0x84: {  	_ =	shalt  }
0x85: {  	_ =	shalt  }
0x86: {  	_ =	shalt  }
0x87: {  	_ =	shalt  }
.Lfunc_end0:
.L_simem_size_0:
called_computation.1_lowered:
.L_overlay_start_0:
0x88: {  	s2 =	sld [smem:$0x3FD9]  }
0x89: {  	s3 =	sld [smem:$0x3FFE];
	_ =	sdelay $0x1  }
0x8a: {  	s1 =	srdreg.scid  }
0x8b: {  	s0 =	sand.u32 $0x1, s1  }
0x8c: {  	s17 =	sshll.u32 s0, $0xA;
	s2 =	sadd.s32 s3, s2  }
0x8d: {  	s2 =	sadd.s32 s2, s17  }
0x8e: {  	[smem:$0x3FC0] =	sst s2  }
0x8f: {  	_ = 	snop  }
0x90: {  	s2 =	sld [smem:$0x3FD0];
	(tm) =	ssettm $0x1  }
0x91: {  	s18 =	sld [smem:$0x3FFB];
	_ =	sdelay $0x3  }
0x92: {  	_ =	strace s18  }
0x93: {  	s3 =	sld [smem:$0x3FFC];
	_ =	sdelay $0x3  }
0x94: {  	_ =	strace s3  }
0x95: {  	s3 =	sld [smem:$0x3FFD];
	_ =	sdelay $0x3  }
0x96: {  	_ =	strace s3  }
0x97: {  	_ =	strace $0x8FFFFFFF  }
0x98: {  	s19 =	sld [smem:$0x3FDB];
	_ =	sdelay $0x1  }
0x99: {  	s4 =	simm.s32 $_scs_section_size  }
0x9a: {  	s5 =	simm.s32 $_size__tile_overlayer_lowered;
	s6 =	simm.s32 $_tile_overlayer_lowered  }
0x9b: {  	s22 =	simm.s32 $0x1BFF;
	s21 =	sshll.u32 s6, $0x1;
	s3 =	sadd.s32 s4, s19  }
0x9c: {  	s7 =	simm.s32 $0x0;
	s20 =	sshll.u32 s5, $0x1;
	s5 =	sadd.s32 s21, s3  }
0x9d: {  	[timem:s7], [sflag:s22] =	dma.local [hbm:s5], s20  }
0x9e: {  	_ =	swait.ge [sflag:s22], s20  }
0x9f: {  	s4 =	ssub.s32 $0x0, s20;
	[sflag:s22] =	ssyncset.done $0x0  }
0xa0: {  	[sflag:s22] =	ssyncadd.s32 s4;
	_ =	sdelay $0x1  }
0xa1: {  	s23 =	simm.s32 $0x1B8B  }
0xa2: {  	_ =	swait.ge [sflag:s23], $0x1  }
0xa3: {  	[sflag:s23] =	ssyncset.done $0x0  }
0xa4: {  	s25 =	simm.s32 $0x1B8E;
	s24 =	sld [smem:$0x3FFE];
	[sflag:s23] =	ssyncadd.s32 $0xFFFFFFFF  }
0xa5: {  	s26 =	simm.s32 $execute0_lowered;
	[smem:$0x3FD2] =	sst s25  }
0xa6: {  	s5 =	sshll.u32 s26, $0x1;
	_ =	strace $0x80000049;
	[dreg:$0x1] =	wrdreg $0xFFFFFFFF  }
0xa7: {  	s28 =	simm.s32 $_size_execute0_lowered;
	s3 =	sadd.s32 s3, s5;
	[dreg:$0x0] =	wrdreg $0x0  }
0xa8: {  	s5 =	sshll.u32 s28, $0x1;
	[dreg:$0x2] =	wrdreg s3  }
0xa9: {  	[dreg:$0x3] =	wrdreg s5  }
0xaa: {  	[dreg:$0x4] =	wrdreg $0xC0  }
0xab: {  	_ =	task [dreg:s7], $0x5FFFF  }
0xac: {  	[dreg:$0x1] =	wrdreg $0xFFFFFFFF  }
0xad: {  	[dreg:$0x0] =	wrdreg $0x60  }
0xae: {  	[dreg:$0x2] =	wrdreg s24  }
0xaf: {  	[dreg:$0x3] =	wrdreg s2  }
0xb0: {  	[dreg:$0x4] =	wrdreg $0xC0800  }
0xb1: {  	[dreg:$0x5] =	wrdreg $0x9  }
0xb2: {  	_ =	task.clear_ibuf [dreg:s7], $0x6FFFF;
	_ =	strace $0x90000049  }
0xb3: {  	s29 =	simm.s32 $0x9;
	_ =	strace $0x8000004B  }
0xb4: {  	_ =	swait.ge [sflag:s29], $0x1  }
0xb5: {  	[sflag:s29] =	ssyncadd.s32 $0xFFFFFFFF  }
0xb6: {  	_ =	strace $0x9000004B  }
0xb7: {  	_ =	sfence  }
0xb8: {  	s30 =	sld [smem:$0x0];
	_ =	sdelay $0x2  }
0xb9: {  	s31 =	sshll.u32 s1, $0xD;
	s1 =	sshrl.u32 s1, $0x2  }
0xba: {  	s3 =	sand.u32 $0x4000, s31;
	s1 =	sadd.s32 s1, s30  }
0xbb: {  	s0 =	sor.u32 s3, s0;
	s1 =	sshll.u32 s1, $0x11  }
0xbc: {  	s0 =	sor.u32 s1, s0  }
0xbd: {  	s0 =	sadd.s32 $0x8F2B, s0  }
0xbe: {  	[sflag:s0] =	ssyncadd.remote.s32 $0x1  }
0xbf: {  	_ =	sfence.sel $0xFFFF  }
0xc0: {  	[dreg:$0x0] =	wrdreg $0xFFFFFFFF;
	(pc) =	sbr.abs _section_cstart, $3  }
0xc1: {  	[dreg:$0x1] =	wrdreg $0xFFFFFFFF  }
0xc2: {  	_ =	task.clear_ibuf [dreg:s7], $0x2FFFF;
	_ =	strace $0x9FFFFFFF  }
0xc3: {  	(tm) =	ssettm $0x7FFFFFFF  }
tec
execute0_lowered:
.L_overlay_start_1:
0x0: {  	(tag) =	ssettag $0x1  }
0x1: {  	s0 =	rddreg [dreg:$0x0]  }
0x2: {  	s1 =	rddreg [dreg:$0x1]  }
0x3: {  	s2 =	rddreg [dreg:$0x2]  }
0x4: {  	s4 =	simm.s32 $0x0;
	s3 =	srdreg.scid;
	s15 =	stileid.u32  }
0x5: {  	s21 =	simm.s32 $0xB680;
	s22 =	simm.s32 $0x8;
	s31 =	simm.s32 $0x7  }
0x6: {  	[smem:$0x7FF] =	sst s4;
	s3 =	sand.u32 $0x1, s3;
	s5 =	sadd.s32 $0x3C600, s0  }
0x7: {  	s11 =	smul.u32 $0x500, s15;
	s6 =	sadd.s32 $0x10EA00, s0;
	s7 =	sadd.s32 $0x72600, s0  }
0x8: {  	s8 =	sadd.s32 $0xB600, s0;
	s9 =	sadd.s32 $0x1800, s0;
	s10 =	smul.u32 $0x27100, s3  }
0x9: {  	s23 =	sshll.u32 s15, $0x1;
	s25 =	ssub.s32 $0x8C, s15;
	s15 =	smul.u32 $0x1400, s15  }
0xa: {  	s12 =	ssub.s32 $0x2, s3;
	s3 =	sor.u32 s3, s23;
	s10 =	sadd.s32 s11, s10  }
0xb: {  	_ =	strace $0x8000004A;
	s13 =	smul.u32 $0x27100, s3;
	s10 =	sshrl.u32 s10, $0x3  }
0xc: {  	s23 =	simm.s32 $0x50;
	s0 =	sadd.s32 s10, s0;
	s10 =	smul.u32 $0x2710, s3  }
0xd: {  	s24 =	sshrl.u32 s12, $0x1;
	s30 =	sshrl.u32 s15, $0x2;
	s3 =	smul.u32 $0x4E20, s3  }
0xe: {  	s12 =	ssub.s32 s12, s24;
	s11 =	sshrl.u32 s25, $0x4;
	s13 =	sadd.s32 s6, s13  }
0xf: {  	[dreg:$0x6] =	wrdreg s13;
	s14 =	sshrl.u32 s10, $0x3;
	s3 =	sadd.s32 s7, s3  }
0x10: {  	s19 =	sadd.s32 s30, s2;
	s16 =	sadd.s32 s8, s14;
	[dreg:$0x7] =	wrdreg s3  }
0x11: {  	s26 =	sadd.s32 s9, s14;
	s28 =	sadd.s32 $0xA, s14;
	[dreg:$0x4] =	wrdreg s16  }
0x12: {  	s24 =	simm.s32 $0x0;
	[dreg:$0x5] =	wrdreg s26;
	s29 =	sadd.s32 s8, s28  }
0x13: {  	s18 =	smax.u32 s12, $0x1;
	s3 =	sadd.s32 s9, s28;
	[dreg:$0x8] =	wrdreg s29  }
0x14: {  	v0 =	vimm.f32 $0.0e+00;
	s20 =	sadd.s32 $0x63800, s0;
	s0 =	simm.s32 $0x6;
	[dreg:$0x9] =	wrdreg s3  }
.LBB2_1:
0x15: {  	s3 =	simm.s32 $0x40;
	s12 =	simm.s32 $0x0  }
.LBB2_2:
0x16: {  	p0 =	sne.s32 s3, $0x13C0;
	[tilespmem:s12+$0xB680] =	vst v0;
	s12 =	smov.u32 s3;
	s3 =	sadd.s32 $0x40, s3  }
.Ltmp0:
0x17: {  	(pc) =	sbr.rel @p0 .LBB2_2-.Ltmp0, $2  }
0x18: {  	_ =	sdelay $0x2  }
0x19: {  	s12 =	sshra.s32 s12, $0x2  }
0x1a: {  	p0 =	sne.s32 s11, $0x1  }
.Ltmp1:
0x1b: {  	_ = 	snop;
	(pc) =	sbr.rel @!p0 .LBB2_5-.Ltmp1, $4  }
0x1c: {  	[tilespmem:s12+$0xB680] =	vst v0  }
0x1d: {  	[spmem:s19] =	stream.linear.scatter [tilespmem:s21], [sflag:$0x8], $0x500, $0x38;
	[tilespmem:$0xE790] =	vst v63  }
0x1e: {  	_ =	swait.ge [sflag:s22], $0x500  }
0x1f: {  	s3 =	sadd.s32 $0xFFFFFFFF, s11;
	s12 =	smov.u32 s19;
	[sflag:s22] =	ssyncset.done $0x0  }
.LBB2_4:
0x20: {  	p1 =	sne.s32 s3, $0x1;
	[sflag:s22] =	ssyncadd.s32 $0xFFFFFB00;
	s12 =	sadd.s32 $0x5000, s12  }
.Ltmp2:
0x21: {  	s3 =	sadd.s32 $0xFFFFFFFF, s3;
	(pc) =	sbr.rel @p1 .LBB2_4-.Ltmp2, $4  }
0x22: {  	_ = 	snop  }
0x23: {  	[spmem:s12] =	stream.linear.scatter [tilespmem:s21], [sflag:$0x8], $0x500, $0x38;
	[tilespmem:$0xE790] =	vst v63  }
0x24: {  	_ =	swait.ge [sflag:s22], $0x500  }
0x25: {  	[sflag:s22] =	ssyncset.done $0x0  }
.LBB2_5:
0x26: {  	[sflag:s22] =	ssyncadd.s32 $0xFFFFFB00  }
0x27: {  	[bflag:$0x0] =	sbarrier.arrive $0xFFFF  }
0x28: {  	s25 =	simm.s32 $0x0;
	s3 =	rddreg [dreg:$0x4]  }
0x29: {  	[tilespmem:s25], [sflag:$0x8] =	stream.linear.gather [hbm4b:s3+s25], $0x50, $0x38;
	[tilespmem:$0xE790] =	vst v63  }
0x2a: {  	_ =	swait.ge [sflag:s22], $0x50  }
0x2b: {  	[sflag:s22] =	ssyncset.done $0x0  }
0x2c: {  	s12 =	rddreg [dreg:$0x5];
	[sflag:s22] =	ssyncadd.s32 $0xFFFFFFB0  }
0x2d: {  	[tilespmem:s23], [sflag:$0x8] =	stream.linear.gather [hbm4b:s12+s25], $0x50, $0x38;
	[tilespmem:$0xE790] =	vst v63  }
0x2e: {  	_ =	swait.ge [sflag:s22], $0x50  }
0x2f: {  	[sflag:s22] =	ssyncset.done $0x0  }
0x30: {  	s12 =	simm.s32 $0x5C80;
	s13 =	rddreg [dreg:$0x6];
	[sflag:s22] =	ssyncadd.s32 $0xFFFFFFB0  }
0x31: {  	[tilespmem:s12], [sflag:$0x4] =	stream.linear.gather [hbm4b:s13+s25], $0x2800, $0x38;
	[tilespmem:$0xE790] =	vst v63  }
0x32: {  	s15 =	simm.s32 $0xAC80;
	s14 =	rddreg [dreg:$0x7]  }
0x33: {  	[tilespmem:s15], [sflag:$0x4] =	stream.linear.gather [hbm4b:s14+s25], $0x500, $0x38;
	[tilespmem:$0xE790] =	vst v63  }
0x34: {  	s16 =	simm.s32 $0x280  }
0x35: {  	[tilespmem:s16], [sflag:$0x2] =	stream.indirect.gather [hbm4b:s5+s23], $0x80, s25, s23, $0xb8;
	[tilespmem:$0xE790] =	vst v63  }
0x36: {  	s17 =	simm.s32 $0x5280  }
0x37: {  	[tilespmem:s17], [sflag:$0x2] =	stream.indirect.gather [hbm4b:s1+s23], $0x10, s23, s23, $0xb8;
	[tilespmem:$0xE790] =	vst v63  }
0x38: {  	s28 =	simm.s32 $0xA0;
	s26 =	rddreg [dreg:$0x8]  }
0x39: {  	[tilespmem:s28], [sflag:$0x1] =	stream.linear.gather [hbm4b:s26+s25], $0x50, $0x38;
	[tilespmem:$0xE790] =	vst v63  }
0x3a: {  	s30 =	simm.s32 $0xF0;
	p1 =	por $0x0, $0x0;
	s29 =	rddreg [dreg:$0x9]  }
0x3b: {  	[tilespmem:s30], [sflag:$0x1] =	stream.linear.gather [hbm4b:s29+s25], $0x50, $0x38;
	[tilespmem:$0xE790] =	vst v63  }
.LBB2_6:
0x3c: {  	p2 =	seq.s32 s25, $0x7C  }
0x3d: {  	s26 =	sadd.s32 $0x1, s25;
	s28 =	sand.u32 $0x1, s25;
	s3 =	simm.s32 @!p2 $0x1  }
0x3e: {  	s12 =	sand.u32 @!p2 $0x3, s26;
	s13 =	smul.u32 @!p2 $0x50, s26;
	_ =	swait.ge @!p2 [sflag:s3], $0x50  }
0x3f: {  	s14 =	sxor.u32 @!p2 $0x1, s28;
	s29 =	simm.s32 @!p2 $0x0;
	[sflag:s3] =	ssyncset.done @!p2 $0x0  }
0x40: {  	s15 =	smul.u32 @!p2 $0x2800, s14;
	s13 =	sadd.s32 @!p2 s10, s13;
	[sflag:s3] =	ssyncadd.s32 @!p2 $0xFFFFFFB0  }
0x41: {  	s12 =	smul.u32 @!p2 $0x280, s12;
	s16 =	sshll.u32 @!p2 s13, $0x4;
	_ =	swait.ge @!p2 [sflag:s3], $0x50  }
0x42: {  	s17 =	sadd.s32 @!p2 $0x5C80, s15;
	s16 =	sand.u32 @!p2 $0x1FFFFF00, s16;
	[sflag:s3] =	ssyncset.done @!p2 $0x0  }
0x43: {  	s16 =	sadd.s32 @!p2 s6, s16;
	[sflag:s3] =	ssyncadd.s32 @!p2 $0xFFFFFFB0;
	s3 =	sor.u32 @!p2 $0x4, s14  }
0x44: {  	[tilespmem:s17], [sflag:s3] =	stream.linear.gather @!p2 [hbm4b:s16+s29], $0x2800, $0x38;
	[tilespmem:$0xE790] =	vst v63  }
0x45: {  	s13 =	sshll.u32 @!p2 s13, $0x1;
	s16 =	smul.u32 @!p2 $0x500, s14  }
0x46: {  	s13 =	sand.u32 @!p2 $0x1FFFFFE0, s13  }
0x47: {  	s12 =	sshrl.u32 @!p2 s12, $0x2;
	s13 =	sadd.s32 @!p2 s7, s13;
	s17 =	sadd.s32 @!p2 $0xAC80, s16  }
0x48: {  	[tilespmem:s17], [sflag:s3] =	stream.linear.gather @!p2 [hbm4b:s13+s29], $0x500, $0x38;
	[tilespmem:$0xE790] =	vst v63  }
0x49: {  	s3 =	sor.u32 @!p2 $0x280, s15;
	s13 =	sor.u32 @!p2 $0x2, s14;
	s14 =	simm.s32 @!p2 $0x50  }
0x4a: {  	[tilespmem:s3], [sflag:s13] =	stream.indirect.gather @!p2 [hbm4b:s5+s14], $0x80, s12, s14, $0xb8;
	[tilespmem:$0xE790] =	vst v63  }
0x4b: {  	p3 =	slt.u32 @!p2 s25, $0x2;
	s3 =	sadd.s32 @!p2 $0x50, s12;
	s12 =	sadd.s32 @!p2 $0x5280, s16  }
0x4c: {  	[tilespmem:s12], [sflag:s13] =	stream.indirect.gather @!p2 [hbm4b:s1+s14], $0x10, s3, s14, $0xb8;
	[tilespmem:$0xE790] =	vst v63  }
0x4d: {  	p2 =	por p2, !p3  }
0x4e: {  	s3 =	sor.u32 @p2 $0x6, s28  }
0x4f: {  	p3 =	sgt.u32 @p2 s25, $0x7A;
	_ =	swait.ge @p2 [sflag:s3], $0x500  }
0x50: {  	p3 =	por !p2, !p3;
	[sflag:s3] =	ssyncset.done @p2 $0x0  }
0x51: {  	[sflag:s3] =	ssyncadd.s32 @p2 $0xFFFFFB00;
	s3 =	sadd.s32 @p3 $0x2, s25  }
0x52: {  	s12 =	smul.u32 @p3 $0x50, s3  }
0x53: {  	s3 =	sand.u32 @p3 $0x3, s3  }
0x54: {  	s3 =	smul.u32 @p3 $0x280, s3;
	s12 =	sadd.s32 @p3 s10, s12  }
0x55: {  	s12 =	sshrl.u32 @p3 s12, $0x3  }
0x56: {  	s3 =	sshrl.u32 @p3 s3, $0x2;
	s13 =	sadd.s32 @p3 s8, s12  }
0x57: {  	[tilespmem:s3], [sflag:$0x1] =	stream.linear.gather @p3 [hbm4b:s13+s4], $0x50, $0x38;
	[tilespmem:$0xE790] =	vst v63  }
0x58: {  	s14 =	sor.u32 $0x4, s28;
	s12 =	sadd.s32 @p3 s9, s12;
	s3 =	sadd.s32 @p3 $0x50, s3  }
0x59: {  	[tilespmem:s3], [sflag:$0x1] =	stream.linear.gather @p3 [hbm4b:s12+s4], $0x50, $0x38;
	[tilespmem:$0xE790] =	vst v63  }
0x5a: {  	_ =	swait.ge [sflag:s14], $0x2800  }
0x5b: {  	[sflag:s14] =	ssyncset.done $0x0  }
0x5c: {  	[sflag:s14] =	ssyncadd.s32 $0xFFFFD800  }
0x5d: {  	_ =	swait.ge [sflag:s14], $0x500  }
0x5e: {  	[sflag:s14] =	ssyncset.done $0x0  }
0x5f: {  	s15 =	sor.u32 $0x2, s28;
	[sflag:s14] =	ssyncadd.s32 $0xFFFFFB00  }
0x60: {  	s12 =	simm.s32 $0x1;
	_ =	swait.ge [sflag:s15], $0x2800  }
0x61: {  	s12 =	simm.s32 @!p1 $0x0;
	[sflag:s15] =	ssyncset.done $0x0  }
0x62: {  	s16 =	smul.u32 $0xA000, s12;
	[sflag:s15] =	ssyncadd.s32 $0xFFFFD800  }
0x63: {  	_ =	swait.ge [sflag:s15], $0x500  }
0x64: {  	s12 =	smul.u32 $0x1400, s12;
	s13 =	sshrl.u32 s16, $0x2;
	[sflag:s15] =	ssyncset.done $0x0  }
0x65: {  	s29 =	sadd.s32 $0x5D00, s13;
	[sflag:s15] =	ssyncadd.s32 $0xFFFFFB00  }
0x66: {  	s17 =	sshrl.u32 s12, $0x2;
	s30 =	sor.u32 $0x300, s13;
	v1 =	vld [tilespmem:s29+$0xFFFFFF80]  }
0x67: {  	s3 =	sadd.s32 $0x5290, s17;
	v2 =	vld [tilespmem:s30+$0xFFFFFF80]  }
0x68: {  	s12 =	sadd.s32 $0xAC90, s17;
	v3 =	vld [tilespmem:s3+$0xFFFFFFF0]  }
0x69: {  	v4 =	vld [tilespmem:s12+$0xFFFFFFF0]  }
0x6a: {  	v5 =	vld [tilespmem:s29+$0xFFFFFF90]  }
0x6b: {  	v6 =	vld [tilespmem:s30+$0xFFFFFF90]  }
0x6c: {  	v7 =	vld [tilespmem:s29+$0xFFFFFFA0]  }
0x6d: {  	v8 =	vld [tilespmem:s30+$0xFFFFFFA0]  }
0x6e: {  	v3 =	vmul.f32 v3, v4;
	v4 =	vld [tilespmem:s29+$0xFFFFFFB0]  }
0x6f: {  	v1 =	vadd.f32 v1, v2;
	v2 =	vld [tilespmem:s30+$0xFFFFFFB0]  }
0x70: {  	v10 =	vld [tilespmem:s29+$0xFFFFFFC0];
	v5 =	vadd.f32 v5, v6;
	v9 =	vbroadcast v3, $0x0;
	v6 =	vbroadcast v3, $0x1  }
0x71: {  	v12 =	vld [tilespmem:s30+$0xFFFFFFC0];
	v11 =	vbroadcast v3, $0x2  }
0x72: {  	v60 =	vld [tilespmem:s30+$0xFFFFFFD0];
	v1 =	vmul.f32 v1, v9;
	v5 =	vmul.f32 v5, v6;
	v6 =	vadd.f32 v7, v8  }
0x73: {  	v7 =	vld [tilespmem:s29+$0xFFFFFFD0];
	v8 =	vbroadcast v3, $0x3  }
0x74: {  	v61 =	vld [tilespmem:s30+$0xFFFFFFE0];
	v2 =	vadd.f32 v4, v2;
	v1 =	vadd.f32 v5, v1;
	v5 =	vmul.f32 v6, v11  }
0x75: {  	v4 =	vld [tilespmem:s29+$0xFFFFFFE0];
	v6 =	vbroadcast v3, $0x4  }
0x76: {  	v63 =	vld [tilespmem:s30+$0xFFFFFFF0];
	v2 =	vmul.f32 v2, v8;
	v1 =	vadd.f32 v5, v1;
	v5 =	vadd.f32 v10, v12  }
0x77: {  	v62 =	vbroadcast v3, $0x5;
	v8 =	vld [tilespmem:s29+$0xFFFFFFF0]  }
0x78: {  	v1 =	vadd.f32 v2, v1;
	v2 =	vmul.f32 v5, v6;
	v5 =	vadd.f32 v7, v60  }
0x79: {  	v6 =	vbroadcast v3, $0x6  }
0x7a: {  	v4 =	vadd.f32 v4, v61;
	v1 =	vadd.f32 v2, v1;
	v2 =	vmul.f32 v5, v62  }
0x7b: {  	v3 =	vbroadcast v3, $0x7  }
0x7c: {  	v1 =	vadd.f32 v2, v1;
	v2 =	vmul.f32 v4, v6;
	v4 =	vadd.f32 v8, v63;
	_ =	sdelay $0x1  }
0x7d: {  	v1 =	vadd.f32 v2, v1;
	v2 =	vmul.f32 v4, v3;
	_ =	sdelay $0x1  }
0x7e: {  	v1 =	vadd.f32 v2, v1  }
0x7f: {  	s13 =	sadd.s32 $0xB690, s17  }
0x80: {  	[tilespmem:s13+$0xFFFFFFF0] =	vst v1  }
0x81: {  	v1 =	vld [tilespmem:s12+$0x0]  }
0x82: {  	v3 =	vld [tilespmem:s3+$0x0]  }
0x83: {  	v4 =	vld [tilespmem:s29+$0x10]  }
0x84: {  	v6 =	vld [tilespmem:s30+$0x10]  }
0x85: {  	v5 =	vld [tilespmem:s29+$0x0]  }
0x86: {  	v7 =	vld [tilespmem:s30+$0x0]  }
0x87: {  	s14 =	simm.s32 $0x0;
	v2 =	vld [tilespmem:s29+$0x20]  }
0x88: {  	s16 =	sadd.s32 $0x100, s30;
	s17 =	sadd.s32 $0x100, s29;
	s15 =	sadd.s32 $0x20, s13;
	v1 =	vmul.f32 v3, v1;
	v3 =	vld [tilespmem:s30+$0x20]  }
.LBB2_7:
0x89: {  	s14 =	sadd.s32 $0x2, s14;
	v8 =	vld [tilespmem:s29+$0x30];
	s12 =	sadd.s32 $0x20, s12;
	s3 =	sadd.s32 $0x20, s3  }
0x8a: {  	v4 =	vadd.f32 v4, v6;
	p2 =	slt.u32 s14, $0x4E;
	v6 =	vld [tilespmem:s30+$0x30]  }
0x8b: {  	v9 =	vbroadcast v1, $0x1;
	v5 =	vadd.f32 v5, v7;
	v7 =	vbroadcast v1, $0x0;
	v10 =	vld [tilespmem:s29+$0x40]  }
0x8c: {  	v11 =	vbroadcast v1, $0x2;
	v12 =	vld [tilespmem:s30+$0x40]  }
0x8d: {  	v4 =	vmul.f32 v4, v9;
	v5 =	vmul.f32 v5, v7;
	v2 =	vadd.f32 v2, v3;
	v3 =	vld [tilespmem:s29+$0x50]  }
0x8e: {  	v7 =	vbroadcast v1, $0x3;
	v9 =	vld [tilespmem:s30+$0x50]  }
0x8f: {  	v4 =	vadd.f32 v4, v5;
	v2 =	vmul.f32 v2, v11;
	v5 =	vadd.f32 v8, v6;
	v6 =	vld [tilespmem:s29+$0x60]  }
0x90: {  	v8 =	vbroadcast v1, $0x4;
	v11 =	vld [tilespmem:s30+$0x60]  }
0x91: {  	v2 =	vadd.f32 v2, v4;
	v4 =	vmul.f32 v5, v7;
	v5 =	vadd.f32 v10, v12;
	v7 =	vld [tilespmem:s29+$0x70];
	s29 =	smov.u32 s17  }
0x92: {  	v10 =	vbroadcast v1, $0x5;
	v12 =	vld [tilespmem:s30+$0x70];
	s30 =	smov.u32 s16  }
0x93: {  	v2 =	vadd.f32 v4, v2;
	v4 =	vmul.f32 v5, v8;
	v3 =	vadd.f32 v3, v9  }
0x94: {  	v5 =	vbroadcast v1, $0x6  }
0x95: {  	v2 =	vadd.f32 v4, v2;
	v3 =	vmul.f32 v3, v10;
	v4 =	vadd.f32 v6, v11  }
0x96: {  	v1 =	vbroadcast v1, $0x7  }
0x97: {  	v2 =	vadd.f32 v3, v2;
	v3 =	vmul.f32 v4, v5;
	v4 =	vadd.f32 v7, v12;
	_ =	sdelay $0x1  }
0x98: {  	v2 =	vadd.f32 v3, v2;
	v1 =	vmul.f32 v4, v1;
	_ =	sdelay $0x1  }
0x99: {  	v1 =	vadd.f32 v1, v2;
	_ =	sdelay $0x1  }
0x9a: {  	[tilespmem:s13+$0x0] =	vst v1;
	s13 =	smov.u32 s15  }
0x9b: {  	v1 =	vld [tilespmem:s17+$0xFFFFFF80]  }
0x9c: {  	v2 =	vld [tilespmem:s16+$0xFFFFFF80]  }
0x9d: {  	v3 =	vld [tilespmem:s3+$0xFFFFFFF0]  }
0x9e: {  	v4 =	vld [tilespmem:s12+$0xFFFFFFF0]  }
0x9f: {  	v5 =	vld [tilespmem:s17+$0xFFFFFF90]  }
0xa0: {  	v6 =	vld [tilespmem:s16+$0xFFFFFF90]  }
0xa1: {  	v7 =	vld [tilespmem:s17+$0xFFFFFFA0]  }
0xa2: {  	v1 =	vadd.f32 v1, v2;
	v2 =	vld [tilespmem:s16+$0xFFFFFFA0]  }
0xa3: {  	v3 =	vmul.f32 v3, v4;
	v4 =	vld [tilespmem:s17+$0xFFFFFFB0]  }
0xa4: {  	v8 =	vld [tilespmem:s16+$0xFFFFFFB0]  }
0xa5: {  	v9 =	vbroadcast v3, $0x0;
	v5 =	vadd.f32 v5, v6;
	v6 =	vbroadcast v3, $0x1;
	v10 =	vld [tilespmem:s17+$0xFFFFFFC0]  }
0xa6: {  	v11 =	vbroadcast v3, $0x2;
	v12 =	vbroadcast v3, $0x3;
	v13 =	vld [tilespmem:s16+$0xFFFFFFC0]  }
0xa7: {  	v1 =	vmul.f32 v1, v9;
	v5 =	vmul.f32 v5, v6;
	v2 =	vadd.f32 v7, v2;
	v6 =	vld [tilespmem:s17+$0xFFFFFFD0]  }
0xa8: {  	v14 =	vbroadcast v3, $0x5;
	v7 =	vbroadcast v3, $0x4;
	v9 =	vld [tilespmem:s16+$0xFFFFFFD0]  }
0xa9: {  	v1 =	vadd.f32 v5, v1;
	v2 =	vmul.f32 v2, v11;
	v4 =	vadd.f32 v4, v8;
	v5 =	vld [tilespmem:s17+$0xFFFFFFE0]  }
0xaa: {  	v11 =	vbroadcast v3, $0x6;
	v3 =	vbroadcast v3, $0x7;
	v8 =	vld [tilespmem:s16+$0xFFFFFFE0]  }
0xab: {  	v1 =	vadd.f32 v2, v1;
	v2 =	vmul.f32 v4, v12;
	v4 =	vadd.f32 v10, v13;
	v10 =	vld [tilespmem:s17+$0xFFFFFFF0]  }
0xac: {  	v12 =	vld [tilespmem:s16+$0xFFFFFFF0]  }
0xad: {  	v1 =	vadd.f32 v2, v1;
	v2 =	vmul.f32 v4, v7;
	v4 =	vadd.f32 v6, v9;
	_ =	sdelay $0x1  }
0xae: {  	v1 =	vadd.f32 v2, v1;
	v2 =	vmul.f32 v4, v14;
	v4 =	vadd.f32 v5, v8;
	_ =	sdelay $0x1  }
0xaf: {  	v1 =	vadd.f32 v2, v1;
	v2 =	vmul.f32 v4, v11;
	v4 =	vadd.f32 v10, v12;
	_ =	sdelay $0x1  }
0xb0: {  	v1 =	vadd.f32 v2, v1;
	v2 =	vmul.f32 v4, v3;
	_ =	sdelay $0x1  }
0xb1: {  	v1 =	vadd.f32 v2, v1;
	_ =	sdelay $0x1  }
0xb2: {  	[tilespmem:s15+$0xFFFFFFF0] =	vst v1  }
0xb3: {  	v1 =	vld [tilespmem:s12+$0x0]  }
0xb4: {  	v2 =	vld [tilespmem:s3+$0x0]  }
0xb5: {  	v4 =	vld [tilespmem:s17+$0x10]  }
.Ltmp3:
0xb6: {  	v6 =	vld [tilespmem:s16+$0x10];
	(pc) =	sbr.rel @p2 .LBB2_7-.Ltmp3, $4  }
0xb7: {  	v5 =	vld [tilespmem:s17+$0x0]  }
0xb8: {  	v7 =	vld [tilespmem:s16+$0x0]  }
0xb9: {  	v1 =	vmul.f32 v2, v1;
	v2 =	vld [tilespmem:s17+$0x20]  }
0xba: {  	s15 =	sadd.s32 $0x20, s15;
	s16 =	sadd.s32 $0x100, s16;
	s17 =	sadd.s32 $0x100, s17;
	v3 =	vld [tilespmem:s30+$0x20]  }
0xbb: {  	v8 =	vld [tilespmem:s29+$0x30]  }
0xbc: {  	v4 =	vadd.f32 v4, v6;
	v47 =	vld [tilespmem:s30+$0x30]  }
0xbd: {  	v48 =	vbroadcast v1, $0x0;
	v9 =	vbroadcast v1, $0x1;
	v10 =	vld [tilespmem:s29+$0x40];
	v5 =	vadd.f32 v5, v7  }
0xbe: {  	v11 =	vbroadcast v1, $0x2;
	v12 =	vld [tilespmem:s30+$0x40]  }
0xbf: {  	v50 =	vld [tilespmem:s30+$0x50];
	v4 =	vmul.f32 v4, v9;
	v5 =	vmul.f32 v5, v48;
	v2 =	vadd.f32 v2, v3  }
0xc0: {  	v49 =	vbroadcast v1, $0x3;
	v3 =	vld [tilespmem:s29+$0x50]  }
0xc1: {  	v52 =	vld [tilespmem:s29+$0x60];
	v51 =	vadd.f32 v8, v47;
	v4 =	vadd.f32 v4, v5;
	v2 =	vmul.f32 v2, v11  }
0xc2: {  	v53 =	vbroadcast v1, $0x4;
	v54 =	vld [tilespmem:s30+$0x60]  }
0xc3: {  	v57 =	vld [tilespmem:s29+$0x70];
	v56 =	vadd.f32 v10, v12;
	v55 =	vmul.f32 v51, v49;
	v2 =	vadd.f32 v2, v4  }
0xc4: {  	v58 =	vbroadcast v1, $0x5;
	v59 =	vld [tilespmem:s30+$0x70]  }
0xc5: {  	v60 =	vmul.f32 v56, v53;
	v3 =	vadd.f32 v3, v50;
	v2 =	vadd.f32 v55, v2  }
0xc6: {  	v61 =	vbroadcast v1, $0x6  }
0xc7: {  	v62 =	vadd.f32 v52, v54;
	v3 =	vmul.f32 v3, v58;
	v2 =	vadd.f32 v60, v2  }
0xc8: {  	v1 =	vbroadcast v1, $0x7  }
0xc9: {  	v63 =	vadd.f32 v57, v59;
	v2 =	vadd.f32 v3, v2;
	v3 =	vmul.f32 v62, v61  }
0xca: {  	s3 =	sand.u32 $0x3, s25;
	s12 =	smul.u32 $0x1400, s28  }
0xcb: {  	p2 =	sne.s32 s26, $0x7D;
	s3 =	smul.u32 $0x280, s3;
	v1 =	vmul.f32 v63, v1;
	v2 =	vadd.f32 v3, v2  }
.Ltmp4:
0xcc: {  	_ = 	snop;
	(pc) =	sbr.rel @p2 .LBB2_6-.Ltmp4, $4  }
0xcd: {  	s30 =	sor.u32 $0x6, s28;
	v1 =	vadd.f32 v1, v2  }
0xce: {  	p1 =	por !p1, !p1;
	s12 =	sshrl.u32 s12, $0x2;
	s3 =	sshrl.u32 s3, $0x2  }
0xcf: {  	s25 =	smov.u32 s26;
	s12 =	sadd.s32 $0xB680, s12;
	s3 =	sadd.s32 $0x50, s3;
	[tilespmem:s13+$0x0] =	vst v1  }
0xd0: {  	[spmem:s2] =	stream.indirect.scatter.add.f32 [tilespmem:s12], [sflag:s30], $0x10, s3, s23, $0xb8;
	[tilespmem:$0xE790] =	vst v63  }
0xd1: {  	_ =	swait.ge [sflag:s31], $0x500  }
0xd2: {  	[sflag:s31] =	ssyncset.done $0x0  }
0xd3: {  	[sflag:s31] =	ssyncadd.s32 $0xFFFFFB00  }
0xd4: {  	_ =	swait.ge [sflag:s0], $0x500  }
.Ltmp5:
0xd5: {  	s3 =	stileid.u32;
	[sflag:s0] =	ssyncset.done $0x0;
	(pc) =	sbr.rel @!p0 .LBB2_11-.Ltmp5, $4  }
0xd6: {  	s12 =	sshrl.u32 s19, $0x3;
	s3 =	sshll.u32 s3, $0x6;
	[sflag:s0] =	ssyncadd.s32 $0xFFFFFB00  }
0xd7: {  	s13 =	sadd.s32 $0x5000, s19;
	s3 =	sor.u32 $0x1C08, s3;
	[bflag:$0x0] =	sbarrier.arrive $0xFFFF  }
0xd8: {  	[hbm:s20], [sflag:s3] =	dma.local [spmem:s12], $0xA0  }
0xd9: {  	s14 =	smov.u32 s20;
	s12 =	sadd.s32 $0xFFFFFFFF, s11;
	_ =	swait.ge [sflag:s22], $0xA0  }
.LBB2_10:
0xda: {  	[sflag:s22] =	ssyncset.done $0x0;
	s14 =	sadd.s32 $0xA00, s14;
	p0 =	sne.s32 s12, $0x1  }
.Ltmp6:
0xdb: {  	s15 =	sshrl.u32 s13, $0x3;
	[sflag:s22] =	ssyncadd.s32 $0xFFFFFF60;
	(pc) =	sbr.rel @p0 .LBB2_10-.Ltmp6, $3  }
0xdc: {  	[hbm:s14], [sflag:s3] =	dma.local [spmem:s15], $0xA0  }
0xdd: {  	s12 =	sadd.s32 $0xFFFFFFFF, s12;
	_ =	sdelay $0x1  }
0xde: {  	s13 =	sadd.s32 $0x5000, s13;
	_ =	swait.ge [sflag:s22], $0xA0  }
.LBB2_11:
0xdf: {  	s24 =	sadd.s32 $0x1, s24  }
0xe0: {  	p0 =	sne.s32 s24, s18  }
.Ltmp7:
0xe1: {  	_ = 	snop;
	(pc) =	sbr.rel @p0 .LBB2_1-.Ltmp7, $3  }
0xe2: {  	_ =	sdelay $0x1  }
0xe3: {  	[sflag:s22] =	ssyncset.done $0x0  }
0xe4: {  	[sflag:s22] =	ssyncadd.s32 $0xFFFFFF60  }
0xe5: {  	_ =	sfence.sel $0x180000  }
0xe6: {  	[bflag:$0x0] =	sbarrier.arrive $0xFFFF  }
0xe7: {  	_ =	strace $0x9000004A  }
0xe8: {  	s0 =	stileid.u32;
	[bflag:$0x2] =	sbarrier.arrive $0xFFFF  }
0xe9: {  	p0 =	sne.s32 s0, $0x0;
	s0 =	rddreg [dreg:$0x3]  }
0xea: {  	s0 =	sadd.s32 @!p0 $0x100000, s0  }
0xeb: {  	[sflag:s0] =	ssyncadd.tile.s32 @!p0 $0x1;
	_ =	shalt  }
.Lfunc_end2:
_tile_overlayer_lowered:
.L_overlay_start_2:
0xec: {  	(tag) =	ssettag $0x2  }
0xed: {  	s0 =	rddreg [dreg:$0x0];
	s2 =	stileid.u32  }
0xee: {  	s1 =	rddreg [dreg:$0x1];
	p0 =	sne.s32 s2, $0x0  }
0xef: {  	s3 =	rddreg [dreg:$0x2];
	[bflag:$0x3] =	sbarrier.arrive $0xFFFF;
	s2 =	simm.s32 @!p0 $0x1C08  }
0xf0: {  	[timem:s3], [sflag:s2] =	dma.local @!p0 [hbm:s0], s1  }
0xf1: {  	s0 =	simm.s32 @!p0 $0x8  }
0xf2: {  	_ =	swait.ge @!p0 [sflag:s0], s1  }
0xf3: {  	s1 =	ssub.s32 @!p0 $0x0, s1;
	[sflag:s0] =	ssyncset.done @!p0 $0x0  }
0xf4: {  	[sflag:s0] =	ssyncadd.s32 @!p0 s1  }
0xf5: {  	[bflag:$0x3] =	sbarrier.arrive $0xFFFF  }
0xf6: {  	_ =	shalt  }

// kernel: kernel.8.cloned.1.call-start
scs
__scs_entry_jumppad:
0x0: {  	(pc) =	sbr.rel $0x88, $3  }
0x1: {  	(tag) =	ssettag $0x0;
	lr =	simm.s32 $0x1  }
0x2: {  	[smem:$0x3F99] =	sst lr;
	_ =	strace $0xD0000000  }
0x3: {  	_ = 	snop  }
0x4: {  	_ = 	snop  }
0x5: {  	_ = 	snop  }
0x6: {  	_ = 	snop  }
0x7: {  	_ = 	snop  }
__scs_overlays_trampoline_lowered:
0x8: {  	[smem:$0x3FA8] =	sst s0  }
0x9: {  	[smem:$0x3FA9] =	sst s1  }
0xa: {  	[smem:$0x3FAA] =	sst s2  }
0xb: {  	[smem:$0x3FAB] =	sst s3  }
0xc: {  	[smem:$0x3FAC] =	sst s4  }
0xd: {  	[smem:$0x3FAD] =	sst s5  }
0xe: {  	[smem:$0x3FAE] =	sst s6  }
0xf: {  	[smem:$0x3FAF] =	sst s7  }
0x10: {  	[smem:$0x3FB0] =	sst s8  }
0x11: {  	[smem:$0x3FB1] =	sst s9;
	s0 =	simm.s32 @!p0 $0x0  }
0x12: {  	s1 =	sld [smem:$0x3F97];
	s0 =	simm.s32 @p0 $0x1  }
0x13: {  	[smem:$0x3FB2] =	sst s0;
	s0 =	simm.s32 @!p1 $0x0  }
0x14: {  	s2 =	sld [smem:$0x3F96];
	s0 =	simm.s32 @p1 $0x1  }
0x15: {  	[smem:$0x3FB3] =	sst s0;
	s0 =	simm.s32 @!p2 $0x0  }
0x16: {  	s3 =	sld [smem:$0x3FDB];
	s0 =	simm.s32 @p2 $0x1  }
0x17: {  	s4 =	simm.s32 $0x1BF5;
	[smem:$0x3FB5] =	sst s0  }
0x18: {  	s0 =	sld [smem:$0x3F98];
	_ =	swait.ge [sflag:s4], $0x0  }
0x19: {  	s7 =	sld [smem:$0x3F99]  }
0x1a: {  	s8 =	sadd.s32 $0xFFFFE003, lr  }
0x1b: {  	s9 =	sadd.s32 $0xFFFFFEF7, lr;
	s5 =	simm.s32 $0xFFFFFFFF;
	p2 =	slt.u32 s8, $0xFFFFF086  }
0x1c: {  	p1 =	slt.u32 s9, $0xF7A;
	s5 =	simm.s32 @!p2 $0x0  }
0x1d: {  	s5 =	simm.s32 @p1 $0x1;
	p0 =	seq.s32 s7, s2  }
0x1e: {  	s7 =	smul.u32 @!p0 $0xF7A, s2;
	p2 =	seq.s32 @!p0 s5, $0x0  }
0x1f: {  	s9 =	smul.u32 $0xF7A, s1;
	s8 =	simm.s32 @!p0 $0x1BF5;
	p2 =	por !p2, p0  }
0x20: {  	[sflag:s8] =	ssyncset.s32 @!p0 $0xFFFFF086;
	s6 =	sadd.s32 @!p0 s3, s7;
	s7 =	simm.s32 @!p0 $0x108  }
0x21: {  	s3 =	sadd.s32 s3, s9;
	s6 =	sadd.s32 @!p0 $0x88, s6;
	s7 =	simm.s32 @p2 $0x1082  }
0x22: {  	[simem:s7], [sflag:s8] =	dma.local @!p0 [hbm:s6], $0xF7A  }
0x23: {  	s9 =	sor.u32 $0xD0000000, s2;
	s6 =	simm.s32 $0x108;
	_ =	swait.ge @!p0 [sflag:s8], $0x0  }
0x24: {  	s3 =	sadd.s32 $0x88, s3;
	s6 =	simm.s32 @!p1 $0x1082;
	[sflag:s4] =	ssyncset.s32 $0xFFFFF086  }
0x25: {  	[simem:s6], [sflag:s4] =	dma.local [hbm:s3], $0xF7A  }
0x26: {  	[smem:$0x3F99] =	sst s1;
	(tag) =	ssettag s2;
	_ =	strace s9  }
0x27: {  	s1 =	sld [smem:$0x3FA9]  }
0x28: {  	s2 =	sld [smem:$0x3FAA]  }
0x29: {  	s4 =	sld [smem:$0x3FAC]  }
0x2a: {  	p0 =	seq.s32 s5, $0x0;
	s5 =	sld [smem:$0x3FAD]  }
0x2b: {  	s6 =	sld [smem:$0x3FAE]  }
0x2c: {  	s7 =	sld [smem:$0x3FAF]  }
0x2d: {  	s3 =	simm.s32 $0x108;
	s8 =	sld [smem:$0x3FB0]  }
0x2e: {  	s3 =	simm.s32 @!p0 $0x1082;
	s9 =	sld [smem:$0x3FB1]  }
0x2f: {  	lr =	sadd.s32 s0, s3;
	s0 =	sld [smem:$0x3FA8]  }
0x30: {  	s3 =	sld [smem:$0x3FAB]  }
0x31: {  	[smem:$0x3FB4] =	sst s10  }
0x32: {  	s10 =	sld [smem:$0x3FB2];
	_ =	sdelay $0x3  }
0x33: {  	p0 =	seq.s32 s10, $0x1;
	s10 =	sld [smem:$0x3FB4];
	_ =	sdelay $0x3  }
0x34: {  	[smem:$0x3FB4] =	sst s10  }
0x35: {  	s10 =	sld [smem:$0x3FB3];
	_ =	sdelay $0x3  }
0x36: {  	p1 =	seq.s32 s10, $0x1;
	s10 =	sld [smem:$0x3FB4];
	_ =	sdelay $0x3  }
0x37: {  	[smem:$0x3FB4] =	sst s10  }
0x38: {  	s10 =	sld [smem:$0x3FB5]  }
0x39: {  	_ = 	snop;
	(pc) =	sbr.ind lr, $3  }
0x3a: {  	_ = 	snop  }
0x3b: {  	_ = 	snop  }
0x3c: {  	p2 =	seq.s32 s10, $0x1;
	s10 =	sld [smem:$0x3FB4]  }
0x3d: {  	_ =	shalt  }
0x3e: {  	_ =	shalt  }
0x3f: {  	_ =	shalt  }
0x40: {  	_ =	shalt  }
0x41: {  	_ =	shalt  }
0x42: {  	_ =	shalt  }
0x43: {  	_ =	shalt  }
0x44: {  	_ =	shalt  }
0x45: {  	_ =	shalt  }
0x46: {  	_ =	shalt  }
0x47: {  	_ =	shalt  }
0x48: {  	_ =	shalt  }
0x49: {  	_ =	shalt  }
0x4a: {  	_ =	shalt  }
0x4b: {  	_ =	shalt  }
0x4c: {  	_ =	shalt  }
0x4d: {  	_ =	shalt  }
0x4e: {  	_ =	shalt  }
0x4f: {  	_ =	shalt  }
0x50: {  	_ =	shalt  }
0x51: {  	_ =	shalt  }
0x52: {  	_ =	shalt  }
0x53: {  	_ =	shalt  }
0x54: {  	_ =	shalt  }
0x55: {  	_ =	shalt  }
0x56: {  	_ =	shalt  }
0x57: {  	_ =	shalt  }
0x58: {  	_ =	shalt  }
0x59: {  	_ =	shalt  }
0x5a: {  	_ =	shalt  }
0x5b: {  	_ =	shalt  }
0x5c: {  	_ =	shalt  }
0x5d: {  	_ =	shalt  }
0x5e: {  	_ =	shalt  }
0x5f: {  	_ =	shalt  }
0x60: {  	_ =	shalt  }
0x61: {  	_ =	shalt  }
0x62: {  	_ =	shalt  }
0x63: {  	_ =	shalt  }
0x64: {  	_ =	shalt  }
0x65: {  	_ =	shalt  }
0x66: {  	_ =	shalt  }
0x67: {  	_ =	shalt  }
0x68: {  	_ =	shalt  }
0x69: {  	_ =	shalt  }
0x6a: {  	_ =	shalt  }
0x6b: {  	_ =	shalt  }
0x6c: {  	_ =	shalt  }
0x6d: {  	_ =	shalt  }
0x6e: {  	_ =	shalt  }
0x6f: {  	_ =	shalt  }
0x70: {  	_ =	shalt  }
0x71: {  	_ =	shalt  }
0x72: {  	_ =	shalt  }
0x73: {  	_ =	shalt  }
0x74: {  	_ =	shalt  }
0x75: {  	_ =	shalt  }
0x76: {  	_ =	shalt  }
0x77: {  	_ =	shalt  }
0x78: {  	_ =	shalt  }
0x79: {  	_ =	shalt  }
0x7a: {  	_ =	shalt  }
0x7b: {  	_ =	shalt  }
0x7c: {  	_ =	shalt  }
0x7d: {  	_ =	shalt  }
0x7e: {  	_ =	shalt  }
0x7f: {  	_ =	shalt  }
0x80: {  	_ =	shalt  }
0x81: {  	_ =	shalt  }
0x82: {  	_ =	shalt  }
0x83: {  	_ =	shalt  }
0x84: {  	_ =	shalt  }
0x85: {  	_ =	shalt  }
0x86: {  	_ =	shalt  }
0x87: {  	_ =	shalt  }
.Lfunc_end0:
.L_simem_size_0:
called_computation_lowered:
.L_overlay_start_0:
0x88: {  	s2 =	sld [smem:$0x3FD9]  }
0x89: {  	s3 =	sld [smem:$0x3FFE];
	_ =	sdelay $0x1  }
0x8a: {  	s1 =	srdreg.scid  }
0x8b: {  	s0 =	sand.u32 $0x1, s1  }
0x8c: {  	s17 =	sshll.u32 s0, $0xA;
	s2 =	sadd.s32 s3, s2  }
0x8d: {  	s2 =	sadd.s32 s2, s17  }
0x8e: {  	[smem:$0x3FC0] =	sst s2  }
0x8f: {  	_ = 	snop  }
0x90: {  	s2 =	sld [smem:$0x3FD0];
	(tm) =	ssettm $0x1  }
0x91: {  	s18 =	sld [smem:$0x3FFB];
	_ =	sdelay $0x3  }
0x92: {  	_ =	strace s18  }
0x93: {  	s3 =	sld [smem:$0x3FFC];
	_ =	sdelay $0x3  }
0x94: {  	_ =	strace s3  }
0x95: {  	s3 =	sld [smem:$0x3FFD];
	_ =	sdelay $0x3  }
0x96: {  	_ =	strace s3  }
0x97: {  	_ =	strace $0x8FFFFFFF  }
0x98: {  	s19 =	sld [smem:$0x3FDB];
	_ =	sdelay $0x1  }
0x99: {  	s4 =	simm.s32 $_scs_section_size  }
0x9a: {  	s5 =	simm.s32 $_size__tile_overlayer_lowered;
	s6 =	simm.s32 $_tile_overlayer_lowered  }
0x9b: {  	s22 =	simm.s32 $0x1BFF;
	s21 =	sshll.u32 s6, $0x1;
	s3 =	sadd.s32 s4, s19  }
0x9c: {  	s7 =	simm.s32 $0x0;
	s20 =	sshll.u32 s5, $0x1;
	s5 =	sadd.s32 s21, s3  }
0x9d: {  	[timem:s7], [sflag:s22] =	dma.local [hbm:s5], s20  }
0x9e: {  	_ =	swait.ge [sflag:s22], s20  }
0x9f: {  	s4 =	ssub.s32 $0x0, s20;
	[sflag:s22] =	ssyncset.done $0x0  }
0xa0: {  	[sflag:s22] =	ssyncadd.s32 s4;
	_ =	sdelay $0x1  }
0xa1: {  	s23 =	simm.s32 $0x1B8B  }
0xa2: {  	_ =	swait.ge [sflag:s23], $0x1  }
0xa3: {  	[sflag:s23] =	ssyncset.done $0x0  }
0xa4: {  	s25 =	simm.s32 $0x1B8E;
	s24 =	sld [smem:$0x3FFE];
	[sflag:s23] =	ssyncadd.s32 $0xFFFFFFFF  }
0xa5: {  	s26 =	simm.s32 $execute0_lowered;
	[smem:$0x3FD2] =	sst s25  }
0xa6: {  	s5 =	sshll.u32 s26, $0x1;
	_ =	strace $0x80000046;
	[dreg:$0x1] =	wrdreg $0xFFFFFFFF  }
0xa7: {  	s28 =	simm.s32 $_size_execute0_lowered;
	s3 =	sadd.s32 s3, s5;
	[dreg:$0x0] =	wrdreg $0x0  }
0xa8: {  	s5 =	sshll.u32 s28, $0x1;
	[dreg:$0x2] =	wrdreg s3  }
0xa9: {  	[dreg:$0x3] =	wrdreg s5  }
0xaa: {  	[dreg:$0x4] =	wrdreg $0xC0  }
0xab: {  	_ =	task [dreg:s7], $0x5FFFF  }
0xac: {  	[dreg:$0x1] =	wrdreg $0xFFFFFFFF  }
0xad: {  	[dreg:$0x0] =	wrdreg $0x60  }
0xae: {  	[dreg:$0x2] =	wrdreg s2  }
0xaf: {  	[dreg:$0x3] =	wrdreg s24  }
0xb0: {  	[dreg:$0x4] =	wrdreg $0x23400  }
0xb1: {  	[dreg:$0x5] =	wrdreg $0x9  }
0xb2: {  	_ =	task.clear_ibuf [dreg:s7], $0x6FFFF;
	_ =	strace $0x90000046  }
0xb3: {  	s29 =	simm.s32 $0x9;
	_ =	strace $0x80000048  }
0xb4: {  	_ =	swait.ge [sflag:s29], $0x1  }
0xb5: {  	[sflag:s29] =	ssyncadd.s32 $0xFFFFFFFF  }
0xb6: {  	_ =	strace $0x90000048  }
0xb7: {  	_ =	sfence  }
0xb8: {  	s30 =	sld [smem:$0x0];
	_ =	sdelay $0x2  }
0xb9: {  	s31 =	sshll.u32 s1, $0xD;
	s1 =	sshrl.u32 s1, $0x2  }
0xba: {  	s3 =	sand.u32 $0x4000, s31;
	s1 =	sadd.s32 s1, s30  }
0xbb: {  	s0 =	sor.u32 s3, s0;
	s1 =	sshll.u32 s1, $0x11  }
0xbc: {  	s0 =	sor.u32 s1, s0  }
0xbd: {  	s0 =	sadd.s32 $0x8F2B, s0  }
0xbe: {  	[sflag:s0] =	ssyncadd.remote.s32 $0x1  }
0xbf: {  	_ =	sfence.sel $0xFFFF  }
0xc0: {  	[dreg:$0x0] =	wrdreg $0xFFFFFFFF;
	(pc) =	sbr.abs _section_cstart, $3  }
0xc1: {  	[dreg:$0x1] =	wrdreg $0xFFFFFFFF  }
0xc2: {  	_ =	task.clear_ibuf [dreg:s7], $0x2FFFF;
	_ =	strace $0x9FFFFFFF  }
0xc3: {  	(tm) =	ssettm $0x7FFFFFFF  }
tec
execute0_lowered:
.L_overlay_start_1:
0x0: {  	(tag) =	ssettag $0x1  }
0x1: {  	s1 =	rddreg [dreg:$0x0]  }
0x2: {  	s0 =	rddreg [dreg:$0x1]  }
0x3: {  	s2 =	rddreg [dreg:$0x2];
	s3 =	simm.s32 $0x0  }
0x4: {  	s4 =	srdreg.scid;
	s14 =	stileid.u32;
	s21 =	simm.s32 $0x9  }
0x5: {  	s28 =	simm.s32 $0x0;
	[smem:$0x7FF] =	sst s3;
	s4 =	sand.u32 $0x1, s4  }
0x6: {  	s5 =	sadd.s32 $0x63800, s0;
	s6 =	sadd.s32 $0x15400, s0;
	s10 =	smul.u32 $0x500, s14  }
0x7: {  	s8 =	sadd.s32 $0x1600, s0;
	s11 =	sshll.u32 s14, $0x1;
	s9 =	sadd.s32 $0x1800, s0  }
0x8: {  	s24 =	ssub.s32 $0x8C, s14;
	s26 =	smul.u32 $0x1400, s14;
	_ =	strace $0x80000047  }
0x9: {  	s7 =	smul.u32 $0x27100, s4;
	[dreg:$0x4] =	wrdreg s8;
	s8 =	sadd.s32 $0xB600, s0  }
0xa: {  	s22 =	sor.u32 s4, s11;
	s4 =	ssub.s32 $0x2, s4;
	s11 =	sadd.s32 $0x72600, s0  }
0xb: {  	s12 =	sshrl.u32 s24, $0x4;
	s24 =	simm.s32 $0x50;
	s23 =	sshrl.u32 s4, $0x1  }
0xc: {  	s7 =	sadd.s32 s10, s7;
	s10 =	smul.u32 $0x2710, s22;
	s4 =	ssub.s32 s4, s23  }
0xd: {  	s22 =	simm.s32 $0xA;
	s23 =	simm.s32 $0x1900;
	s7 =	sshrl.u32 s7, $0x3  }
0xe: {  	s4 =	smax.u32 s4, $0x1;
	s0 =	sadd.s32 s7, s0;
	s13 =	sshrl.u32 s10, $0x3  }
0xf: {  	v0 =	vimm.f32 $0.0e+00;
	v1 =	vimm.s32 $0x0;
	s7 =	sshrl.u32 s26, $0x2;
	[dreg:$0xa] =	wrdreg s4;
	s25 =	sadd.s32 s8, s13  }
0x10: {  	v2 =	vimm.s32 $0x1;
	v3 =	vimm.s32 $0x2;
	v4 =	vimm.s32 $0x3;
	s26 =	simm.s32 $0x8;
	s29 =	sadd.s32 s9, s13;
	[dreg:$0x5] =	wrdreg s25  }
0x11: {  	v5 =	vimm.s32 $0x4;
	v6 =	vimm.s32 $0x5;
	v7 =	vimm.s32 $0x6;
	s30 =	sadd.s32 s6, s13;
	s13 =	sadd.s32 $0xA, s13;
	[dreg:$0x6] =	wrdreg s29  }
0x12: {  	v8 =	vimm.s32 $0x7;
	v9 =	vimm.s32 $0x8;
	v10 =	vimm.s32 $0x9;
	s19 =	sadd.s32 s7, s2;
	[dreg:$0x7] =	wrdreg s30;
	s31 =	sadd.s32 s8, s13  }
0x13: {  	v11 =	vimm.s32 $0xA;
	v12 =	vimm.s32 $0xB;
	v13 =	vimm.s32 $0xC;
	s20 =	sadd.s32 $0x68800, s0;
	s13 =	sadd.s32 s9, s13;
	[dreg:$0x8] =	wrdreg s31  }
0x14: {  	v14 =	vimm.s32 $0xD;
	v15 =	vimm.s32 $0xE;
	v16 =	vimm.s32 $0xF;
	s0 =	simm.s32 $0x7;
	s25 =	simm.s32 $0x6;
	[dreg:$0x9] =	wrdreg s13  }
.LBB2_1:
0x15: {  	s4 =	rddreg [dreg:$0x4];
	s7 =	simm.s32 $0x2300  }
0x16: {  	[tilespmem:s7], [sflag:$0xA] =	stream.linear.gather [hbm4b:s4+s3], $0x40, $0x38;
	[tilespmem:$0x4A50] =	vst v63  }
0x17: {  	_ =	swait.ge [sflag:s22], $0x40  }
0x18: {  	[sflag:s22] =	ssyncset.done $0x0  }
0x19: {  	s4 =	simm.s32 $0x40;
	s7 =	simm.s32 $0x0;
	[sflag:s22] =	ssyncadd.s32 $0xFFFFFFC0  }
.LBB2_2:
0x1a: {  	p0 =	sne.s32 s4, $0x13C0;
	[tilespmem:s7+$0x1900] =	vst v0;
	s7 =	smov.u32 s4;
	s4 =	sadd.s32 $0x40, s4  }
.Ltmp0:
0x1b: {  	(pc) =	sbr.rel @p0 .LBB2_2-.Ltmp0, $2  }
0x1c: {  	_ =	sdelay $0x2  }
0x1d: {  	s7 =	sshra.s32 s7, $0x2  }
0x1e: {  	p0 =	sne.s32 s12, $0x1  }
.Ltmp1:
0x1f: {  	_ = 	snop;
	(pc) =	sbr.rel @!p0 .LBB2_5-.Ltmp1, $4  }
0x20: {  	[tilespmem:s7+$0x1900] =	vst v0  }
0x21: {  	[spmem:s19] =	stream.linear.scatter [tilespmem:s23], [sflag:$0xA], $0x500, $0x38;
	[tilespmem:$0x4A50] =	vst v63  }
0x22: {  	_ =	swait.ge [sflag:s22], $0x500  }
0x23: {  	s4 =	sadd.s32 $0xFFFFFFFF, s12;
	s7 =	smov.u32 s19;
	[sflag:s22] =	ssyncset.done $0x0  }
.LBB2_4:
0x24: {  	p1 =	sne.s32 s4, $0x1;
	[sflag:s22] =	ssyncadd.s32 $0xFFFFFB00;
	s7 =	sadd.s32 $0x5000, s7  }
.Ltmp2:
0x25: {  	s4 =	sadd.s32 $0xFFFFFFFF, s4;
	(pc) =	sbr.rel @p1 .LBB2_4-.Ltmp2, $4  }
0x26: {  	_ = 	snop  }
0x27: {  	[spmem:s7] =	stream.linear.scatter [tilespmem:s23], [sflag:$0xA], $0x500, $0x38;
	[tilespmem:$0x4A50] =	vst v63  }
0x28: {  	_ =	swait.ge [sflag:s22], $0x500  }
0x29: {  	[sflag:s22] =	ssyncset.done $0x0  }
.LBB2_5:
0x2a: {  	[sflag:s22] =	ssyncadd.s32 $0xFFFFFB00  }
0x2b: {  	[bflag:$0x0] =	sbarrier.arrive $0xFFFF  }
0x2c: {  	s29 =	simm.s32 $0x0;
	s4 =	rddreg [dreg:$0x5]  }
0x2d: {  	[tilespmem:s29], [sflag:$0xA] =	stream.linear.gather [hbm4b:s4+s29], $0x50, $0x38;
	[tilespmem:$0x4A50] =	vst v63  }
0x2e: {  	_ =	swait.ge [sflag:s22], $0x50  }
0x2f: {  	[sflag:s22] =	ssyncset.done $0x0  }
0x30: {  	s13 =	rddreg [dreg:$0x6];
	[sflag:s22] =	ssyncadd.s32 $0xFFFFFFB0  }
0x31: {  	[tilespmem:s24], [sflag:$0xA] =	stream.linear.gather [hbm4b:s13+s29], $0x50, $0x38;
	[tilespmem:$0x4A50] =	vst v63  }
0x32: {  	_ =	swait.ge [sflag:s22], $0x50  }
0x33: {  	s7 =	simm.s32 $0x4E200;
	[sflag:s22] =	ssyncset.done $0x0  }
0x34: {  	s13 =	simm.s32 $0x1680;
	s14 =	rddreg [dreg:$0x7];
	[sflag:s22] =	ssyncadd.s32 $0xFFFFFFB0  }
0x35: {  	[tilespmem:s13], [sflag:$0x4] =	stream.strided.gather [hbm4b:s14+s24], $0x140, s7, s24, $0x38;
	[tilespmem:$0x4A50] =	vst v63  }
0x36: {  	s15 =	simm.s32 $0x280  }
0x37: {  	[tilespmem:s15], [sflag:$0x2] =	stream.indirect.gather [hbm4b:s1+s24], $0x10, s29, s24, $0xb8;
	[tilespmem:$0x4A50] =	vst v63  }
0x38: {  	s16 =	simm.s32 $0xC80  }
0x39: {  	[tilespmem:s16], [sflag:$0x2] =	stream.indirect.gather [hbm4b:s5+s24], $0x10, s24, s24, $0xb8;
	[tilespmem:$0x4A50] =	vst v63  }
0x3a: {  	s18 =	simm.s32 $0xA0;
	s17 =	rddreg [dreg:$0x8]  }
0x3b: {  	[tilespmem:s18], [sflag:$0x1] =	stream.linear.gather [hbm4b:s17+s29], $0x50, $0x38;
	[tilespmem:$0x4A50] =	vst v63  }
0x3c: {  	s31 =	simm.s32 $0xF0;
	p1 =	por $0x0, $0x0;
	s30 =	rddreg [dreg:$0x9]  }
0x3d: {  	[tilespmem:s31], [sflag:$0x1] =	stream.linear.gather [hbm4b:s30+s29], $0x50, $0x38;
	[tilespmem:$0x4A50] =	vst v63  }
.LBB2_6:
0x3e: {  	p2 =	seq.s32 s29, $0x7C  }
0x3f: {  	s4 =	simm.s32 @!p2 $0x1  }
0x40: {  	s31 =	sand.u32 $0x1, s29;
	s30 =	sadd.s32 $0x1, s29;
	_ =	swait.ge @!p2 [sflag:s4], $0x50  }
0x41: {  	s7 =	sxor.u32 @!p2 $0x1, s31;
	s14 =	smul.u32 @!p2 $0x50, s30;
	[sflag:s4] =	ssyncset.done @!p2 $0x0  }
0x42: {  	s15 =	sand.u32 @!p2 $0x3, s30;
	s17 =	simm.s32 @!p2 $0x50;
	[sflag:s4] =	ssyncadd.s32 @!p2 $0xFFFFFFB0  }
0x43: {  	s18 =	simm.s32 @!p2 $0x4E200;
	s13 =	smul.u32 @!p2 $0x500, s7;
	_ =	swait.ge @!p2 [sflag:s4], $0x50  }
0x44: {  	s16 =	sor.u32 @!p2 $0x4, s7;
	s14 =	sadd.s32 @!p2 s10, s14;
	[sflag:s4] =	ssyncset.done @!p2 $0x0  }
0x45: {  	s14 =	sshrl.u32 @!p2 s14, $0x3;
	[sflag:s4] =	ssyncadd.s32 @!p2 $0xFFFFFFB0;
	s4 =	sshrl.u32 @!p2 s13, $0x2  }
0x46: {  	s15 =	smul.u32 @!p2 $0x280, s15;
	s14 =	sadd.s32 @!p2 s6, s14;
	s4 =	sadd.s32 @!p2 $0x1680, s4  }
0x47: {  	[tilespmem:s4], [sflag:s16] =	stream.strided.gather @!p2 [hbm4b:s14+s17], $0x140, s18, s17, $0x38;
	[tilespmem:$0x4A50] =	vst v63  }
0x48: {  	s7 =	sor.u32 @!p2 $0x2, s7;
	s4 =	sshrl.u32 @!p2 s15, $0x2;
	s14 =	sadd.s32 @!p2 $0x280, s13  }
0x49: {  	[tilespmem:s14], [sflag:s7] =	stream.indirect.gather @!p2 [hbm4b:s1+s17], $0x10, s4, s17, $0xb8;
	[tilespmem:$0x4A50] =	vst v63  }
0x4a: {  	p3 =	slt.u32 @!p2 s29, $0x2;
	s13 =	sadd.s32 @!p2 $0xC80, s13;
	s4 =	sadd.s32 @!p2 $0x50, s4  }
0x4b: {  	[tilespmem:s13], [sflag:s7] =	stream.indirect.gather @!p2 [hbm4b:s5+s17], $0x10, s4, s17, $0xb8;
	[tilespmem:$0x4A50] =	vst v63  }
0x4c: {  	p2 =	por p2, !p3  }
0x4d: {  	s4 =	sor.u32 @p2 $0x6, s31  }
0x4e: {  	_ =	swait.ge @p2 [sflag:s4], $0x500  }
0x4f: {  	[sflag:s4] =	ssyncset.done @p2 $0x0  }
0x50: {  	[sflag:s4] =	ssyncadd.s32 @p2 $0xFFFFFB00;
	s4 =	sor.u32 @p2 $0x8, s31  }
0x51: {  	p3 =	sgt.u32 @p2 s29, $0x7A;
	_ =	swait.ge @p2 [sflag:s4], $0x500  }
0x52: {  	p3 =	por !p2, !p3;
	[sflag:s4] =	ssyncset.done @p2 $0x0  }
0x53: {  	[sflag:s4] =	ssyncadd.s32 @p2 $0xFFFFFB00;
	s4 =	sadd.s32 @p3 $0x2, s29  }
0x54: {  	s7 =	smul.u32 @p3 $0x50, s4  }
0x55: {  	s4 =	sand.u32 @p3 $0x3, s4  }
0x56: {  	s4 =	smul.u32 @p3 $0x280, s4;
	s7 =	sadd.s32 @p3 s10, s7  }
0x57: {  	s7 =	sshrl.u32 @p3 s7, $0x3  }
0x58: {  	s4 =	sshrl.u32 @p3 s4, $0x2;
	s13 =	sadd.s32 @p3 s8, s7  }
0x59: {  	[tilespmem:s4], [sflag:$0x1] =	stream.linear.gather @p3 [hbm4b:s13+s3], $0x50, $0x38;
	[tilespmem:$0x4A50] =	vst v63  }
0x5a: {  	s7 =	sadd.s32 @p3 s9, s7;
	s4 =	sadd.s32 @p3 $0x50, s4  }
0x5b: {  	[tilespmem:s4], [sflag:$0x1] =	stream.linear.gather @p3 [hbm4b:s7+s3], $0x50, $0x38;
	[tilespmem:$0x4A50] =	vst v63  }
0x5c: {  	s7 =	sor.u32 $0x4, s31  }
0x5d: {  	_ =	swait.ge [sflag:s7], $0x140  }
0x5e: {  	[sflag:s7] =	ssyncset.done $0x0  }
0x5f: {  	s13 =	sor.u32 $0x2, s31;
	[sflag:s7] =	ssyncadd.s32 $0xFFFFFEC0  }
0x60: {  	_ =	swait.ge [sflag:s13], $0x500  }
0x61: {  	[sflag:s13] =	ssyncset.done $0x0  }
0x62: {  	s7 =	simm.s32 $0x1;
	[sflag:s13] =	ssyncadd.s32 $0xFFFFFB00  }
0x63: {  	s7 =	simm.s32 @!p1 $0x0;
	_ =	swait.ge [sflag:s13], $0x500  }
0x64: {  	s14 =	smul.u32 $0x500, s7;
	[sflag:s13] =	ssyncset.done $0x0  }
0x65: {  	s7 =	smul.u32 $0x1400, s7;
	[sflag:s13] =	ssyncadd.s32 $0xFFFFFB00  }
0x66: {  	v17 =	vld [tilespmem:$0x2300]  }
0x67: {  	s15 =	sshrl.u32 s14, $0x2;
	s7 =	sshrl.u32 s7, $0x2;
	v18 =	vld [tilespmem:$0x2310]  }
0x68: {  	s16 =	sadd.s32 $0xD00, s7;
	s17 =	sadd.s32 $0x370, s7;
	s18 =	sadd.s32 $0x1980, s7;
	v19 =	vld [tilespmem:$0x2320]  }
0x69: {  	s4 =	sadd.s32 $0x1720, s15;
	s7 =	simm.s32 $0x0;
	v21 =	vmov s17;
	v22 =	vmov s16;
	v23 =	vmov s18;
	v20 =	vld [tilespmem:$0x2330]  }
.LBB2_7:
0x6a: {  	v27 =	vld [tilespmem:s4+$0xFFFFFF60]  }
0x6b: {  	v26 =	vld [tilespmem:s4+$0xFFFFFFB0]  }
0x6c: {  	v25 =	vld [tilespmem:s4+$0x0];
	_ =	sdelay $0x2  }
0x6d: {  	v24 =	vld [tilespmem:s4+$0x50]  }
0x6e: {  	v28 =	vperm.xlane v27, v1;
	v29 =	vperm.xlane v26, v1  }
0x6f: {  	s13 =	sshra.s32 s7, $0x2;
	v30 =	vperm.xlane v25, v1  }
0x70: {  	v31 =	vld.idx.msk [tilespmem:v21+s13+$0xFFFFFF10 ss:$0x1], $0xffff;
	v28 =	vmul.f32 v28, v17;
	v29 =	vmul.f32 v29, v18  }
0x71: {  	v32 =	vld.idx.msk [tilespmem:v22+s13+$0xFFFFFF80 ss:$0x1], $0xffff  }
0x72: {  	v54 =	vperm.xlane v24, v1;
	v53 =	vmul.f32 v30, v19;
	v28 =	vadd.f32 v29, v28;
	_ =	sdelay $0x1  }
0x73: {  	v55 =	vmul.f32 v54, v20;
	v28 =	vadd.f32 v53, v28;
	_ =	sdelay $0x1  }
0x74: {  	v56 =	vadd.f32 v32, v31;
	v28 =	vadd.f32 v55, v28;
	_ =	sdelay $0x1  }
0x75: {  	v28 =	vadd.f32 v56, v28;
	_ =	sdelay $0x1  }
0x76: {  	v29 =	vmul.f32 $2.000000030e-01, v28  }
0x77: {  	vm0 =	vge.f32 v28, $0.0e+00  }
0x78: {  	v28 =	vsel vm0, v28, v29  }
0x79: {  	v28 =	vmul.f32 $1.442695020e+00, v28;
	_ =	sdelay $0x1  }
0x7a: {  	(erf) = vpow2.f32 v28;
	_ =	sdelay $0x8  }
0x7b: {  	v57 =	vperm.xlane v27, v2;
	v59 =	vperm.xlane v26, v2;
	v58 =	vpop (erf)  }
0x7c: {  	v61 =	vperm.xlane v25, v2;
	[tilespmem:v23+s13+$0xFFFFFF80 ss:$0x1] =	vst.idx.msk $0xffff, v58  }
0x7d: {  	v60 =	vmul.f32 v59, v18;
	v28 =	vmul.f32 v57, v17;
	v62 =	vld.idx.msk [tilespmem:v21+s13+$0xFFFFFF20 ss:$0x1], $0xffff  }
0x7e: {  	v63 =	vld.idx.msk [tilespmem:v22+s13+$0xFFFFFF90 ss:$0x1], $0xffff  }
0x7f: {  	v35 =	vperm.xlane v24, v2;
	v34 =	vmul.f32 v61, v19;
	v28 =	vadd.f32 v60, v28;
	_ =	sdelay $0x1  }
0x80: {  	v36 =	vmul.f32 v35, v20;
	v28 =	vadd.f32 v34, v28;
	_ =	sdelay $0x1  }
0x81: {  	v28 =	vadd.f32 v36, v28;
	v37 =	vadd.f32 v63, v62;
	_ =	sdelay $0x1  }
0x82: {  	v28 =	vadd.f32 v37, v28;
	_ =	sdelay $0x1  }
0x83: {  	v29 =	vmul.f32 $2.000000030e-01, v28  }
0x84: {  	vm13 =	vge.f32 v28, $0.0e+00  }
0x85: {  	v28 =	vsel vm13, v28, v29  }
0x86: {  	v28 =	vmul.f32 $1.442695020e+00, v28;
	_ =	sdelay $0x1  }
0x87: {  	(erf) = vpow2.f32 v28;
	_ =	sdelay $0x8  }
0x88: {  	v38 =	vperm.xlane v27, v3;
	v40 =	vperm.xlane v26, v3;
	v39 =	vpop (erf)  }
0x89: {  	v42 =	vperm.xlane v25, v3;
	[tilespmem:v23+s13+$0xFFFFFF90 ss:$0x1] =	vst.idx.msk $0xffff, v39  }
0x8a: {  	v41 =	vmul.f32 v40, v18;
	v28 =	vmul.f32 v38, v17;
	v43 =	vld.idx.msk [tilespmem:v21+s13+$0xFFFFFF30 ss:$0x1], $0xffff  }
0x8b: {  	v44 =	vld.idx.msk [tilespmem:v22+s13+$0xFFFFFFA0 ss:$0x1], $0xffff  }
0x8c: {  	v46 =	vperm.xlane v24, v3;
	v45 =	vmul.f32 v42, v19;
	v28 =	vadd.f32 v41, v28;
	_ =	sdelay $0x1  }
0x8d: {  	v47 =	vmul.f32 v46, v20;
	v28 =	vadd.f32 v45, v28;
	_ =	sdelay $0x1  }
0x8e: {  	v28 =	vadd.f32 v47, v28;
	v48 =	vadd.f32 v44, v43;
	_ =	sdelay $0x1  }
0x8f: {  	v28 =	vadd.f32 v48, v28;
	_ =	sdelay $0x1  }
0x90: {  	v29 =	vmul.f32 $2.000000030e-01, v28  }
0x91: {  	vm14 =	vge.f32 v28, $0.0e+00  }
0x92: {  	v28 =	vsel vm14, v28, v29  }
0x93: {  	v28 =	vmul.f32 $1.442695020e+00, v28;
	_ =	sdelay $0x1  }
0x94: {  	(erf) = vpow2.f32 v28;
	_ =	sdelay $0x7  }
0x95: {  	v51 =	vperm.xlane v26, v4  }
0x96: {  	v49 =	vperm.xlane v27, v4;
	v50 =	vpop (erf)  }
0x97: {  	v52 =	vmul.f32 v51, v18;
	[tilespmem:v23+s13+$0xFFFFFFA0 ss:$0x1] =	vst.idx.msk $0xffff, v50  }
0x98: {  	v53 =	vperm.xlane v25, v4;
	v28 =	vmul.f32 v49, v17;
	v54 =	vld.idx.msk [tilespmem:v21+s13+$0xFFFFFF40 ss:$0x1], $0xffff  }
0x99: {  	v55 =	vld.idx.msk [tilespmem:v22+s13+$0xFFFFFFB0 ss:$0x1], $0xffff  }
0x9a: {  	v56 =	vmul.f32 v53, v19;
	v57 =	vperm.xlane v24, v4;
	v28 =	vadd.f32 v52, v28;
	_ =	sdelay $0x1  }
0x9b: {  	v58 =	vmul.f32 v57, v20;
	v28 =	vadd.f32 v56, v28;
	_ =	sdelay $0x1  }
0x9c: {  	v28 =	vadd.f32 v58, v28;
	v59 =	vadd.f32 v55, v54;
	_ =	sdelay $0x1  }
0x9d: {  	v28 =	vadd.f32 v59, v28;
	_ =	sdelay $0x1  }
0x9e: {  	v29 =	vmul.f32 $2.000000030e-01, v28  }
0x9f: {  	vm15 =	vge.f32 v28, $0.0e+00  }
0xa0: {  	v28 =	vsel vm15, v28, v29  }
0xa1: {  	v28 =	vmul.f32 $1.442695020e+00, v28;
	_ =	sdelay $0x1  }
0xa2: {  	(erf) = vpow2.f32 v28;
	_ =	sdelay $0x8  }
0xa3: {  	v60 =	vperm.xlane v27, v5;
	v62 =	vperm.xlane v26, v5;
	v61 =	vpop (erf)  }
0xa4: {  	v36 =	vperm.xlane v25, v5;
	[tilespmem:v23+s13+$0xFFFFFFB0 ss:$0x1] =	vst.idx.msk $0xffff, v61  }
0xa5: {  	v63 =	vmul.f32 v62, v18;
	v28 =	vmul.f32 v60, v17;
	v37 =	vld.idx.msk [tilespmem:v21+s13+$0xFFFFFF50 ss:$0x1], $0xffff  }
0xa6: {  	v38 =	vld.idx.msk [tilespmem:v22+s13+$0xFFFFFFC0 ss:$0x1], $0xffff  }
0xa7: {  	v40 =	vperm.xlane v24, v5;
	v39 =	vmul.f32 v36, v19;
	v28 =	vadd.f32 v63, v28;
	_ =	sdelay $0x1  }
0xa8: {  	v41 =	vmul.f32 v40, v20;
	v28 =	vadd.f32 v39, v28;
	_ =	sdelay $0x1  }
0xa9: {  	v28 =	vadd.f32 v41, v28;
	v42 =	vadd.f32 v38, v37;
	_ =	sdelay $0x1  }
0xaa: {  	v28 =	vadd.f32 v42, v28;
	_ =	sdelay $0x1  }
0xab: {  	v29 =	vmul.f32 $2.000000030e-01, v28  }
0xac: {  	vm4 =	vge.f32 v28, $0.0e+00  }
0xad: {  	v28 =	vsel vm4, v28, v29  }
0xae: {  	v28 =	vmul.f32 $1.442695020e+00, v28;
	_ =	sdelay $0x1  }
0xaf: {  	(erf) = vpow2.f32 v28;
	_ =	sdelay $0x7  }
0xb0: {  	v45 =	vperm.xlane v26, v6  }
0xb1: {  	v43 =	vperm.xlane v27, v6;
	v44 =	vpop (erf)  }
0xb2: {  	v46 =	vmul.f32 v45, v18;
	[tilespmem:v23+s13+$0xFFFFFFC0 ss:$0x1] =	vst.idx.msk $0xffff, v44  }
0xb3: {  	v47 =	vperm.xlane v25, v6;
	v28 =	vmul.f32 v43, v17;
	v48 =	vld.idx.msk [tilespmem:v21+s13+$0xFFFFFF60 ss:$0x1], $0xffff  }
0xb4: {  	v49 =	vld.idx.msk [tilespmem:v22+s13+$0xFFFFFFD0 ss:$0x1], $0xffff  }
0xb5: {  	v51 =	vperm.xlane v24, v6;
	v50 =	vmul.f32 v47, v19;
	v28 =	vadd.f32 v46, v28;
	_ =	sdelay $0x1  }
0xb6: {  	v52 =	vmul.f32 v51, v20;
	v28 =	vadd.f32 v50, v28;
	_ =	sdelay $0x1  }
0xb7: {  	v28 =	vadd.f32 v52, v28;
	v53 =	vadd.f32 v49, v48;
	_ =	sdelay $0x1  }
0xb8: {  	v28 =	vadd.f32 v53, v28;
	_ =	sdelay $0x1  }
0xb9: {  	v29 =	vmul.f32 $2.000000030e-01, v28  }
0xba: {  	vm5 =	vge.f32 v28, $0.0e+00  }
0xbb: {  	v28 =	vsel vm5, v28, v29  }
0xbc: {  	v28 =	vmul.f32 $1.442695020e+00, v28;
	_ =	sdelay $0x1  }
0xbd: {  	(erf) = vpow2.f32 v28;
	_ =	sdelay $0x7  }
0xbe: {  	v56 =	vperm.xlane v26, v7  }
0xbf: {  	v54 =	vperm.xlane v27, v7;
	v55 =	vpop (erf)  }
0xc0: {  	v57 =	vmul.f32 v56, v18;
	[tilespmem:v23+s13+$0xFFFFFFD0 ss:$0x1] =	vst.idx.msk $0xffff, v55  }
0xc1: {  	v58 =	vperm.xlane v25, v7;
	v28 =	vmul.f32 v54, v17;
	v59 =	vld.idx.msk [tilespmem:v21+s13+$0xFFFFFF70 ss:$0x1], $0xffff  }
0xc2: {  	v60 =	vld.idx.msk [tilespmem:v22+s13+$0xFFFFFFE0 ss:$0x1], $0xffff  }
0xc3: {  	v62 =	vperm.xlane v24, v7;
	v61 =	vmul.f32 v58, v19;
	v28 =	vadd.f32 v57, v28;
	_ =	sdelay $0x1  }
0xc4: {  	v63 =	vmul.f32 v62, v20;
	v28 =	vadd.f32 v61, v28;
	_ =	sdelay $0x1  }
0xc5: {  	v28 =	vadd.f32 v63, v28;
	v32 =	vadd.f32 v60, v59;
	_ =	sdelay $0x1  }
0xc6: {  	v28 =	vadd.f32 v32, v28;
	_ =	sdelay $0x1  }
0xc7: {  	v29 =	vmul.f32 $2.000000030e-01, v28  }
0xc8: {  	vm6 =	vge.f32 v28, $0.0e+00  }
0xc9: {  	v28 =	vsel vm6, v28, v29  }
0xca: {  	v28 =	vmul.f32 $1.442695020e+00, v28;
	_ =	sdelay $0x1  }
0xcb: {  	(erf) = vpow2.f32 v28;
	_ =	sdelay $0x7  }
0xcc: {  	v35 =	vperm.xlane v26, v8  }
0xcd: {  	v33 =	vperm.xlane v27, v8;
	v34 =	vpop (erf)  }
0xce: {  	v36 =	vmul.f32 v35, v18;
	[tilespmem:v23+s13+$0xFFFFFFE0 ss:$0x1] =	vst.idx.msk $0xffff, v34  }
0xcf: {  	v37 =	vperm.xlane v25, v8;
	v28 =	vmul.f32 v33, v17;
	v38 =	vld.idx.msk [tilespmem:v21+s13+$0xFFFFFF80 ss:$0x1], $0xffff  }
0xd0: {  	v39 =	vld.idx.msk [tilespmem:v22+s13+$0xFFFFFFF0 ss:$0x1], $0xffff  }
0xd1: {  	v41 =	vperm.xlane v24, v8;
	v40 =	vmul.f32 v37, v19;
	v28 =	vadd.f32 v36, v28;
	_ =	sdelay $0x1  }
0xd2: {  	v42 =	vmul.f32 v41, v20;
	v28 =	vadd.f32 v40, v28;
	_ =	sdelay $0x1  }
0xd3: {  	v28 =	vadd.f32 v42, v28;
	v43 =	vadd.f32 v39, v38;
	_ =	sdelay $0x1  }
0xd4: {  	v28 =	vadd.f32 v43, v28;
	_ =	sdelay $0x1  }
0xd5: {  	v29 =	vmul.f32 $2.000000030e-01, v28  }
0xd6: {  	vm7 =	vge.f32 v28, $0.0e+00  }
0xd7: {  	v28 =	vsel vm7, v28, v29  }
0xd8: {  	v28 =	vmul.f32 $1.442695020e+00, v28;
	_ =	sdelay $0x1  }
0xd9: {  	(erf) = vpow2.f32 v28;
	_ =	sdelay $0x7  }
0xda: {  	v46 =	vperm.xlane v26, v9  }
0xdb: {  	v44 =	vperm.xlane v27, v9;
	v45 =	vpop (erf)  }
0xdc: {  	v47 =	vmul.f32 v46, v18;
	[tilespmem:v23+s13+$0xFFFFFFF0 ss:$0x1] =	vst.idx.msk $0xffff, v45  }
0xdd: {  	v48 =	vperm.xlane v25, v9;
	v28 =	vmul.f32 v44, v17;
	v49 =	vld.idx.msk [tilespmem:v21+s13+$0xFFFFFF90 ss:$0x1], $0xffff  }
0xde: {  	v50 =	vld.idx.msk [tilespmem:v22+s13+$0x0 ss:$0x1], $0xffff  }
0xdf: {  	v52 =	vperm.xlane v24, v9;
	v51 =	vmul.f32 v48, v19;
	v28 =	vadd.f32 v47, v28;
	_ =	sdelay $0x1  }
0xe0: {  	v53 =	vmul.f32 v52, v20;
	v28 =	vadd.f32 v51, v28;
	_ =	sdelay $0x1  }
0xe1: {  	v28 =	vadd.f32 v53, v28;
	v54 =	vadd.f32 v50, v49;
	_ =	sdelay $0x1  }
0xe2: {  	v28 =	vadd.f32 v54, v28;
	_ =	sdelay $0x1  }
0xe3: {  	v29 =	vmul.f32 $2.000000030e-01, v28  }
0xe4: {  	vm8 =	vge.f32 v28, $0.0e+00  }
0xe5: {  	v28 =	vsel vm8, v28, v29  }
0xe6: {  	v28 =	vmul.f32 $1.442695020e+00, v28;
	_ =	sdelay $0x1  }
0xe7: {  	(erf) = vpow2.f32 v28;
	_ =	sdelay $0x7  }
0xe8: {  	v57 =	vperm.xlane v26, v10  }
0xe9: {  	v55 =	vperm.xlane v27, v10;
	v56 =	vpop (erf)  }
0xea: {  	v58 =	vmul.f32 v57, v18;
	[tilespmem:v23+s13+$0x0 ss:$0x1] =	vst.idx.msk $0xffff, v56  }
0xeb: {  	v59 =	vperm.xlane v25, v10;
	v28 =	vmul.f32 v55, v17;
	v60 =	vld.idx.msk [tilespmem:v21+s13+$0xFFFFFFA0 ss:$0x1], $0xffff  }
0xec: {  	v61 =	vld.idx.msk [tilespmem:v22+s13+$0x10 ss:$0x1], $0xffff  }
0xed: {  	v63 =	vperm.xlane v24, v10;
	v62 =	vmul.f32 v59, v19;
	v28 =	vadd.f32 v58, v28;
	_ =	sdelay $0x1  }
0xee: {  	v33 =	vmul.f32 v63, v20;
	v28 =	vadd.f32 v62, v28;
	_ =	sdelay $0x1  }
0xef: {  	v28 =	vadd.f32 v33, v28;
	v34 =	vadd.f32 v61, v60;
	_ =	sdelay $0x1  }
0xf0: {  	v28 =	vadd.f32 v34, v28;
	_ =	sdelay $0x1  }
0xf1: {  	v29 =	vmul.f32 $2.000000030e-01, v28  }
0xf2: {  	vm9 =	vge.f32 v28, $0.0e+00  }
0xf3: {  	v28 =	vsel vm9, v28, v29  }
0xf4: {  	v28 =	vmul.f32 $1.442695020e+00, v28;
	_ =	sdelay $0x1  }
0xf5: {  	(erf) = vpow2.f32 v28;
	_ =	sdelay $0x7  }
0xf6: {  	v37 =	vperm.xlane v26, v11  }
0xf7: {  	v35 =	vperm.xlane v27, v11;
	v36 =	vpop (erf)  }
0xf8: {  	v38 =	vmul.f32 v37, v18;
	[tilespmem:v23+s13+$0x10 ss:$0x1] =	vst.idx.msk $0xffff, v36  }
0xf9: {  	v39 =	vperm.xlane v25, v11;
	v28 =	vmul.f32 v35, v17;
	v40 =	vld.idx.msk [tilespmem:v21+s13+$0xFFFFFFB0 ss:$0x1], $0xffff  }
0xfa: {  	v41 =	vld.idx.msk [tilespmem:v22+s13+$0x20 ss:$0x1], $0xffff  }
0xfb: {  	v42 =	vmul.f32 v39, v19;
	v43 =	vperm.xlane v24, v11;
	v28 =	vadd.f32 v38, v28;
	_ =	sdelay $0x1  }
0xfc: {  	v44 =	vmul.f32 v43, v20;
	v28 =	vadd.f32 v42, v28;
	_ =	sdelay $0x1  }
0xfd: {  	v28 =	vadd.f32 v44, v28;
	v45 =	vadd.f32 v41, v40;
	_ =	sdelay $0x1  }
0xfe: {  	v28 =	vadd.f32 v45, v28;
	_ =	sdelay $0x1  }
0xff: {  	v29 =	vmul.f32 $2.000000030e-01, v28  }
0x100: {  	vm10 =	vge.f32 v28, $0.0e+00  }
0x101: {  	v28 =	vsel vm10, v28, v29  }
0x102: {  	v28 =	vmul.f32 $1.442695020e+00, v28;
	_ =	sdelay $0x1  }
0x103: {  	(erf) = vpow2.f32 v28;
	_ =	sdelay $0x7  }
0x104: {  	v48 =	vperm.xlane v26, v12  }
0x105: {  	v46 =	vperm.xlane v27, v12;
	v47 =	vpop (erf)  }
0x106: {  	v49 =	vmul.f32 v48, v18;
	[tilespmem:v23+s13+$0x20 ss:$0x1] =	vst.idx.msk $0xffff, v47  }
0x107: {  	v50 =	vperm.xlane v25, v12;
	v28 =	vmul.f32 v46, v17;
	v51 =	vld.idx.msk [tilespmem:v21+s13+$0xFFFFFFC0 ss:$0x1], $0xffff  }
0x108: {  	v52 =	vld.idx.msk [tilespmem:v22+s13+$0x30 ss:$0x1], $0xffff  }
0x109: {  	v53 =	vmul.f32 v50, v19;
	v54 =	vperm.xlane v24, v12;
	v28 =	vadd.f32 v49, v28;
	_ =	sdelay $0x1  }
0x10a: {  	v55 =	vmul.f32 v54, v20;
	v28 =	vadd.f32 v53, v28;
	_ =	sdelay $0x1  }
0x10b: {  	v28 =	vadd.f32 v55, v28;
	v56 =	vadd.f32 v52, v51;
	_ =	sdelay $0x1  }
0x10c: {  	v28 =	vadd.f32 v56, v28;
	_ =	sdelay $0x1  }
0x10d: {  	v29 =	vmul.f32 $2.000000030e-01, v28  }
0x10e: {  	vm11 =	vge.f32 v28, $0.0e+00  }
0x10f: {  	v28 =	vsel vm11, v28, v29  }
0x110: {  	v28 =	vmul.f32 $1.442695020e+00, v28;
	_ =	sdelay $0x1  }
0x111: {  	(erf) = vpow2.f32 v28;
	_ =	sdelay $0x7  }
0x112: {  	v59 =	vperm.xlane v26, v13  }
0x113: {  	v57 =	vperm.xlane v27, v13;
	v58 =	vpop (erf)  }
0x114: {  	v60 =	vmul.f32 v59, v18;
	[tilespmem:v23+s13+$0x30 ss:$0x1] =	vst.idx.msk $0xffff, v58  }
0x115: {  	v61 =	vperm.xlane v25, v13;
	v28 =	vmul.f32 v57, v17;
	v62 =	vld.idx.msk [tilespmem:v21+s13+$0xFFFFFFD0 ss:$0x1], $0xffff  }
0x116: {  	v63 =	vld.idx.msk [tilespmem:v22+s13+$0x40 ss:$0x1], $0xffff  }
0x117: {  	v37 =	vperm.xlane v24, v13;
	v36 =	vmul.f32 v61, v19;
	v28 =	vadd.f32 v60, v28;
	_ =	sdelay $0x1  }
0x118: {  	v38 =	vmul.f32 v37, v20;
	v28 =	vadd.f32 v36, v28;
	_ =	sdelay $0x1  }
0x119: {  	v28 =	vadd.f32 v38, v28;
	v39 =	vadd.f32 v63, v62;
	_ =	sdelay $0x1  }
0x11a: {  	v28 =	vadd.f32 v39, v28;
	_ =	sdelay $0x1  }
0x11b: {  	v29 =	vmul.f32 $2.000000030e-01, v28  }
0x11c: {  	vm12 =	vge.f32 v28, $0.0e+00  }
0x11d: {  	v28 =	vsel vm12, v28, v29  }
0x11e: {  	v28 =	vmul.f32 $1.442695020e+00, v28;
	_ =	sdelay $0x1  }
0x11f: {  	(erf) = vpow2.f32 v28;
	_ =	sdelay $0x7  }
0x120: {  	v42 =	vperm.xlane v26, v14  }
0x121: {  	v40 =	vperm.xlane v27, v14;
	v41 =	vpop (erf)  }
0x122: {  	v43 =	vmul.f32 v42, v18;
	[tilespmem:v23+s13+$0x40 ss:$0x1] =	vst.idx.msk $0xffff, v41  }
0x123: {  	v44 =	vperm.xlane v25, v14;
	v28 =	vmul.f32 v40, v17;
	v45 =	vld.idx.msk [tilespmem:v21+s13+$0xFFFFFFE0 ss:$0x1], $0xffff  }
0x124: {  	v46 =	vld.idx.msk [tilespmem:v22+s13+$0x50 ss:$0x1], $0xffff  }
0x125: {  	v48 =	vperm.xlane v24, v14;
	v47 =	vmul.f32 v44, v19;
	v28 =	vadd.f32 v43, v28;
	_ =	sdelay $0x1  }
0x126: {  	v49 =	vmul.f32 v48, v20;
	v28 =	vadd.f32 v47, v28;
	_ =	sdelay $0x1  }
0x127: {  	v28 =	vadd.f32 v49, v28;
	v50 =	vadd.f32 v46, v45;
	_ =	sdelay $0x1  }
0x128: {  	v28 =	vadd.f32 v50, v28;
	_ =	sdelay $0x1  }
0x129: {  	v29 =	vmul.f32 $2.000000030e-01, v28  }
0x12a: {  	vm13 =	vge.f32 v28, $0.0e+00  }
0x12b: {  	v28 =	vsel vm13, v28, v29  }
0x12c: {  	v28 =	vmul.f32 $1.442695020e+00, v28;
	_ =	sdelay $0x1  }
0x12d: {  	(erf) = vpow2.f32 v28;
	_ =	sdelay $0x7  }
0x12e: {  	v53 =	vperm.xlane v26, v15  }
0x12f: {  	v51 =	vperm.xlane v27, v15;
	v52 =	vpop (erf)  }
0x130: {  	v54 =	vmul.f32 v53, v18;
	[tilespmem:v23+s13+$0x50 ss:$0x1] =	vst.idx.msk $0xffff, v52  }
0x131: {  	v55 =	vperm.xlane v25, v15;
	v28 =	vmul.f32 v51, v17;
	v56 =	vld.idx.msk [tilespmem:v21+s13+$0xFFFFFFF0 ss:$0x1], $0xffff  }
0x132: {  	v57 =	vld.idx.msk [tilespmem:v22+s13+$0x60 ss:$0x1], $0xffff  }
0x133: {  	v59 =	vperm.xlane v24, v15;
	v58 =	vmul.f32 v55, v19;
	v28 =	vadd.f32 v54, v28;
	_ =	sdelay $0x1  }
0x134: {  	v60 =	vmul.f32 v59, v20;
	v28 =	vadd.f32 v58, v28;
	_ =	sdelay $0x1  }
0x135: {  	v28 =	vadd.f32 v60, v28;
	v61 =	vadd.f32 v57, v56;
	_ =	sdelay $0x1  }
0x136: {  	v28 =	vadd.f32 v61, v28;
	_ =	sdelay $0x1  }
0x137: {  	v29 =	vmul.f32 $2.000000030e-01, v28  }
0x138: {  	vm14 =	vge.f32 v28, $0.0e+00  }
0x139: {  	v28 =	vsel vm14, v28, v29  }
0x13a: {  	v28 =	vmul.f32 $1.442695020e+00, v28;
	_ =	sdelay $0x1  }
0x13b: {  	(erf) = vpow2.f32 v28;
	_ =	sdelay $0x7  }
0x13c: {  	v26 =	vperm.xlane v26, v16  }
0x13d: {  	v27 =	vperm.xlane v27, v16;
	v28 =	vpop (erf)  }
0x13e: {  	v26 =	vmul.f32 v26, v18;
	[tilespmem:v23+s13+$0x60 ss:$0x1] =	vst.idx.msk $0xffff, v28  }
0x13f: {  	v25 =	vperm.xlane v25, v16;
	v27 =	vmul.f32 v27, v17;
	v28 =	vld.idx.msk [tilespmem:v21+s13+$0x0 ss:$0x1], $0xffff  }
0x140: {  	v62 =	vld.idx.msk [tilespmem:v22+s13+$0x70 ss:$0x1], $0xffff  }
0x141: {  	v24 =	vperm.xlane v24, v16;
	v25 =	vmul.f32 v25, v19;
	v26 =	vadd.f32 v26, v27;
	_ =	sdelay $0x1  }
0x142: {  	v24 =	vmul.f32 v24, v20;
	v25 =	vadd.f32 v25, v26;
	_ =	sdelay $0x1  }
0x143: {  	v24 =	vadd.f32 v24, v25;
	v63 =	vadd.f32 v62, v28;
	_ =	sdelay $0x1  }
0x144: {  	v24 =	vadd.f32 v63, v24;
	_ =	sdelay $0x1  }
0x145: {  	v25 =	vmul.f32 $2.000000030e-01, v24  }
0x146: {  	vm15 =	vge.f32 v24, $0.0e+00  }
0x147: {  	v24 =	vsel vm15, v24, v25  }
0x148: {  	v24 =	vmul.f32 $1.442695020e+00, v24;
	_ =	sdelay $0x1  }
0x149: {  	(erf) = vpow2.f32 v24;
	_ =	sdelay $0x4  }
0x14a: {  	p2 =	sne.s32 s7, $0x1000  }
.Ltmp3:
0x14b: {  	_ = 	snop;
	(pc) =	sbr.rel @p2 .LBB2_7-.Ltmp3, $3  }
0x14c: {  	_ =	sdelay $0x1  }
0x14d: {  	v24 =	vpop (erf)  }
0x14e: {  	s4 =	sadd.s32 $0x10, s4;
	s7 =	sadd.s32 $0x400, s7;
	[tilespmem:v23+s13+$0x70 ss:$0x1] =	vst.idx.msk $0xffff, v24  }
0x14f: {  	s4 =	smul.u32 $0x50, s29  }
0x150: {  	s7 =	sand.u32 $0x3, s29;
	s13 =	smul.u32 $0x1400, s31  }
0x151: {  	s14 =	sor.u32 $0x6, s31;
	s7 =	smul.u32 $0x280, s7  }
0x152: {  	s31 =	sor.u32 $0x8, s31;
	p2 =	sne.s32 s30, $0x7D;
	s4 =	sadd.s32 s10, s4  }
.Ltmp4:
0x153: {  	s13 =	sshrl.u32 s13, $0x2;
	s7 =	sshrl.u32 s7, $0x2;
	(pc) =	sbr.rel @p2 .LBB2_6-.Ltmp4, $4  }
0x154: {  	s13 =	sadd.s32 $0x1900, s13;
	s4 =	sshll.u32 s4, $0x1;
	s7 =	sadd.s32 $0x50, s7  }
0x155: {  	[spmem:s2] =	stream.indirect.scatter.add.f32 [tilespmem:s13], [sflag:s14], $0x10, s7, s24, $0xb8;
	[tilespmem:$0x4A50] =	vst v63  }
0x156: {  	p1 =	por !p1, !p1;
	s29 =	smov.u32 s30;
	s4 =	sadd.s32 s11, s4  }
0x157: {  	[hbm4b:s4+s3] =	stream.linear.scatter [tilespmem:s13], [sflag:s31], $0x500, $0x38;
	[tilespmem:$0x4A50] =	vst v63  }
0x158: {  	_ =	swait.ge [sflag:s0], $0x500  }
0x159: {  	[sflag:s0] =	ssyncset.done $0x0  }
0x15a: {  	[sflag:s0] =	ssyncadd.s32 $0xFFFFFB00  }
0x15b: {  	_ =	swait.ge [sflag:s21], $0x500  }
0x15c: {  	[sflag:s21] =	ssyncset.done $0x0  }
0x15d: {  	[sflag:s21] =	ssyncadd.s32 $0xFFFFFB00  }
0x15e: {  	_ =	swait.ge [sflag:s25], $0x500  }
0x15f: {  	[sflag:s25] =	ssyncset.done $0x0  }
0x160: {  	[sflag:s25] =	ssyncadd.s32 $0xFFFFFB00  }
0x161: {  	_ =	swait.ge [sflag:s26], $0x500  }
.Ltmp5:
0x162: {  	s4 =	stileid.u32;
	[sflag:s26] =	ssyncset.done $0x0;
	(pc) =	sbr.rel @!p0 .LBB2_11-.Ltmp5, $4  }
0x163: {  	s7 =	sshrl.u32 s19, $0x3;
	s4 =	sshll.u32 s4, $0x6;
	[sflag:s26] =	ssyncadd.s32 $0xFFFFFB00  }
0x164: {  	s13 =	sadd.s32 $0x5000, s19;
	s4 =	sor.u32 $0x1C0A, s4;
	[bflag:$0x0] =	sbarrier.arrive $0xFFFF  }
0x165: {  	[hbm:s20], [sflag:s4] =	dma.local [spmem:s7], $0xA0  }
0x166: {  	s29 =	smov.u32 s20;
	s7 =	sadd.s32 $0xFFFFFFFF, s12;
	_ =	swait.ge [sflag:s22], $0xA0  }
.LBB2_10:
0x167: {  	[sflag:s22] =	ssyncset.done $0x0;
	s29 =	sadd.s32 $0xA00, s29;
	p0 =	sne.s32 s7, $0x1  }
.Ltmp6:
0x168: {  	s14 =	sshrl.u32 s13, $0x3;
	[sflag:s22] =	ssyncadd.s32 $0xFFFFFF60;
	(pc) =	sbr.rel @p0 .LBB2_10-.Ltmp6, $3  }
0x169: {  	[hbm:s29], [sflag:s4] =	dma.local [spmem:s14], $0xA0  }
0x16a: {  	s7 =	sadd.s32 $0xFFFFFFFF, s7;
	_ =	sdelay $0x1  }
0x16b: {  	s13 =	sadd.s32 $0x5000, s13;
	_ =	swait.ge [sflag:s22], $0xA0  }
.LBB2_11:
0x16c: {  	s28 =	sadd.s32 $0x1, s28;
	s4 =	rddreg [dreg:$0xa]  }
0x16d: {  	p0 =	sne.s32 s28, s4  }
.Ltmp7:
0x16e: {  	_ = 	snop;
	(pc) =	sbr.rel @p0 .LBB2_1-.Ltmp7, $3  }
0x16f: {  	_ =	sdelay $0x1  }
0x170: {  	[sflag:s22] =	ssyncset.done $0x0  }
0x171: {  	[sflag:s22] =	ssyncadd.s32 $0xFFFFFF60  }
0x172: {  	_ =	sfence.sel $0x180000  }
0x173: {  	[bflag:$0x0] =	sbarrier.arrive $0xFFFF  }
0x174: {  	_ =	strace $0x90000047  }
0x175: {  	s0 =	stileid.u32;
	[bflag:$0x2] =	sbarrier.arrive $0xFFFF  }
0x176: {  	p0 =	sne.s32 s0, $0x0;
	s0 =	rddreg [dreg:$0x3]  }
0x177: {  	s0 =	sadd.s32 @!p0 $0x100000, s0  }
0x178: {  	[sflag:s0] =	ssyncadd.tile.s32 @!p0 $0x1;
	_ =	shalt  }
.Lfunc_end2:
_tile_overlayer_lowered:
.L_overlay_start_2:
0x179: {  	(tag) =	ssettag $0x2  }
0x17a: {  	s0 =	rddreg [dreg:$0x0];
	s2 =	stileid.u32  }
0x17b: {  	s1 =	rddreg [dreg:$0x1];
	p0 =	sne.s32 s2, $0x0  }
0x17c: {  	s3 =	rddreg [dreg:$0x2];
	[bflag:$0x3] =	sbarrier.arrive $0xFFFF;
	s2 =	simm.s32 @!p0 $0x1C0A  }
0x17d: {  	[timem:s3], [sflag:s2] =	dma.local @!p0 [hbm:s0], s1  }
0x17e: {  	s0 =	simm.s32 @!p0 $0xA  }
0x17f: {  	_ =	swait.ge @!p0 [sflag:s0], s1  }
0x180: {  	s1 =	ssub.s32 @!p0 $0x0, s1;
	[sflag:s0] =	ssyncset.done @!p0 $0x0  }
0x181: {  	[sflag:s0] =	ssyncadd.s32 @!p0 s1  }
0x182: {  	[bflag:$0x3] =	sbarrier.arrive $0xFFFF  }
0x183: {  	_ =	shalt  }

</sc_bundles>
